<compile_context>
chip_gen: v7x
topology: tpu7x:2x2x1
jax: 0.10.2.dev20260603
libtpu: 0.0.44.dev20260713+nightly
codegen_flags: <defaults>
</compile_context>

<pallas_src>
import functools

import jax
import jax.numpy as jnp
from jax import lax
from jax.experimental import pallas as pl
from jax.experimental.pallas import tpu as pltpu
from jax.experimental.pallas import tpu_sc as plsc

_N = 4096
_E = 4096
_D = 512

_ROWS_PER_BLK = 128
_SUB = 8
_SEG = 128
_PAD = 128
_BIG = 1 << 30

_TILE = 1024
_NT = (_N + _E) // _TILE
_HALF = _N // _TILE


def _extract_body(a_ref, ei_ref, ej_ref, off_ref, pi_ref, pj_ref):
    b = pl.program_id(0)
    nb = pl.num_programs(0)

    @pl.when(b == 0)
    def _init():
        off_ref[0] = 0
        ei_ref[...] = jnp.zeros_like(ei_ref)
        ej_ref[...] = jnp.zeros_like(ej_ref)
        pi_ref[...] = jnp.zeros_like(pi_ref)
        pj_ref[...] = jnp.zeros_like(pj_ref)

    a = a_ref[...]
    lane = lax.broadcasted_iota(jnp.int32, (1, _SEG), 1)
    b0 = b * _ROWS_PER_BLK

    colw = lax.broadcasted_iota(jnp.int32, (_ROWS_PER_BLK, _N), 1)
    roww = lax.broadcasted_iota(jnp.int32, (_ROWS_PER_BLK, _N), 0) + b0
    mask_all = (a != 0) & (colw > roww)
    all_cnt = jnp.sum(mask_all.astype(jnp.int32))
    col2 = lax.broadcasted_iota(jnp.int32, (_SUB, _N), 1)
    lane8 = lax.broadcasted_iota(jnp.int32, (_SUB, _SEG), 1)
    riota = lax.broadcasted_iota(jnp.int32, (_SUB, 1), 0)

    @pl.when(all_cnt > 0)
    def _block_nonempty():
        for g in range(_ROWS_PER_BLK // _SUB):
            r0 = b0 + g * _SUB
            mask_blk = mask_all[g * _SUB : (g + 1) * _SUB, :]
            blk_cnt = jnp.sum(mask_blk.astype(jnp.int32))

            @pl.when(blk_cnt > 0)
            def _nonempty(mask_blk=mask_blk, blk_cnt=blk_cnt, r0=r0):
                cols_blk = jnp.where(mask_blk, col2, _BIG)
                rowcnt = jnp.sum(
                    mask_blk.astype(jnp.int32), axis=1, keepdims=True
                )
                incl = rowcnt
                for sh in (1, 2, 4):
                    incl = incl + jnp.where(
                        riota >= sh, pltpu.roll(incl, sh, axis=0), 0
                    )
                precnt = incl - rowcnt
                maxcnt = jnp.max(rowcnt)
                rowid8 = riota + r0

                def _emit(t, carry):
                    cols_c, wi8_c, wj8_c = carry
                    m = jnp.min(cols_c, axis=1, keepdims=True)
                    valid = m < _BIG
                    sel = (lane8 == precnt + t) & valid
                    wi8_c = jnp.where(sel, rowid8, wi8_c)
                    wj8_c = jnp.where(sel, m, wj8_c)
                    cols_c = jnp.where(cols_c == m, _BIG, cols_c)
                    return cols_c, wi8_c, wj8_c

                z8 = jnp.zeros((_SUB, _SEG), jnp.int32)
                _, wi8, wj8 = lax.fori_loop(
                    0, maxcnt, _emit, (cols_blk, z8, z8)
                )
                wi = jnp.sum(wi8, axis=0, keepdims=True)
                wj = jnp.sum(wj8, axis=0, keepdims=True)
                loc = blk_cnt

                off = off_ref[0]
                rem = jnp.bitwise_and(off, _SEG - 1)
                base = pl.multiple_of(off - rem, _SEG)
                ri = pltpu.roll(wi, rem, axis=1)
                rj = pltpu.roll(wj, rem, axis=1)
                in_new = (lane >= rem) & (lane < rem + loc)
                mi = jnp.where(in_new, ri, pi_ref[...])
                mj = jnp.where(in_new, rj, pj_ref[...])
                wrap = lane < rem + loc - _SEG
                flush = rem + loc >= _SEG

                @pl.when(flush)
                def _flush():
                    ei_ref[:, pl.ds(base, _SEG)] = mi
                    ej_ref[:, pl.ds(base, _SEG)] = mj
                    pi_ref[...] = jnp.where(wrap, ri, 0)
                    pj_ref[...] = jnp.where(wrap, rj, 0)

                @pl.when(jnp.logical_not(flush))
                def _hold():
                    pi_ref[...] = mi
                    pj_ref[...] = mj

                off_ref[0] = off + loc

    @pl.when(b == nb - 1)
    def _tail():
        off2 = off_ref[0]
        rem2 = jnp.bitwise_and(off2, _SEG - 1)
        base2 = pl.multiple_of(off2 - rem2, _SEG)

        @pl.when(rem2 > 0)
        def _tail_flush():
            ei_ref[:, pl.ds(base2, _SEG)] = pi_ref[...]
            ej_ref[:, pl.ds(base2, _SEG)] = pj_ref[...]


def _extract(A):
    ei_pad, ej_pad = pl.pallas_call(
        _extract_body,
        grid=(_N // _ROWS_PER_BLK,),
        in_specs=[pl.BlockSpec((_ROWS_PER_BLK, _N), lambda b: (b, 0))],
        out_specs=[
            pl.BlockSpec((1, _E + _PAD), lambda b: (0, 0)),
            pl.BlockSpec((1, _E + _PAD), lambda b: (0, 0)),
        ],
        out_shape=[
            jax.ShapeDtypeStruct((1, _E + _PAD), jnp.int32),
            jax.ShapeDtypeStruct((1, _E + _PAD), jnp.int32),
        ],
        scratch_shapes=[
            pltpu.SMEM((1,), jnp.int32),
            pltpu.VMEM((1, _SEG), jnp.int32),
            pltpu.VMEM((1, _SEG), jnp.int32),
        ],
    )(A)
    return ei_pad[0, :_E], ej_pad[0, :_E]


_NW = 32
_CH = 32


def _midpoints(x_prev, c_prev, ei, ej):
    per_w = _E // _NW
    mesh = plsc.VectorSubcoreMesh(core_axis_name="c", subcore_axis_name="s")

    @functools.partial(
        pl.kernel,
        mesh=mesh,
        out_type=[
            jax.ShapeDtypeStruct((_E, _D), jnp.float32),
            jax.ShapeDtypeStruct((_E, _D), jnp.float32),
        ],
        scratch_types=[
            pltpu.VMEM((_CH,), jnp.int32),
            pltpu.VMEM((_CH,), jnp.int32),
            pltpu.VMEM((_CH, _D), jnp.float32),
            pltpu.VMEM((_CH, _D), jnp.float32),
            pltpu.SemaphoreType.DMA,
            pltpu.SemaphoreType.DMA,
        ],
    )
    def body(x_hbm, c_hbm, ei_hbm, ej_hbm, xv_hbm, cv_hbm, ia, ib, ra, rb, s1, s2):
        wid = lax.axis_index("s") * 2 + lax.axis_index("c")
        base = wid * per_w
        for g in range(per_w // _CH):
            off = base + g * _CH
            pltpu.sync_copy(ei_hbm.at[pl.ds(off, _CH)], ia)
            pltpu.sync_copy(ej_hbm.at[pl.ds(off, _CH)], ib)
            for src, dst in ((x_hbm, xv_hbm), (c_hbm, cv_hbm)):
                h1 = pltpu.async_copy(src.at[ia], ra, s1)
                h2 = pltpu.async_copy(src.at[ib], rb, s2)
                h1.wait()
                h2.wait()

                def _row(r_i, _):
                    def _vec(t, _2):
                        sl = pl.ds(t * 16, 16)
                        ra[r_i, sl] = (ra[r_i, sl] + rb[r_i, sl]) * 0.5
                        return 0

                    return lax.fori_loop(0, _D // 16, _vec, 0)

                lax.fori_loop(0, _CH, _row, 0)
                pltpu.sync_copy(ra, dst.at[pl.ds(off, _CH)])

    return body(x_prev, c_prev, ei, ej)


def _adjacency_body(ei_row_ref, ej_row_ref, ei_col_ref, ej_col_ref, out_ref):
    r = pl.program_id(0)
    c = pl.program_id(1)

    @pl.when(jnp.equal(r < _HALF, c < _HALF))
    def _zero():
        out_ref[...] = jnp.zeros_like(out_ref)

    @pl.when((r < _HALF) & (c >= _HALF))
    def _top_right():
        riota = lax.broadcasted_iota(jnp.int32, (_TILE, _TILE), 0) + r * _TILE
        hit = (riota == ei_row_ref[...]) | (riota == ej_row_ref[...])
        out_ref[...] = jnp.where(hit, 1.0, 0.0).astype(jnp.float32)

    @pl.when((r >= _HALF) & (c < _HALF))
    def _bottom_left():
        ciota = lax.broadcasted_iota(jnp.int32, (_TILE, _TILE), 1) + c * _TILE
        hit = (ciota == ei_col_ref[...]) | (ciota == ej_col_ref[...])
        out_ref[...] = jnp.where(hit, 1.0, 0.0).astype(jnp.float32)


def _adjacency(ei, ej):
    ei_row = ei.reshape(1, _E)
    ej_row = ej.reshape(1, _E)
    ei_col = ei.reshape(_E, 1)
    ej_col = ej.reshape(_E, 1)
    row_spec = pl.BlockSpec(
        (1, _TILE), lambda r, c: (0, jnp.maximum(c - _HALF, 0))
    )
    col_spec = pl.BlockSpec(
        (_TILE, 1), lambda r, c: (jnp.maximum(r - _HALF, 0), 0)
    )
    return pl.pallas_call(
        _adjacency_body,
        grid=(_NT, _NT),
        in_specs=[row_spec, row_spec, col_spec, col_spec],
        out_specs=pl.BlockSpec((_TILE, _TILE), lambda r, c: (r, c)),
        out_shape=jax.ShapeDtypeStruct((_N + _E, _N + _E), jnp.float32),
    )(ei_row, ej_row, ei_col, ej_col)


def kernel(x_prev, c_prev, A):
    ei, ej = _extract(A)
    x_v, c_v = _midpoints(x_prev, c_prev, ei, ej)
    A_new = _adjacency(ei, ej)
    x_new = jnp.concatenate([x_prev, x_v], axis=0)
    c_new = jnp.concatenate([c_prev, c_v], axis=0)
    return (x_new, c_new, A_new)

# --- scband reference (transcript-rebuilt; emitter-appended) ---
"""Pipeline reference for scband-vertex-add-51659866636722 (READ-ONLY COPY).

The authoritative reference and input builder live on the scoring server;
editing this copy changes nothing except your own understanding.
"""

import jax, jax.numpy as jnp
import numpy as np

N = 4096
E = 4096
D_X = 512
D_C = 512


def _build_adjacency():
    # Deterministic symmetric 0/1 adjacency with exactly E upper-triangle edges.
    rng = np.random.default_rng(0)
    pairs = rng.integers(0, N, size=(E * 8, 2))
    pairs = pairs[pairs[:, 0] < pairs[:, 1]]
    pairs = np.unique(pairs, axis=0)[:E]
    assert pairs.shape[0] == E
    A = np.zeros((N, N), dtype=np.int32)
    A[pairs[:, 0], pairs[:, 1]] = 1
    A[pairs[:, 1], pairs[:, 0]] = 1
    return A


def setup_inputs(seed: int = 0):
    key = jax.random.key(seed)
    k1, k2 = jax.random.split(key)
    x_prev = jax.random.normal(k1, (N, D_X), dtype=jnp.float32)
    c_prev = jax.random.normal(k2, (N, D_C), dtype=jnp.float32)
    A = jnp.asarray(_build_adjacency())
    return {"x_prev": x_prev, "c_prev": c_prev, "A": A}


def reference(x_prev, c_prev, A):
    # Vectorized, faithful translation of the per-edge python loop.
    # Original loop visits (i, j) with i < j in row-major order and, for each
    # edge, appends a midpoint vertex and wires it to i and j in A_new.
    num_vertices = A.shape[0]
    final_num_vertices = num_vertices + E
    upper = jnp.triu(A, k=1)
    ei, ej = jnp.nonzero(upper == 1, size=E)  # row-major order == loop order
    num_edges = ei.shape[0]
    x_v = (x_prev[ei, :] + x_prev[ej, :]) / 2.0
    c_v = (c_prev[ei, :] + c_prev[ej, :]) / 2.0
    x_new = jnp.concatenate([x_prev, x_v], axis=0)
    c_new = jnp.concatenate([c_prev, c_v], axis=0)
    v_idx = num_vertices + jnp.arange(num_edges)
    A_new = jnp.zeros((final_num_vertices, final_num_vertices), dtype=jnp.float32)
    A_new = A_new.at[ei, v_idx].set(1.0)
    A_new = A_new.at[v_idx, ei].set(1.0)
    A_new = A_new.at[v_idx, ej].set(1.0)
    A_new = A_new.at[ej, v_idx].set(1.0)
    return (x_new, c_new, A_new)

if __name__ == "__main__":
    import jax
    _d = setup_inputs()
    print(jax.jit(kernel)(*tuple(_d.values())))

</pallas_src>

<mosaic_0001>
#map = affine_map<(d0, d1) -> (0, 0)>
#map1 = affine_map<(d0, d1) -> (0)>
module attributes {stable_mosaic.version = 14 : i64} {
  func.func @body(%arg0: i32, %arg1: i32, %arg2: memref<4096x512xf32, #tpu.memory_space<hbm>>, %arg3: memref<4096x512xf32, #tpu.memory_space<hbm>>, %arg4: memref<4096xi32, #tpu.memory_space<hbm>>, %arg5: memref<4096xi32, #tpu.memory_space<hbm>>, %arg6: memref<4096x512xf32, #tpu.memory_space<hbm>>, %arg7: memref<4096x512xf32, #tpu.memory_space<hbm>>, %arg8: memref<32xi32, #tpu.memory_space<vmem>>, %arg9: memref<32xi32, #tpu.memory_space<vmem>>, %arg10: memref<32x512xf32, #tpu.memory_space<vmem>>, %arg11: memref<32x512xf32, #tpu.memory_space<vmem>>, %arg12: memref<!tpu.dma_semaphore, #tpu.memory_space<semaphore_mem>>, %arg13: memref<!tpu.dma_semaphore, #tpu.memory_space<semaphore_mem>>) attributes {dimension_semantics = [#tpu.dimension_semantics<core_parallel>, #tpu.dimension_semantics<subcore_parallel>], iteration_bounds = array<i64: 2, 16>, scalar_prefetch = 0 : i64, scratch_operands = 6 : i64, tpu.core_type = #tpu.core_type<sc_vector_subcore>, window_params = [{transform_indices = #map}, {transform_indices = #map}, {transform_indices = #map1}, {transform_indices = #map1}, {transform_indices = #map}, {transform_indices = #map}]} {
    %mul3A = arith.constant 2 : i32
    %mul3A_0 = arith.muli %arg1, %mul3A : i32
    %add3A = arith.addi %mul3A_0, %arg0 : i32
    %mul3A_1 = arith.constant 128 : i32
    %mul3A_2 = arith.muli %add3A, %mul3A_1 : i32
    %add3A_3 = arith.constant 0 : i32
    %add3A_4 = arith.addi %mul3A_2, %add3A_3 : i32
    "tpu.region"() ({
      %run_scoped3A = tpu.sem_alloc : memref<!tpu.dma_semaphore, #tpu.memory_space<semaphore_mem>>
      %dma_start3A_160 = tpu.memref_slice %arg4[%add3A_4] : memref<4096xi32, #tpu.memory_space<hbm>> -> memref<32xi32, #tpu.memory_space<hbm>>
      %dma_start3A_161 = tpu.memref_slice %arg4[%add3A_4] : memref<4096xi32, #tpu.memory_space<hbm>> -> memref<32xi32, #tpu.memory_space<hbm>>
      tpu.enqueue_dma source(%dma_start3A_161 : memref<32xi32, #tpu.memory_space<hbm>>) target(%arg8 : memref<32xi32, #tpu.memory_space<vmem>>) target_semaphore(%run_scoped3A : memref<!tpu.dma_semaphore, #tpu.memory_space<semaphore_mem>>)
      %dma_wait3A_162 = tpu.memref_slice %arg4[%add3A_4] : memref<4096xi32, #tpu.memory_space<hbm>> -> memref<32xi32, #tpu.memory_space<hbm>>
      %dma_wait3A_163 = tpu.memref_slice %arg4[%add3A_4] : memref<4096xi32, #tpu.memory_space<hbm>> -> memref<32xi32, #tpu.memory_space<hbm>>
      tpu.wait_dma2 semaphore(%run_scoped3A : memref<!tpu.dma_semaphore, #tpu.memory_space<semaphore_mem>>) src(%dma_wait3A_163 : memref<32xi32, #tpu.memory_space<hbm>>) dst(%arg8 : memref<32xi32, #tpu.memory_space<vmem>>)
      tpu.yield
    }) : () -> ()
    "tpu.region"() ({
      %run_scoped3A = tpu.sem_alloc : memref<!tpu.dma_semaphore, #tpu.memory_space<semaphore_mem>>
      %dma_start3A_160 = tpu.memref_slice %arg5[%add3A_4] : memref<4096xi32, #tpu.memory_space<hbm>> -> memref<32xi32, #tpu.memory_space<hbm>>
      %dma_start3A_161 = tpu.memref_slice %arg5[%add3A_4] : memref<4096xi32, #tpu.memory_space<hbm>> -> memref<32xi32, #tpu.memory_space<hbm>>
      tpu.enqueue_dma source(%dma_start3A_161 : memref<32xi32, #tpu.memory_space<hbm>>) target(%arg9 : memref<32xi32, #tpu.memory_space<vmem>>) target_semaphore(%run_scoped3A : memref<!tpu.dma_semaphore, #tpu.memory_space<semaphore_mem>>)
      %dma_wait3A_162 = tpu.memref_slice %arg5[%add3A_4] : memref<4096xi32, #tpu.memory_space<hbm>> -> memref<32xi32, #tpu.memory_space<hbm>>
      %dma_wait3A_163 = tpu.memref_slice %arg5[%add3A_4] : memref<4096xi32, #tpu.memory_space<hbm>> -> memref<32xi32, #tpu.memory_space<hbm>>
      tpu.wait_dma2 semaphore(%run_scoped3A : memref<!tpu.dma_semaphore, #tpu.memory_space<semaphore_mem>>) src(%dma_wait3A_163 : memref<32xi32, #tpu.memory_space<hbm>>) dst(%arg9 : memref<32xi32, #tpu.memory_space<vmem>>)
      tpu.yield
    }) : () -> ()
    %dma_start3A = arith.constant 0 : i32
    %dma_start3A_5 = arith.constant 0 : i32
    %dma_start3A_6 = tpu.memref_slice %arg2[%dma_start3A, %dma_start3A_5] : memref<4096x512xf32, #tpu.memory_space<hbm>> -> memref<4096x512xf32, #tpu.memory_space<hbm>>
    tpu.enqueue_indirect_dma source(%dma_start3A_6 : memref<4096x512xf32, #tpu.memory_space<hbm>>) target(%arg10 : memref<32x512xf32, #tpu.memory_space<vmem>>) offsets(%arg8 : memref<32xi32, #tpu.memory_space<vmem>>) semaphore(%arg12 : memref<!tpu.dma_semaphore, #tpu.memory_space<semaphore_mem>>)
    %dma_start3A_7 = arith.constant 0 : i32
    %dma_start3A_8 = arith.constant 0 : i32
    %dma_start3A_9 = tpu.memref_slice %arg2[%dma_start3A_7, %dma_start3A_8] : memref<4096x512xf32, #tpu.memory_space<hbm>> -> memref<4096x512xf32, #tpu.memory_space<hbm>>
    tpu.enqueue_indirect_dma source(%dma_start3A_9 : memref<4096x512xf32, #tpu.memory_space<hbm>>) target(%arg11 : memref<32x512xf32, #tpu.memory_space<vmem>>) offsets(%arg9 : memref<32xi32, #tpu.memory_space<vmem>>) semaphore(%arg13 : memref<!tpu.dma_semaphore, #tpu.memory_space<semaphore_mem>>)
    %dma_wait3A = arith.constant 0 : i32
    %dma_wait3A_10 = arith.constant 0 : i32
    %dma_wait3A_11 = tpu.memref_slice %arg2[%dma_wait3A, %dma_wait3A_10] : memref<4096x512xf32, #tpu.memory_space<hbm>> -> memref<4096x512xf32, #tpu.memory_space<hbm>>
    tpu.wait_indirect_dma semaphore(%arg12 : memref<!tpu.dma_semaphore, #tpu.memory_space<semaphore_mem>>) src(%dma_wait3A_11 : memref<4096x512xf32, #tpu.memory_space<hbm>>) dst(%arg10 : memref<32x512xf32, #tpu.memory_space<vmem>>)
    %dma_wait3A_12 = arith.constant 0 : i32
    %dma_wait3A_13 = arith.constant 0 : i32
    %dma_wait3A_14 = tpu.memref_slice %arg2[%dma_wait3A_12, %dma_wait3A_13] : memref<4096x512xf32, #tpu.memory_space<hbm>> -> memref<4096x512xf32, #tpu.memory_space<hbm>>
    tpu.wait_indirect_dma semaphore(%arg13 : memref<!tpu.dma_semaphore, #tpu.memory_space<semaphore_mem>>) src(%dma_wait3A_14 : memref<4096x512xf32, #tpu.memory_space<hbm>>) dst(%arg11 : memref<32x512xf32, #tpu.memory_space<vmem>>)
    %scan3A = arith.constant 0 : i32
    %scan3A_15 = arith.constant 0 : i32
    %scan3A_16 = arith.constant 32 : i32
    %scan3A_17 = arith.addi %scan3A_15, %scan3A_16 : i32
    %scan3A_18 = arith.constant 1 : i32
    %scan3A_19 = scf.for %scan3A_160 = %scan3A_15 to %scan3A_17 step %scan3A_18 iter_args(%scan3A_161 = %scan3A) -> (i32)  : i32 {
      %scan3A_162 = arith.constant 0 : i32
      %scan3A_163 = arith.constant 0 : i32
      %scan3A_164 = arith.constant 32 : i32
      %scan3A_165 = arith.addi %scan3A_163, %scan3A_164 : i32
      %scan3A_166 = arith.constant 1 : i32
      %scan3A_167 = scf.for %scan3A_169 = %scan3A_163 to %scan3A_165 step %scan3A_166 iter_args(%scan3A_170 = %scan3A_162) -> (i32)  : i32 {
        %mul3A_171 = arith.constant 16 : i32
        %mul3A_172 = arith.muli %scan3A_169, %mul3A_171 : i32
        %get3A = arith.index_cast %scan3A_160 : i32 to index
        %get3A_173 = arith.index_cast %mul3A_172 : i32 to index
        %get3A_174 = tpu.vector_load %arg10[%get3A, %get3A_173] {strides = array<i32>} : memref<32x512xf32, #tpu.memory_space<vmem>>, vector<1x16xf32>,
        %get3A_175 = vector.shape_cast %get3A_174 : vector<1x16xf32> to vector<16xf32>
        %get3A_176 = arith.index_cast %scan3A_160 : i32 to index
        %get3A_177 = arith.index_cast %mul3A_172 : i32 to index
        %get3A_178 = tpu.vector_load %arg11[%get3A_176, %get3A_177] {strides = array<i32>} : memref<32x512xf32, #tpu.memory_space<vmem>>, vector<1x16xf32>,
        %get3A_179 = vector.shape_cast %get3A_178 : vector<1x16xf32> to vector<16xf32>
        %add3A_180 = arith.addf %get3A_175, %get3A_179 : vector<16xf32>
        %mul3A_181 = arith.constant 5.000000e-01 : f32
        %mul3A_182 = vector.broadcast %mul3A_181 : f32 to vector<16xf32>
        %mul3A_183 = arith.mulf %add3A_180, %mul3A_182 : vector<16xf32>
        %swap3A = arith.index_cast %scan3A_160 : i32 to index
        %swap3A_184 = arith.index_cast %mul3A_172 : i32 to index
        %swap3A_185 = tpu.vector_load %arg10[%swap3A, %swap3A_184] {strides = array<i32>} : memref<32x512xf32, #tpu.memory_space<vmem>>, vector<1x16xf32>,
        %swap3A_186 = vector.shape_cast %swap3A_185 : vector<1x16xf32> to vector<16xf32>
        %swap3A_187 = vector.shape_cast %mul3A_183 : vector<16xf32> to vector<1x16xf32>
        tpu.vector_store %arg10[%swap3A, %swap3A_184], %swap3A_187 {strides = array<i32>} : memref<32x512xf32, #tpu.memory_space<vmem>>, vector<1x16xf32>,
        %scan3A_188 = arith.constant 0 : i32
        scf.yield %scan3A_188 : i32
      }
      %scan3A_168 = arith.constant 32 : i32
      scf.yield %scan3A_167 : i32
    }
    %scan3A_20 = arith.constant 32 : i32
    "tpu.region"() ({
      %run_scoped3A = tpu.sem_alloc : memref<!tpu.dma_semaphore, #tpu.memory_space<semaphore_mem>>
      %dma_start3A_160 = arith.constant 0 : i32
      %dma_start3A_161 = tpu.memref_slice %arg6[%add3A_4, %dma_start3A_160] : memref<4096x512xf32, #tpu.memory_space<hbm>> -> memref<32x512xf32, #tpu.memory_space<hbm>>
      %dma_start3A_162 = arith.constant 0 : i32
      %dma_start3A_163 = tpu.memref_slice %arg6[%add3A_4, %dma_start3A_162] : memref<4096x512xf32, #tpu.memory_space<hbm>> -> memref<32x512xf32, #tpu.memory_space<hbm>>
      tpu.enqueue_dma source(%arg10 : memref<32x512xf32, #tpu.memory_space<vmem>>) target(%dma_start3A_163 : memref<32x512xf32, #tpu.memory_space<hbm>>) target_semaphore(%run_scoped3A : memref<!tpu.dma_semaphore, #tpu.memory_space<semaphore_mem>>)
      %dma_wait3A_164 = arith.constant 0 : i32
      %dma_wait3A_165 = tpu.memref_slice %arg6[%add3A_4, %dma_wait3A_164] : memref<4096x512xf32, #tpu.memory_space<hbm>> -> memref<32x512xf32, #tpu.memory_space<hbm>>
      %dma_wait3A_166 = arith.constant 0 : i32
      %dma_wait3A_167 = tpu.memref_slice %arg6[%add3A_4, %dma_wait3A_166] : memref<4096x512xf32, #tpu.memory_space<hbm>> -> memref<32x512xf32, #tpu.memory_space<hbm>>
      tpu.wait_dma2 semaphore(%run_scoped3A : memref<!tpu.dma_semaphore, #tpu.memory_space<semaphore_mem>>) src(%arg10 : memref<32x512xf32, #tpu.memory_space<vmem>>) dst(%dma_wait3A_167 : memref<32x512xf32, #tpu.memory_space<hbm>>)
      tpu.yield
    }) : () -> ()
    %dma_start3A_21 = arith.constant 0 : i32
    %dma_start3A_22 = arith.constant 0 : i32
    %dma_start3A_23 = tpu.memref_slice %arg3[%dma_start3A_21, %dma_start3A_22] : memref<4096x512xf32, #tpu.memory_space<hbm>> -> memref<4096x512xf32, #tpu.memory_space<hbm>>
    tpu.enqueue_indirect_dma source(%dma_start3A_23 : memref<4096x512xf32, #tpu.memory_space<hbm>>) target(%arg10 : memref<32x512xf32, #tpu.memory_space<vmem>>) offsets(%arg8 : memref<32xi32, #tpu.memory_space<vmem>>) semaphore(%arg12 : memref<!tpu.dma_semaphore, #tpu.memory_space<semaphore_mem>>)
    %dma_start3A_24 = arith.constant 0 : i32
    %dma_start3A_25 = arith.constant 0 : i32
    %dma_start3A_26 = tpu.memref_slice %arg3[%dma_start3A_24, %dma_start3A_25] : memref<4096x512xf32, #tpu.memory_space<hbm>> -> memref<4096x512xf32, #tpu.memory_space<hbm>>
    tpu.enqueue_indirect_dma source(%dma_start3A_26 : memref<4096x512xf32, #tpu.memory_space<hbm>>) target(%arg11 : memref<32x512xf32, #tpu.memory_space<vmem>>) offsets(%arg9 : memref<32xi32, #tpu.memory_space<vmem>>) semaphore(%arg13 : memref<!tpu.dma_semaphore, #tpu.memory_space<semaphore_mem>>)
    %dma_wait3A_27 = arith.constant 0 : i32
    %dma_wait3A_28 = arith.constant 0 : i32
    %dma_wait3A_29 = tpu.memref_slice %arg3[%dma_wait3A_27, %dma_wait3A_28] : memref<4096x512xf32, #tpu.memory_space<hbm>> -> memref<4096x512xf32, #tpu.memory_space<hbm>>
    tpu.wait_indirect_dma semaphore(%arg12 : memref<!tpu.dma_semaphore, #tpu.memory_space<semaphore_mem>>) src(%dma_wait3A_29 : memref<4096x512xf32, #tpu.memory_space<hbm>>) dst(%arg10 : memref<32x512xf32, #tpu.memory_space<vmem>>)
    %dma_wait3A_30 = arith.constant 0 : i32
    %dma_wait3A_31 = arith.constant 0 : i32
    %dma_wait3A_32 = tpu.memref_slice %arg3[%dma_wait3A_30, %dma_wait3A_31] : memref<4096x512xf32, #tpu.memory_space<hbm>> -> memref<4096x512xf32, #tpu.memory_space<hbm>>
    tpu.wait_indirect_dma semaphore(%arg13 : memref<!tpu.dma_semaphore, #tpu.memory_space<semaphore_mem>>) src(%dma_wait3A_32 : memref<4096x512xf32, #tpu.memory_space<hbm>>) dst(%arg11 : memref<32x512xf32, #tpu.memory_space<vmem>>)
    %scan3A_33 = arith.constant 0 : i32
    %scan3A_34 = arith.constant 0 : i32
    %scan3A_35 = arith.constant 32 : i32
    %scan3A_36 = arith.addi %scan3A_34, %scan3A_35 : i32
    %scan3A_37 = arith.constant 1 : i32
    %scan3A_38 = scf.for %scan3A_160 = %scan3A_34 to %scan3A_36 step %scan3A_37 iter_args(%scan3A_161 = %scan3A_33) -> (i32)  : i32 {
      %scan3A_162 = arith.constant 0 : i32
      %scan3A_163 = arith.constant 0 : i32
      %scan3A_164 = arith.constant 32 : i32
      %scan3A_165 = arith.addi %scan3A_163, %scan3A_164 : i32
      %scan3A_166 = arith.constant 1 : i32
      %scan3A_167 = scf.for %scan3A_169 = %scan3A_163 to %scan3A_165 step %scan3A_166 iter_args(%scan3A_170 = %scan3A_162) -> (i32)  : i32 {
        %mul3A_171 = arith.constant 16 : i32
        %mul3A_172 = arith.muli %scan3A_169, %mul3A_171 : i32
        %get3A = arith.index_cast %scan3A_160 : i32 to index
        %get3A_173 = arith.index_cast %mul3A_172 : i32 to index
        %get3A_174 = tpu.vector_load %arg10[%get3A, %get3A_173] {strides = array<i32>} : memref<32x512xf32, #tpu.memory_space<vmem>>, vector<1x16xf32>,
        %get3A_175 = vector.shape_cast %get3A_174 : vector<1x16xf32> to vector<16xf32>
        %get3A_176 = arith.index_cast %scan3A_160 : i32 to index
        %get3A_177 = arith.index_cast %mul3A_172 : i32 to index
        %get3A_178 = tpu.vector_load %arg11[%get3A_176, %get3A_177] {strides = array<i32>} : memref<32x512xf32, #tpu.memory_space<vmem>>, vector<1x16xf32>,
        %get3A_179 = vector.shape_cast %get3A_178 : vector<1x16xf32> to vector<16xf32>
        %add3A_180 = arith.addf %get3A_175, %get3A_179 : vector<16xf32>
        %mul3A_181 = arith.constant 5.000000e-01 : f32
        %mul3A_182 = vector.broadcast %mul3A_181 : f32 to vector<16xf32>
        %mul3A_183 = arith.mulf %add3A_180, %mul3A_182 : vector<16xf32>
        %swap3A = arith.index_cast %scan3A_160 : i32 to index
        %swap3A_184 = arith.index_cast %mul3A_172 : i32 to index
        %swap3A_185 = tpu.vector_load %arg10[%swap3A, %swap3A_184] {strides = array<i32>} : memref<32x512xf32, #tpu.memory_space<vmem>>, vector<1x16xf32>,
        %swap3A_186 = vector.shape_cast %swap3A_185 : vector<1x16xf32> to vector<16xf32>
        %swap3A_187 = vector.shape_cast %mul3A_183 : vector<16xf32> to vector<1x16xf32>
        tpu.vector_store %arg10[%swap3A, %swap3A_184], %swap3A_187 {strides = array<i32>} : memref<32x512xf32, #tpu.memory_space<vmem>>, vector<1x16xf32>,
        %scan3A_188 = arith.constant 0 : i32
        scf.yield %scan3A_188 : i32
      }
      %scan3A_168 = arith.constant 32 : i32
      scf.yield %scan3A_167 : i32
    }
    %scan3A_39 = arith.constant 32 : i32
    "tpu.region"() ({
      %run_scoped3A = tpu.sem_alloc : memref<!tpu.dma_semaphore, #tpu.memory_space<semaphore_mem>>
      %dma_start3A_160 = arith.constant 0 : i32
      %dma_start3A_161 = tpu.memref_slice %arg7[%add3A_4, %dma_start3A_160] : memref<4096x512xf32, #tpu.memory_space<hbm>> -> memref<32x512xf32, #tpu.memory_space<hbm>>
      %dma_start3A_162 = arith.constant 0 : i32
      %dma_start3A_163 = tpu.memref_slice %arg7[%add3A_4, %dma_start3A_162] : memref<4096x512xf32, #tpu.memory_space<hbm>> -> memref<32x512xf32, #tpu.memory_space<hbm>>
      tpu.enqueue_dma source(%arg10 : memref<32x512xf32, #tpu.memory_space<vmem>>) target(%dma_start3A_163 : memref<32x512xf32, #tpu.memory_space<hbm>>) target_semaphore(%run_scoped3A : memref<!tpu.dma_semaphore, #tpu.memory_space<semaphore_mem>>)
      %dma_wait3A_164 = arith.constant 0 : i32
      %dma_wait3A_165 = tpu.memref_slice %arg7[%add3A_4, %dma_wait3A_164] : memref<4096x512xf32, #tpu.memory_space<hbm>> -> memref<32x512xf32, #tpu.memory_space<hbm>>
      %dma_wait3A_166 = arith.constant 0 : i32
      %dma_wait3A_167 = tpu.memref_slice %arg7[%add3A_4, %dma_wait3A_166] : memref<4096x512xf32, #tpu.memory_space<hbm>> -> memref<32x512xf32, #tpu.memory_space<hbm>>
      tpu.wait_dma2 semaphore(%run_scoped3A : memref<!tpu.dma_semaphore, #tpu.memory_space<semaphore_mem>>) src(%arg10 : memref<32x512xf32, #tpu.memory_space<vmem>>) dst(%dma_wait3A_167 : memref<32x512xf32, #tpu.memory_space<hbm>>)
      tpu.yield
    }) : () -> ()
    %add3A_40 = arith.constant 32 : i32
    %add3A_41 = arith.addi %mul3A_2, %add3A_40 : i32
    "tpu.region"() ({
      %run_scoped3A = tpu.sem_alloc : memref<!tpu.dma_semaphore, #tpu.memory_space<semaphore_mem>>
      %dma_start3A_160 = tpu.memref_slice %arg4[%add3A_41] : memref<4096xi32, #tpu.memory_space<hbm>> -> memref<32xi32, #tpu.memory_space<hbm>>
      %dma_start3A_161 = tpu.memref_slice %arg4[%add3A_41] : memref<4096xi32, #tpu.memory_space<hbm>> -> memref<32xi32, #tpu.memory_space<hbm>>
      tpu.enqueue_dma source(%dma_start3A_161 : memref<32xi32, #tpu.memory_space<hbm>>) target(%arg8 : memref<32xi32, #tpu.memory_space<vmem>>) target_semaphore(%run_scoped3A : memref<!tpu.dma_semaphore, #tpu.memory_space<semaphore_mem>>)
      %dma_wait3A_162 = tpu.memref_slice %arg4[%add3A_41] : memref<4096xi32, #tpu.memory_space<hbm>> -> memref<32xi32, #tpu.memory_space<hbm>>
      %dma_wait3A_163 = tpu.memref_slice %arg4[%add3A_41] : memref<4096xi32, #tpu.memory_space<hbm>> -> memref<32xi32, #tpu.memory_space<hbm>>
      tpu.wait_dma2 semaphore(%run_scoped3A : memref<!tpu.dma_semaphore, #tpu.memory_space<semaphore_mem>>) src(%dma_wait3A_163 : memref<32xi32, #tpu.memory_space<hbm>>) dst(%arg8 : memref<32xi32, #tpu.memory_space<vmem>>)
      tpu.yield
    }) : () -> ()
    "tpu.region"() ({
      %run_scoped3A = tpu.sem_alloc : memref<!tpu.dma_semaphore, #tpu.memory_space<semaphore_mem>>
      %dma_start3A_160 = tpu.memref_slice %arg5[%add3A_41] : memref<4096xi32, #tpu.memory_space<hbm>> -> memref<32xi32, #tpu.memory_space<hbm>>
      %dma_start3A_161 = tpu.memref_slice %arg5[%add3A_41] : memref<4096xi32, #tpu.memory_space<hbm>> -> memref<32xi32, #tpu.memory_space<hbm>>
      tpu.enqueue_dma source(%dma_start3A_161 : memref<32xi32, #tpu.memory_space<hbm>>) target(%arg9 : memref<32xi32, #tpu.memory_space<vmem>>) target_semaphore(%run_scoped3A : memref<!tpu.dma_semaphore, #tpu.memory_space<semaphore_mem>>)
      %dma_wait3A_162 = tpu.memref_slice %arg5[%add3A_41] : memref<4096xi32, #tpu.memory_space<hbm>> -> memref<32xi32, #tpu.memory_space<hbm>>
      %dma_wait3A_163 = tpu.memref_slice %arg5[%add3A_41] : memref<4096xi32, #tpu.memory_space<hbm>> -> memref<32xi32, #tpu.memory_space<hbm>>
      tpu.wait_dma2 semaphore(%run_scoped3A : memref<!tpu.dma_semaphore, #tpu.memory_space<semaphore_mem>>) src(%dma_wait3A_163 : memref<32xi32, #tpu.memory_space<hbm>>) dst(%arg9 : memref<32xi32, #tpu.memory_space<vmem>>)
      tpu.yield
    }) : () -> ()
    %dma_start3A_42 = arith.constant 0 : i32
    %dma_start3A_43 = arith.constant 0 : i32
    %dma_start3A_44 = tpu.memref_slice %arg2[%dma_start3A_42, %dma_start3A_43] : memref<4096x512xf32, #tpu.memory_space<hbm>> -> memref<4096x512xf32, #tpu.memory_space<hbm>>
    tpu.enqueue_indirect_dma source(%dma_start3A_44 : memref<4096x512xf32, #tpu.memory_space<hbm>>) target(%arg10 : memref<32x512xf32, #tpu.memory_space<vmem>>) offsets(%arg8 : memref<32xi32, #tpu.memory_space<vmem>>) semaphore(%arg12 : memref<!tpu.dma_semaphore, #tpu.memory_space<semaphore_mem>>)
    %dma_start3A_45 = arith.constant 0 : i32
    %dma_start3A_46 = arith.constant 0 : i32
    %dma_start3A_47 = tpu.memref_slice %arg2[%dma_start3A_45, %dma_start3A_46] : memref<4096x512xf32, #tpu.memory_space<hbm>> -> memref<4096x512xf32, #tpu.memory_space<hbm>>
    tpu.enqueue_indirect_dma source(%dma_start3A_47 : memref<4096x512xf32, #tpu.memory_space<hbm>>) target(%arg11 : memref<32x512xf32, #tpu.memory_space<vmem>>) offsets(%arg9 : memref<32xi32, #tpu.memory_space<vmem>>) semaphore(%arg13 : memref<!tpu.dma_semaphore, #tpu.memory_space<semaphore_mem>>)
    %dma_wait3A_48 = arith.constant 0 : i32
    %dma_wait3A_49 = arith.constant 0 : i32
    %dma_wait3A_50 = tpu.memref_slice %arg2[%dma_wait3A_48, %dma_wait3A_49] : memref<4096x512xf32, #tpu.memory_space<hbm>> -> memref<4096x512xf32, #tpu.memory_space<hbm>>
    tpu.wait_indirect_dma semaphore(%arg12 : memref<!tpu.dma_semaphore, #tpu.memory_space<semaphore_mem>>) src(%dma_wait3A_50 : memref<4096x512xf32, #tpu.memory_space<hbm>>) dst(%arg10 : memref<32x512xf32, #tpu.memory_space<vmem>>)
    %dma_wait3A_51 = arith.constant 0 : i32
    %dma_wait3A_52 = arith.constant 0 : i32
    %dma_wait3A_53 = tpu.memref_slice %arg2[%dma_wait3A_51, %dma_wait3A_52] : memref<4096x512xf32, #tpu.memory_space<hbm>> -> memref<4096x512xf32, #tpu.memory_space<hbm>>
    tpu.wait_indirect_dma semaphore(%arg13 : memref<!tpu.dma_semaphore, #tpu.memory_space<semaphore_mem>>) src(%dma_wait3A_53 : memref<4096x512xf32, #tpu.memory_space<hbm>>) dst(%arg11 : memref<32x512xf32, #tpu.memory_space<vmem>>)
    %scan3A_54 = arith.constant 0 : i32
    %scan3A_55 = arith.constant 0 : i32
    %scan3A_56 = arith.constant 32 : i32
    %scan3A_57 = arith.addi %scan3A_55, %scan3A_56 : i32
    %scan3A_58 = arith.constant 1 : i32
    %scan3A_59 = scf.for %scan3A_160 = %scan3A_55 to %scan3A_57 step %scan3A_58 iter_args(%scan3A_161 = %scan3A_54) -> (i32)  : i32 {
      %scan3A_162 = arith.constant 0 : i32
      %scan3A_163 = arith.constant 0 : i32
      %scan3A_164 = arith.constant 32 : i32
      %scan3A_165 = arith.addi %scan3A_163, %scan3A_164 : i32
      %scan3A_166 = arith.constant 1 : i32
      %scan3A_167 = scf.for %scan3A_169 = %scan3A_163 to %scan3A_165 step %scan3A_166 iter_args(%scan3A_170 = %scan3A_162) -> (i32)  : i32 {
        %mul3A_171 = arith.constant 16 : i32
        %mul3A_172 = arith.muli %scan3A_169, %mul3A_171 : i32
        %get3A = arith.index_cast %scan3A_160 : i32 to index
        %get3A_173 = arith.index_cast %mul3A_172 : i32 to index
        %get3A_174 = tpu.vector_load %arg10[%get3A, %get3A_173] {strides = array<i32>} : memref<32x512xf32, #tpu.memory_space<vmem>>, vector<1x16xf32>,
        %get3A_175 = vector.shape_cast %get3A_174 : vector<1x16xf32> to vector<16xf32>
        %get3A_176 = arith.index_cast %scan3A_160 : i32 to index
        %get3A_177 = arith.index_cast %mul3A_172 : i32 to index
        %get3A_178 = tpu.vector_load %arg11[%get3A_176, %get3A_177] {strides = array<i32>} : memref<32x512xf32, #tpu.memory_space<vmem>>, vector<1x16xf32>,
        %get3A_179 = vector.shape_cast %get3A_178 : vector<1x16xf32> to vector<16xf32>
        %add3A_180 = arith.addf %get3A_175, %get3A_179 : vector<16xf32>
        %mul3A_181 = arith.constant 5.000000e-01 : f32
        %mul3A_182 = vector.broadcast %mul3A_181 : f32 to vector<16xf32>
        %mul3A_183 = arith.mulf %add3A_180, %mul3A_182 : vector<16xf32>
        %swap3A = arith.index_cast %scan3A_160 : i32 to index
        %swap3A_184 = arith.index_cast %mul3A_172 : i32 to index
        %swap3A_185 = tpu.vector_load %arg10[%swap3A, %swap3A_184] {strides = array<i32>} : memref<32x512xf32, #tpu.memory_space<vmem>>, vector<1x16xf32>,
        %swap3A_186 = vector.shape_cast %swap3A_185 : vector<1x16xf32> to vector<16xf32>
        %swap3A_187 = vector.shape_cast %mul3A_183 : vector<16xf32> to vector<1x16xf32>
        tpu.vector_store %arg10[%swap3A, %swap3A_184], %swap3A_187 {strides = array<i32>} : memref<32x512xf32, #tpu.memory_space<vmem>>, vector<1x16xf32>,
        %scan3A_188 = arith.constant 0 : i32
        scf.yield %scan3A_188 : i32
      }
      %scan3A_168 = arith.constant 32 : i32
      scf.yield %scan3A_167 : i32
    }
    %scan3A_60 = arith.constant 32 : i32
    "tpu.region"() ({
      %run_scoped3A = tpu.sem_alloc : memref<!tpu.dma_semaphore, #tpu.memory_space<semaphore_mem>>
      %dma_start3A_160 = arith.constant 0 : i32
      %dma_start3A_161 = tpu.memref_slice %arg6[%add3A_41, %dma_start3A_160] : memref<4096x512xf32, #tpu.memory_space<hbm>> -> memref<32x512xf32, #tpu.memory_space<hbm>>
      %dma_start3A_162 = arith.constant 0 : i32
      %dma_start3A_163 = tpu.memref_slice %arg6[%add3A_41, %dma_start3A_162] : memref<4096x512xf32, #tpu.memory_space<hbm>> -> memref<32x512xf32, #tpu.memory_space<hbm>>
      tpu.enqueue_dma source(%arg10 : memref<32x512xf32, #tpu.memory_space<vmem>>) target(%dma_start3A_163 : memref<32x512xf32, #tpu.memory_space<hbm>>) target_semaphore(%run_scoped3A : memref<!tpu.dma_semaphore, #tpu.memory_space<semaphore_mem>>)
      %dma_wait3A_164 = arith.constant 0 : i32
      %dma_wait3A_165 = tpu.memref_slice %arg6[%add3A_41, %dma_wait3A_164] : memref<4096x512xf32, #tpu.memory_space<hbm>> -> memref<32x512xf32, #tpu.memory_space<hbm>>
      %dma_wait3A_166 = arith.constant 0 : i32
      %dma_wait3A_167 = tpu.memref_slice %arg6[%add3A_41, %dma_wait3A_166] : memref<4096x512xf32, #tpu.memory_space<hbm>> -> memref<32x512xf32, #tpu.memory_space<hbm>>
      tpu.wait_dma2 semaphore(%run_scoped3A : memref<!tpu.dma_semaphore, #tpu.memory_space<semaphore_mem>>) src(%arg10 : memref<32x512xf32, #tpu.memory_space<vmem>>) dst(%dma_wait3A_167 : memref<32x512xf32, #tpu.memory_space<hbm>>)
      tpu.yield
    }) : () -> ()
    %dma_start3A_61 = arith.constant 0 : i32
    %dma_start3A_62 = arith.constant 0 : i32
    %dma_start3A_63 = tpu.memref_slice %arg3[%dma_start3A_61, %dma_start3A_62] : memref<4096x512xf32, #tpu.memory_space<hbm>> -> memref<4096x512xf32, #tpu.memory_space<hbm>>
    tpu.enqueue_indirect_dma source(%dma_start3A_63 : memref<4096x512xf32, #tpu.memory_space<hbm>>) target(%arg10 : memref<32x512xf32, #tpu.memory_space<vmem>>) offsets(%arg8 : memref<32xi32, #tpu.memory_space<vmem>>) semaphore(%arg12 : memref<!tpu.dma_semaphore, #tpu.memory_space<semaphore_mem>>)
    %dma_start3A_64 = arith.constant 0 : i32
    %dma_start3A_65 = arith.constant 0 : i32
    %dma_start3A_66 = tpu.memref_slice %arg3[%dma_start3A_64, %dma_start3A_65] : memref<4096x512xf32, #tpu.memory_space<hbm>> -> memref<4096x512xf32, #tpu.memory_space<hbm>>
    tpu.enqueue_indirect_dma source(%dma_start3A_66 : memref<4096x512xf32, #tpu.memory_space<hbm>>) target(%arg11 : memref<32x512xf32, #tpu.memory_space<vmem>>) offsets(%arg9 : memref<32xi32, #tpu.memory_space<vmem>>) semaphore(%arg13 : memref<!tpu.dma_semaphore, #tpu.memory_space<semaphore_mem>>)
    %dma_wait3A_67 = arith.constant 0 : i32
    %dma_wait3A_68 = arith.constant 0 : i32
    %dma_wait3A_69 = tpu.memref_slice %arg3[%dma_wait3A_67, %dma_wait3A_68] : memref<4096x512xf32, #tpu.memory_space<hbm>> -> memref<4096x512xf32, #tpu.memory_space<hbm>>
    tpu.wait_indirect_dma semaphore(%arg12 : memref<!tpu.dma_semaphore, #tpu.memory_space<semaphore_mem>>) src(%dma_wait3A_69 : memref<4096x512xf32, #tpu.memory_space<hbm>>) dst(%arg10 : memref<32x512xf32, #tpu.memory_space<vmem>>)
    %dma_wait3A_70 = arith.constant 0 : i32
    %dma_wait3A_71 = arith.constant 0 : i32
    %dma_wait3A_72 = tpu.memref_slice %arg3[%dma_wait3A_70, %dma_wait3A_71] : memref<4096x512xf32, #tpu.memory_space<hbm>> -> memref<4096x512xf32, #tpu.memory_space<hbm>>
    tpu.wait_indirect_dma semaphore(%arg13 : memref<!tpu.dma_semaphore, #tpu.memory_space<semaphore_mem>>) src(%dma_wait3A_72 : memref<4096x512xf32, #tpu.memory_space<hbm>>) dst(%arg11 : memref<32x512xf32, #tpu.memory_space<vmem>>)
    %scan3A_73 = arith.constant 0 : i32
    %scan3A_74 = arith.constant 0 : i32
    %scan3A_75 = arith.constant 32 : i32
    %scan3A_76 = arith.addi %scan3A_74, %scan3A_75 : i32
    %scan3A_77 = arith.constant 1 : i32
    %scan3A_78 = scf.for %scan3A_160 = %scan3A_74 to %scan3A_76 step %scan3A_77 iter_args(%scan3A_161 = %scan3A_73) -> (i32)  : i32 {
      %scan3A_162 = arith.constant 0 : i32
      %scan3A_163 = arith.constant 0 : i32
      %scan3A_164 = arith.constant 32 : i32
      %scan3A_165 = arith.addi %scan3A_163, %scan3A_164 : i32
      %scan3A_166 = arith.constant 1 : i32
      %scan3A_167 = scf.for %scan3A_169 = %scan3A_163 to %scan3A_165 step %scan3A_166 iter_args(%scan3A_170 = %scan3A_162) -> (i32)  : i32 {
        %mul3A_171 = arith.constant 16 : i32
        %mul3A_172 = arith.muli %scan3A_169, %mul3A_171 : i32
        %get3A = arith.index_cast %scan3A_160 : i32 to index
        %get3A_173 = arith.index_cast %mul3A_172 : i32 to index
        %get3A_174 = tpu.vector_load %arg10[%get3A, %get3A_173] {strides = array<i32>} : memref<32x512xf32, #tpu.memory_space<vmem>>, vector<1x16xf32>,
        %get3A_175 = vector.shape_cast %get3A_174 : vector<1x16xf32> to vector<16xf32>
        %get3A_176 = arith.index_cast %scan3A_160 : i32 to index
        %get3A_177 = arith.index_cast %mul3A_172 : i32 to index
        %get3A_178 = tpu.vector_load %arg11[%get3A_176, %get3A_177] {strides = array<i32>} : memref<32x512xf32, #tpu.memory_space<vmem>>, vector<1x16xf32>,
        %get3A_179 = vector.shape_cast %get3A_178 : vector<1x16xf32> to vector<16xf32>
        %add3A_180 = arith.addf %get3A_175, %get3A_179 : vector<16xf32>
        %mul3A_181 = arith.constant 5.000000e-01 : f32
        %mul3A_182 = vector.broadcast %mul3A_181 : f32 to vector<16xf32>
        %mul3A_183 = arith.mulf %add3A_180, %mul3A_182 : vector<16xf32>
        %swap3A = arith.index_cast %scan3A_160 : i32 to index
        %swap3A_184 = arith.index_cast %mul3A_172 : i32 to index
        %swap3A_185 = tpu.vector_load %arg10[%swap3A, %swap3A_184] {strides = array<i32>} : memref<32x512xf32, #tpu.memory_space<vmem>>, vector<1x16xf32>,
        %swap3A_186 = vector.shape_cast %swap3A_185 : vector<1x16xf32> to vector<16xf32>
        %swap3A_187 = vector.shape_cast %mul3A_183 : vector<16xf32> to vector<1x16xf32>
        tpu.vector_store %arg10[%swap3A, %swap3A_184], %swap3A_187 {strides = array<i32>} : memref<32x512xf32, #tpu.memory_space<vmem>>, vector<1x16xf32>,
        %scan3A_188 = arith.constant 0 : i32
        scf.yield %scan3A_188 : i32
      }
      %scan3A_168 = arith.constant 32 : i32
      scf.yield %scan3A_167 : i32
    }
    %scan3A_79 = arith.constant 32 : i32
    "tpu.region"() ({
      %run_scoped3A = tpu.sem_alloc : memref<!tpu.dma_semaphore, #tpu.memory_space<semaphore_mem>>
      %dma_start3A_160 = arith.constant 0 : i32
      %dma_start3A_161 = tpu.memref_slice %arg7[%add3A_41, %dma_start3A_160] : memref<4096x512xf32, #tpu.memory_space<hbm>> -> memref<32x512xf32, #tpu.memory_space<hbm>>
      %dma_start3A_162 = arith.constant 0 : i32
      %dma_start3A_163 = tpu.memref_slice %arg7[%add3A_41, %dma_start3A_162] : memref<4096x512xf32, #tpu.memory_space<hbm>> -> memref<32x512xf32, #tpu.memory_space<hbm>>
      tpu.enqueue_dma source(%arg10 : memref<32x512xf32, #tpu.memory_space<vmem>>) target(%dma_start3A_163 : memref<32x512xf32, #tpu.memory_space<hbm>>) target_semaphore(%run_scoped3A : memref<!tpu.dma_semaphore, #tpu.memory_space<semaphore_mem>>)
      %dma_wait3A_164 = arith.constant 0 : i32
      %dma_wait3A_165 = tpu.memref_slice %arg7[%add3A_41, %dma_wait3A_164] : memref<4096x512xf32, #tpu.memory_space<hbm>> -> memref<32x512xf32, #tpu.memory_space<hbm>>
      %dma_wait3A_166 = arith.constant 0 : i32
      %dma_wait3A_167 = tpu.memref_slice %arg7[%add3A_41, %dma_wait3A_166] : memref<4096x512xf32, #tpu.memory_space<hbm>> -> memref<32x512xf32, #tpu.memory_space<hbm>>
      tpu.wait_dma2 semaphore(%run_scoped3A : memref<!tpu.dma_semaphore, #tpu.memory_space<semaphore_mem>>) src(%arg10 : memref<32x512xf32, #tpu.memory_space<vmem>>) dst(%dma_wait3A_167 : memref<32x512xf32, #tpu.memory_space<hbm>>)
      tpu.yield
    }) : () -> ()
    %add3A_80 = arith.constant 64 : i32
    %add3A_81 = arith.addi %mul3A_2, %add3A_80 : i32
    "tpu.region"() ({
      %run_scoped3A = tpu.sem_alloc : memref<!tpu.dma_semaphore, #tpu.memory_space<semaphore_mem>>
      %dma_start3A_160 = tpu.memref_slice %arg4[%add3A_81] : memref<4096xi32, #tpu.memory_space<hbm>> -> memref<32xi32, #tpu.memory_space<hbm>>
      %dma_start3A_161 = tpu.memref_slice %arg4[%add3A_81] : memref<4096xi32, #tpu.memory_space<hbm>> -> memref<32xi32, #tpu.memory_space<hbm>>
      tpu.enqueue_dma source(%dma_start3A_161 : memref<32xi32, #tpu.memory_space<hbm>>) target(%arg8 : memref<32xi32, #tpu.memory_space<vmem>>) target_semaphore(%run_scoped3A : memref<!tpu.dma_semaphore, #tpu.memory_space<semaphore_mem>>)
      %dma_wait3A_162 = tpu.memref_slice %arg4[%add3A_81] : memref<4096xi32, #tpu.memory_space<hbm>> -> memref<32xi32, #tpu.memory_space<hbm>>
      %dma_wait3A_163 = tpu.memref_slice %arg4[%add3A_81] : memref<4096xi32, #tpu.memory_space<hbm>> -> memref<32xi32, #tpu.memory_space<hbm>>
      tpu.wait_dma2 semaphore(%run_scoped3A : memref<!tpu.dma_semaphore, #tpu.memory_space<semaphore_mem>>) src(%dma_wait3A_163 : memref<32xi32, #tpu.memory_space<hbm>>) dst(%arg8 : memref<32xi32, #tpu.memory_space<vmem>>)
      tpu.yield
    }) : () -> ()
    "tpu.region"() ({
      %run_scoped3A = tpu.sem_alloc : memref<!tpu.dma_semaphore, #tpu.memory_space<semaphore_mem>>
      %dma_start3A_160 = tpu.memref_slice %arg5[%add3A_81] : memref<4096xi32, #tpu.memory_space<hbm>> -> memref<32xi32, #tpu.memory_space<hbm>>
      %dma_start3A_161 = tpu.memref_slice %arg5[%add3A_81] : memref<4096xi32, #tpu.memory_space<hbm>> -> memref<32xi32, #tpu.memory_space<hbm>>
      tpu.enqueue_dma source(%dma_start3A_161 : memref<32xi32, #tpu.memory_space<hbm>>) target(%arg9 : memref<32xi32, #tpu.memory_space<vmem>>) target_semaphore(%run_scoped3A : memref<!tpu.dma_semaphore, #tpu.memory_space<semaphore_mem>>)
      %dma_wait3A_162 = tpu.memref_slice %arg5[%add3A_81] : memref<4096xi32, #tpu.memory_space<hbm>> -> memref<32xi32, #tpu.memory_space<hbm>>
      %dma_wait3A_163 = tpu.memref_slice %arg5[%add3A_81] : memref<4096xi32, #tpu.memory_space<hbm>> -> memref<32xi32, #tpu.memory_space<hbm>>
      tpu.wait_dma2 semaphore(%run_scoped3A : memref<!tpu.dma_semaphore, #tpu.memory_space<semaphore_mem>>) src(%dma_wait3A_163 : memref<32xi32, #tpu.memory_space<hbm>>) dst(%arg9 : memref<32xi32, #tpu.memory_space<vmem>>)
      tpu.yield
    }) : () -> ()
    %dma_start3A_82 = arith.constant 0 : i32
    %dma_start3A_83 = arith.constant 0 : i32
    %dma_start3A_84 = tpu.memref_slice %arg2[%dma_start3A_82, %dma_start3A_83] : memref<4096x512xf32, #tpu.memory_space<hbm>> -> memref<4096x512xf32, #tpu.memory_space<hbm>>
    tpu.enqueue_indirect_dma source(%dma_start3A_84 : memref<4096x512xf32, #tpu.memory_space<hbm>>) target(%arg10 : memref<32x512xf32, #tpu.memory_space<vmem>>) offsets(%arg8 : memref<32xi32, #tpu.memory_space<vmem>>) semaphore(%arg12 : memref<!tpu.dma_semaphore, #tpu.memory_space<semaphore_mem>>)
    %dma_start3A_85 = arith.constant 0 : i32
    %dma_start3A_86 = arith.constant 0 : i32
    %dma_start3A_87 = tpu.memref_slice %arg2[%dma_start3A_85, %dma_start3A_86] : memref<4096x512xf32, #tpu.memory_space<hbm>> -> memref<4096x512xf32, #tpu.memory_space<hbm>>
    tpu.enqueue_indirect_dma source(%dma_start3A_87 : memref<4096x512xf32, #tpu.memory_space<hbm>>) target(%arg11 : memref<32x512xf32, #tpu.memory_space<vmem>>) offsets(%arg9 : memref<32xi32, #tpu.memory_space<vmem>>) semaphore(%arg13 : memref<!tpu.dma_semaphore, #tpu.memory_space<semaphore_mem>>)
    %dma_wait3A_88 = arith.constant 0 : i32
    %dma_wait3A_89 = arith.constant 0 : i32
    %dma_wait3A_90 = tpu.memref_slice %arg2[%dma_wait3A_88, %dma_wait3A_89] : memref<4096x512xf32, #tpu.memory_space<hbm>> -> memref<4096x512xf32, #tpu.memory_space<hbm>>
    tpu.wait_indirect_dma semaphore(%arg12 : memref<!tpu.dma_semaphore, #tpu.memory_space<semaphore_mem>>) src(%dma_wait3A_90 : memref<4096x512xf32, #tpu.memory_space<hbm>>) dst(%arg10 : memref<32x512xf32, #tpu.memory_space<vmem>>)
    %dma_wait3A_91 = arith.constant 0 : i32
    %dma_wait3A_92 = arith.constant 0 : i32
    %dma_wait3A_93 = tpu.memref_slice %arg2[%dma_wait3A_91, %dma_wait3A_92] : memref<4096x512xf32, #tpu.memory_space<hbm>> -> memref<4096x512xf32, #tpu.memory_space<hbm>>
    tpu.wait_indirect_dma semaphore(%arg13 : memref<!tpu.dma_semaphore, #tpu.memory_space<semaphore_mem>>) src(%dma_wait3A_93 : memref<4096x512xf32, #tpu.memory_space<hbm>>) dst(%arg11 : memref<32x512xf32, #tpu.memory_space<vmem>>)
    %scan3A_94 = arith.constant 0 : i32
    %scan3A_95 = arith.constant 0 : i32
    %scan3A_96 = arith.constant 32 : i32
    %scan3A_97 = arith.addi %scan3A_95, %scan3A_96 : i32
    %scan3A_98 = arith.constant 1 : i32
    %scan3A_99 = scf.for %scan3A_160 = %scan3A_95 to %scan3A_97 step %scan3A_98 iter_args(%scan3A_161 = %scan3A_94) -> (i32)  : i32 {
      %scan3A_162 = arith.constant 0 : i32
      %scan3A_163 = arith.constant 0 : i32
      %scan3A_164 = arith.constant 32 : i32
      %scan3A_165 = arith.addi %scan3A_163, %scan3A_164 : i32
      %scan3A_166 = arith.constant 1 : i32
      %scan3A_167 = scf.for %scan3A_169 = %scan3A_163 to %scan3A_165 step %scan3A_166 iter_args(%scan3A_170 = %scan3A_162) -> (i32)  : i32 {
        %mul3A_171 = arith.constant 16 : i32
        %mul3A_172 = arith.muli %scan3A_169, %mul3A_171 : i32
        %get3A = arith.index_cast %scan3A_160 : i32 to index
        %get3A_173 = arith.index_cast %mul3A_172 : i32 to index
        %get3A_174 = tpu.vector_load %arg10[%get3A, %get3A_173] {strides = array<i32>} : memref<32x512xf32, #tpu.memory_space<vmem>>, vector<1x16xf32>,
        %get3A_175 = vector.shape_cast %get3A_174 : vector<1x16xf32> to vector<16xf32>
        %get3A_176 = arith.index_cast %scan3A_160 : i32 to index
        %get3A_177 = arith.index_cast %mul3A_172 : i32 to index
        %get3A_178 = tpu.vector_load %arg11[%get3A_176, %get3A_177] {strides = array<i32>} : memref<32x512xf32, #tpu.memory_space<vmem>>, vector<1x16xf32>,
        %get3A_179 = vector.shape_cast %get3A_178 : vector<1x16xf32> to vector<16xf32>
        %add3A_180 = arith.addf %get3A_175, %get3A_179 : vector<16xf32>
        %mul3A_181 = arith.constant 5.000000e-01 : f32
        %mul3A_182 = vector.broadcast %mul3A_181 : f32 to vector<16xf32>
        %mul3A_183 = arith.mulf %add3A_180, %mul3A_182 : vector<16xf32>
        %swap3A = arith.index_cast %scan3A_160 : i32 to index
        %swap3A_184 = arith.index_cast %mul3A_172 : i32 to index
        %swap3A_185 = tpu.vector_load %arg10[%swap3A, %swap3A_184] {strides = array<i32>} : memref<32x512xf32, #tpu.memory_space<vmem>>, vector<1x16xf32>,
        %swap3A_186 = vector.shape_cast %swap3A_185 : vector<1x16xf32> to vector<16xf32>
        %swap3A_187 = vector.shape_cast %mul3A_183 : vector<16xf32> to vector<1x16xf32>
        tpu.vector_store %arg10[%swap3A, %swap3A_184], %swap3A_187 {strides = array<i32>} : memref<32x512xf32, #tpu.memory_space<vmem>>, vector<1x16xf32>,
        %scan3A_188 = arith.constant 0 : i32
        scf.yield %scan3A_188 : i32
      }
      %scan3A_168 = arith.constant 32 : i32
      scf.yield %scan3A_167 : i32
    }
    %scan3A_100 = arith.constant 32 : i32
    "tpu.region"() ({
      %run_scoped3A = tpu.sem_alloc : memref<!tpu.dma_semaphore, #tpu.memory_space<semaphore_mem>>
      %dma_start3A_160 = arith.constant 0 : i32
      %dma_start3A_161 = tpu.memref_slice %arg6[%add3A_81, %dma_start3A_160] : memref<4096x512xf32, #tpu.memory_space<hbm>> -> memref<32x512xf32, #tpu.memory_space<hbm>>
      %dma_start3A_162 = arith.constant 0 : i32
      %dma_start3A_163 = tpu.memref_slice %arg6[%add3A_81, %dma_start3A_162] : memref<4096x512xf32, #tpu.memory_space<hbm>> -> memref<32x512xf32, #tpu.memory_space<hbm>>
      tpu.enqueue_dma source(%arg10 : memref<32x512xf32, #tpu.memory_space<vmem>>) target(%dma_start3A_163 : memref<32x512xf32, #tpu.memory_space<hbm>>) target_semaphore(%run_scoped3A : memref<!tpu.dma_semaphore, #tpu.memory_space<semaphore_mem>>)
      %dma_wait3A_164 = arith.constant 0 : i32
      %dma_wait3A_165 = tpu.memref_slice %arg6[%add3A_81, %dma_wait3A_164] : memref<4096x512xf32, #tpu.memory_space<hbm>> -> memref<32x512xf32, #tpu.memory_space<hbm>>
      %dma_wait3A_166 = arith.constant 0 : i32
      %dma_wait3A_167 = tpu.memref_slice %arg6[%add3A_81, %dma_wait3A_166] : memref<4096x512xf32, #tpu.memory_space<hbm>> -> memref<32x512xf32, #tpu.memory_space<hbm>>
      tpu.wait_dma2 semaphore(%run_scoped3A : memref<!tpu.dma_semaphore, #tpu.memory_space<semaphore_mem>>) src(%arg10 : memref<32x512xf32, #tpu.memory_space<vmem>>) dst(%dma_wait3A_167 : memref<32x512xf32, #tpu.memory_space<hbm>>)
      tpu.yield
    }) : () -> ()
    %dma_start3A_101 = arith.constant 0 : i32
    %dma_start3A_102 = arith.constant 0 : i32
    %dma_start3A_103 = tpu.memref_slice %arg3[%dma_start3A_101, %dma_start3A_102] : memref<4096x512xf32, #tpu.memory_space<hbm>> -> memref<4096x512xf32, #tpu.memory_space<hbm>>
    tpu.enqueue_indirect_dma source(%dma_start3A_103 : memref<4096x512xf32, #tpu.memory_space<hbm>>) target(%arg10 : memref<32x512xf32, #tpu.memory_space<vmem>>) offsets(%arg8 : memref<32xi32, #tpu.memory_space<vmem>>) semaphore(%arg12 : memref<!tpu.dma_semaphore, #tpu.memory_space<semaphore_mem>>)
    %dma_start3A_104 = arith.constant 0 : i32
    %dma_start3A_105 = arith.constant 0 : i32
    %dma_start3A_106 = tpu.memref_slice %arg3[%dma_start3A_104, %dma_start3A_105] : memref<4096x512xf32, #tpu.memory_space<hbm>> -> memref<4096x512xf32, #tpu.memory_space<hbm>>
    tpu.enqueue_indirect_dma source(%dma_start3A_106 : memref<4096x512xf32, #tpu.memory_space<hbm>>) target(%arg11 : memref<32x512xf32, #tpu.memory_space<vmem>>) offsets(%arg9 : memref<32xi32, #tpu.memory_space<vmem>>) semaphore(%arg13 : memref<!tpu.dma_semaphore, #tpu.memory_space<semaphore_mem>>)
    %dma_wait3A_107 = arith.constant 0 : i32
    %dma_wait3A_108 = arith.constant 0 : i32
    %dma_wait3A_109 = tpu.memref_slice %arg3[%dma_wait3A_107, %dma_wait3A_108] : memref<4096x512xf32, #tpu.memory_space<hbm>> -> memref<4096x512xf32, #tpu.memory_space<hbm>>
    tpu.wait_indirect_dma semaphore(%arg12 : memref<!tpu.dma_semaphore, #tpu.memory_space<semaphore_mem>>) src(%dma_wait3A_109 : memref<4096x512xf32, #tpu.memory_space<hbm>>) dst(%arg10 : memref<32x512xf32, #tpu.memory_space<vmem>>)
    %dma_wait3A_110 = arith.constant 0 : i32
    %dma_wait3A_111 = arith.constant 0 : i32
    %dma_wait3A_112 = tpu.memref_slice %arg3[%dma_wait3A_110, %dma_wait3A_111] : memref<4096x512xf32, #tpu.memory_space<hbm>> -> memref<4096x512xf32, #tpu.memory_space<hbm>>
    tpu.wait_indirect_dma semaphore(%arg13 : memref<!tpu.dma_semaphore, #tpu.memory_space<semaphore_mem>>) src(%dma_wait3A_112 : memref<4096x512xf32, #tpu.memory_space<hbm>>) dst(%arg11 : memref<32x512xf32, #tpu.memory_space<vmem>>)
    %scan3A_113 = arith.constant 0 : i32
    %scan3A_114 = arith.constant 0 : i32
    %scan3A_115 = arith.constant 32 : i32
    %scan3A_116 = arith.addi %scan3A_114, %scan3A_115 : i32
    %scan3A_117 = arith.constant 1 : i32
    %scan3A_118 = scf.for %scan3A_160 = %scan3A_114 to %scan3A_116 step %scan3A_117 iter_args(%scan3A_161 = %scan3A_113) -> (i32)  : i32 {
      %scan3A_162 = arith.constant 0 : i32
      %scan3A_163 = arith.constant 0 : i32
      %scan3A_164 = arith.constant 32 : i32
      %scan3A_165 = arith.addi %scan3A_163, %scan3A_164 : i32
      %scan3A_166 = arith.constant 1 : i32
      %scan3A_167 = scf.for %scan3A_169 = %scan3A_163 to %scan3A_165 step %scan3A_166 iter_args(%scan3A_170 = %scan3A_162) -> (i32)  : i32 {
        %mul3A_171 = arith.constant 16 : i32
        %mul3A_172 = arith.muli %scan3A_169, %mul3A_171 : i32
        %get3A = arith.index_cast %scan3A_160 : i32 to index
        %get3A_173 = arith.index_cast %mul3A_172 : i32 to index
        %get3A_174 = tpu.vector_load %arg10[%get3A, %get3A_173] {strides = array<i32>} : memref<32x512xf32, #tpu.memory_space<vmem>>, vector<1x16xf32>,
        %get3A_175 = vector.shape_cast %get3A_174 : vector<1x16xf32> to vector<16xf32>
        %get3A_176 = arith.index_cast %scan3A_160 : i32 to index
        %get3A_177 = arith.index_cast %mul3A_172 : i32 to index
        %get3A_178 = tpu.vector_load %arg11[%get3A_176, %get3A_177] {strides = array<i32>} : memref<32x512xf32, #tpu.memory_space<vmem>>, vector<1x16xf32>,
        %get3A_179 = vector.shape_cast %get3A_178 : vector<1x16xf32> to vector<16xf32>
        %add3A_180 = arith.addf %get3A_175, %get3A_179 : vector<16xf32>
        %mul3A_181 = arith.constant 5.000000e-01 : f32
        %mul3A_182 = vector.broadcast %mul3A_181 : f32 to vector<16xf32>
        %mul3A_183 = arith.mulf %add3A_180, %mul3A_182 : vector<16xf32>
        %swap3A = arith.index_cast %scan3A_160 : i32 to index
        %swap3A_184 = arith.index_cast %mul3A_172 : i32 to index
        %swap3A_185 = tpu.vector_load %arg10[%swap3A, %swap3A_184] {strides = array<i32>} : memref<32x512xf32, #tpu.memory_space<vmem>>, vector<1x16xf32>,
        %swap3A_186 = vector.shape_cast %swap3A_185 : vector<1x16xf32> to vector<16xf32>
        %swap3A_187 = vector.shape_cast %mul3A_183 : vector<16xf32> to vector<1x16xf32>
        tpu.vector_store %arg10[%swap3A, %swap3A_184], %swap3A_187 {strides = array<i32>} : memref<32x512xf32, #tpu.memory_space<vmem>>, vector<1x16xf32>,
        %scan3A_188 = arith.constant 0 : i32
        scf.yield %scan3A_188 : i32
      }
      %scan3A_168 = arith.constant 32 : i32
      scf.yield %scan3A_167 : i32
    }
    %scan3A_119 = arith.constant 32 : i32
    "tpu.region"() ({
      %run_scoped3A = tpu.sem_alloc : memref<!tpu.dma_semaphore, #tpu.memory_space<semaphore_mem>>
      %dma_start3A_160 = arith.constant 0 : i32
      %dma_start3A_161 = tpu.memref_slice %arg7[%add3A_81, %dma_start3A_160] : memref<4096x512xf32, #tpu.memory_space<hbm>> -> memref<32x512xf32, #tpu.memory_space<hbm>>
      %dma_start3A_162 = arith.constant 0 : i32
      %dma_start3A_163 = tpu.memref_slice %arg7[%add3A_81, %dma_start3A_162] : memref<4096x512xf32, #tpu.memory_space<hbm>> -> memref<32x512xf32, #tpu.memory_space<hbm>>
      tpu.enqueue_dma source(%arg10 : memref<32x512xf32, #tpu.memory_space<vmem>>) target(%dma_start3A_163 : memref<32x512xf32, #tpu.memory_space<hbm>>) target_semaphore(%run_scoped3A : memref<!tpu.dma_semaphore, #tpu.memory_space<semaphore_mem>>)
      %dma_wait3A_164 = arith.constant 0 : i32
      %dma_wait3A_165 = tpu.memref_slice %arg7[%add3A_81, %dma_wait3A_164] : memref<4096x512xf32, #tpu.memory_space<hbm>> -> memref<32x512xf32, #tpu.memory_space<hbm>>
      %dma_wait3A_166 = arith.constant 0 : i32
      %dma_wait3A_167 = tpu.memref_slice %arg7[%add3A_81, %dma_wait3A_166] : memref<4096x512xf32, #tpu.memory_space<hbm>> -> memref<32x512xf32, #tpu.memory_space<hbm>>
      tpu.wait_dma2 semaphore(%run_scoped3A : memref<!tpu.dma_semaphore, #tpu.memory_space<semaphore_mem>>) src(%arg10 : memref<32x512xf32, #tpu.memory_space<vmem>>) dst(%dma_wait3A_167 : memref<32x512xf32, #tpu.memory_space<hbm>>)
      tpu.yield
    }) : () -> ()
    %add3A_120 = arith.constant 96 : i32
    %add3A_121 = arith.addi %mul3A_2, %add3A_120 : i32
    "tpu.region"() ({
      %run_scoped3A = tpu.sem_alloc : memref<!tpu.dma_semaphore, #tpu.memory_space<semaphore_mem>>
      %dma_start3A_160 = tpu.memref_slice %arg4[%add3A_121] : memref<4096xi32, #tpu.memory_space<hbm>> -> memref<32xi32, #tpu.memory_space<hbm>>
      %dma_start3A_161 = tpu.memref_slice %arg4[%add3A_121] : memref<4096xi32, #tpu.memory_space<hbm>> -> memref<32xi32, #tpu.memory_space<hbm>>
      tpu.enqueue_dma source(%dma_start3A_161 : memref<32xi32, #tpu.memory_space<hbm>>) target(%arg8 : memref<32xi32, #tpu.memory_space<vmem>>) target_semaphore(%run_scoped3A : memref<!tpu.dma_semaphore, #tpu.memory_space<semaphore_mem>>)
      %dma_wait3A_162 = tpu.memref_slice %arg4[%add3A_121] : memref<4096xi32, #tpu.memory_space<hbm>> -> memref<32xi32, #tpu.memory_space<hbm>>
      %dma_wait3A_163 = tpu.memref_slice %arg4[%add3A_121] : memref<4096xi32, #tpu.memory_space<hbm>> -> memref<32xi32, #tpu.memory_space<hbm>>
      tpu.wait_dma2 semaphore(%run_scoped3A : memref<!tpu.dma_semaphore, #tpu.memory_space<semaphore_mem>>) src(%dma_wait3A_163 : memref<32xi32, #tpu.memory_space<hbm>>) dst(%arg8 : memref<32xi32, #tpu.memory_space<vmem>>)
      tpu.yield
    }) : () -> ()
    "tpu.region"() ({
      %run_scoped3A = tpu.sem_alloc : memref<!tpu.dma_semaphore, #tpu.memory_space<semaphore_mem>>
      %dma_start3A_160 = tpu.memref_slice %arg5[%add3A_121] : memref<4096xi32, #tpu.memory_space<hbm>> -> memref<32xi32, #tpu.memory_space<hbm>>
      %dma_start3A_161 = tpu.memref_slice %arg5[%add3A_121] : memref<4096xi32, #tpu.memory_space<hbm>> -> memref<32xi32, #tpu.memory_space<hbm>>
      tpu.enqueue_dma source(%dma_start3A_161 : memref<32xi32, #tpu.memory_space<hbm>>) target(%arg9 : memref<32xi32, #tpu.memory_space<vmem>>) target_semaphore(%run_scoped3A : memref<!tpu.dma_semaphore, #tpu.memory_space<semaphore_mem>>)
      %dma_wait3A_162 = tpu.memref_slice %arg5[%add3A_121] : memref<4096xi32, #tpu.memory_space<hbm>> -> memref<32xi32, #tpu.memory_space<hbm>>
      %dma_wait3A_163 = tpu.memref_slice %arg5[%add3A_121] : memref<4096xi32, #tpu.memory_space<hbm>> -> memref<32xi32, #tpu.memory_space<hbm>>
      tpu.wait_dma2 semaphore(%run_scoped3A : memref<!tpu.dma_semaphore, #tpu.memory_space<semaphore_mem>>) src(%dma_wait3A_163 : memref<32xi32, #tpu.memory_space<hbm>>) dst(%arg9 : memref<32xi32, #tpu.memory_space<vmem>>)
      tpu.yield
    }) : () -> ()
    %dma_start3A_122 = arith.constant 0 : i32
    %dma_start3A_123 = arith.constant 0 : i32
    %dma_start3A_124 = tpu.memref_slice %arg2[%dma_start3A_122, %dma_start3A_123] : memref<4096x512xf32, #tpu.memory_space<hbm>> -> memref<4096x512xf32, #tpu.memory_space<hbm>>
    tpu.enqueue_indirect_dma source(%dma_start3A_124 : memref<4096x512xf32, #tpu.memory_space<hbm>>) target(%arg10 : memref<32x512xf32, #tpu.memory_space<vmem>>) offsets(%arg8 : memref<32xi32, #tpu.memory_space<vmem>>) semaphore(%arg12 : memref<!tpu.dma_semaphore, #tpu.memory_space<semaphore_mem>>)
    %dma_start3A_125 = arith.constant 0 : i32
    %dma_start3A_126 = arith.constant 0 : i32
    %dma_start3A_127 = tpu.memref_slice %arg2[%dma_start3A_125, %dma_start3A_126] : memref<4096x512xf32, #tpu.memory_space<hbm>> -> memref<4096x512xf32, #tpu.memory_space<hbm>>
    tpu.enqueue_indirect_dma source(%dma_start3A_127 : memref<4096x512xf32, #tpu.memory_space<hbm>>) target(%arg11 : memref<32x512xf32, #tpu.memory_space<vmem>>) offsets(%arg9 : memref<32xi32, #tpu.memory_space<vmem>>) semaphore(%arg13 : memref<!tpu.dma_semaphore, #tpu.memory_space<semaphore_mem>>)
    %dma_wait3A_128 = arith.constant 0 : i32
    %dma_wait3A_129 = arith.constant 0 : i32
    %dma_wait3A_130 = tpu.memref_slice %arg2[%dma_wait3A_128, %dma_wait3A_129] : memref<4096x512xf32, #tpu.memory_space<hbm>> -> memref<4096x512xf32, #tpu.memory_space<hbm>>
    tpu.wait_indirect_dma semaphore(%arg12 : memref<!tpu.dma_semaphore, #tpu.memory_space<semaphore_mem>>) src(%dma_wait3A_130 : memref<4096x512xf32, #tpu.memory_space<hbm>>) dst(%arg10 : memref<32x512xf32, #tpu.memory_space<vmem>>)
    %dma_wait3A_131 = arith.constant 0 : i32
    %dma_wait3A_132 = arith.constant 0 : i32
    %dma_wait3A_133 = tpu.memref_slice %arg2[%dma_wait3A_131, %dma_wait3A_132] : memref<4096x512xf32, #tpu.memory_space<hbm>> -> memref<4096x512xf32, #tpu.memory_space<hbm>>
    tpu.wait_indirect_dma semaphore(%arg13 : memref<!tpu.dma_semaphore, #tpu.memory_space<semaphore_mem>>) src(%dma_wait3A_133 : memref<4096x512xf32, #tpu.memory_space<hbm>>) dst(%arg11 : memref<32x512xf32, #tpu.memory_space<vmem>>)
    %scan3A_134 = arith.constant 0 : i32
    %scan3A_135 = arith.constant 0 : i32
    %scan3A_136 = arith.constant 32 : i32
    %scan3A_137 = arith.addi %scan3A_135, %scan3A_136 : i32
    %scan3A_138 = arith.constant 1 : i32
    %scan3A_139 = scf.for %scan3A_160 = %scan3A_135 to %scan3A_137 step %scan3A_138 iter_args(%scan3A_161 = %scan3A_134) -> (i32)  : i32 {
      %scan3A_162 = arith.constant 0 : i32
      %scan3A_163 = arith.constant 0 : i32
      %scan3A_164 = arith.constant 32 : i32
      %scan3A_165 = arith.addi %scan3A_163, %scan3A_164 : i32
      %scan3A_166 = arith.constant 1 : i32
      %scan3A_167 = scf.for %scan3A_169 = %scan3A_163 to %scan3A_165 step %scan3A_166 iter_args(%scan3A_170 = %scan3A_162) -> (i32)  : i32 {
        %mul3A_171 = arith.constant 16 : i32
        %mul3A_172 = arith.muli %scan3A_169, %mul3A_171 : i32
        %get3A = arith.index_cast %scan3A_160 : i32 to index
        %get3A_173 = arith.index_cast %mul3A_172 : i32 to index
        %get3A_174 = tpu.vector_load %arg10[%get3A, %get3A_173] {strides = array<i32>} : memref<32x512xf32, #tpu.memory_space<vmem>>, vector<1x16xf32>,
        %get3A_175 = vector.shape_cast %get3A_174 : vector<1x16xf32> to vector<16xf32>
        %get3A_176 = arith.index_cast %scan3A_160 : i32 to index
        %get3A_177 = arith.index_cast %mul3A_172 : i32 to index
        %get3A_178 = tpu.vector_load %arg11[%get3A_176, %get3A_177] {strides = array<i32>} : memref<32x512xf32, #tpu.memory_space<vmem>>, vector<1x16xf32>,
        %get3A_179 = vector.shape_cast %get3A_178 : vector<1x16xf32> to vector<16xf32>
        %add3A_180 = arith.addf %get3A_175, %get3A_179 : vector<16xf32>
        %mul3A_181 = arith.constant 5.000000e-01 : f32
        %mul3A_182 = vector.broadcast %mul3A_181 : f32 to vector<16xf32>
        %mul3A_183 = arith.mulf %add3A_180, %mul3A_182 : vector<16xf32>
        %swap3A = arith.index_cast %scan3A_160 : i32 to index
        %swap3A_184 = arith.index_cast %mul3A_172 : i32 to index
        %swap3A_185 = tpu.vector_load %arg10[%swap3A, %swap3A_184] {strides = array<i32>} : memref<32x512xf32, #tpu.memory_space<vmem>>, vector<1x16xf32>,
        %swap3A_186 = vector.shape_cast %swap3A_185 : vector<1x16xf32> to vector<16xf32>
        %swap3A_187 = vector.shape_cast %mul3A_183 : vector<16xf32> to vector<1x16xf32>
        tpu.vector_store %arg10[%swap3A, %swap3A_184], %swap3A_187 {strides = array<i32>} : memref<32x512xf32, #tpu.memory_space<vmem>>, vector<1x16xf32>,
        %scan3A_188 = arith.constant 0 : i32
        scf.yield %scan3A_188 : i32
      }
      %scan3A_168 = arith.constant 32 : i32
      scf.yield %scan3A_167 : i32
    }
    %scan3A_140 = arith.constant 32 : i32
    "tpu.region"() ({
      %run_scoped3A = tpu.sem_alloc : memref<!tpu.dma_semaphore, #tpu.memory_space<semaphore_mem>>
      %dma_start3A_160 = arith.constant 0 : i32
      %dma_start3A_161 = tpu.memref_slice %arg6[%add3A_121, %dma_start3A_160] : memref<4096x512xf32, #tpu.memory_space<hbm>> -> memref<32x512xf32, #tpu.memory_space<hbm>>
      %dma_start3A_162 = arith.constant 0 : i32
      %dma_start3A_163 = tpu.memref_slice %arg6[%add3A_121, %dma_start3A_162] : memref<4096x512xf32, #tpu.memory_space<hbm>> -> memref<32x512xf32, #tpu.memory_space<hbm>>
      tpu.enqueue_dma source(%arg10 : memref<32x512xf32, #tpu.memory_space<vmem>>) target(%dma_start3A_163 : memref<32x512xf32, #tpu.memory_space<hbm>>) target_semaphore(%run_scoped3A : memref<!tpu.dma_semaphore, #tpu.memory_space<semaphore_mem>>)
      %dma_wait3A_164 = arith.constant 0 : i32
      %dma_wait3A_165 = tpu.memref_slice %arg6[%add3A_121, %dma_wait3A_164] : memref<4096x512xf32, #tpu.memory_space<hbm>> -> memref<32x512xf32, #tpu.memory_space<hbm>>
      %dma_wait3A_166 = arith.constant 0 : i32
      %dma_wait3A_167 = tpu.memref_slice %arg6[%add3A_121, %dma_wait3A_166] : memref<4096x512xf32, #tpu.memory_space<hbm>> -> memref<32x512xf32, #tpu.memory_space<hbm>>
      tpu.wait_dma2 semaphore(%run_scoped3A : memref<!tpu.dma_semaphore, #tpu.memory_space<semaphore_mem>>) src(%arg10 : memref<32x512xf32, #tpu.memory_space<vmem>>) dst(%dma_wait3A_167 : memref<32x512xf32, #tpu.memory_space<hbm>>)
      tpu.yield
    }) : () -> ()
    %dma_start3A_141 = arith.constant 0 : i32
    %dma_start3A_142 = arith.constant 0 : i32
    %dma_start3A_143 = tpu.memref_slice %arg3[%dma_start3A_141, %dma_start3A_142] : memref<4096x512xf32, #tpu.memory_space<hbm>> -> memref<4096x512xf32, #tpu.memory_space<hbm>>
    tpu.enqueue_indirect_dma source(%dma_start3A_143 : memref<4096x512xf32, #tpu.memory_space<hbm>>) target(%arg10 : memref<32x512xf32, #tpu.memory_space<vmem>>) offsets(%arg8 : memref<32xi32, #tpu.memory_space<vmem>>) semaphore(%arg12 : memref<!tpu.dma_semaphore, #tpu.memory_space<semaphore_mem>>)
    %dma_start3A_144 = arith.constant 0 : i32
    %dma_start3A_145 = arith.constant 0 : i32
    %dma_start3A_146 = tpu.memref_slice %arg3[%dma_start3A_144, %dma_start3A_145] : memref<4096x512xf32, #tpu.memory_space<hbm>> -> memref<4096x512xf32, #tpu.memory_space<hbm>>
    tpu.enqueue_indirect_dma source(%dma_start3A_146 : memref<4096x512xf32, #tpu.memory_space<hbm>>) target(%arg11 : memref<32x512xf32, #tpu.memory_space<vmem>>) offsets(%arg9 : memref<32xi32, #tpu.memory_space<vmem>>) semaphore(%arg13 : memref<!tpu.dma_semaphore, #tpu.memory_space<semaphore_mem>>)
    %dma_wait3A_147 = arith.constant 0 : i32
    %dma_wait3A_148 = arith.constant 0 : i32
    %dma_wait3A_149 = tpu.memref_slice %arg3[%dma_wait3A_147, %dma_wait3A_148] : memref<4096x512xf32, #tpu.memory_space<hbm>> -> memref<4096x512xf32, #tpu.memory_space<hbm>>
    tpu.wait_indirect_dma semaphore(%arg12 : memref<!tpu.dma_semaphore, #tpu.memory_space<semaphore_mem>>) src(%dma_wait3A_149 : memref<4096x512xf32, #tpu.memory_space<hbm>>) dst(%arg10 : memref<32x512xf32, #tpu.memory_space<vmem>>)
    %dma_wait3A_150 = arith.constant 0 : i32
    %dma_wait3A_151 = arith.constant 0 : i32
    %dma_wait3A_152 = tpu.memref_slice %arg3[%dma_wait3A_150, %dma_wait3A_151] : memref<4096x512xf32, #tpu.memory_space<hbm>> -> memref<4096x512xf32, #tpu.memory_space<hbm>>
    tpu.wait_indirect_dma semaphore(%arg13 : memref<!tpu.dma_semaphore, #tpu.memory_space<semaphore_mem>>) src(%dma_wait3A_152 : memref<4096x512xf32, #tpu.memory_space<hbm>>) dst(%arg11 : memref<32x512xf32, #tpu.memory_space<vmem>>)
    %scan3A_153 = arith.constant 0 : i32
    %scan3A_154 = arith.constant 0 : i32
    %scan3A_155 = arith.constant 32 : i32
    %scan3A_156 = arith.addi %scan3A_154, %scan3A_155 : i32
    %scan3A_157 = arith.constant 1 : i32
    %scan3A_158 = scf.for %scan3A_160 = %scan3A_154 to %scan3A_156 step %scan3A_157 iter_args(%scan3A_161 = %scan3A_153) -> (i32)  : i32 {
      %scan3A_162 = arith.constant 0 : i32
      %scan3A_163 = arith.constant 0 : i32
      %scan3A_164 = arith.constant 32 : i32
      %scan3A_165 = arith.addi %scan3A_163, %scan3A_164 : i32
      %scan3A_166 = arith.constant 1 : i32
      %scan3A_167 = scf.for %scan3A_169 = %scan3A_163 to %scan3A_165 step %scan3A_166 iter_args(%scan3A_170 = %scan3A_162) -> (i32)  : i32 {
        %mul3A_171 = arith.constant 16 : i32
        %mul3A_172 = arith.muli %scan3A_169, %mul3A_171 : i32
        %get3A = arith.index_cast %scan3A_160 : i32 to index
        %get3A_173 = arith.index_cast %mul3A_172 : i32 to index
        %get3A_174 = tpu.vector_load %arg10[%get3A, %get3A_173] {strides = array<i32>} : memref<32x512xf32, #tpu.memory_space<vmem>>, vector<1x16xf32>,
        %get3A_175 = vector.shape_cast %get3A_174 : vector<1x16xf32> to vector<16xf32>
        %get3A_176 = arith.index_cast %scan3A_160 : i32 to index
        %get3A_177 = arith.index_cast %mul3A_172 : i32 to index
        %get3A_178 = tpu.vector_load %arg11[%get3A_176, %get3A_177] {strides = array<i32>} : memref<32x512xf32, #tpu.memory_space<vmem>>, vector<1x16xf32>,
        %get3A_179 = vector.shape_cast %get3A_178 : vector<1x16xf32> to vector<16xf32>
        %add3A_180 = arith.addf %get3A_175, %get3A_179 : vector<16xf32>
        %mul3A_181 = arith.constant 5.000000e-01 : f32
        %mul3A_182 = vector.broadcast %mul3A_181 : f32 to vector<16xf32>
        %mul3A_183 = arith.mulf %add3A_180, %mul3A_182 : vector<16xf32>
        %swap3A = arith.index_cast %scan3A_160 : i32 to index
        %swap3A_184 = arith.index_cast %mul3A_172 : i32 to index
        %swap3A_185 = tpu.vector_load %arg10[%swap3A, %swap3A_184] {strides = array<i32>} : memref<32x512xf32, #tpu.memory_space<vmem>>, vector<1x16xf32>,
        %swap3A_186 = vector.shape_cast %swap3A_185 : vector<1x16xf32> to vector<16xf32>
        %swap3A_187 = vector.shape_cast %mul3A_183 : vector<16xf32> to vector<1x16xf32>
        tpu.vector_store %arg10[%swap3A, %swap3A_184], %swap3A_187 {strides = array<i32>} : memref<32x512xf32, #tpu.memory_space<vmem>>, vector<1x16xf32>,
        %scan3A_188 = arith.constant 0 : i32
        scf.yield %scan3A_188 : i32
      }
      %scan3A_168 = arith.constant 32 : i32
      scf.yield %scan3A_167 : i32
    }
    %scan3A_159 = arith.constant 32 : i32
    "tpu.region"() ({
      %run_scoped3A = tpu.sem_alloc : memref<!tpu.dma_semaphore, #tpu.memory_space<semaphore_mem>>
      %dma_start3A_160 = arith.constant 0 : i32
      %dma_start3A_161 = tpu.memref_slice %arg7[%add3A_121, %dma_start3A_160] : memref<4096x512xf32, #tpu.memory_space<hbm>> -> memref<32x512xf32, #tpu.memory_space<hbm>>
      %dma_start3A_162 = arith.constant 0 : i32
      %dma_start3A_163 = tpu.memref_slice %arg7[%add3A_121, %dma_start3A_162] : memref<4096x512xf32, #tpu.memory_space<hbm>> -> memref<32x512xf32, #tpu.memory_space<hbm>>
      tpu.enqueue_dma source(%arg10 : memref<32x512xf32, #tpu.memory_space<vmem>>) target(%dma_start3A_163 : memref<32x512xf32, #tpu.memory_space<hbm>>) target_semaphore(%run_scoped3A : memref<!tpu.dma_semaphore, #tpu.memory_space<semaphore_mem>>)
      %dma_wait3A_164 = arith.constant 0 : i32
      %dma_wait3A_165 = tpu.memref_slice %arg7[%add3A_121, %dma_wait3A_164] : memref<4096x512xf32, #tpu.memory_space<hbm>> -> memref<32x512xf32, #tpu.memory_space<hbm>>
      %dma_wait3A_166 = arith.constant 0 : i32
      %dma_wait3A_167 = tpu.memref_slice %arg7[%add3A_121, %dma_wait3A_166] : memref<4096x512xf32, #tpu.memory_space<hbm>> -> memref<32x512xf32, #tpu.memory_space<hbm>>
      tpu.wait_dma2 semaphore(%run_scoped3A : memref<!tpu.dma_semaphore, #tpu.memory_space<semaphore_mem>>) src(%arg10 : memref<32x512xf32, #tpu.memory_space<vmem>>) dst(%dma_wait3A_167 : memref<32x512xf32, #tpu.memory_space<hbm>>)
      tpu.yield
    }) : () -> ()
    return
  }
}

module attributes {stable_mosaic.version = 14 : i64} {
  func.func @_adjacency_body(%arg0: i32, %arg1: i32, %arg2: memref<1x1024xi32, #tpu.memory_space<vmem>>, %arg3: memref<1x1024xi32, #tpu.memory_space<vmem>>, %arg4: memref<1024x1xi32, #tpu.memory_space<vmem>>, %arg5: memref<1024x1xi32, #tpu.memory_space<vmem>>, %arg6: memref<1024x1024xf32, #tpu.memory_space<vmem>>) attributes {dimension_semantics = [#tpu.dimension_semantics<arbitrary>, #tpu.dimension_semantics<arbitrary>], iteration_bounds = array<i64: 8, 8>, scalar_prefetch = 0 : i64, scratch_operands = 0 : i64, tpu.core_type = #tpu.core_type<tc>, window_params = [{transform_indices = @transform_0, window_bounds = array<i64: 1, 1024>}, {transform_indices = @transform_1, window_bounds = array<i64: 1, 1024>}, {transform_indices = @transform_2, window_bounds = array<i64: 1024, 1>}, {transform_indices = @transform_3, window_bounds = array<i64: 1024, 1>}, {transform_indices = @transform_4, window_bounds = array<i64: 1024, 1024>}]} {
    %lt3A = arith.constant 4 : i32
    %lt3A_0 = arith.cmpi slt, %arg0, %lt3A : i32
    %lt3A_1 = arith.constant 4 : i32
    %lt3A_2 = arith.cmpi slt, %arg1, %lt3A_1 : i32
    %eq3A = arith.xori %lt3A_0, %lt3A_2 : i1
    %eq3A_3 = arith.constant true
    %eq3A_4 = arith.xori %eq3A, %eq3A_3 : i1
    %convert_element_type3A = arith.extui %eq3A_4 : i1 to i32
    %cond3A = arith.constant 0 : i32
    %cond3A_5 = arith.cmpi ne, %convert_element_type3A, %cond3A : i32
    scf.if %cond3A_5 {
      %broadcast_in_dim3A = arith.constant 0.000000e+00 : f32
      %broadcast_in_dim3A_20 = vector.broadcast %broadcast_in_dim3A : f32 to vector<1024x1024xf32>
      %swap3A = arith.constant 0 : index
      %swap3A_21 = arith.constant 0 : index
      %swap3A_22 = vector.load %arg6[%swap3A, %swap3A_21] : memref<1024x1024xf32, #tpu.memory_space<vmem>>, vector<1024x1024xf32>
      tpu.vector_store %arg6[%swap3A, %swap3A_21], %broadcast_in_dim3A_20 {strides = array<i32>} : memref<1024x1024xf32, #tpu.memory_space<vmem>>, vector<1024x1024xf32>,
    } else {
    }
    %lt3A_6 = arith.constant 4 : i32
    %lt3A_7 = arith.cmpi slt, %arg0, %lt3A_6 : i32
    %ge3A = arith.constant 4 : i32
    %ge3A_8 = arith.cmpi sge, %arg1, %ge3A : i32
    %and3A = arith.andi %lt3A_7, %ge3A_8 : i1
    %convert_element_type3A_9 = arith.extui %and3A : i1 to i32
    %cond3A_10 = arith.constant 0 : i32
    %cond3A_11 = arith.cmpi ne, %convert_element_type3A_9, %cond3A_10 : i32
    scf.if %cond3A_11 {
      %iota3A = tpu.iota {dimensions = array<i32: 0>} : vector<1024x1024xi32>
      %mul3A = arith.constant 1024 : i32
      %mul3A_20 = arith.muli %arg0, %mul3A : i32
      %add3A = vector.broadcast %mul3A_20 : i32 to vector<1024x1024xi32>
      %add3A_21 = arith.addi %iota3A, %add3A : vector<1024x1024xi32>
      %get3A = arith.constant 0 : index
      %get3A_22 = arith.constant 0 : index
      %get3A_23 = vector.load %arg2[%get3A, %get3A_22] : memref<1x1024xi32, #tpu.memory_space<vmem>>, vector<1x1024xi32>
      %eq3A_24 = vector.broadcast %get3A_23 : vector<1x1024xi32> to vector<1024x1024xi32>
      %eq3A_25 = arith.cmpi eq, %add3A_21, %eq3A_24 : vector<1024x1024xi32>
      %get3A_26 = arith.constant 0 : index
      %get3A_27 = arith.constant 0 : index
      %get3A_28 = vector.load %arg3[%get3A_26, %get3A_27] : memref<1x1024xi32, #tpu.memory_space<vmem>>, vector<1x1024xi32>
      %eq3A_29 = vector.broadcast %get3A_28 : vector<1x1024xi32> to vector<1024x1024xi32>
      %eq3A_30 = arith.cmpi eq, %add3A_21, %eq3A_29 : vector<1024x1024xi32>
      %or3A = arith.ori %eq3A_25, %eq3A_30 : vector<1024x1024xi1>
      %jit3A = arith.constant 1.000000e+00 : f32
      %jit3A_31 = arith.constant 0.000000e+00 : f32
      %broadcast_in_dim3A = vector.broadcast %jit3A : f32 to vector<1024x1024xf32>
      %broadcast_in_dim3A_32 = vector.broadcast %jit3A_31 : f32 to vector<1024x1024xf32>
      %select_n3A = arith.select %or3A, %broadcast_in_dim3A, %broadcast_in_dim3A_32 : vector<1024x1024xi1>, vector<1024x1024xf32>
      %swap3A = arith.constant 0 : index
      %swap3A_33 = arith.constant 0 : index
      %swap3A_34 = vector.load %arg6[%swap3A, %swap3A_33] : memref<1024x1024xf32, #tpu.memory_space<vmem>>, vector<1024x1024xf32>
      tpu.vector_store %arg6[%swap3A, %swap3A_33], %select_n3A {strides = array<i32>} : memref<1024x1024xf32, #tpu.memory_space<vmem>>, vector<1024x1024xf32>,
    } else {
    }
    %ge3A_12 = arith.constant 4 : i32
    %ge3A_13 = arith.cmpi sge, %arg0, %ge3A_12 : i32
    %lt3A_14 = arith.constant 4 : i32
    %lt3A_15 = arith.cmpi slt, %arg1, %lt3A_14 : i32
    %and3A_16 = arith.andi %ge3A_13, %lt3A_15 : i1
    %convert_element_type3A_17 = arith.extui %and3A_16 : i1 to i32
    %cond3A_18 = arith.constant 0 : i32
    %cond3A_19 = arith.cmpi ne, %convert_element_type3A_17, %cond3A_18 : i32
    scf.if %cond3A_19 {
      %iota3A = tpu.iota {dimensions = array<i32: 1>} : vector<1024x1024xi32>
      %mul3A = arith.constant 1024 : i32
      %mul3A_20 = arith.muli %arg1, %mul3A : i32
      %add3A = vector.broadcast %mul3A_20 : i32 to vector<1024x1024xi32>
      %add3A_21 = arith.addi %iota3A, %add3A : vector<1024x1024xi32>
      %get3A = arith.constant 0 : index
      %get3A_22 = arith.constant 0 : index
      %get3A_23 = vector.load %arg4[%get3A, %get3A_22] : memref<1024x1xi32, #tpu.memory_space<vmem>>, vector<1024x1xi32>
      %eq3A_24 = vector.broadcast %get3A_23 : vector<1024x1xi32> to vector<1024x1024xi32>
      %eq3A_25 = arith.cmpi eq, %add3A_21, %eq3A_24 : vector<1024x1024xi32>
      %get3A_26 = arith.constant 0 : index
      %get3A_27 = arith.constant 0 : index
      %get3A_28 = vector.load %arg5[%get3A_26, %get3A_27] : memref<1024x1xi32, #tpu.memory_space<vmem>>, vector<1024x1xi32>
      %eq3A_29 = vector.broadcast %get3A_28 : vector<1024x1xi32> to vector<1024x1024xi32>
      %eq3A_30 = arith.cmpi eq, %add3A_21, %eq3A_29 : vector<1024x1024xi32>
      %or3A = arith.ori %eq3A_25, %eq3A_30 : vector<1024x1024xi1>
      %jit3A = arith.constant 1.000000e+00 : f32
      %jit3A_31 = arith.constant 0.000000e+00 : f32
      %broadcast_in_dim3A = vector.broadcast %jit3A : f32 to vector<1024x1024xf32>
      %broadcast_in_dim3A_32 = vector.broadcast %jit3A_31 : f32 to vector<1024x1024xf32>
      %select_n3A = arith.select %or3A, %broadcast_in_dim3A, %broadcast_in_dim3A_32 : vector<1024x1024xi1>, vector<1024x1024xf32>
      %swap3A = arith.constant 0 : index
      %swap3A_33 = arith.constant 0 : index
      %swap3A_34 = vector.load %arg6[%swap3A, %swap3A_33] : memref<1024x1024xf32, #tpu.memory_space<vmem>>, vector<1024x1024xf32>
      tpu.vector_store %arg6[%swap3A, %swap3A_33], %select_n3A {strides = array<i32>} : memref<1024x1024xf32, #tpu.memory_space<vmem>>, vector<1024x1024xf32>,
    } else {
    }
    return
  }
  func.func @transform_0(%arg0: i32, %arg1: i32) -> (i32, i32) {
    %sub3A = arith.constant 4 : i32
    %sub3A_0 = arith.subi %arg1, %sub3A : i32
    %max3A = arith.constant 0 : i32
    %max3A_1 = arith.maxsi %sub3A_0, %max3A : i32
    %c0_i32 = arith.constant 0 : i32
    %c0_i32_2 = arith.constant 0 : i32
    return %c0_i32, %max3A_1 : i32, i32
  }
  func.func @transform_1(%arg0: i32, %arg1: i32) -> (i32, i32) {
    %sub3A = arith.constant 4 : i32
    %sub3A_0 = arith.subi %arg1, %sub3A : i32
    %max3A = arith.constant 0 : i32
    %max3A_1 = arith.maxsi %sub3A_0, %max3A : i32
    %c0_i32 = arith.constant 0 : i32
    %c0_i32_2 = arith.constant 0 : i32
    return %c0_i32, %max3A_1 : i32, i32
  }
  func.func @transform_2(%arg0: i32, %arg1: i32) -> (i32, i32) {
    %sub3A = arith.constant 4 : i32
    %sub3A_0 = arith.subi %arg0, %sub3A : i32
    %max3A = arith.constant 0 : i32
    %max3A_1 = arith.maxsi %sub3A_0, %max3A : i32
    %c0_i32 = arith.constant 0 : i32
    %c0_i32_2 = arith.constant 0 : i32
    return %max3A_1, %c0_i32 : i32, i32
  }
  func.func @transform_3(%arg0: i32, %arg1: i32) -> (i32, i32) {
    %sub3A = arith.constant 4 : i32
    %sub3A_0 = arith.subi %arg0, %sub3A : i32
    %max3A = arith.constant 0 : i32
    %max3A_1 = arith.maxsi %sub3A_0, %max3A : i32
    %c0_i32 = arith.constant 0 : i32
    %c0_i32_2 = arith.constant 0 : i32
    return %max3A_1, %c0_i32 : i32, i32
  }
  func.func @transform_4(%arg0: i32, %arg1: i32) -> (i32, i32) {
    %c0_i32 = arith.constant 0 : i32
    return %arg0, %arg1 : i32, i32
  }
}

module attributes {stable_mosaic.version = 14 : i64} {
  func.func @_extract_body(%arg0: i32, %arg1: memref<128x4096xi32, #tpu.memory_space<vmem>>, %arg2: memref<1x4224xi32, #tpu.memory_space<vmem>>, %arg3: memref<1x4224xi32, #tpu.memory_space<vmem>>, %arg4: memref<1xi32, #tpu.memory_space<smem>>, %arg5: memref<1x128xi32, #tpu.memory_space<vmem>>, %arg6: memref<1x128xi32, #tpu.memory_space<vmem>>) attributes {dimension_semantics = [#tpu.dimension_semantics<arbitrary>], iteration_bounds = array<i64: 32>, scalar_prefetch = 0 : i64, scratch_operands = 3 : i64, tpu.core_type = #tpu.core_type<tc>, window_params = [{transform_indices = @transform_0, window_bounds = array<i64: 128, 4096>}, {pipeline_mode = #tpu.pipeline_mode<synchronous>, transform_indices = @transform_1, window_bounds = array<i64: 1, 4224>}, {pipeline_mode = #tpu.pipeline_mode<synchronous>, transform_indices = @transform_2, window_bounds = array<i64: 1, 4224>}]} {
    %eq3A = arith.constant 0 : i32
    %eq3A_0 = arith.cmpi eq, %arg0, %eq3A : i32
    %convert_element_type3A = arith.extui %eq3A_0 : i1 to i32
    %cond3A = arith.constant 0 : i32
    %cond3A_1 = arith.cmpi ne, %convert_element_type3A, %cond3A : i32
    scf.if %cond3A_1 {
      %swap3A = arith.constant 0 : i32
      %swap3A_28 = arith.constant 0 : index
      %swap3A_29 = memref.load %arg4[%swap3A_28] : memref<1xi32, #tpu.memory_space<smem>>
      memref.store %swap3A, %arg4[%swap3A_28] : memref<1xi32, #tpu.memory_space<smem>>
      %broadcast_in_dim3A = arith.constant 0 : i32
      %broadcast_in_dim3A_30 = vector.broadcast %broadcast_in_dim3A : i32 to vector<1x4224xi32>
      %swap3A_31 = arith.constant 0 : index
      %swap3A_32 = arith.constant 0 : index
      %swap3A_33 = vector.load %arg2[%swap3A_31, %swap3A_32] : memref<1x4224xi32, #tpu.memory_space<vmem>>, vector<1x4224xi32>
      tpu.vector_store %arg2[%swap3A_31, %swap3A_32], %broadcast_in_dim3A_30 {strides = array<i32>} : memref<1x4224xi32, #tpu.memory_space<vmem>>, vector<1x4224xi32>,
      %broadcast_in_dim3A_34 = arith.constant 0 : i32
      %broadcast_in_dim3A_35 = vector.broadcast %broadcast_in_dim3A_34 : i32 to vector<1x4224xi32>
      %swap3A_36 = arith.constant 0 : index
      %swap3A_37 = arith.constant 0 : index
      %swap3A_38 = vector.load %arg3[%swap3A_36, %swap3A_37] : memref<1x4224xi32, #tpu.memory_space<vmem>>, vector<1x4224xi32>
      tpu.vector_store %arg3[%swap3A_36, %swap3A_37], %broadcast_in_dim3A_35 {strides = array<i32>} : memref<1x4224xi32, #tpu.memory_space<vmem>>, vector<1x4224xi32>,
      %broadcast_in_dim3A_39 = arith.constant 0 : i32
      %broadcast_in_dim3A_40 = vector.broadcast %broadcast_in_dim3A_39 : i32 to vector<1x128xi32>
      %swap3A_41 = arith.constant 0 : index
      %swap3A_42 = arith.constant 0 : index
      %swap3A_43 = vector.load %arg5[%swap3A_41, %swap3A_42] : memref<1x128xi32, #tpu.memory_space<vmem>>, vector<1x128xi32>
      tpu.vector_store %arg5[%swap3A_41, %swap3A_42], %broadcast_in_dim3A_40 {strides = array<i32>} : memref<1x128xi32, #tpu.memory_space<vmem>>, vector<1x128xi32>,
      %broadcast_in_dim3A_44 = arith.constant 0 : i32
      %broadcast_in_dim3A_45 = vector.broadcast %broadcast_in_dim3A_44 : i32 to vector<1x128xi32>
      %swap3A_46 = arith.constant 0 : index
      %swap3A_47 = arith.constant 0 : index
      %swap3A_48 = vector.load %arg6[%swap3A_46, %swap3A_47] : memref<1x128xi32, #tpu.memory_space<vmem>>, vector<1x128xi32>
      tpu.vector_store %arg6[%swap3A_46, %swap3A_47], %broadcast_in_dim3A_45 {strides = array<i32>} : memref<1x128xi32, #tpu.memory_space<vmem>>, vector<1x128xi32>,
    } else {
    }
    %get3A = arith.constant 0 : index
    %get3A_2 = arith.constant 0 : index
    %get3A_3 = vector.load %arg1[%get3A, %get3A_2] : memref<128x4096xi32, #tpu.memory_space<vmem>>, vector<128x4096xi32>
    %iota3A = tpu.iota {dimensions = array<i32: 1>} : vector<1x128xi32>
    %mul3A = arith.constant 128 : i32
    %mul3A_4 = arith.muli %arg0, %mul3A : i32
    %iota3A_5 = tpu.iota {dimensions = array<i32: 1>} : vector<128x4096xi32>
    %iota3A_6 = tpu.iota {dimensions = array<i32: 0>} : vector<128x4096xi32>
    %add3A = vector.broadcast %mul3A_4 : i32 to vector<128x4096xi32>
    %add3A_7 = arith.addi %iota3A_6, %add3A : vector<128x4096xi32>
    %ne3A = arith.constant 0 : i32
    %ne3A_8 = vector.broadcast %ne3A : i32 to vector<128x4096xi32>
    %ne3A_9 = arith.cmpi ne, %get3A_3, %ne3A_8 : vector<128x4096xi32>
    %gt3A = arith.cmpi sgt, %iota3A_5, %add3A_7 : vector<128x4096xi32>
    %and3A = arith.andi %ne3A_9, %gt3A : vector<128x4096xi1>
    %convert_element_type3A_10 = arith.extui %and3A : vector<128x4096xi1> to vector<128x4096xi32>
    %reduce_sum3A = vector.shape_cast %convert_element_type3A_10 : vector<128x4096xi32> to vector<1x128x4096xi32>
    %reduce_sum3A_11 = arith.constant dense<0> : vector<1xi32>
    %reduce_sum3A_12 = vector.multi_reduction <add>, %reduce_sum3A, %reduce_sum3A_11 [1, 2] : vector<1x128x4096xi32> to vector<1xi32>
    %reduce_sum3A_13 = vector.shape_cast %reduce_sum3A_12 : vector<1xi32> to vector<1x1x1xi32>
    %reduce_sum3A_14 = vector.extract %reduce_sum3A_13[0, 0, 0] : i32 from vector<1x1x1xi32>
    %iota3A_15 = tpu.iota {dimensions = array<i32: 1>} : vector<8x4096xi32>
    %iota3A_16 = tpu.iota {dimensions = array<i32: 1>} : vector<8x128xi32>
    %iota3A_17 = tpu.iota {dimensions = array<i32: 0>} : vector<8x1xi32>
    %gt3A_18 = arith.constant 0 : i32
    %gt3A_19 = arith.cmpi sgt, %reduce_sum3A_14, %gt3A_18 : i32
    %convert_element_type3A_20 = arith.extui %gt3A_19 : i1 to i32
    %cond3A_21 = arith.constant 0 : i32
    %cond3A_22 = arith.cmpi ne, %convert_element_type3A_20, %cond3A_21 : i32
    scf.if %cond3A_22 {
      %add3A_28 = arith.constant 0 : i32
      %add3A_29 = arith.addi %mul3A_4, %add3A_28 : i32
      %slice3A = vector.extract_strided_slice %and3A {offsets = [0, 0], sizes = [8, 4096], strides = [1, 1]} : vector<128x4096xi1> to vector<8x4096xi1>
      %convert_element_type3A_30 = arith.extui %slice3A : vector<8x4096xi1> to vector<8x4096xi32>
      %reduce_sum3A_31 = vector.shape_cast %convert_element_type3A_30 : vector<8x4096xi32> to vector<1x8x4096xi32>
      %reduce_sum3A_32 = arith.constant dense<0> : vector<1xi32>
      %reduce_sum3A_33 = vector.multi_reduction <add>, %reduce_sum3A_31, %reduce_sum3A_32 [1, 2] : vector<1x8x4096xi32> to vector<1xi32>
      %reduce_sum3A_34 = vector.shape_cast %reduce_sum3A_33 : vector<1xi32> to vector<1x1x1xi32>
      %reduce_sum3A_35 = vector.extract %reduce_sum3A_34[0, 0, 0] : i32 from vector<1x1x1xi32>
      %gt3A_36 = arith.constant 0 : i32
      %gt3A_37 = arith.cmpi sgt, %reduce_sum3A_35, %gt3A_36 : i32
      %convert_element_type3A_38 = arith.extui %gt3A_37 : i1 to i32
      %cond3A_39 = arith.constant 0 : i32
      %cond3A_40 = arith.cmpi ne, %convert_element_type3A_38, %cond3A_39 : i32
      scf.if %cond3A_40 {
        %jit3A = arith.constant 1073741824 : i32
        %broadcast_in_dim3A = vector.broadcast %jit3A : i32 to vector<8x4096xi32>
        %select_n3A = arith.select %slice3A, %iota3A_15, %broadcast_in_dim3A : vector<8x4096xi1>, vector<8x4096xi32>
        %convert_element_type3A_251 = arith.extui %slice3A : vector<8x4096xi1> to vector<8x4096xi32>
        %reduce_sum3A_252 = arith.constant dense<0> : vector<8xi32>
        %reduce_sum3A_253 = vector.multi_reduction <add>, %convert_element_type3A_251, %reduce_sum3A_252 [1] : vector<8x4096xi32> to vector<8xi32>
        %broadcast_in_dim3A_254 = vector.shape_cast %reduce_sum3A_253 : vector<8xi32> to vector<8x1xi32>
        %ge3A = arith.constant 1 : i32
        %ge3A_255 = vector.broadcast %ge3A : i32 to vector<8x1xi32>
        %ge3A_256 = arith.cmpi sge, %iota3A_17, %ge3A_255 : vector<8x1xi32>
        %roll3A = arith.constant 1 : i32
        %roll3A_257 = tpu.dynamic_rotate %broadcast_in_dim3A_254 by %roll3A dim 0 : vector<8x1xi32>, i32 -> vector<8x1xi32>
        %jit3A_258 = arith.constant 0 : i32
        %broadcast_in_dim3A_259 = vector.broadcast %jit3A_258 : i32 to vector<8x1xi32>
        %select_n3A_260 = arith.select %ge3A_256, %roll3A_257, %broadcast_in_dim3A_259 : vector<8x1xi1>, vector<8x1xi32>
        %add3A_261 = arith.addi %broadcast_in_dim3A_254, %select_n3A_260 : vector<8x1xi32>
        %ge3A_262 = arith.constant 2 : i32
        %ge3A_263 = vector.broadcast %ge3A_262 : i32 to vector<8x1xi32>
        %ge3A_264 = arith.cmpi sge, %iota3A_17, %ge3A_263 : vector<8x1xi32>
        %roll3A_265 = arith.constant 2 : i32
        %roll3A_266 = tpu.dynamic_rotate %add3A_261 by %roll3A_265 dim 0 : vector<8x1xi32>, i32 -> vector<8x1xi32>
        %jit3A_267 = arith.constant 0 : i32
        %broadcast_in_dim3A_268 = vector.broadcast %jit3A_267 : i32 to vector<8x1xi32>
        %select_n3A_269 = arith.select %ge3A_264, %roll3A_266, %broadcast_in_dim3A_268 : vector<8x1xi1>, vector<8x1xi32>
        %add3A_270 = arith.addi %add3A_261, %select_n3A_269 : vector<8x1xi32>
        %ge3A_271 = arith.constant 4 : i32
        %ge3A_272 = vector.broadcast %ge3A_271 : i32 to vector<8x1xi32>
        %ge3A_273 = arith.cmpi sge, %iota3A_17, %ge3A_272 : vector<8x1xi32>
        %roll3A_274 = arith.constant 4 : i32
        %roll3A_275 = tpu.dynamic_rotate %add3A_270 by %roll3A_274 dim 0 : vector<8x1xi32>, i32 -> vector<8x1xi32>
        %jit3A_276 = arith.constant 0 : i32
        %broadcast_in_dim3A_277 = vector.broadcast %jit3A_276 : i32 to vector<8x1xi32>
        %select_n3A_278 = arith.select %ge3A_273, %roll3A_275, %broadcast_in_dim3A_277 : vector<8x1xi1>, vector<8x1xi32>
        %add3A_279 = arith.addi %add3A_270, %select_n3A_278 : vector<8x1xi32>
        %sub3A = arith.subi %add3A_279, %broadcast_in_dim3A_254 : vector<8x1xi32>
        %reduce_max3A = vector.shape_cast %broadcast_in_dim3A_254 : vector<8x1xi32> to vector<1x8x1xi32>
        %reduce_max3A_280 = arith.constant dense<-2147483648> : vector<1xi32>
        %reduce_max3A_281 = vector.multi_reduction <maxsi>, %reduce_max3A, %reduce_max3A_280 [1, 2] : vector<1x8x1xi32> to vector<1xi32>
        %reduce_max3A_282 = vector.shape_cast %reduce_max3A_281 : vector<1xi32> to vector<1x1x1xi32>
        %reduce_max3A_283 = vector.extract %reduce_max3A_282[0, 0, 0] : i32 from vector<1x1x1xi32>
        %add3A_284 = vector.broadcast %add3A_29 : i32 to vector<8x1xi32>
        %add3A_285 = arith.addi %iota3A_17, %add3A_284 : vector<8x1xi32>
        %broadcast_in_dim3A_286 = arith.constant 0 : i32
        %broadcast_in_dim3A_287 = vector.broadcast %broadcast_in_dim3A_286 : i32 to vector<8x128xi32>
        %while3A = arith.constant 0 : i32
        %while3A_288 = arith.subi %reduce_max3A_283, %while3A : i32
        %while3A_289 = arith.addi %while3A, %while3A_288 : i32
        %while3A_290 = arith.constant 1 : i32
        %while3A_291 = arith.divsi %while3A_288, %while3A_290 : i32
        %while3A_292 = arith.muli %while3A_291, %while3A_290 : i32
        %while3A_293 = arith.addi %while3A, %while3A_292 : i32
        %while3A_294 = arith.constant 1 : i32
        %while3A_295:3 = scf.for %while3A_341 = %while3A to %while3A_293 step %while3A_294 iter_args(%while3A_342 = %select_n3A, %while3A_343 = %broadcast_in_dim3A_287, %while3A_344 = %broadcast_in_dim3A_287) -> (vector<8x4096xi32>, vector<8x128xi32>, vector<8x128xi32>)  : i32 {
          %reduce_min3A = arith.constant dense<2147483647> : vector<8xi32>
          %reduce_min3A_345 = vector.multi_reduction <minsi>, %while3A_342, %reduce_min3A [1] : vector<8x4096xi32> to vector<8xi32>
          %broadcast_in_dim3A_346 = vector.shape_cast %reduce_min3A_345 : vector<8xi32> to vector<8x1xi32>
          %lt3A_347 = arith.constant 1073741824 : i32
          %lt3A_348 = vector.broadcast %lt3A_347 : i32 to vector<8x1xi32>
          %lt3A_349 = arith.cmpi slt, %broadcast_in_dim3A_346, %lt3A_348 : vector<8x1xi32>
          %add3A_350 = vector.broadcast %while3A_341 : i32 to vector<8x1xi32>
          %add3A_351 = arith.addi %sub3A, %add3A_350 : vector<8x1xi32>
          %eq3A_352 = vector.broadcast %add3A_351 : vector<8x1xi32> to vector<8x128xi32>
          %eq3A_353 = arith.cmpi eq, %iota3A_16, %eq3A_352 : vector<8x128xi32>
          %and3A_354 = vector.broadcast %lt3A_349 : vector<8x1xi1> to vector<8x128xi1>
          %and3A_355 = arith.andi %eq3A_353, %and3A_354 : vector<8x128xi1>
          %broadcast_in_dim3A_356 = vector.shape_cast %add3A_285 : vector<8x1xi32> to vector<8x1xi32>
          %broadcast_in_dim3A_357 = vector.broadcast %broadcast_in_dim3A_356 : vector<8x1xi32> to vector<8x128xi32>
          %select_n3A_358 = arith.select %and3A_355, %broadcast_in_dim3A_357, %while3A_343 : vector<8x128xi1>, vector<8x128xi32>
          %broadcast_in_dim3A_359 = vector.shape_cast %broadcast_in_dim3A_346 : vector<8x1xi32> to vector<8x1xi32>
          %broadcast_in_dim3A_360 = vector.broadcast %broadcast_in_dim3A_359 : vector<8x1xi32> to vector<8x128xi32>
          %select_n3A_361 = arith.select %and3A_355, %broadcast_in_dim3A_360, %while3A_344 : vector<8x128xi1>, vector<8x128xi32>
          %eq3A_362 = vector.broadcast %broadcast_in_dim3A_346 : vector<8x1xi32> to vector<8x4096xi32>
          %eq3A_363 = arith.cmpi eq, %while3A_342, %eq3A_362 : vector<8x4096xi32>
          %jit3A_364 = arith.constant 1073741824 : i32
          %broadcast_in_dim3A_365 = vector.broadcast %jit3A_364 : i32 to vector<8x4096xi32>
          %select_n3A_366 = arith.select %eq3A_363, %broadcast_in_dim3A_365, %while3A_342 : vector<8x4096xi1>, vector<8x4096xi32>
          scf.yield %select_n3A_366, %select_n3A_358, %select_n3A_361 : vector<8x4096xi32>, vector<8x128xi32>, vector<8x128xi32>
        }
        %while3A_296 = arith.constant 1 : i32
        %while3A_297:3 = scf.for %while3A_341 = %while3A_293 to %while3A_289 step %while3A_296 iter_args(%while3A_342 = %while3A_295#0, %while3A_343 = %while3A_295#1, %while3A_344 = %while3A_295#2) -> (vector<8x4096xi32>, vector<8x128xi32>, vector<8x128xi32>)  : i32 {
          %reduce_min3A = arith.constant dense<2147483647> : vector<8xi32>
          %reduce_min3A_345 = vector.multi_reduction <minsi>, %while3A_342, %reduce_min3A [1] : vector<8x4096xi32> to vector<8xi32>
          %broadcast_in_dim3A_346 = vector.shape_cast %reduce_min3A_345 : vector<8xi32> to vector<8x1xi32>
          %lt3A_347 = arith.constant 1073741824 : i32
          %lt3A_348 = vector.broadcast %lt3A_347 : i32 to vector<8x1xi32>
          %lt3A_349 = arith.cmpi slt, %broadcast_in_dim3A_346, %lt3A_348 : vector<8x1xi32>
          %add3A_350 = vector.broadcast %while3A_341 : i32 to vector<8x1xi32>
          %add3A_351 = arith.addi %sub3A, %add3A_350 : vector<8x1xi32>
          %eq3A_352 = vector.broadcast %add3A_351 : vector<8x1xi32> to vector<8x128xi32>
          %eq3A_353 = arith.cmpi eq, %iota3A_16, %eq3A_352 : vector<8x128xi32>
          %and3A_354 = vector.broadcast %lt3A_349 : vector<8x1xi1> to vector<8x128xi1>
          %and3A_355 = arith.andi %eq3A_353, %and3A_354 : vector<8x128xi1>
          %broadcast_in_dim3A_356 = vector.shape_cast %add3A_285 : vector<8x1xi32> to vector<8x1xi32>
          %broadcast_in_dim3A_357 = vector.broadcast %broadcast_in_dim3A_356 : vector<8x1xi32> to vector<8x128xi32>
          %select_n3A_358 = arith.select %and3A_355, %broadcast_in_dim3A_357, %while3A_343 : vector<8x128xi1>, vector<8x128xi32>
          %broadcast_in_dim3A_359 = vector.shape_cast %broadcast_in_dim3A_346 : vector<8x1xi32> to vector<8x1xi32>
          %broadcast_in_dim3A_360 = vector.broadcast %broadcast_in_dim3A_359 : vector<8x1xi32> to vector<8x128xi32>
          %select_n3A_361 = arith.select %and3A_355, %broadcast_in_dim3A_360, %while3A_344 : vector<8x128xi1>, vector<8x128xi32>
          %eq3A_362 = vector.broadcast %broadcast_in_dim3A_346 : vector<8x1xi32> to vector<8x4096xi32>
          %eq3A_363 = arith.cmpi eq, %while3A_342, %eq3A_362 : vector<8x4096xi32>
          %jit3A_364 = arith.constant 1073741824 : i32
          %broadcast_in_dim3A_365 = vector.broadcast %jit3A_364 : i32 to vector<8x4096xi32>
          %select_n3A_366 = arith.select %eq3A_363, %broadcast_in_dim3A_365, %while3A_342 : vector<8x4096xi1>, vector<8x4096xi32>
          scf.yield %select_n3A_366, %select_n3A_358, %select_n3A_361 : vector<8x4096xi32>, vector<8x128xi32>, vector<8x128xi32>
        }
        %reduce_sum3A_298 = arith.constant dense<0> : vector<128xi32>
        %reduce_sum3A_299 = vector.multi_reduction <add>, %while3A_297#1, %reduce_sum3A_298 [0] : vector<8x128xi32> to vector<128xi32>
        %broadcast_in_dim3A_300 = vector.shape_cast %reduce_sum3A_299 : vector<128xi32> to vector<1x128xi32>
        %reduce_sum3A_301 = arith.constant dense<0> : vector<128xi32>
        %reduce_sum3A_302 = vector.multi_reduction <add>, %while3A_297#2, %reduce_sum3A_301 [0] : vector<8x128xi32> to vector<128xi32>
        %broadcast_in_dim3A_303 = vector.shape_cast %reduce_sum3A_302 : vector<128xi32> to vector<1x128xi32>
        %get3A_304 = arith.constant 0 : index
        %get3A_305 = memref.load %arg4[%get3A_304] : memref<1xi32, #tpu.memory_space<smem>>
        %and3A_306 = arith.constant 127 : i32
        %and3A_307 = arith.andi %get3A_305, %and3A_306 : i32
        %sub3A_308 = arith.subi %get3A_305, %and3A_307 : i32
        %multiple_of3A = tpu.assume_multiple %sub3A_308, 128 : i32
        %roll3A_309 = tpu.dynamic_rotate %broadcast_in_dim3A_300 by %and3A_307 dim 1 : vector<1x128xi32>, i32 -> vector<1x128xi32>
        %roll3A_310 = tpu.dynamic_rotate %broadcast_in_dim3A_303 by %and3A_307 dim 1 : vector<1x128xi32>, i32 -> vector<1x128xi32>
        %ge3A_311 = vector.broadcast %and3A_307 : i32 to vector<1x128xi32>
        %ge3A_312 = arith.cmpi sge, %iota3A, %ge3A_311 : vector<1x128xi32>
        %add3A_313 = arith.addi %and3A_307, %reduce_sum3A_35 : i32
        %lt3A = vector.broadcast %add3A_313 : i32 to vector<1x128xi32>
        %lt3A_314 = arith.cmpi slt, %iota3A, %lt3A : vector<1x128xi32>
        %and3A_315 = arith.andi %ge3A_312, %lt3A_314 : vector<1x128xi1>
        %get3A_316 = arith.constant 0 : index
        %get3A_317 = arith.constant 0 : index
        %get3A_318 = vector.load %arg5[%get3A_316, %get3A_317] : memref<1x128xi32, #tpu.memory_space<vmem>>, vector<1x128xi32>
        %select_n3A_319 = arith.select %and3A_315, %roll3A_309, %get3A_318 : vector<1x128xi1>, vector<1x128xi32>
        %get3A_320 = arith.constant 0 : index
        %get3A_321 = arith.constant 0 : index
        %get3A_322 = vector.load %arg6[%get3A_320, %get3A_321] : memref<1x128xi32, #tpu.memory_space<vmem>>, vector<1x128xi32>
        %select_n3A_323 = arith.select %and3A_315, %roll3A_310, %get3A_322 : vector<1x128xi1>, vector<1x128xi32>
        %add3A_324 = arith.addi %and3A_307, %reduce_sum3A_35 : i32
        %sub3A_325 = arith.constant 128 : i32
        %sub3A_326 = arith.subi %add3A_324, %sub3A_325 : i32
        %lt3A_327 = vector.broadcast %sub3A_326 : i32 to vector<1x128xi32>
        %lt3A_328 = arith.cmpi slt, %iota3A, %lt3A_327 : vector<1x128xi32>
        %add3A_329 = arith.addi %and3A_307, %reduce_sum3A_35 : i32
        %ge3A_330 = arith.constant 128 : i32
        %ge3A_331 = arith.cmpi sge, %add3A_329, %ge3A_330 : i32
        %convert_element_type3A_332 = arith.extui %ge3A_331 : i1 to i32
        %cond3A_333 = arith.constant 0 : i32
        %cond3A_334 = arith.cmpi ne, %convert_element_type3A_332, %cond3A_333 : i32
        scf.if %cond3A_334 {
          %swap3A_341 = arith.constant 0 : index
          %swap3A_342 = arith.index_cast %multiple_of3A : i32 to index
          %swap3A_343 = vector.load %arg2[%swap3A_341, %swap3A_342] : memref<1x4224xi32, #tpu.memory_space<vmem>>, vector<1x128xi32>
          tpu.vector_store %arg2[%swap3A_341, %swap3A_342], %select_n3A_319 {strides = array<i32>} : memref<1x4224xi32, #tpu.memory_space<vmem>>, vector<1x128xi32>,
          %swap3A_344 = arith.constant 0 : index
          %swap3A_345 = arith.index_cast %multiple_of3A : i32 to index
          %swap3A_346 = vector.load %arg3[%swap3A_344, %swap3A_345] : memref<1x4224xi32, #tpu.memory_space<vmem>>, vector<1x128xi32>
          tpu.vector_store %arg3[%swap3A_344, %swap3A_345], %select_n3A_323 {strides = array<i32>} : memref<1x4224xi32, #tpu.memory_space<vmem>>, vector<1x128xi32>,
          %jit3A_347 = arith.constant 0 : i32
          %broadcast_in_dim3A_348 = vector.broadcast %jit3A_347 : i32 to vector<1x128xi32>
          %select_n3A_349 = arith.select %lt3A_328, %roll3A_309, %broadcast_in_dim3A_348 : vector<1x128xi1>, vector<1x128xi32>
          %swap3A_350 = arith.constant 0 : index
          %swap3A_351 = arith.constant 0 : index
          %swap3A_352 = vector.load %arg5[%swap3A_350, %swap3A_351] : memref<1x128xi32, #tpu.memory_space<vmem>>, vector<1x128xi32>
          tpu.vector_store %arg5[%swap3A_350, %swap3A_351], %select_n3A_349 {strides = array<i32>} : memref<1x128xi32, #tpu.memory_space<vmem>>, vector<1x128xi32>,
          %jit3A_353 = arith.constant 0 : i32
          %broadcast_in_dim3A_354 = vector.broadcast %jit3A_353 : i32 to vector<1x128xi32>
          %select_n3A_355 = arith.select %lt3A_328, %roll3A_310, %broadcast_in_dim3A_354 : vector<1x128xi1>, vector<1x128xi32>
          %swap3A_356 = arith.constant 0 : index
          %swap3A_357 = arith.constant 0 : index
          %swap3A_358 = vector.load %arg6[%swap3A_356, %swap3A_357] : memref<1x128xi32, #tpu.memory_space<vmem>>, vector<1x128xi32>
          tpu.vector_store %arg6[%swap3A_356, %swap3A_357], %select_n3A_355 {strides = array<i32>} : memref<1x128xi32, #tpu.memory_space<vmem>>, vector<1x128xi32>,
        } else {
        }
        %not3A = arith.constant true
        %not3A_335 = arith.xori %ge3A_331, %not3A : i1
        %convert_element_type3A_336 = arith.extui %not3A_335 : i1 to i32
        %cond3A_337 = arith.constant 0 : i32
        %cond3A_338 = arith.cmpi ne, %convert_element_type3A_336, %cond3A_337 : i32
        scf.if %cond3A_338 {
          %swap3A_341 = arith.constant 0 : index
          %swap3A_342 = arith.constant 0 : index
          %swap3A_343 = vector.load %arg5[%swap3A_341, %swap3A_342] : memref<1x128xi32, #tpu.memory_space<vmem>>, vector<1x128xi32>
          tpu.vector_store %arg5[%swap3A_341, %swap3A_342], %select_n3A_319 {strides = array<i32>} : memref<1x128xi32, #tpu.memory_space<vmem>>, vector<1x128xi32>,
          %swap3A_344 = arith.constant 0 : index
          %swap3A_345 = arith.constant 0 : index
          %swap3A_346 = vector.load %arg6[%swap3A_344, %swap3A_345] : memref<1x128xi32, #tpu.memory_space<vmem>>, vector<1x128xi32>
          tpu.vector_store %arg6[%swap3A_344, %swap3A_345], %select_n3A_323 {strides = array<i32>} : memref<1x128xi32, #tpu.memory_space<vmem>>, vector<1x128xi32>,
        } else {
        }
        %add3A_339 = arith.addi %get3A_305, %reduce_sum3A_35 : i32
        %swap3A = arith.constant 0 : index
        %swap3A_340 = memref.load %arg4[%swap3A] : memref<1xi32, #tpu.memory_space<smem>>
        memref.store %add3A_339, %arg4[%swap3A] : memref<1xi32, #tpu.memory_space<smem>>
      } else {
      }
      %add3A_41 = arith.constant 8 : i32
      %add3A_42 = arith.addi %mul3A_4, %add3A_41 : i32
      %slice3A_43 = vector.extract_strided_slice %and3A {offsets = [8, 0], sizes = [8, 4096], strides = [1, 1]} : vector<128x4096xi1> to vector<8x4096xi1>
      %convert_element_type3A_44 = arith.extui %slice3A_43 : vector<8x4096xi1> to vector<8x4096xi32>
      %reduce_sum3A_45 = vector.shape_cast %convert_element_type3A_44 : vector<8x4096xi32> to vector<1x8x4096xi32>
      %reduce_sum3A_46 = arith.constant dense<0> : vector<1xi32>
      %reduce_sum3A_47 = vector.multi_reduction <add>, %reduce_sum3A_45, %reduce_sum3A_46 [1, 2] : vector<1x8x4096xi32> to vector<1xi32>
      %reduce_sum3A_48 = vector.shape_cast %reduce_sum3A_47 : vector<1xi32> to vector<1x1x1xi32>
      %reduce_sum3A_49 = vector.extract %reduce_sum3A_48[0, 0, 0] : i32 from vector<1x1x1xi32>
      %gt3A_50 = arith.constant 0 : i32
      %gt3A_51 = arith.cmpi sgt, %reduce_sum3A_49, %gt3A_50 : i32
      %convert_element_type3A_52 = arith.extui %gt3A_51 : i1 to i32
      %cond3A_53 = arith.constant 0 : i32
      %cond3A_54 = arith.cmpi ne, %convert_element_type3A_52, %cond3A_53 : i32
      scf.if %cond3A_54 {
        %jit3A = arith.constant 1073741824 : i32
        %broadcast_in_dim3A = vector.broadcast %jit3A : i32 to vector<8x4096xi32>
        %select_n3A = arith.select %slice3A_43, %iota3A_15, %broadcast_in_dim3A : vector<8x4096xi1>, vector<8x4096xi32>
        %convert_element_type3A_251 = arith.extui %slice3A_43 : vector<8x4096xi1> to vector<8x4096xi32>
        %reduce_sum3A_252 = arith.constant dense<0> : vector<8xi32>
        %reduce_sum3A_253 = vector.multi_reduction <add>, %convert_element_type3A_251, %reduce_sum3A_252 [1] : vector<8x4096xi32> to vector<8xi32>
        %broadcast_in_dim3A_254 = vector.shape_cast %reduce_sum3A_253 : vector<8xi32> to vector<8x1xi32>
        %ge3A = arith.constant 1 : i32
        %ge3A_255 = vector.broadcast %ge3A : i32 to vector<8x1xi32>
        %ge3A_256 = arith.cmpi sge, %iota3A_17, %ge3A_255 : vector<8x1xi32>
        %roll3A = arith.constant 1 : i32
        %roll3A_257 = tpu.dynamic_rotate %broadcast_in_dim3A_254 by %roll3A dim 0 : vector<8x1xi32>, i32 -> vector<8x1xi32>
        %jit3A_258 = arith.constant 0 : i32
        %broadcast_in_dim3A_259 = vector.broadcast %jit3A_258 : i32 to vector<8x1xi32>
        %select_n3A_260 = arith.select %ge3A_256, %roll3A_257, %broadcast_in_dim3A_259 : vector<8x1xi1>, vector<8x1xi32>
        %add3A_261 = arith.addi %broadcast_in_dim3A_254, %select_n3A_260 : vector<8x1xi32>
        %ge3A_262 = arith.constant 2 : i32
        %ge3A_263 = vector.broadcast %ge3A_262 : i32 to vector<8x1xi32>
        %ge3A_264 = arith.cmpi sge, %iota3A_17, %ge3A_263 : vector<8x1xi32>
        %roll3A_265 = arith.constant 2 : i32
        %roll3A_266 = tpu.dynamic_rotate %add3A_261 by %roll3A_265 dim 0 : vector<8x1xi32>, i32 -> vector<8x1xi32>
        %jit3A_267 = arith.constant 0 : i32
        %broadcast_in_dim3A_268 = vector.broadcast %jit3A_267 : i32 to vector<8x1xi32>
        %select_n3A_269 = arith.select %ge3A_264, %roll3A_266, %broadcast_in_dim3A_268 : vector<8x1xi1>, vector<8x1xi32>
        %add3A_270 = arith.addi %add3A_261, %select_n3A_269 : vector<8x1xi32>
        %ge3A_271 = arith.constant 4 : i32
        %ge3A_272 = vector.broadcast %ge3A_271 : i32 to vector<8x1xi32>
        %ge3A_273 = arith.cmpi sge, %iota3A_17, %ge3A_272 : vector<8x1xi32>
        %roll3A_274 = arith.constant 4 : i32
        %roll3A_275 = tpu.dynamic_rotate %add3A_270 by %roll3A_274 dim 0 : vector<8x1xi32>, i32 -> vector<8x1xi32>
        %jit3A_276 = arith.constant 0 : i32
        %broadcast_in_dim3A_277 = vector.broadcast %jit3A_276 : i32 to vector<8x1xi32>
        %select_n3A_278 = arith.select %ge3A_273, %roll3A_275, %broadcast_in_dim3A_277 : vector<8x1xi1>, vector<8x1xi32>
        %add3A_279 = arith.addi %add3A_270, %select_n3A_278 : vector<8x1xi32>
        %sub3A = arith.subi %add3A_279, %broadcast_in_dim3A_254 : vector<8x1xi32>
        %reduce_max3A = vector.shape_cast %broadcast_in_dim3A_254 : vector<8x1xi32> to vector<1x8x1xi32>
        %reduce_max3A_280 = arith.constant dense<-2147483648> : vector<1xi32>
        %reduce_max3A_281 = vector.multi_reduction <maxsi>, %reduce_max3A, %reduce_max3A_280 [1, 2] : vector<1x8x1xi32> to vector<1xi32>
        %reduce_max3A_282 = vector.shape_cast %reduce_max3A_281 : vector<1xi32> to vector<1x1x1xi32>
        %reduce_max3A_283 = vector.extract %reduce_max3A_282[0, 0, 0] : i32 from vector<1x1x1xi32>
        %add3A_284 = vector.broadcast %add3A_42 : i32 to vector<8x1xi32>
        %add3A_285 = arith.addi %iota3A_17, %add3A_284 : vector<8x1xi32>
        %broadcast_in_dim3A_286 = arith.constant 0 : i32
        %broadcast_in_dim3A_287 = vector.broadcast %broadcast_in_dim3A_286 : i32 to vector<8x128xi32>
        %while3A = arith.constant 0 : i32
        %while3A_288 = arith.subi %reduce_max3A_283, %while3A : i32
        %while3A_289 = arith.addi %while3A, %while3A_288 : i32
        %while3A_290 = arith.constant 1 : i32
        %while3A_291 = arith.divsi %while3A_288, %while3A_290 : i32
        %while3A_292 = arith.muli %while3A_291, %while3A_290 : i32
        %while3A_293 = arith.addi %while3A, %while3A_292 : i32
        %while3A_294 = arith.constant 1 : i32
        %while3A_295:3 = scf.for %while3A_341 = %while3A to %while3A_293 step %while3A_294 iter_args(%while3A_342 = %select_n3A, %while3A_343 = %broadcast_in_dim3A_287, %while3A_344 = %broadcast_in_dim3A_287) -> (vector<8x4096xi32>, vector<8x128xi32>, vector<8x128xi32>)  : i32 {
          %reduce_min3A = arith.constant dense<2147483647> : vector<8xi32>
          %reduce_min3A_345 = vector.multi_reduction <minsi>, %while3A_342, %reduce_min3A [1] : vector<8x4096xi32> to vector<8xi32>
          %broadcast_in_dim3A_346 = vector.shape_cast %reduce_min3A_345 : vector<8xi32> to vector<8x1xi32>
          %lt3A_347 = arith.constant 1073741824 : i32
          %lt3A_348 = vector.broadcast %lt3A_347 : i32 to vector<8x1xi32>
          %lt3A_349 = arith.cmpi slt, %broadcast_in_dim3A_346, %lt3A_348 : vector<8x1xi32>
          %add3A_350 = vector.broadcast %while3A_341 : i32 to vector<8x1xi32>
          %add3A_351 = arith.addi %sub3A, %add3A_350 : vector<8x1xi32>
          %eq3A_352 = vector.broadcast %add3A_351 : vector<8x1xi32> to vector<8x128xi32>
          %eq3A_353 = arith.cmpi eq, %iota3A_16, %eq3A_352 : vector<8x128xi32>
          %and3A_354 = vector.broadcast %lt3A_349 : vector<8x1xi1> to vector<8x128xi1>
          %and3A_355 = arith.andi %eq3A_353, %and3A_354 : vector<8x128xi1>
          %broadcast_in_dim3A_356 = vector.shape_cast %add3A_285 : vector<8x1xi32> to vector<8x1xi32>
          %broadcast_in_dim3A_357 = vector.broadcast %broadcast_in_dim3A_356 : vector<8x1xi32> to vector<8x128xi32>
          %select_n3A_358 = arith.select %and3A_355, %broadcast_in_dim3A_357, %while3A_343 : vector<8x128xi1>, vector<8x128xi32>
          %broadcast_in_dim3A_359 = vector.shape_cast %broadcast_in_dim3A_346 : vector<8x1xi32> to vector<8x1xi32>
          %broadcast_in_dim3A_360 = vector.broadcast %broadcast_in_dim3A_359 : vector<8x1xi32> to vector<8x128xi32>
          %select_n3A_361 = arith.select %and3A_355, %broadcast_in_dim3A_360, %while3A_344 : vector<8x128xi1>, vector<8x128xi32>
          %eq3A_362 = vector.broadcast %broadcast_in_dim3A_346 : vector<8x1xi32> to vector<8x4096xi32>
          %eq3A_363 = arith.cmpi eq, %while3A_342, %eq3A_362 : vector<8x4096xi32>
          %jit3A_364 = arith.constant 1073741824 : i32
          %broadcast_in_dim3A_365 = vector.broadcast %jit3A_364 : i32 to vector<8x4096xi32>
          %select_n3A_366 = arith.select %eq3A_363, %broadcast_in_dim3A_365, %while3A_342 : vector<8x4096xi1>, vector<8x4096xi32>
          scf.yield %select_n3A_366, %select_n3A_358, %select_n3A_361 : vector<8x4096xi32>, vector<8x128xi32>, vector<8x128xi32>
        }
        %while3A_296 = arith.constant 1 : i32
        %while3A_297:3 = scf.for %while3A_341 = %while3A_293 to %while3A_289 step %while3A_296 iter_args(%while3A_342 = %while3A_295#0, %while3A_343 = %while3A_295#1, %while3A_344 = %while3A_295#2) -> (vector<8x4096xi32>, vector<8x128xi32>, vector<8x128xi32>)  : i32 {
          %reduce_min3A = arith.constant dense<2147483647> : vector<8xi32>
          %reduce_min3A_345 = vector.multi_reduction <minsi>, %while3A_342, %reduce_min3A [1] : vector<8x4096xi32> to vector<8xi32>
          %broadcast_in_dim3A_346 = vector.shape_cast %reduce_min3A_345 : vector<8xi32> to vector<8x1xi32>
          %lt3A_347 = arith.constant 1073741824 : i32
          %lt3A_348 = vector.broadcast %lt3A_347 : i32 to vector<8x1xi32>
          %lt3A_349 = arith.cmpi slt, %broadcast_in_dim3A_346, %lt3A_348 : vector<8x1xi32>
          %add3A_350 = vector.broadcast %while3A_341 : i32 to vector<8x1xi32>
          %add3A_351 = arith.addi %sub3A, %add3A_350 : vector<8x1xi32>
          %eq3A_352 = vector.broadcast %add3A_351 : vector<8x1xi32> to vector<8x128xi32>
          %eq3A_353 = arith.cmpi eq, %iota3A_16, %eq3A_352 : vector<8x128xi32>
          %and3A_354 = vector.broadcast %lt3A_349 : vector<8x1xi1> to vector<8x128xi1>
          %and3A_355 = arith.andi %eq3A_353, %and3A_354 : vector<8x128xi1>
          %broadcast_in_dim3A_356 = vector.shape_cast %add3A_285 : vector<8x1xi32> to vector<8x1xi32>
          %broadcast_in_dim3A_357 = vector.broadcast %broadcast_in_dim3A_356 : vector<8x1xi32> to vector<8x128xi32>
          %select_n3A_358 = arith.select %and3A_355, %broadcast_in_dim3A_357, %while3A_343 : vector<8x128xi1>, vector<8x128xi32>
          %broadcast_in_dim3A_359 = vector.shape_cast %broadcast_in_dim3A_346 : vector<8x1xi32> to vector<8x1xi32>
          %broadcast_in_dim3A_360 = vector.broadcast %broadcast_in_dim3A_359 : vector<8x1xi32> to vector<8x128xi32>
          %select_n3A_361 = arith.select %and3A_355, %broadcast_in_dim3A_360, %while3A_344 : vector<8x128xi1>, vector<8x128xi32>
          %eq3A_362 = vector.broadcast %broadcast_in_dim3A_346 : vector<8x1xi32> to vector<8x4096xi32>
          %eq3A_363 = arith.cmpi eq, %while3A_342, %eq3A_362 : vector<8x4096xi32>
          %jit3A_364 = arith.constant 1073741824 : i32
          %broadcast_in_dim3A_365 = vector.broadcast %jit3A_364 : i32 to vector<8x4096xi32>
          %select_n3A_366 = arith.select %eq3A_363, %broadcast_in_dim3A_365, %while3A_342 : vector<8x4096xi1>, vector<8x4096xi32>
          scf.yield %select_n3A_366, %select_n3A_358, %select_n3A_361 : vector<8x4096xi32>, vector<8x128xi32>, vector<8x128xi32>
        }
        %reduce_sum3A_298 = arith.constant dense<0> : vector<128xi32>
        %reduce_sum3A_299 = vector.multi_reduction <add>, %while3A_297#1, %reduce_sum3A_298 [0] : vector<8x128xi32> to vector<128xi32>
        %broadcast_in_dim3A_300 = vector.shape_cast %reduce_sum3A_299 : vector<128xi32> to vector<1x128xi32>
        %reduce_sum3A_301 = arith.constant dense<0> : vector<128xi32>
        %reduce_sum3A_302 = vector.multi_reduction <add>, %while3A_297#2, %reduce_sum3A_301 [0] : vector<8x128xi32> to vector<128xi32>
        %broadcast_in_dim3A_303 = vector.shape_cast %reduce_sum3A_302 : vector<128xi32> to vector<1x128xi32>
        %get3A_304 = arith.constant 0 : index
        %get3A_305 = memref.load %arg4[%get3A_304] : memref<1xi32, #tpu.memory_space<smem>>
        %and3A_306 = arith.constant 127 : i32
        %and3A_307 = arith.andi %get3A_305, %and3A_306 : i32
        %sub3A_308 = arith.subi %get3A_305, %and3A_307 : i32
        %multiple_of3A = tpu.assume_multiple %sub3A_308, 128 : i32
        %roll3A_309 = tpu.dynamic_rotate %broadcast_in_dim3A_300 by %and3A_307 dim 1 : vector<1x128xi32>, i32 -> vector<1x128xi32>
        %roll3A_310 = tpu.dynamic_rotate %broadcast_in_dim3A_303 by %and3A_307 dim 1 : vector<1x128xi32>, i32 -> vector<1x128xi32>
        %ge3A_311 = vector.broadcast %and3A_307 : i32 to vector<1x128xi32>
        %ge3A_312 = arith.cmpi sge, %iota3A, %ge3A_311 : vector<1x128xi32>
        %add3A_313 = arith.addi %and3A_307, %reduce_sum3A_49 : i32
        %lt3A = vector.broadcast %add3A_313 : i32 to vector<1x128xi32>
        %lt3A_314 = arith.cmpi slt, %iota3A, %lt3A : vector<1x128xi32>
        %and3A_315 = arith.andi %ge3A_312, %lt3A_314 : vector<1x128xi1>
        %get3A_316 = arith.constant 0 : index
        %get3A_317 = arith.constant 0 : index
        %get3A_318 = vector.load %arg5[%get3A_316, %get3A_317] : memref<1x128xi32, #tpu.memory_space<vmem>>, vector<1x128xi32>
        %select_n3A_319 = arith.select %and3A_315, %roll3A_309, %get3A_318 : vector<1x128xi1>, vector<1x128xi32>
        %get3A_320 = arith.constant 0 : index
        %get3A_321 = arith.constant 0 : index
        %get3A_322 = vector.load %arg6[%get3A_320, %get3A_321] : memref<1x128xi32, #tpu.memory_space<vmem>>, vector<1x128xi32>
        %select_n3A_323 = arith.select %and3A_315, %roll3A_310, %get3A_322 : vector<1x128xi1>, vector<1x128xi32>
        %add3A_324 = arith.addi %and3A_307, %reduce_sum3A_49 : i32
        %sub3A_325 = arith.constant 128 : i32
        %sub3A_326 = arith.subi %add3A_324, %sub3A_325 : i32
        %lt3A_327 = vector.broadcast %sub3A_326 : i32 to vector<1x128xi32>
        %lt3A_328 = arith.cmpi slt, %iota3A, %lt3A_327 : vector<1x128xi32>
        %add3A_329 = arith.addi %and3A_307, %reduce_sum3A_49 : i32
        %ge3A_330 = arith.constant 128 : i32
        %ge3A_331 = arith.cmpi sge, %add3A_329, %ge3A_330 : i32
        %convert_element_type3A_332 = arith.extui %ge3A_331 : i1 to i32
        %cond3A_333 = arith.constant 0 : i32
        %cond3A_334 = arith.cmpi ne, %convert_element_type3A_332, %cond3A_333 : i32
        scf.if %cond3A_334 {
          %swap3A_341 = arith.constant 0 : index
          %swap3A_342 = arith.index_cast %multiple_of3A : i32 to index
          %swap3A_343 = vector.load %arg2[%swap3A_341, %swap3A_342] : memref<1x4224xi32, #tpu.memory_space<vmem>>, vector<1x128xi32>
          tpu.vector_store %arg2[%swap3A_341, %swap3A_342], %select_n3A_319 {strides = array<i32>} : memref<1x4224xi32, #tpu.memory_space<vmem>>, vector<1x128xi32>,
          %swap3A_344 = arith.constant 0 : index
          %swap3A_345 = arith.index_cast %multiple_of3A : i32 to index
          %swap3A_346 = vector.load %arg3[%swap3A_344, %swap3A_345] : memref<1x4224xi32, #tpu.memory_space<vmem>>, vector<1x128xi32>
          tpu.vector_store %arg3[%swap3A_344, %swap3A_345], %select_n3A_323 {strides = array<i32>} : memref<1x4224xi32, #tpu.memory_space<vmem>>, vector<1x128xi32>,
          %jit3A_347 = arith.constant 0 : i32
          %broadcast_in_dim3A_348 = vector.broadcast %jit3A_347 : i32 to vector<1x128xi32>
          %select_n3A_349 = arith.select %lt3A_328, %roll3A_309, %broadcast_in_dim3A_348 : vector<1x128xi1>, vector<1x128xi32>
          %swap3A_350 = arith.constant 0 : index
          %swap3A_351 = arith.constant 0 : index
          %swap3A_352 = vector.load %arg5[%swap3A_350, %swap3A_351] : memref<1x128xi32, #tpu.memory_space<vmem>>, vector<1x128xi32>
          tpu.vector_store %arg5[%swap3A_350, %swap3A_351], %select_n3A_349 {strides = array<i32>} : memref<1x128xi32, #tpu.memory_space<vmem>>, vector<1x128xi32>,
          %jit3A_353 = arith.constant 0 : i32
          %broadcast_in_dim3A_354 = vector.broadcast %jit3A_353 : i32 to vector<1x128xi32>
          %select_n3A_355 = arith.select %lt3A_328, %roll3A_310, %broadcast_in_dim3A_354 : vector<1x128xi1>, vector<1x128xi32>
          %swap3A_356 = arith.constant 0 : index
          %swap3A_357 = arith.constant 0 : index
          %swap3A_358 = vector.load %arg6[%swap3A_356, %swap3A_357] : memref<1x128xi32, #tpu.memory_space<vmem>>, vector<1x128xi32>
          tpu.vector_store %arg6[%swap3A_356, %swap3A_357], %select_n3A_355 {strides = array<i32>} : memref<1x128xi32, #tpu.memory_space<vmem>>, vector<1x128xi32>,
        } else {
        }
        %not3A = arith.constant true
        %not3A_335 = arith.xori %ge3A_331, %not3A : i1
        %convert_element_type3A_336 = arith.extui %not3A_335 : i1 to i32
        %cond3A_337 = arith.constant 0 : i32
        %cond3A_338 = arith.cmpi ne, %convert_element_type3A_336, %cond3A_337 : i32
        scf.if %cond3A_338 {
          %swap3A_341 = arith.constant 0 : index
          %swap3A_342 = arith.constant 0 : index
          %swap3A_343 = vector.load %arg5[%swap3A_341, %swap3A_342] : memref<1x128xi32, #tpu.memory_space<vmem>>, vector<1x128xi32>
          tpu.vector_store %arg5[%swap3A_341, %swap3A_342], %select_n3A_319 {strides = array<i32>} : memref<1x128xi32, #tpu.memory_space<vmem>>, vector<1x128xi32>,
          %swap3A_344 = arith.constant 0 : index
          %swap3A_345 = arith.constant 0 : index
          %swap3A_346 = vector.load %arg6[%swap3A_344, %swap3A_345] : memref<1x128xi32, #tpu.memory_space<vmem>>, vector<1x128xi32>
          tpu.vector_store %arg6[%swap3A_344, %swap3A_345], %select_n3A_323 {strides = array<i32>} : memref<1x128xi32, #tpu.memory_space<vmem>>, vector<1x128xi32>,
        } else {
        }
        %add3A_339 = arith.addi %get3A_305, %reduce_sum3A_49 : i32
        %swap3A = arith.constant 0 : index
        %swap3A_340 = memref.load %arg4[%swap3A] : memref<1xi32, #tpu.memory_space<smem>>
        memref.store %add3A_339, %arg4[%swap3A] : memref<1xi32, #tpu.memory_space<smem>>
      } else {
      }
      %add3A_55 = arith.constant 16 : i32
      %add3A_56 = arith.addi %mul3A_4, %add3A_55 : i32
      %slice3A_57 = vector.extract_strided_slice %and3A {offsets = [16, 0], sizes = [8, 4096], strides = [1, 1]} : vector<128x4096xi1> to vector<8x4096xi1>
      %convert_element_type3A_58 = arith.extui %slice3A_57 : vector<8x4096xi1> to vector<8x4096xi32>
      %reduce_sum3A_59 = vector.shape_cast %convert_element_type3A_58 : vector<8x4096xi32> to vector<1x8x4096xi32>
      %reduce_sum3A_60 = arith.constant dense<0> : vector<1xi32>
      %reduce_sum3A_61 = vector.multi_reduction <add>, %reduce_sum3A_59, %reduce_sum3A_60 [1, 2] : vector<1x8x4096xi32> to vector<1xi32>
      %reduce_sum3A_62 = vector.shape_cast %reduce_sum3A_61 : vector<1xi32> to vector<1x1x1xi32>
      %reduce_sum3A_63 = vector.extract %reduce_sum3A_62[0, 0, 0] : i32 from vector<1x1x1xi32>
      %gt3A_64 = arith.constant 0 : i32
      %gt3A_65 = arith.cmpi sgt, %reduce_sum3A_63, %gt3A_64 : i32
      %convert_element_type3A_66 = arith.extui %gt3A_65 : i1 to i32
      %cond3A_67 = arith.constant 0 : i32
      %cond3A_68 = arith.cmpi ne, %convert_element_type3A_66, %cond3A_67 : i32
      scf.if %cond3A_68 {
        %jit3A = arith.constant 1073741824 : i32
        %broadcast_in_dim3A = vector.broadcast %jit3A : i32 to vector<8x4096xi32>
        %select_n3A = arith.select %slice3A_57, %iota3A_15, %broadcast_in_dim3A : vector<8x4096xi1>, vector<8x4096xi32>
        %convert_element_type3A_251 = arith.extui %slice3A_57 : vector<8x4096xi1> to vector<8x4096xi32>
        %reduce_sum3A_252 = arith.constant dense<0> : vector<8xi32>
        %reduce_sum3A_253 = vector.multi_reduction <add>, %convert_element_type3A_251, %reduce_sum3A_252 [1] : vector<8x4096xi32> to vector<8xi32>
        %broadcast_in_dim3A_254 = vector.shape_cast %reduce_sum3A_253 : vector<8xi32> to vector<8x1xi32>
        %ge3A = arith.constant 1 : i32
        %ge3A_255 = vector.broadcast %ge3A : i32 to vector<8x1xi32>
        %ge3A_256 = arith.cmpi sge, %iota3A_17, %ge3A_255 : vector<8x1xi32>
        %roll3A = arith.constant 1 : i32
        %roll3A_257 = tpu.dynamic_rotate %broadcast_in_dim3A_254 by %roll3A dim 0 : vector<8x1xi32>, i32 -> vector<8x1xi32>
        %jit3A_258 = arith.constant 0 : i32
        %broadcast_in_dim3A_259 = vector.broadcast %jit3A_258 : i32 to vector<8x1xi32>
        %select_n3A_260 = arith.select %ge3A_256, %roll3A_257, %broadcast_in_dim3A_259 : vector<8x1xi1>, vector<8x1xi32>
        %add3A_261 = arith.addi %broadcast_in_dim3A_254, %select_n3A_260 : vector<8x1xi32>
        %ge3A_262 = arith.constant 2 : i32
        %ge3A_263 = vector.broadcast %ge3A_262 : i32 to vector<8x1xi32>
        %ge3A_264 = arith.cmpi sge, %iota3A_17, %ge3A_263 : vector<8x1xi32>
        %roll3A_265 = arith.constant 2 : i32
        %roll3A_266 = tpu.dynamic_rotate %add3A_261 by %roll3A_265 dim 0 : vector<8x1xi32>, i32 -> vector<8x1xi32>
        %jit3A_267 = arith.constant 0 : i32
        %broadcast_in_dim3A_268 = vector.broadcast %jit3A_267 : i32 to vector<8x1xi32>
        %select_n3A_269 = arith.select %ge3A_264, %roll3A_266, %broadcast_in_dim3A_268 : vector<8x1xi1>, vector<8x1xi32>
        %add3A_270 = arith.addi %add3A_261, %select_n3A_269 : vector<8x1xi32>
        %ge3A_271 = arith.constant 4 : i32
        %ge3A_272 = vector.broadcast %ge3A_271 : i32 to vector<8x1xi32>
        %ge3A_273 = arith.cmpi sge, %iota3A_17, %ge3A_272 : vector<8x1xi32>
        %roll3A_274 = arith.constant 4 : i32
        %roll3A_275 = tpu.dynamic_rotate %add3A_270 by %roll3A_274 dim 0 : vector<8x1xi32>, i32 -> vector<8x1xi32>
        %jit3A_276 = arith.constant 0 : i32
        %broadcast_in_dim3A_277 = vector.broadcast %jit3A_276 : i32 to vector<8x1xi32>
        %select_n3A_278 = arith.select %ge3A_273, %roll3A_275, %broadcast_in_dim3A_277 : vector<8x1xi1>, vector<8x1xi32>
        %add3A_279 = arith.addi %add3A_270, %select_n3A_278 : vector<8x1xi32>
        %sub3A = arith.subi %add3A_279, %broadcast_in_dim3A_254 : vector<8x1xi32>
        %reduce_max3A = vector.shape_cast %broadcast_in_dim3A_254 : vector<8x1xi32> to vector<1x8x1xi32>
        %reduce_max3A_280 = arith.constant dense<-2147483648> : vector<1xi32>
        %reduce_max3A_281 = vector.multi_reduction <maxsi>, %reduce_max3A, %reduce_max3A_280 [1, 2] : vector<1x8x1xi32> to vector<1xi32>
        %reduce_max3A_282 = vector.shape_cast %reduce_max3A_281 : vector<1xi32> to vector<1x1x1xi32>
        %reduce_max3A_283 = vector.extract %reduce_max3A_282[0, 0, 0] : i32 from vector<1x1x1xi32>
        %add3A_284 = vector.broadcast %add3A_56 : i32 to vector<8x1xi32>
        %add3A_285 = arith.addi %iota3A_17, %add3A_284 : vector<8x1xi32>
        %broadcast_in_dim3A_286 = arith.constant 0 : i32
        %broadcast_in_dim3A_287 = vector.broadcast %broadcast_in_dim3A_286 : i32 to vector<8x128xi32>
        %while3A = arith.constant 0 : i32
        %while3A_288 = arith.subi %reduce_max3A_283, %while3A : i32
        %while3A_289 = arith.addi %while3A, %while3A_288 : i32
        %while3A_290 = arith.constant 1 : i32
        %while3A_291 = arith.divsi %while3A_288, %while3A_290 : i32
        %while3A_292 = arith.muli %while3A_291, %while3A_290 : i32
        %while3A_293 = arith.addi %while3A, %while3A_292 : i32
        %while3A_294 = arith.constant 1 : i32
        %while3A_295:3 = scf.for %while3A_341 = %while3A to %while3A_293 step %while3A_294 iter_args(%while3A_342 = %select_n3A, %while3A_343 = %broadcast_in_dim3A_287, %while3A_344 = %broadcast_in_dim3A_287) -> (vector<8x4096xi32>, vector<8x128xi32>, vector<8x128xi32>)  : i32 {
          %reduce_min3A = arith.constant dense<2147483647> : vector<8xi32>
          %reduce_min3A_345 = vector.multi_reduction <minsi>, %while3A_342, %reduce_min3A [1] : vector<8x4096xi32> to vector<8xi32>
          %broadcast_in_dim3A_346 = vector.shape_cast %reduce_min3A_345 : vector<8xi32> to vector<8x1xi32>
          %lt3A_347 = arith.constant 1073741824 : i32
          %lt3A_348 = vector.broadcast %lt3A_347 : i32 to vector<8x1xi32>
          %lt3A_349 = arith.cmpi slt, %broadcast_in_dim3A_346, %lt3A_348 : vector<8x1xi32>
          %add3A_350 = vector.broadcast %while3A_341 : i32 to vector<8x1xi32>
          %add3A_351 = arith.addi %sub3A, %add3A_350 : vector<8x1xi32>
          %eq3A_352 = vector.broadcast %add3A_351 : vector<8x1xi32> to vector<8x128xi32>
          %eq3A_353 = arith.cmpi eq, %iota3A_16, %eq3A_352 : vector<8x128xi32>
          %and3A_354 = vector.broadcast %lt3A_349 : vector<8x1xi1> to vector<8x128xi1>
          %and3A_355 = arith.andi %eq3A_353, %and3A_354 : vector<8x128xi1>
          %broadcast_in_dim3A_356 = vector.shape_cast %add3A_285 : vector<8x1xi32> to vector<8x1xi32>
          %broadcast_in_dim3A_357 = vector.broadcast %broadcast_in_dim3A_356 : vector<8x1xi32> to vector<8x128xi32>
          %select_n3A_358 = arith.select %and3A_355, %broadcast_in_dim3A_357, %while3A_343 : vector<8x128xi1>, vector<8x128xi32>
          %broadcast_in_dim3A_359 = vector.shape_cast %broadcast_in_dim3A_346 : vector<8x1xi32> to vector<8x1xi32>
          %broadcast_in_dim3A_360 = vector.broadcast %broadcast_in_dim3A_359 : vector<8x1xi32> to vector<8x128xi32>
          %select_n3A_361 = arith.select %and3A_355, %broadcast_in_dim3A_360, %while3A_344 : vector<8x128xi1>, vector<8x128xi32>
          %eq3A_362 = vector.broadcast %broadcast_in_dim3A_346 : vector<8x1xi32> to vector<8x4096xi32>
          %eq3A_363 = arith.cmpi eq, %while3A_342, %eq3A_362 : vector<8x4096xi32>
          %jit3A_364 = arith.constant 1073741824 : i32
          %broadcast_in_dim3A_365 = vector.broadcast %jit3A_364 : i32 to vector<8x4096xi32>
          %select_n3A_366 = arith.select %eq3A_363, %broadcast_in_dim3A_365, %while3A_342 : vector<8x4096xi1>, vector<8x4096xi32>
          scf.yield %select_n3A_366, %select_n3A_358, %select_n3A_361 : vector<8x4096xi32>, vector<8x128xi32>, vector<8x128xi32>
        }
        %while3A_296 = arith.constant 1 : i32
        %while3A_297:3 = scf.for %while3A_341 = %while3A_293 to %while3A_289 step %while3A_296 iter_args(%while3A_342 = %while3A_295#0, %while3A_343 = %while3A_295#1, %while3A_344 = %while3A_295#2) -> (vector<8x4096xi32>, vector<8x128xi32>, vector<8x128xi32>)  : i32 {
          %reduce_min3A = arith.constant dense<2147483647> : vector<8xi32>
          %reduce_min3A_345 = vector.multi_reduction <minsi>, %while3A_342, %reduce_min3A [1] : vector<8x4096xi32> to vector<8xi32>
          %broadcast_in_dim3A_346 = vector.shape_cast %reduce_min3A_345 : vector<8xi32> to vector<8x1xi32>
          %lt3A_347 = arith.constant 1073741824 : i32
          %lt3A_348 = vector.broadcast %lt3A_347 : i32 to vector<8x1xi32>
          %lt3A_349 = arith.cmpi slt, %broadcast_in_dim3A_346, %lt3A_348 : vector<8x1xi32>
          %add3A_350 = vector.broadcast %while3A_341 : i32 to vector<8x1xi32>
          %add3A_351 = arith.addi %sub3A, %add3A_350 : vector<8x1xi32>
          %eq3A_352 = vector.broadcast %add3A_351 : vector<8x1xi32> to vector<8x128xi32>
          %eq3A_353 = arith.cmpi eq, %iota3A_16, %eq3A_352 : vector<8x128xi32>
          %and3A_354 = vector.broadcast %lt3A_349 : vector<8x1xi1> to vector<8x128xi1>
          %and3A_355 = arith.andi %eq3A_353, %and3A_354 : vector<8x128xi1>
          %broadcast_in_dim3A_356 = vector.shape_cast %add3A_285 : vector<8x1xi32> to vector<8x1xi32>
          %broadcast_in_dim3A_357 = vector.broadcast %broadcast_in_dim3A_356 : vector<8x1xi32> to vector<8x128xi32>
          %select_n3A_358 = arith.select %and3A_355, %broadcast_in_dim3A_357, %while3A_343 : vector<8x128xi1>, vector<8x128xi32>
          %broadcast_in_dim3A_359 = vector.shape_cast %broadcast_in_dim3A_346 : vector<8x1xi32> to vector<8x1xi32>
          %broadcast_in_dim3A_360 = vector.broadcast %broadcast_in_dim3A_359 : vector<8x1xi32> to vector<8x128xi32>
          %select_n3A_361 = arith.select %and3A_355, %broadcast_in_dim3A_360, %while3A_344 : vector<8x128xi1>, vector<8x128xi32>
          %eq3A_362 = vector.broadcast %broadcast_in_dim3A_346 : vector<8x1xi32> to vector<8x4096xi32>
          %eq3A_363 = arith.cmpi eq, %while3A_342, %eq3A_362 : vector<8x4096xi32>
          %jit3A_364 = arith.constant 1073741824 : i32
          %broadcast_in_dim3A_365 = vector.broadcast %jit3A_364 : i32 to vector<8x4096xi32>
          %select_n3A_366 = arith.select %eq3A_363, %broadcast_in_dim3A_365, %while3A_342 : vector<8x4096xi1>, vector<8x4096xi32>
          scf.yield %select_n3A_366, %select_n3A_358, %select_n3A_361 : vector<8x4096xi32>, vector<8x128xi32>, vector<8x128xi32>
        }
        %reduce_sum3A_298 = arith.constant dense<0> : vector<128xi32>
        %reduce_sum3A_299 = vector.multi_reduction <add>, %while3A_297#1, %reduce_sum3A_298 [0] : vector<8x128xi32> to vector<128xi32>
        %broadcast_in_dim3A_300 = vector.shape_cast %reduce_sum3A_299 : vector<128xi32> to vector<1x128xi32>
        %reduce_sum3A_301 = arith.constant dense<0> : vector<128xi32>
        %reduce_sum3A_302 = vector.multi_reduction <add>, %while3A_297#2, %reduce_sum3A_301 [0] : vector<8x128xi32> to vector<128xi32>
        %broadcast_in_dim3A_303 = vector.shape_cast %reduce_sum3A_302 : vector<128xi32> to vector<1x128xi32>
        %get3A_304 = arith.constant 0 : index
        %get3A_305 = memref.load %arg4[%get3A_304] : memref<1xi32, #tpu.memory_space<smem>>
        %and3A_306 = arith.constant 127 : i32
        %and3A_307 = arith.andi %get3A_305, %and3A_306 : i32
        %sub3A_308 = arith.subi %get3A_305, %and3A_307 : i32
        %multiple_of3A = tpu.assume_multiple %sub3A_308, 128 : i32
        %roll3A_309 = tpu.dynamic_rotate %broadcast_in_dim3A_300 by %and3A_307 dim 1 : vector<1x128xi32>, i32 -> vector<1x128xi32>
        %roll3A_310 = tpu.dynamic_rotate %broadcast_in_dim3A_303 by %and3A_307 dim 1 : vector<1x128xi32>, i32 -> vector<1x128xi32>
        %ge3A_311 = vector.broadcast %and3A_307 : i32 to vector<1x128xi32>
        %ge3A_312 = arith.cmpi sge, %iota3A, %ge3A_311 : vector<1x128xi32>
        %add3A_313 = arith.addi %and3A_307, %reduce_sum3A_63 : i32
        %lt3A = vector.broadcast %add3A_313 : i32 to vector<1x128xi32>
        %lt3A_314 = arith.cmpi slt, %iota3A, %lt3A : vector<1x128xi32>
        %and3A_315 = arith.andi %ge3A_312, %lt3A_314 : vector<1x128xi1>
        %get3A_316 = arith.constant 0 : index
        %get3A_317 = arith.constant 0 : index
        %get3A_318 = vector.load %arg5[%get3A_316, %get3A_317] : memref<1x128xi32, #tpu.memory_space<vmem>>, vector<1x128xi32>
        %select_n3A_319 = arith.select %and3A_315, %roll3A_309, %get3A_318 : vector<1x128xi1>, vector<1x128xi32>
        %get3A_320 = arith.constant 0 : index
        %get3A_321 = arith.constant 0 : index
        %get3A_322 = vector.load %arg6[%get3A_320, %get3A_321] : memref<1x128xi32, #tpu.memory_space<vmem>>, vector<1x128xi32>
        %select_n3A_323 = arith.select %and3A_315, %roll3A_310, %get3A_322 : vector<1x128xi1>, vector<1x128xi32>
        %add3A_324 = arith.addi %and3A_307, %reduce_sum3A_63 : i32
        %sub3A_325 = arith.constant 128 : i32
        %sub3A_326 = arith.subi %add3A_324, %sub3A_325 : i32
        %lt3A_327 = vector.broadcast %sub3A_326 : i32 to vector<1x128xi32>
        %lt3A_328 = arith.cmpi slt, %iota3A, %lt3A_327 : vector<1x128xi32>
        %add3A_329 = arith.addi %and3A_307, %reduce_sum3A_63 : i32
        %ge3A_330 = arith.constant 128 : i32
        %ge3A_331 = arith.cmpi sge, %add3A_329, %ge3A_330 : i32
        %convert_element_type3A_332 = arith.extui %ge3A_331 : i1 to i32
        %cond3A_333 = arith.constant 0 : i32
        %cond3A_334 = arith.cmpi ne, %convert_element_type3A_332, %cond3A_333 : i32
        scf.if %cond3A_334 {
          %swap3A_341 = arith.constant 0 : index
          %swap3A_342 = arith.index_cast %multiple_of3A : i32 to index
          %swap3A_343 = vector.load %arg2[%swap3A_341, %swap3A_342] : memref<1x4224xi32, #tpu.memory_space<vmem>>, vector<1x128xi32>
          tpu.vector_store %arg2[%swap3A_341, %swap3A_342], %select_n3A_319 {strides = array<i32>} : memref<1x4224xi32, #tpu.memory_space<vmem>>, vector<1x128xi32>,
          %swap3A_344 = arith.constant 0 : index
          %swap3A_345 = arith.index_cast %multiple_of3A : i32 to index
          %swap3A_346 = vector.load %arg3[%swap3A_344, %swap3A_345] : memref<1x4224xi32, #tpu.memory_space<vmem>>, vector<1x128xi32>
          tpu.vector_store %arg3[%swap3A_344, %swap3A_345], %select_n3A_323 {strides = array<i32>} : memref<1x4224xi32, #tpu.memory_space<vmem>>, vector<1x128xi32>,
          %jit3A_347 = arith.constant 0 : i32
          %broadcast_in_dim3A_348 = vector.broadcast %jit3A_347 : i32 to vector<1x128xi32>
          %select_n3A_349 = arith.select %lt3A_328, %roll3A_309, %broadcast_in_dim3A_348 : vector<1x128xi1>, vector<1x128xi32>
          %swap3A_350 = arith.constant 0 : index
          %swap3A_351 = arith.constant 0 : index
          %swap3A_352 = vector.load %arg5[%swap3A_350, %swap3A_351] : memref<1x128xi32, #tpu.memory_space<vmem>>, vector<1x128xi32>
          tpu.vector_store %arg5[%swap3A_350, %swap3A_351], %select_n3A_349 {strides = array<i32>} : memref<1x128xi32, #tpu.memory_space<vmem>>, vector<1x128xi32>,
          %jit3A_353 = arith.constant 0 : i32
          %broadcast_in_dim3A_354 = vector.broadcast %jit3A_353 : i32 to vector<1x128xi32>
          %select_n3A_355 = arith.select %lt3A_328, %roll3A_310, %broadcast_in_dim3A_354 : vector<1x128xi1>, vector<1x128xi32>
          %swap3A_356 = arith.constant 0 : index
          %swap3A_357 = arith.constant 0 : index
          %swap3A_358 = vector.load %arg6[%swap3A_356, %swap3A_357] : memref<1x128xi32, #tpu.memory_space<vmem>>, vector<1x128xi32>
          tpu.vector_store %arg6[%swap3A_356, %swap3A_357], %select_n3A_355 {strides = array<i32>} : memref<1x128xi32, #tpu.memory_space<vmem>>, vector<1x128xi32>,
        } else {
        }
        %not3A = arith.constant true
        %not3A_335 = arith.xori %ge3A_331, %not3A : i1
        %convert_element_type3A_336 = arith.extui %not3A_335 : i1 to i32
        %cond3A_337 = arith.constant 0 : i32
        %cond3A_338 = arith.cmpi ne, %convert_element_type3A_336, %cond3A_337 : i32
        scf.if %cond3A_338 {
          %swap3A_341 = arith.constant 0 : index
          %swap3A_342 = arith.constant 0 : index
          %swap3A_343 = vector.load %arg5[%swap3A_341, %swap3A_342] : memref<1x128xi32, #tpu.memory_space<vmem>>, vector<1x128xi32>
          tpu.vector_store %arg5[%swap3A_341, %swap3A_342], %select_n3A_319 {strides = array<i32>} : memref<1x128xi32, #tpu.memory_space<vmem>>, vector<1x128xi32>,
          %swap3A_344 = arith.constant 0 : index
          %swap3A_345 = arith.constant 0 : index
          %swap3A_346 = vector.load %arg6[%swap3A_344, %swap3A_345] : memref<1x128xi32, #tpu.memory_space<vmem>>, vector<1x128xi32>
          tpu.vector_store %arg6[%swap3A_344, %swap3A_345], %select_n3A_323 {strides = array<i32>} : memref<1x128xi32, #tpu.memory_space<vmem>>, vector<1x128xi32>,
        } else {
        }
        %add3A_339 = arith.addi %get3A_305, %reduce_sum3A_63 : i32
        %swap3A = arith.constant 0 : index
        %swap3A_340 = memref.load %arg4[%swap3A] : memref<1xi32, #tpu.memory_space<smem>>
        memref.store %add3A_339, %arg4[%swap3A] : memref<1xi32, #tpu.memory_space<smem>>
      } else {
      }
      %add3A_69 = arith.constant 24 : i32
      %add3A_70 = arith.addi %mul3A_4, %add3A_69 : i32
      %slice3A_71 = vector.extract_strided_slice %and3A {offsets = [24, 0], sizes = [8, 4096], strides = [1, 1]} : vector<128x4096xi1> to vector<8x4096xi1>
      %convert_element_type3A_72 = arith.extui %slice3A_71 : vector<8x4096xi1> to vector<8x4096xi32>
      %reduce_sum3A_73 = vector.shape_cast %convert_element_type3A_72 : vector<8x4096xi32> to vector<1x8x4096xi32>
      %reduce_sum3A_74 = arith.constant dense<0> : vector<1xi32>
      %reduce_sum3A_75 = vector.multi_reduction <add>, %reduce_sum3A_73, %reduce_sum3A_74 [1, 2] : vector<1x8x4096xi32> to vector<1xi32>
      %reduce_sum3A_76 = vector.shape_cast %reduce_sum3A_75 : vector<1xi32> to vector<1x1x1xi32>
      %reduce_sum3A_77 = vector.extract %reduce_sum3A_76[0, 0, 0] : i32 from vector<1x1x1xi32>
      %gt3A_78 = arith.constant 0 : i32
      %gt3A_79 = arith.cmpi sgt, %reduce_sum3A_77, %gt3A_78 : i32
      %convert_element_type3A_80 = arith.extui %gt3A_79 : i1 to i32
      %cond3A_81 = arith.constant 0 : i32
      %cond3A_82 = arith.cmpi ne, %convert_element_type3A_80, %cond3A_81 : i32
      scf.if %cond3A_82 {
        %jit3A = arith.constant 1073741824 : i32
        %broadcast_in_dim3A = vector.broadcast %jit3A : i32 to vector<8x4096xi32>
        %select_n3A = arith.select %slice3A_71, %iota3A_15, %broadcast_in_dim3A : vector<8x4096xi1>, vector<8x4096xi32>
        %convert_element_type3A_251 = arith.extui %slice3A_71 : vector<8x4096xi1> to vector<8x4096xi32>
        %reduce_sum3A_252 = arith.constant dense<0> : vector<8xi32>
        %reduce_sum3A_253 = vector.multi_reduction <add>, %convert_element_type3A_251, %reduce_sum3A_252 [1] : vector<8x4096xi32> to vector<8xi32>
        %broadcast_in_dim3A_254 = vector.shape_cast %reduce_sum3A_253 : vector<8xi32> to vector<8x1xi32>
        %ge3A = arith.constant 1 : i32
        %ge3A_255 = vector.broadcast %ge3A : i32 to vector<8x1xi32>
        %ge3A_256 = arith.cmpi sge, %iota3A_17, %ge3A_255 : vector<8x1xi32>
        %roll3A = arith.constant 1 : i32
        %roll3A_257 = tpu.dynamic_rotate %broadcast_in_dim3A_254 by %roll3A dim 0 : vector<8x1xi32>, i32 -> vector<8x1xi32>
        %jit3A_258 = arith.constant 0 : i32
        %broadcast_in_dim3A_259 = vector.broadcast %jit3A_258 : i32 to vector<8x1xi32>
        %select_n3A_260 = arith.select %ge3A_256, %roll3A_257, %broadcast_in_dim3A_259 : vector<8x1xi1>, vector<8x1xi32>
        %add3A_261 = arith.addi %broadcast_in_dim3A_254, %select_n3A_260 : vector<8x1xi32>
        %ge3A_262 = arith.constant 2 : i32
        %ge3A_263 = vector.broadcast %ge3A_262 : i32 to vector<8x1xi32>
        %ge3A_264 = arith.cmpi sge, %iota3A_17, %ge3A_263 : vector<8x1xi32>
        %roll3A_265 = arith.constant 2 : i32
        %roll3A_266 = tpu.dynamic_rotate %add3A_261 by %roll3A_265 dim 0 : vector<8x1xi32>, i32 -> vector<8x1xi32>
        %jit3A_267 = arith.constant 0 : i32
        %broadcast_in_dim3A_268 = vector.broadcast %jit3A_267 : i32 to vector<8x1xi32>
        %select_n3A_269 = arith.select %ge3A_264, %roll3A_266, %broadcast_in_dim3A_268 : vector<8x1xi1>, vector<8x1xi32>
        %add3A_270 = arith.addi %add3A_261, %select_n3A_269 : vector<8x1xi32>
        %ge3A_271 = arith.constant 4 : i32
        %ge3A_272 = vector.broadcast %ge3A_271 : i32 to vector<8x1xi32>
        %ge3A_273 = arith.cmpi sge, %iota3A_17, %ge3A_272 : vector<8x1xi32>
        %roll3A_274 = arith.constant 4 : i32
        %roll3A_275 = tpu.dynamic_rotate %add3A_270 by %roll3A_274 dim 0 : vector<8x1xi32>, i32 -> vector<8x1xi32>
        %jit3A_276 = arith.constant 0 : i32
        %broadcast_in_dim3A_277 = vector.broadcast %jit3A_276 : i32 to vector<8x1xi32>
        %select_n3A_278 = arith.select %ge3A_273, %roll3A_275, %broadcast_in_dim3A_277 : vector<8x1xi1>, vector<8x1xi32>
        %add3A_279 = arith.addi %add3A_270, %select_n3A_278 : vector<8x1xi32>
        %sub3A = arith.subi %add3A_279, %broadcast_in_dim3A_254 : vector<8x1xi32>
        %reduce_max3A = vector.shape_cast %broadcast_in_dim3A_254 : vector<8x1xi32> to vector<1x8x1xi32>
        %reduce_max3A_280 = arith.constant dense<-2147483648> : vector<1xi32>
        %reduce_max3A_281 = vector.multi_reduction <maxsi>, %reduce_max3A, %reduce_max3A_280 [1, 2] : vector<1x8x1xi32> to vector<1xi32>
        %reduce_max3A_282 = vector.shape_cast %reduce_max3A_281 : vector<1xi32> to vector<1x1x1xi32>
        %reduce_max3A_283 = vector.extract %reduce_max3A_282[0, 0, 0] : i32 from vector<1x1x1xi32>
        %add3A_284 = vector.broadcast %add3A_70 : i32 to vector<8x1xi32>
        %add3A_285 = arith.addi %iota3A_17, %add3A_284 : vector<8x1xi32>
        %broadcast_in_dim3A_286 = arith.constant 0 : i32
        %broadcast_in_dim3A_287 = vector.broadcast %broadcast_in_dim3A_286 : i32 to vector<8x128xi32>
        %while3A = arith.constant 0 : i32
        %while3A_288 = arith.subi %reduce_max3A_283, %while3A : i32
        %while3A_289 = arith.addi %while3A, %while3A_288 : i32
        %while3A_290 = arith.constant 1 : i32
        %while3A_291 = arith.divsi %while3A_288, %while3A_290 : i32
        %while3A_292 = arith.muli %while3A_291, %while3A_290 : i32
        %while3A_293 = arith.addi %while3A, %while3A_292 : i32
        %while3A_294 = arith.constant 1 : i32
        %while3A_295:3 = scf.for %while3A_341 = %while3A to %while3A_293 step %while3A_294 iter_args(%while3A_342 = %select_n3A, %while3A_343 = %broadcast_in_dim3A_287, %while3A_344 = %broadcast_in_dim3A_287) -> (vector<8x4096xi32>, vector<8x128xi32>, vector<8x128xi32>)  : i32 {
          %reduce_min3A = arith.constant dense<2147483647> : vector<8xi32>
          %reduce_min3A_345 = vector.multi_reduction <minsi>, %while3A_342, %reduce_min3A [1] : vector<8x4096xi32> to vector<8xi32>
          %broadcast_in_dim3A_346 = vector.shape_cast %reduce_min3A_345 : vector<8xi32> to vector<8x1xi32>
          %lt3A_347 = arith.constant 1073741824 : i32
          %lt3A_348 = vector.broadcast %lt3A_347 : i32 to vector<8x1xi32>
          %lt3A_349 = arith.cmpi slt, %broadcast_in_dim3A_346, %lt3A_348 : vector<8x1xi32>
          %add3A_350 = vector.broadcast %while3A_341 : i32 to vector<8x1xi32>
          %add3A_351 = arith.addi %sub3A, %add3A_350 : vector<8x1xi32>
          %eq3A_352 = vector.broadcast %add3A_351 : vector<8x1xi32> to vector<8x128xi32>
          %eq3A_353 = arith.cmpi eq, %iota3A_16, %eq3A_352 : vector<8x128xi32>
          %and3A_354 = vector.broadcast %lt3A_349 : vector<8x1xi1> to vector<8x128xi1>
          %and3A_355 = arith.andi %eq3A_353, %and3A_354 : vector<8x128xi1>
          %broadcast_in_dim3A_356 = vector.shape_cast %add3A_285 : vector<8x1xi32> to vector<8x1xi32>
          %broadcast_in_dim3A_357 = vector.broadcast %broadcast_in_dim3A_356 : vector<8x1xi32> to vector<8x128xi32>
          %select_n3A_358 = arith.select %and3A_355, %broadcast_in_dim3A_357, %while3A_343 : vector<8x128xi1>, vector<8x128xi32>
          %broadcast_in_dim3A_359 = vector.shape_cast %broadcast_in_dim3A_346 : vector<8x1xi32> to vector<8x1xi32>
          %broadcast_in_dim3A_360 = vector.broadcast %broadcast_in_dim3A_359 : vector<8x1xi32> to vector<8x128xi32>
          %select_n3A_361 = arith.select %and3A_355, %broadcast_in_dim3A_360, %while3A_344 : vector<8x128xi1>, vector<8x128xi32>
          %eq3A_362 = vector.broadcast %broadcast_in_dim3A_346 : vector<8x1xi32> to vector<8x4096xi32>
          %eq3A_363 = arith.cmpi eq, %while3A_342, %eq3A_362 : vector<8x4096xi32>
          %jit3A_364 = arith.constant 1073741824 : i32
          %broadcast_in_dim3A_365 = vector.broadcast %jit3A_364 : i32 to vector<8x4096xi32>
          %select_n3A_366 = arith.select %eq3A_363, %broadcast_in_dim3A_365, %while3A_342 : vector<8x4096xi1>, vector<8x4096xi32>
          scf.yield %select_n3A_366, %select_n3A_358, %select_n3A_361 : vector<8x4096xi32>, vector<8x128xi32>, vector<8x128xi32>
        }
        %while3A_296 = arith.constant 1 : i32
        %while3A_297:3 = scf.for %while3A_341 = %while3A_293 to %while3A_289 step %while3A_296 iter_args(%while3A_342 = %while3A_295#0, %while3A_343 = %while3A_295#1, %while3A_344 = %while3A_295#2) -> (vector<8x4096xi32>, vector<8x128xi32>, vector<8x128xi32>)  : i32 {
          %reduce_min3A = arith.constant dense<2147483647> : vector<8xi32>
          %reduce_min3A_345 = vector.multi_reduction <minsi>, %while3A_342, %reduce_min3A [1] : vector<8x4096xi32> to vector<8xi32>
          %broadcast_in_dim3A_346 = vector.shape_cast %reduce_min3A_345 : vector<8xi32> to vector<8x1xi32>
          %lt3A_347 = arith.constant 1073741824 : i32
          %lt3A_348 = vector.broadcast %lt3A_347 : i32 to vector<8x1xi32>
          %lt3A_349 = arith.cmpi slt, %broadcast_in_dim3A_346, %lt3A_348 : vector<8x1xi32>
          %add3A_350 = vector.broadcast %while3A_341 : i32 to vector<8x1xi32>
          %add3A_351 = arith.addi %sub3A, %add3A_350 : vector<8x1xi32>
          %eq3A_352 = vector.broadcast %add3A_351 : vector<8x1xi32> to vector<8x128xi32>
          %eq3A_353 = arith.cmpi eq, %iota3A_16, %eq3A_352 : vector<8x128xi32>
          %and3A_354 = vector.broadcast %lt3A_349 : vector<8x1xi1> to vector<8x128xi1>
          %and3A_355 = arith.andi %eq3A_353, %and3A_354 : vector<8x128xi1>
          %broadcast_in_dim3A_356 = vector.shape_cast %add3A_285 : vector<8x1xi32> to vector<8x1xi32>
          %broadcast_in_dim3A_357 = vector.broadcast %broadcast_in_dim3A_356 : vector<8x1xi32> to vector<8x128xi32>
          %select_n3A_358 = arith.select %and3A_355, %broadcast_in_dim3A_357, %while3A_343 : vector<8x128xi1>, vector<8x128xi32>
          %broadcast_in_dim3A_359 = vector.shape_cast %broadcast_in_dim3A_346 : vector<8x1xi32> to vector<8x1xi32>
          %broadcast_in_dim3A_360 = vector.broadcast %broadcast_in_dim3A_359 : vector<8x1xi32> to vector<8x128xi32>
          %select_n3A_361 = arith.select %and3A_355, %broadcast_in_dim3A_360, %while3A_344 : vector<8x128xi1>, vector<8x128xi32>
          %eq3A_362 = vector.broadcast %broadcast_in_dim3A_346 : vector<8x1xi32> to vector<8x4096xi32>
          %eq3A_363 = arith.cmpi eq, %while3A_342, %eq3A_362 : vector<8x4096xi32>
          %jit3A_364 = arith.constant 1073741824 : i32
          %broadcast_in_dim3A_365 = vector.broadcast %jit3A_364 : i32 to vector<8x4096xi32>
          %select_n3A_366 = arith.select %eq3A_363, %broadcast_in_dim3A_365, %while3A_342 : vector<8x4096xi1>, vector<8x4096xi32>
          scf.yield %select_n3A_366, %select_n3A_358, %select_n3A_361 : vector<8x4096xi32>, vector<8x128xi32>, vector<8x128xi32>
        }
        %reduce_sum3A_298 = arith.constant dense<0> : vector<128xi32>
        %reduce_sum3A_299 = vector.multi_reduction <add>, %while3A_297#1, %reduce_sum3A_298 [0] : vector<8x128xi32> to vector<128xi32>
        %broadcast_in_dim3A_300 = vector.shape_cast %reduce_sum3A_299 : vector<128xi32> to vector<1x128xi32>
        %reduce_sum3A_301 = arith.constant dense<0> : vector<128xi32>
        %reduce_sum3A_302 = vector.multi_reduction <add>, %while3A_297#2, %reduce_sum3A_301 [0] : vector<8x128xi32> to vector<128xi32>
        %broadcast_in_dim3A_303 = vector.shape_cast %reduce_sum3A_302 : vector<128xi32> to vector<1x128xi32>
        %get3A_304 = arith.constant 0 : index
        %get3A_305 = memref.load %arg4[%get3A_304] : memref<1xi32, #tpu.memory_space<smem>>
        %and3A_306 = arith.constant 127 : i32
        %and3A_307 = arith.andi %get3A_305, %and3A_306 : i32
        %sub3A_308 = arith.subi %get3A_305, %and3A_307 : i32
        %multiple_of3A = tpu.assume_multiple %sub3A_308, 128 : i32
        %roll3A_309 = tpu.dynamic_rotate %broadcast_in_dim3A_300 by %and3A_307 dim 1 : vector<1x128xi32>, i32 -> vector<1x128xi32>
        %roll3A_310 = tpu.dynamic_rotate %broadcast_in_dim3A_303 by %and3A_307 dim 1 : vector<1x128xi32>, i32 -> vector<1x128xi32>
        %ge3A_311 = vector.broadcast %and3A_307 : i32 to vector<1x128xi32>
        %ge3A_312 = arith.cmpi sge, %iota3A, %ge3A_311 : vector<1x128xi32>
        %add3A_313 = arith.addi %and3A_307, %reduce_sum3A_77 : i32
        %lt3A = vector.broadcast %add3A_313 : i32 to vector<1x128xi32>
        %lt3A_314 = arith.cmpi slt, %iota3A, %lt3A : vector<1x128xi32>
        %and3A_315 = arith.andi %ge3A_312, %lt3A_314 : vector<1x128xi1>
        %get3A_316 = arith.constant 0 : index
        %get3A_317 = arith.constant 0 : index
        %get3A_318 = vector.load %arg5[%get3A_316, %get3A_317] : memref<1x128xi32, #tpu.memory_space<vmem>>, vector<1x128xi32>
        %select_n3A_319 = arith.select %and3A_315, %roll3A_309, %get3A_318 : vector<1x128xi1>, vector<1x128xi32>
        %get3A_320 = arith.constant 0 : index
        %get3A_321 = arith.constant 0 : index
        %get3A_322 = vector.load %arg6[%get3A_320, %get3A_321] : memref<1x128xi32, #tpu.memory_space<vmem>>, vector<1x128xi32>
        %select_n3A_323 = arith.select %and3A_315, %roll3A_310, %get3A_322 : vector<1x128xi1>, vector<1x128xi32>
        %add3A_324 = arith.addi %and3A_307, %reduce_sum3A_77 : i32
        %sub3A_325 = arith.constant 128 : i32
        %sub3A_326 = arith.subi %add3A_324, %sub3A_325 : i32
        %lt3A_327 = vector.broadcast %sub3A_326 : i32 to vector<1x128xi32>
        %lt3A_328 = arith.cmpi slt, %iota3A, %lt3A_327 : vector<1x128xi32>
        %add3A_329 = arith.addi %and3A_307, %reduce_sum3A_77 : i32
        %ge3A_330 = arith.constant 128 : i32
        %ge3A_331 = arith.cmpi sge, %add3A_329, %ge3A_330 : i32
        %convert_element_type3A_332 = arith.extui %ge3A_331 : i1 to i32
        %cond3A_333 = arith.constant 0 : i32
        %cond3A_334 = arith.cmpi ne, %convert_element_type3A_332, %cond3A_333 : i32
        scf.if %cond3A_334 {
          %swap3A_341 = arith.constant 0 : index
          %swap3A_342 = arith.index_cast %multiple_of3A : i32 to index
          %swap3A_343 = vector.load %arg2[%swap3A_341, %swap3A_342] : memref<1x4224xi32, #tpu.memory_space<vmem>>, vector<1x128xi32>
          tpu.vector_store %arg2[%swap3A_341, %swap3A_342], %select_n3A_319 {strides = array<i32>} : memref<1x4224xi32, #tpu.memory_space<vmem>>, vector<1x128xi32>,
          %swap3A_344 = arith.constant 0 : index
          %swap3A_345 = arith.index_cast %multiple_of3A : i32 to index
          %swap3A_346 = vector.load %arg3[%swap3A_344, %swap3A_345] : memref<1x4224xi32, #tpu.memory_space<vmem>>, vector<1x128xi32>
          tpu.vector_store %arg3[%swap3A_344, %swap3A_345], %select_n3A_323 {strides = array<i32>} : memref<1x4224xi32, #tpu.memory_space<vmem>>, vector<1x128xi32>,
          %jit3A_347 = arith.constant 0 : i32
          %broadcast_in_dim3A_348 = vector.broadcast %jit3A_347 : i32 to vector<1x128xi32>
          %select_n3A_349 = arith.select %lt3A_328, %roll3A_309, %broadcast_in_dim3A_348 : vector<1x128xi1>, vector<1x128xi32>
          %swap3A_350 = arith.constant 0 : index
          %swap3A_351 = arith.constant 0 : index
          %swap3A_352 = vector.load %arg5[%swap3A_350, %swap3A_351] : memref<1x128xi32, #tpu.memory_space<vmem>>, vector<1x128xi32>
          tpu.vector_store %arg5[%swap3A_350, %swap3A_351], %select_n3A_349 {strides = array<i32>} : memref<1x128xi32, #tpu.memory_space<vmem>>, vector<1x128xi32>,
          %jit3A_353 = arith.constant 0 : i32
          %broadcast_in_dim3A_354 = vector.broadcast %jit3A_353 : i32 to vector<1x128xi32>
          %select_n3A_355 = arith.select %lt3A_328, %roll3A_310, %broadcast_in_dim3A_354 : vector<1x128xi1>, vector<1x128xi32>
          %swap3A_356 = arith.constant 0 : index
          %swap3A_357 = arith.constant 0 : index
          %swap3A_358 = vector.load %arg6[%swap3A_356, %swap3A_357] : memref<1x128xi32, #tpu.memory_space<vmem>>, vector<1x128xi32>
          tpu.vector_store %arg6[%swap3A_356, %swap3A_357], %select_n3A_355 {strides = array<i32>} : memref<1x128xi32, #tpu.memory_space<vmem>>, vector<1x128xi32>,
        } else {
        }
        %not3A = arith.constant true
        %not3A_335 = arith.xori %ge3A_331, %not3A : i1
        %convert_element_type3A_336 = arith.extui %not3A_335 : i1 to i32
        %cond3A_337 = arith.constant 0 : i32
        %cond3A_338 = arith.cmpi ne, %convert_element_type3A_336, %cond3A_337 : i32
        scf.if %cond3A_338 {
          %swap3A_341 = arith.constant 0 : index
          %swap3A_342 = arith.constant 0 : index
          %swap3A_343 = vector.load %arg5[%swap3A_341, %swap3A_342] : memref<1x128xi32, #tpu.memory_space<vmem>>, vector<1x128xi32>
          tpu.vector_store %arg5[%swap3A_341, %swap3A_342], %select_n3A_319 {strides = array<i32>} : memref<1x128xi32, #tpu.memory_space<vmem>>, vector<1x128xi32>,
          %swap3A_344 = arith.constant 0 : index
          %swap3A_345 = arith.constant 0 : index
          %swap3A_346 = vector.load %arg6[%swap3A_344, %swap3A_345] : memref<1x128xi32, #tpu.memory_space<vmem>>, vector<1x128xi32>
          tpu.vector_store %arg6[%swap3A_344, %swap3A_345], %select_n3A_323 {strides = array<i32>} : memref<1x128xi32, #tpu.memory_space<vmem>>, vector<1x128xi32>,
        } else {
        }
        %add3A_339 = arith.addi %get3A_305, %reduce_sum3A_77 : i32
        %swap3A = arith.constant 0 : index
        %swap3A_340 = memref.load %arg4[%swap3A] : memref<1xi32, #tpu.memory_space<smem>>
        memref.store %add3A_339, %arg4[%swap3A] : memref<1xi32, #tpu.memory_space<smem>>
      } else {
      }
      %add3A_83 = arith.constant 32 : i32
      %add3A_84 = arith.addi %mul3A_4, %add3A_83 : i32
      %slice3A_85 = vector.extract_strided_slice %and3A {offsets = [32, 0], sizes = [8, 4096], strides = [1, 1]} : vector<128x4096xi1> to vector<8x4096xi1>
      %convert_element_type3A_86 = arith.extui %slice3A_85 : vector<8x4096xi1> to vector<8x4096xi32>
      %reduce_sum3A_87 = vector.shape_cast %convert_element_type3A_86 : vector<8x4096xi32> to vector<1x8x4096xi32>
      %reduce_sum3A_88 = arith.constant dense<0> : vector<1xi32>
      %reduce_sum3A_89 = vector.multi_reduction <add>, %reduce_sum3A_87, %reduce_sum3A_88 [1, 2] : vector<1x8x4096xi32> to vector<1xi32>
      %reduce_sum3A_90 = vector.shape_cast %reduce_sum3A_89 : vector<1xi32> to vector<1x1x1xi32>
      %reduce_sum3A_91 = vector.extract %reduce_sum3A_90[0, 0, 0] : i32 from vector<1x1x1xi32>
      %gt3A_92 = arith.constant 0 : i32
      %gt3A_93 = arith.cmpi sgt, %reduce_sum3A_91, %gt3A_92 : i32
      %convert_element_type3A_94 = arith.extui %gt3A_93 : i1 to i32
      %cond3A_95 = arith.constant 0 : i32
      %cond3A_96 = arith.cmpi ne, %convert_element_type3A_94, %cond3A_95 : i32
      scf.if %cond3A_96 {
        %jit3A = arith.constant 1073741824 : i32
        %broadcast_in_dim3A = vector.broadcast %jit3A : i32 to vector<8x4096xi32>
        %select_n3A = arith.select %slice3A_85, %iota3A_15, %broadcast_in_dim3A : vector<8x4096xi1>, vector<8x4096xi32>
        %convert_element_type3A_251 = arith.extui %slice3A_85 : vector<8x4096xi1> to vector<8x4096xi32>
        %reduce_sum3A_252 = arith.constant dense<0> : vector<8xi32>
        %reduce_sum3A_253 = vector.multi_reduction <add>, %convert_element_type3A_251, %reduce_sum3A_252 [1] : vector<8x4096xi32> to vector<8xi32>
        %broadcast_in_dim3A_254 = vector.shape_cast %reduce_sum3A_253 : vector<8xi32> to vector<8x1xi32>
        %ge3A = arith.constant 1 : i32
        %ge3A_255 = vector.broadcast %ge3A : i32 to vector<8x1xi32>
        %ge3A_256 = arith.cmpi sge, %iota3A_17, %ge3A_255 : vector<8x1xi32>
        %roll3A = arith.constant 1 : i32
        %roll3A_257 = tpu.dynamic_rotate %broadcast_in_dim3A_254 by %roll3A dim 0 : vector<8x1xi32>, i32 -> vector<8x1xi32>
        %jit3A_258 = arith.constant 0 : i32
        %broadcast_in_dim3A_259 = vector.broadcast %jit3A_258 : i32 to vector<8x1xi32>
        %select_n3A_260 = arith.select %ge3A_256, %roll3A_257, %broadcast_in_dim3A_259 : vector<8x1xi1>, vector<8x1xi32>
        %add3A_261 = arith.addi %broadcast_in_dim3A_254, %select_n3A_260 : vector<8x1xi32>
        %ge3A_262 = arith.constant 2 : i32
        %ge3A_263 = vector.broadcast %ge3A_262 : i32 to vector<8x1xi32>
        %ge3A_264 = arith.cmpi sge, %iota3A_17, %ge3A_263 : vector<8x1xi32>
        %roll3A_265 = arith.constant 2 : i32
        %roll3A_266 = tpu.dynamic_rotate %add3A_261 by %roll3A_265 dim 0 : vector<8x1xi32>, i32 -> vector<8x1xi32>
        %jit3A_267 = arith.constant 0 : i32
        %broadcast_in_dim3A_268 = vector.broadcast %jit3A_267 : i32 to vector<8x1xi32>
        %select_n3A_269 = arith.select %ge3A_264, %roll3A_266, %broadcast_in_dim3A_268 : vector<8x1xi1>, vector<8x1xi32>
        %add3A_270 = arith.addi %add3A_261, %select_n3A_269 : vector<8x1xi32>
        %ge3A_271 = arith.constant 4 : i32
        %ge3A_272 = vector.broadcast %ge3A_271 : i32 to vector<8x1xi32>
        %ge3A_273 = arith.cmpi sge, %iota3A_17, %ge3A_272 : vector<8x1xi32>
        %roll3A_274 = arith.constant 4 : i32
        %roll3A_275 = tpu.dynamic_rotate %add3A_270 by %roll3A_274 dim 0 : vector<8x1xi32>, i32 -> vector<8x1xi32>
        %jit3A_276 = arith.constant 0 : i32
        %broadcast_in_dim3A_277 = vector.broadcast %jit3A_276 : i32 to vector<8x1xi32>
        %select_n3A_278 = arith.select %ge3A_273, %roll3A_275, %broadcast_in_dim3A_277 : vector<8x1xi1>, vector<8x1xi32>
        %add3A_279 = arith.addi %add3A_270, %select_n3A_278 : vector<8x1xi32>
        %sub3A = arith.subi %add3A_279, %broadcast_in_dim3A_254 : vector<8x1xi32>
        %reduce_max3A = vector.shape_cast %broadcast_in_dim3A_254 : vector<8x1xi32> to vector<1x8x1xi32>
        %reduce_max3A_280 = arith.constant dense<-2147483648> : vector<1xi32>
        %reduce_max3A_281 = vector.multi_reduction <maxsi>, %reduce_max3A, %reduce_max3A_280 [1, 2] : vector<1x8x1xi32> to vector<1xi32>
        %reduce_max3A_282 = vector.shape_cast %reduce_max3A_281 : vector<1xi32> to vector<1x1x1xi32>
        %reduce_max3A_283 = vector.extract %reduce_max3A_282[0, 0, 0] : i32 from vector<1x1x1xi32>
        %add3A_284 = vector.broadcast %add3A_84 : i32 to vector<8x1xi32>
        %add3A_285 = arith.addi %iota3A_17, %add3A_284 : vector<8x1xi32>
        %broadcast_in_dim3A_286 = arith.constant 0 : i32
        %broadcast_in_dim3A_287 = vector.broadcast %broadcast_in_dim3A_286 : i32 to vector<8x128xi32>
        %while3A = arith.constant 0 : i32
        %while3A_288 = arith.subi %reduce_max3A_283, %while3A : i32
        %while3A_289 = arith.addi %while3A, %while3A_288 : i32
        %while3A_290 = arith.constant 1 : i32
        %while3A_291 = arith.divsi %while3A_288, %while3A_290 : i32
        %while3A_292 = arith.muli %while3A_291, %while3A_290 : i32
        %while3A_293 = arith.addi %while3A, %while3A_292 : i32
        %while3A_294 = arith.constant 1 : i32
        %while3A_295:3 = scf.for %while3A_341 = %while3A to %while3A_293 step %while3A_294 iter_args(%while3A_342 = %select_n3A, %while3A_343 = %broadcast_in_dim3A_287, %while3A_344 = %broadcast_in_dim3A_287) -> (vector<8x4096xi32>, vector<8x128xi32>, vector<8x128xi32>)  : i32 {
          %reduce_min3A = arith.constant dense<2147483647> : vector<8xi32>
          %reduce_min3A_345 = vector.multi_reduction <minsi>, %while3A_342, %reduce_min3A [1] : vector<8x4096xi32> to vector<8xi32>
          %broadcast_in_dim3A_346 = vector.shape_cast %reduce_min3A_345 : vector<8xi32> to vector<8x1xi32>
          %lt3A_347 = arith.constant 1073741824 : i32
          %lt3A_348 = vector.broadcast %lt3A_347 : i32 to vector<8x1xi32>
          %lt3A_349 = arith.cmpi slt, %broadcast_in_dim3A_346, %lt3A_348 : vector<8x1xi32>
          %add3A_350 = vector.broadcast %while3A_341 : i32 to vector<8x1xi32>
          %add3A_351 = arith.addi %sub3A, %add3A_350 : vector<8x1xi32>
          %eq3A_352 = vector.broadcast %add3A_351 : vector<8x1xi32> to vector<8x128xi32>
          %eq3A_353 = arith.cmpi eq, %iota3A_16, %eq3A_352 : vector<8x128xi32>
          %and3A_354 = vector.broadcast %lt3A_349 : vector<8x1xi1> to vector<8x128xi1>
          %and3A_355 = arith.andi %eq3A_353, %and3A_354 : vector<8x128xi1>
          %broadcast_in_dim3A_356 = vector.shape_cast %add3A_285 : vector<8x1xi32> to vector<8x1xi32>
          %broadcast_in_dim3A_357 = vector.broadcast %broadcast_in_dim3A_356 : vector<8x1xi32> to vector<8x128xi32>
          %select_n3A_358 = arith.select %and3A_355, %broadcast_in_dim3A_357, %while3A_343 : vector<8x128xi1>, vector<8x128xi32>
          %broadcast_in_dim3A_359 = vector.shape_cast %broadcast_in_dim3A_346 : vector<8x1xi32> to vector<8x1xi32>
          %broadcast_in_dim3A_360 = vector.broadcast %broadcast_in_dim3A_359 : vector<8x1xi32> to vector<8x128xi32>
          %select_n3A_361 = arith.select %and3A_355, %broadcast_in_dim3A_360, %while3A_344 : vector<8x128xi1>, vector<8x128xi32>
          %eq3A_362 = vector.broadcast %broadcast_in_dim3A_346 : vector<8x1xi32> to vector<8x4096xi32>
          %eq3A_363 = arith.cmpi eq, %while3A_342, %eq3A_362 : vector<8x4096xi32>
          %jit3A_364 = arith.constant 1073741824 : i32
          %broadcast_in_dim3A_365 = vector.broadcast %jit3A_364 : i32 to vector<8x4096xi32>
          %select_n3A_366 = arith.select %eq3A_363, %broadcast_in_dim3A_365, %while3A_342 : vector<8x4096xi1>, vector<8x4096xi32>
          scf.yield %select_n3A_366, %select_n3A_358, %select_n3A_361 : vector<8x4096xi32>, vector<8x128xi32>, vector<8x128xi32>
        }
        %while3A_296 = arith.constant 1 : i32
        %while3A_297:3 = scf.for %while3A_341 = %while3A_293 to %while3A_289 step %while3A_296 iter_args(%while3A_342 = %while3A_295#0, %while3A_343 = %while3A_295#1, %while3A_344 = %while3A_295#2) -> (vector<8x4096xi32>, vector<8x128xi32>, vector<8x128xi32>)  : i32 {
          %reduce_min3A = arith.constant dense<2147483647> : vector<8xi32>
          %reduce_min3A_345 = vector.multi_reduction <minsi>, %while3A_342, %reduce_min3A [1] : vector<8x4096xi32> to vector<8xi32>
          %broadcast_in_dim3A_346 = vector.shape_cast %reduce_min3A_345 : vector<8xi32> to vector<8x1xi32>
          %lt3A_347 = arith.constant 1073741824 : i32
          %lt3A_348 = vector.broadcast %lt3A_347 : i32 to vector<8x1xi32>
          %lt3A_349 = arith.cmpi slt, %broadcast_in_dim3A_346, %lt3A_348 : vector<8x1xi32>
          %add3A_350 = vector.broadcast %while3A_341 : i32 to vector<8x1xi32>
          %add3A_351 = arith.addi %sub3A, %add3A_350 : vector<8x1xi32>
          %eq3A_352 = vector.broadcast %add3A_351 : vector<8x1xi32> to vector<8x128xi32>
          %eq3A_353 = arith.cmpi eq, %iota3A_16, %eq3A_352 : vector<8x128xi32>
          %and3A_354 = vector.broadcast %lt3A_349 : vector<8x1xi1> to vector<8x128xi1>
          %and3A_355 = arith.andi %eq3A_353, %and3A_354 : vector<8x128xi1>
          %broadcast_in_dim3A_356 = vector.shape_cast %add3A_285 : vector<8x1xi32> to vector<8x1xi32>
          %broadcast_in_dim3A_357 = vector.broadcast %broadcast_in_dim3A_356 : vector<8x1xi32> to vector<8x128xi32>
          %select_n3A_358 = arith.select %and3A_355, %broadcast_in_dim3A_357, %while3A_343 : vector<8x128xi1>, vector<8x128xi32>
          %broadcast_in_dim3A_359 = vector.shape_cast %broadcast_in_dim3A_346 : vector<8x1xi32> to vector<8x1xi32>
          %broadcast_in_dim3A_360 = vector.broadcast %broadcast_in_dim3A_359 : vector<8x1xi32> to vector<8x128xi32>
          %select_n3A_361 = arith.select %and3A_355, %broadcast_in_dim3A_360, %while3A_344 : vector<8x128xi1>, vector<8x128xi32>
          %eq3A_362 = vector.broadcast %broadcast_in_dim3A_346 : vector<8x1xi32> to vector<8x4096xi32>
          %eq3A_363 = arith.cmpi eq, %while3A_342, %eq3A_362 : vector<8x4096xi32>
          %jit3A_364 = arith.constant 1073741824 : i32
          %broadcast_in_dim3A_365 = vector.broadcast %jit3A_364 : i32 to vector<8x4096xi32>
          %select_n3A_366 = arith.select %eq3A_363, %broadcast_in_dim3A_365, %while3A_342 : vector<8x4096xi1>, vector<8x4096xi32>
          scf.yield %select_n3A_366, %select_n3A_358, %select_n3A_361 : vector<8x4096xi32>, vector<8x128xi32>, vector<8x128xi32>
        }
        %reduce_sum3A_298 = arith.constant dense<0> : vector<128xi32>
        %reduce_sum3A_299 = vector.multi_reduction <add>, %while3A_297#1, %reduce_sum3A_298 [0] : vector<8x128xi32> to vector<128xi32>
        %broadcast_in_dim3A_300 = vector.shape_cast %reduce_sum3A_299 : vector<128xi32> to vector<1x128xi32>
        %reduce_sum3A_301 = arith.constant dense<0> : vector<128xi32>
        %reduce_sum3A_302 = vector.multi_reduction <add>, %while3A_297#2, %reduce_sum3A_301 [0] : vector<8x128xi32> to vector<128xi32>
        %broadcast_in_dim3A_303 = vector.shape_cast %reduce_sum3A_302 : vector<128xi32> to vector<1x128xi32>
        %get3A_304 = arith.constant 0 : index
        %get3A_305 = memref.load %arg4[%get3A_304] : memref<1xi32, #tpu.memory_space<smem>>
        %and3A_306 = arith.constant 127 : i32
        %and3A_307 = arith.andi %get3A_305, %and3A_306 : i32
        %sub3A_308 = arith.subi %get3A_305, %and3A_307 : i32
        %multiple_of3A = tpu.assume_multiple %sub3A_308, 128 : i32
        %roll3A_309 = tpu.dynamic_rotate %broadcast_in_dim3A_300 by %and3A_307 dim 1 : vector<1x128xi32>, i32 -> vector<1x128xi32>
        %roll3A_310 = tpu.dynamic_rotate %broadcast_in_dim3A_303 by %and3A_307 dim 1 : vector<1x128xi32>, i32 -> vector<1x128xi32>
        %ge3A_311 = vector.broadcast %and3A_307 : i32 to vector<1x128xi32>
        %ge3A_312 = arith.cmpi sge, %iota3A, %ge3A_311 : vector<1x128xi32>
        %add3A_313 = arith.addi %and3A_307, %reduce_sum3A_91 : i32
        %lt3A = vector.broadcast %add3A_313 : i32 to vector<1x128xi32>
        %lt3A_314 = arith.cmpi slt, %iota3A, %lt3A : vector<1x128xi32>
        %and3A_315 = arith.andi %ge3A_312, %lt3A_314 : vector<1x128xi1>
        %get3A_316 = arith.constant 0 : index
        %get3A_317 = arith.constant 0 : index
        %get3A_318 = vector.load %arg5[%get3A_316, %get3A_317] : memref<1x128xi32, #tpu.memory_space<vmem>>, vector<1x128xi32>
        %select_n3A_319 = arith.select %and3A_315, %roll3A_309, %get3A_318 : vector<1x128xi1>, vector<1x128xi32>
        %get3A_320 = arith.constant 0 : index
        %get3A_321 = arith.constant 0 : index
        %get3A_322 = vector.load %arg6[%get3A_320, %get3A_321] : memref<1x128xi32, #tpu.memory_space<vmem>>, vector<1x128xi32>
        %select_n3A_323 = arith.select %and3A_315, %roll3A_310, %get3A_322 : vector<1x128xi1>, vector<1x128xi32>
        %add3A_324 = arith.addi %and3A_307, %reduce_sum3A_91 : i32
        %sub3A_325 = arith.constant 128 : i32
        %sub3A_326 = arith.subi %add3A_324, %sub3A_325 : i32
        %lt3A_327 = vector.broadcast %sub3A_326 : i32 to vector<1x128xi32>
        %lt3A_328 = arith.cmpi slt, %iota3A, %lt3A_327 : vector<1x128xi32>
        %add3A_329 = arith.addi %and3A_307, %reduce_sum3A_91 : i32
        %ge3A_330 = arith.constant 128 : i32
        %ge3A_331 = arith.cmpi sge, %add3A_329, %ge3A_330 : i32
        %convert_element_type3A_332 = arith.extui %ge3A_331 : i1 to i32
        %cond3A_333 = arith.constant 0 : i32
        %cond3A_334 = arith.cmpi ne, %convert_element_type3A_332, %cond3A_333 : i32
        scf.if %cond3A_334 {
          %swap3A_341 = arith.constant 0 : index
          %swap3A_342 = arith.index_cast %multiple_of3A : i32 to index
          %swap3A_343 = vector.load %arg2[%swap3A_341, %swap3A_342] : memref<1x4224xi32, #tpu.memory_space<vmem>>, vector<1x128xi32>
          tpu.vector_store %arg2[%swap3A_341, %swap3A_342], %select_n3A_319 {strides = array<i32>} : memref<1x4224xi32, #tpu.memory_space<vmem>>, vector<1x128xi32>,
          %swap3A_344 = arith.constant 0 : index
          %swap3A_345 = arith.index_cast %multiple_of3A : i32 to index
          %swap3A_346 = vector.load %arg3[%swap3A_344, %swap3A_345] : memref<1x4224xi32, #tpu.memory_space<vmem>>, vector<1x128xi32>
          tpu.vector_store %arg3[%swap3A_344, %swap3A_345], %select_n3A_323 {strides = array<i32>} : memref<1x4224xi32, #tpu.memory_space<vmem>>, vector<1x128xi32>,
          %jit3A_347 = arith.constant 0 : i32
          %broadcast_in_dim3A_348 = vector.broadcast %jit3A_347 : i32 to vector<1x128xi32>
          %select_n3A_349 = arith.select %lt3A_328, %roll3A_309, %broadcast_in_dim3A_348 : vector<1x128xi1>, vector<1x128xi32>
          %swap3A_350 = arith.constant 0 : index
          %swap3A_351 = arith.constant 0 : index
          %swap3A_352 = vector.load %arg5[%swap3A_350, %swap3A_351] : memref<1x128xi32, #tpu.memory_space<vmem>>, vector<1x128xi32>
          tpu.vector_store %arg5[%swap3A_350, %swap3A_351], %select_n3A_349 {strides = array<i32>} : memref<1x128xi32, #tpu.memory_space<vmem>>, vector<1x128xi32>,
          %jit3A_353 = arith.constant 0 : i32
          %broadcast_in_dim3A_354 = vector.broadcast %jit3A_353 : i32 to vector<1x128xi32>
          %select_n3A_355 = arith.select %lt3A_328, %roll3A_310, %broadcast_in_dim3A_354 : vector<1x128xi1>, vector<1x128xi32>
          %swap3A_356 = arith.constant 0 : index
          %swap3A_357 = arith.constant 0 : index
          %swap3A_358 = vector.load %arg6[%swap3A_356, %swap3A_357] : memref<1x128xi32, #tpu.memory_space<vmem>>, vector<1x128xi32>
          tpu.vector_store %arg6[%swap3A_356, %swap3A_357], %select_n3A_355 {strides = array<i32>} : memref<1x128xi32, #tpu.memory_space<vmem>>, vector<1x128xi32>,
        } else {
        }
        %not3A = arith.constant true
        %not3A_335 = arith.xori %ge3A_331, %not3A : i1
        %convert_element_type3A_336 = arith.extui %not3A_335 : i1 to i32
        %cond3A_337 = arith.constant 0 : i32
        %cond3A_338 = arith.cmpi ne, %convert_element_type3A_336, %cond3A_337 : i32
        scf.if %cond3A_338 {
          %swap3A_341 = arith.constant 0 : index
          %swap3A_342 = arith.constant 0 : index
          %swap3A_343 = vector.load %arg5[%swap3A_341, %swap3A_342] : memref<1x128xi32, #tpu.memory_space<vmem>>, vector<1x128xi32>
          tpu.vector_store %arg5[%swap3A_341, %swap3A_342], %select_n3A_319 {strides = array<i32>} : memref<1x128xi32, #tpu.memory_space<vmem>>, vector<1x128xi32>,
          %swap3A_344 = arith.constant 0 : index
          %swap3A_345 = arith.constant 0 : index
          %swap3A_346 = vector.load %arg6[%swap3A_344, %swap3A_345] : memref<1x128xi32, #tpu.memory_space<vmem>>, vector<1x128xi32>
          tpu.vector_store %arg6[%swap3A_344, %swap3A_345], %select_n3A_323 {strides = array<i32>} : memref<1x128xi32, #tpu.memory_space<vmem>>, vector<1x128xi32>,
        } else {
        }
        %add3A_339 = arith.addi %get3A_305, %reduce_sum3A_91 : i32
        %swap3A = arith.constant 0 : index
        %swap3A_340 = memref.load %arg4[%swap3A] : memref<1xi32, #tpu.memory_space<smem>>
        memref.store %add3A_339, %arg4[%swap3A] : memref<1xi32, #tpu.memory_space<smem>>
      } else {
      }
      %add3A_97 = arith.constant 40 : i32
      %add3A_98 = arith.addi %mul3A_4, %add3A_97 : i32
      %slice3A_99 = vector.extract_strided_slice %and3A {offsets = [40, 0], sizes = [8, 4096], strides = [1, 1]} : vector<128x4096xi1> to vector<8x4096xi1>
      %convert_element_type3A_100 = arith.extui %slice3A_99 : vector<8x4096xi1> to vector<8x4096xi32>
      %reduce_sum3A_101 = vector.shape_cast %convert_element_type3A_100 : vector<8x4096xi32> to vector<1x8x4096xi32>
      %reduce_sum3A_102 = arith.constant dense<0> : vector<1xi32>
      %reduce_sum3A_103 = vector.multi_reduction <add>, %reduce_sum3A_101, %reduce_sum3A_102 [1, 2] : vector<1x8x4096xi32> to vector<1xi32>
      %reduce_sum3A_104 = vector.shape_cast %reduce_sum3A_103 : vector<1xi32> to vector<1x1x1xi32>
      %reduce_sum3A_105 = vector.extract %reduce_sum3A_104[0, 0, 0] : i32 from vector<1x1x1xi32>
      %gt3A_106 = arith.constant 0 : i32
      %gt3A_107 = arith.cmpi sgt, %reduce_sum3A_105, %gt3A_106 : i32
      %convert_element_type3A_108 = arith.extui %gt3A_107 : i1 to i32
      %cond3A_109 = arith.constant 0 : i32
      %cond3A_110 = arith.cmpi ne, %convert_element_type3A_108, %cond3A_109 : i32
      scf.if %cond3A_110 {
        %jit3A = arith.constant 1073741824 : i32
        %broadcast_in_dim3A = vector.broadcast %jit3A : i32 to vector<8x4096xi32>
        %select_n3A = arith.select %slice3A_99, %iota3A_15, %broadcast_in_dim3A : vector<8x4096xi1>, vector<8x4096xi32>
        %convert_element_type3A_251 = arith.extui %slice3A_99 : vector<8x4096xi1> to vector<8x4096xi32>
        %reduce_sum3A_252 = arith.constant dense<0> : vector<8xi32>
        %reduce_sum3A_253 = vector.multi_reduction <add>, %convert_element_type3A_251, %reduce_sum3A_252 [1] : vector<8x4096xi32> to vector<8xi32>
        %broadcast_in_dim3A_254 = vector.shape_cast %reduce_sum3A_253 : vector<8xi32> to vector<8x1xi32>
        %ge3A = arith.constant 1 : i32
        %ge3A_255 = vector.broadcast %ge3A : i32 to vector<8x1xi32>
        %ge3A_256 = arith.cmpi sge, %iota3A_17, %ge3A_255 : vector<8x1xi32>
        %roll3A = arith.constant 1 : i32
        %roll3A_257 = tpu.dynamic_rotate %broadcast_in_dim3A_254 by %roll3A dim 0 : vector<8x1xi32>, i32 -> vector<8x1xi32>
        %jit3A_258 = arith.constant 0 : i32
        %broadcast_in_dim3A_259 = vector.broadcast %jit3A_258 : i32 to vector<8x1xi32>
        %select_n3A_260 = arith.select %ge3A_256, %roll3A_257, %broadcast_in_dim3A_259 : vector<8x1xi1>, vector<8x1xi32>
        %add3A_261 = arith.addi %broadcast_in_dim3A_254, %select_n3A_260 : vector<8x1xi32>
        %ge3A_262 = arith.constant 2 : i32
        %ge3A_263 = vector.broadcast %ge3A_262 : i32 to vector<8x1xi32>
        %ge3A_264 = arith.cmpi sge, %iota3A_17, %ge3A_263 : vector<8x1xi32>
        %roll3A_265 = arith.constant 2 : i32
        %roll3A_266 = tpu.dynamic_rotate %add3A_261 by %roll3A_265 dim 0 : vector<8x1xi32>, i32 -> vector<8x1xi32>
        %jit3A_267 = arith.constant 0 : i32
        %broadcast_in_dim3A_268 = vector.broadcast %jit3A_267 : i32 to vector<8x1xi32>
        %select_n3A_269 = arith.select %ge3A_264, %roll3A_266, %broadcast_in_dim3A_268 : vector<8x1xi1>, vector<8x1xi32>
        %add3A_270 = arith.addi %add3A_261, %select_n3A_269 : vector<8x1xi32>
        %ge3A_271 = arith.constant 4 : i32
        %ge3A_272 = vector.broadcast %ge3A_271 : i32 to vector<8x1xi32>
        %ge3A_273 = arith.cmpi sge, %iota3A_17, %ge3A_272 : vector<8x1xi32>
        %roll3A_274 = arith.constant 4 : i32
        %roll3A_275 = tpu.dynamic_rotate %add3A_270 by %roll3A_274 dim 0 : vector<8x1xi32>, i32 -> vector<8x1xi32>
        %jit3A_276 = arith.constant 0 : i32
        %broadcast_in_dim3A_277 = vector.broadcast %jit3A_276 : i32 to vector<8x1xi32>
        %select_n3A_278 = arith.select %ge3A_273, %roll3A_275, %broadcast_in_dim3A_277 : vector<8x1xi1>, vector<8x1xi32>
        %add3A_279 = arith.addi %add3A_270, %select_n3A_278 : vector<8x1xi32>
        %sub3A = arith.subi %add3A_279, %broadcast_in_dim3A_254 : vector<8x1xi32>
        %reduce_max3A = vector.shape_cast %broadcast_in_dim3A_254 : vector<8x1xi32> to vector<1x8x1xi32>
        %reduce_max3A_280 = arith.constant dense<-2147483648> : vector<1xi32>
        %reduce_max3A_281 = vector.multi_reduction <maxsi>, %reduce_max3A, %reduce_max3A_280 [1, 2] : vector<1x8x1xi32> to vector<1xi32>
        %reduce_max3A_282 = vector.shape_cast %reduce_max3A_281 : vector<1xi32> to vector<1x1x1xi32>
        %reduce_max3A_283 = vector.extract %reduce_max3A_282[0, 0, 0] : i32 from vector<1x1x1xi32>
        %add3A_284 = vector.broadcast %add3A_98 : i32 to vector<8x1xi32>
        %add3A_285 = arith.addi %iota3A_17, %add3A_284 : vector<8x1xi32>
        %broadcast_in_dim3A_286 = arith.constant 0 : i32
        %broadcast_in_dim3A_287 = vector.broadcast %broadcast_in_dim3A_286 : i32 to vector<8x128xi32>
        %while3A = arith.constant 0 : i32
        %while3A_288 = arith.subi %reduce_max3A_283, %while3A : i32
        %while3A_289 = arith.addi %while3A, %while3A_288 : i32
        %while3A_290 = arith.constant 1 : i32
        %while3A_291 = arith.divsi %while3A_288, %while3A_290 : i32
        %while3A_292 = arith.muli %while3A_291, %while3A_290 : i32
        %while3A_293 = arith.addi %while3A, %while3A_292 : i32
        %while3A_294 = arith.constant 1 : i32
        %while3A_295:3 = scf.for %while3A_341 = %while3A to %while3A_293 step %while3A_294 iter_args(%while3A_342 = %select_n3A, %while3A_343 = %broadcast_in_dim3A_287, %while3A_344 = %broadcast_in_dim3A_287) -> (vector<8x4096xi32>, vector<8x128xi32>, vector<8x128xi32>)  : i32 {
          %reduce_min3A = arith.constant dense<2147483647> : vector<8xi32>
          %reduce_min3A_345 = vector.multi_reduction <minsi>, %while3A_342, %reduce_min3A [1] : vector<8x4096xi32> to vector<8xi32>
          %broadcast_in_dim3A_346 = vector.shape_cast %reduce_min3A_345 : vector<8xi32> to vector<8x1xi32>
          %lt3A_347 = arith.constant 1073741824 : i32
          %lt3A_348 = vector.broadcast %lt3A_347 : i32 to vector<8x1xi32>
          %lt3A_349 = arith.cmpi slt, %broadcast_in_dim3A_346, %lt3A_348 : vector<8x1xi32>
          %add3A_350 = vector.broadcast %while3A_341 : i32 to vector<8x1xi32>
          %add3A_351 = arith.addi %sub3A, %add3A_350 : vector<8x1xi32>
          %eq3A_352 = vector.broadcast %add3A_351 : vector<8x1xi32> to vector<8x128xi32>
          %eq3A_353 = arith.cmpi eq, %iota3A_16, %eq3A_352 : vector<8x128xi32>
          %and3A_354 = vector.broadcast %lt3A_349 : vector<8x1xi1> to vector<8x128xi1>
          %and3A_355 = arith.andi %eq3A_353, %and3A_354 : vector<8x128xi1>
          %broadcast_in_dim3A_356 = vector.shape_cast %add3A_285 : vector<8x1xi32> to vector<8x1xi32>
          %broadcast_in_dim3A_357 = vector.broadcast %broadcast_in_dim3A_356 : vector<8x1xi32> to vector<8x128xi32>
          %select_n3A_358 = arith.select %and3A_355, %broadcast_in_dim3A_357, %while3A_343 : vector<8x128xi1>, vector<8x128xi32>
          %broadcast_in_dim3A_359 = vector.shape_cast %broadcast_in_dim3A_346 : vector<8x1xi32> to vector<8x1xi32>
          %broadcast_in_dim3A_360 = vector.broadcast %broadcast_in_dim3A_359 : vector<8x1xi32> to vector<8x128xi32>
          %select_n3A_361 = arith.select %and3A_355, %broadcast_in_dim3A_360, %while3A_344 : vector<8x128xi1>, vector<8x128xi32>
          %eq3A_362 = vector.broadcast %broadcast_in_dim3A_346 : vector<8x1xi32> to vector<8x4096xi32>
          %eq3A_363 = arith.cmpi eq, %while3A_342, %eq3A_362 : vector<8x4096xi32>
          %jit3A_364 = arith.constant 1073741824 : i32
          %broadcast_in_dim3A_365 = vector.broadcast %jit3A_364 : i32 to vector<8x4096xi32>
          %select_n3A_366 = arith.select %eq3A_363, %broadcast_in_dim3A_365, %while3A_342 : vector<8x4096xi1>, vector<8x4096xi32>
          scf.yield %select_n3A_366, %select_n3A_358, %select_n3A_361 : vector<8x4096xi32>, vector<8x128xi32>, vector<8x128xi32>
        }
        %while3A_296 = arith.constant 1 : i32
        %while3A_297:3 = scf.for %while3A_341 = %while3A_293 to %while3A_289 step %while3A_296 iter_args(%while3A_342 = %while3A_295#0, %while3A_343 = %while3A_295#1, %while3A_344 = %while3A_295#2) -> (vector<8x4096xi32>, vector<8x128xi32>, vector<8x128xi32>)  : i32 {
          %reduce_min3A = arith.constant dense<2147483647> : vector<8xi32>
          %reduce_min3A_345 = vector.multi_reduction <minsi>, %while3A_342, %reduce_min3A [1] : vector<8x4096xi32> to vector<8xi32>
          %broadcast_in_dim3A_346 = vector.shape_cast %reduce_min3A_345 : vector<8xi32> to vector<8x1xi32>
          %lt3A_347 = arith.constant 1073741824 : i32
          %lt3A_348 = vector.broadcast %lt3A_347 : i32 to vector<8x1xi32>
          %lt3A_349 = arith.cmpi slt, %broadcast_in_dim3A_346, %lt3A_348 : vector<8x1xi32>
          %add3A_350 = vector.broadcast %while3A_341 : i32 to vector<8x1xi32>
          %add3A_351 = arith.addi %sub3A, %add3A_350 : vector<8x1xi32>
          %eq3A_352 = vector.broadcast %add3A_351 : vector<8x1xi32> to vector<8x128xi32>
          %eq3A_353 = arith.cmpi eq, %iota3A_16, %eq3A_352 : vector<8x128xi32>
          %and3A_354 = vector.broadcast %lt3A_349 : vector<8x1xi1> to vector<8x128xi1>
          %and3A_355 = arith.andi %eq3A_353, %and3A_354 : vector<8x128xi1>
          %broadcast_in_dim3A_356 = vector.shape_cast %add3A_285 : vector<8x1xi32> to vector<8x1xi32>
          %broadcast_in_dim3A_357 = vector.broadcast %broadcast_in_dim3A_356 : vector<8x1xi32> to vector<8x128xi32>
          %select_n3A_358 = arith.select %and3A_355, %broadcast_in_dim3A_357, %while3A_343 : vector<8x128xi1>, vector<8x128xi32>
          %broadcast_in_dim3A_359 = vector.shape_cast %broadcast_in_dim3A_346 : vector<8x1xi32> to vector<8x1xi32>
          %broadcast_in_dim3A_360 = vector.broadcast %broadcast_in_dim3A_359 : vector<8x1xi32> to vector<8x128xi32>
          %select_n3A_361 = arith.select %and3A_355, %broadcast_in_dim3A_360, %while3A_344 : vector<8x128xi1>, vector<8x128xi32>
          %eq3A_362 = vector.broadcast %broadcast_in_dim3A_346 : vector<8x1xi32> to vector<8x4096xi32>
          %eq3A_363 = arith.cmpi eq, %while3A_342, %eq3A_362 : vector<8x4096xi32>
          %jit3A_364 = arith.constant 1073741824 : i32
          %broadcast_in_dim3A_365 = vector.broadcast %jit3A_364 : i32 to vector<8x4096xi32>
          %select_n3A_366 = arith.select %eq3A_363, %broadcast_in_dim3A_365, %while3A_342 : vector<8x4096xi1>, vector<8x4096xi32>
          scf.yield %select_n3A_366, %select_n3A_358, %select_n3A_361 : vector<8x4096xi32>, vector<8x128xi32>, vector<8x128xi32>
        }
        %reduce_sum3A_298 = arith.constant dense<0> : vector<128xi32>
        %reduce_sum3A_299 = vector.multi_reduction <add>, %while3A_297#1, %reduce_sum3A_298 [0] : vector<8x128xi32> to vector<128xi32>
        %broadcast_in_dim3A_300 = vector.shape_cast %reduce_sum3A_299 : vector<128xi32> to vector<1x128xi32>
        %reduce_sum3A_301 = arith.constant dense<0> : vector<128xi32>
        %reduce_sum3A_302 = vector.multi_reduction <add>, %while3A_297#2, %reduce_sum3A_301 [0] : vector<8x128xi32> to vector<128xi32>
        %broadcast_in_dim3A_303 = vector.shape_cast %reduce_sum3A_302 : vector<128xi32> to vector<1x128xi32>
        %get3A_304 = arith.constant 0 : index
        %get3A_305 = memref.load %arg4[%get3A_304] : memref<1xi32, #tpu.memory_space<smem>>
        %and3A_306 = arith.constant 127 : i32
        %and3A_307 = arith.andi %get3A_305, %and3A_306 : i32
        %sub3A_308 = arith.subi %get3A_305, %and3A_307 : i32
        %multiple_of3A = tpu.assume_multiple %sub3A_308, 128 : i32
        %roll3A_309 = tpu.dynamic_rotate %broadcast_in_dim3A_300 by %and3A_307 dim 1 : vector<1x128xi32>, i32 -> vector<1x128xi32>
        %roll3A_310 = tpu.dynamic_rotate %broadcast_in_dim3A_303 by %and3A_307 dim 1 : vector<1x128xi32>, i32 -> vector<1x128xi32>
        %ge3A_311 = vector.broadcast %and3A_307 : i32 to vector<1x128xi32>
        %ge3A_312 = arith.cmpi sge, %iota3A, %ge3A_311 : vector<1x128xi32>
        %add3A_313 = arith.addi %and3A_307, %reduce_sum3A_105 : i32
        %lt3A = vector.broadcast %add3A_313 : i32 to vector<1x128xi32>
        %lt3A_314 = arith.cmpi slt, %iota3A, %lt3A : vector<1x128xi32>
        %and3A_315 = arith.andi %ge3A_312, %lt3A_314 : vector<1x128xi1>
        %get3A_316 = arith.constant 0 : index
        %get3A_317 = arith.constant 0 : index
        %get3A_318 = vector.load %arg5[%get3A_316, %get3A_317] : memref<1x128xi32, #tpu.memory_space<vmem>>, vector<1x128xi32>
        %select_n3A_319 = arith.select %and3A_315, %roll3A_309, %get3A_318 : vector<1x128xi1>, vector<1x128xi32>
        %get3A_320 = arith.constant 0 : index
        %get3A_321 = arith.constant 0 : index
        %get3A_322 = vector.load %arg6[%get3A_320, %get3A_321] : memref<1x128xi32, #tpu.memory_space<vmem>>, vector<1x128xi32>
        %select_n3A_323 = arith.select %and3A_315, %roll3A_310, %get3A_322 : vector<1x128xi1>, vector<1x128xi32>
        %add3A_324 = arith.addi %and3A_307, %reduce_sum3A_105 : i32
        %sub3A_325 = arith.constant 128 : i32
        %sub3A_326 = arith.subi %add3A_324, %sub3A_325 : i32
        %lt3A_327 = vector.broadcast %sub3A_326 : i32 to vector<1x128xi32>
        %lt3A_328 = arith.cmpi slt, %iota3A, %lt3A_327 : vector<1x128xi32>
        %add3A_329 = arith.addi %and3A_307, %reduce_sum3A_105 : i32
        %ge3A_330 = arith.constant 128 : i32
        %ge3A_331 = arith.cmpi sge, %add3A_329, %ge3A_330 : i32
        %convert_element_type3A_332 = arith.extui %ge3A_331 : i1 to i32
        %cond3A_333 = arith.constant 0 : i32
        %cond3A_334 = arith.cmpi ne, %convert_element_type3A_332, %cond3A_333 : i32
        scf.if %cond3A_334 {
          %swap3A_341 = arith.constant 0 : index
          %swap3A_342 = arith.index_cast %multiple_of3A : i32 to index
          %swap3A_343 = vector.load %arg2[%swap3A_341, %swap3A_342] : memref<1x4224xi32, #tpu.memory_space<vmem>>, vector<1x128xi32>
          tpu.vector_store %arg2[%swap3A_341, %swap3A_342], %select_n3A_319 {strides = array<i32>} : memref<1x4224xi32, #tpu.memory_space<vmem>>, vector<1x128xi32>,
          %swap3A_344 = arith.constant 0 : index
          %swap3A_345 = arith.index_cast %multiple_of3A : i32 to index
          %swap3A_346 = vector.load %arg3[%swap3A_344, %swap3A_345] : memref<1x4224xi32, #tpu.memory_space<vmem>>, vector<1x128xi32>
          tpu.vector_store %arg3[%swap3A_344, %swap3A_345], %select_n3A_323 {strides = array<i32>} : memref<1x4224xi32, #tpu.memory_space<vmem>>, vector<1x128xi32>,
          %jit3A_347 = arith.constant 0 : i32
          %broadcast_in_dim3A_348 = vector.broadcast %jit3A_347 : i32 to vector<1x128xi32>
          %select_n3A_349 = arith.select %lt3A_328, %roll3A_309, %broadcast_in_dim3A_348 : vector<1x128xi1>, vector<1x128xi32>
          %swap3A_350 = arith.constant 0 : index
          %swap3A_351 = arith.constant 0 : index
          %swap3A_352 = vector.load %arg5[%swap3A_350, %swap3A_351] : memref<1x128xi32, #tpu.memory_space<vmem>>, vector<1x128xi32>
          tpu.vector_store %arg5[%swap3A_350, %swap3A_351], %select_n3A_349 {strides = array<i32>} : memref<1x128xi32, #tpu.memory_space<vmem>>, vector<1x128xi32>,
          %jit3A_353 = arith.constant 0 : i32
          %broadcast_in_dim3A_354 = vector.broadcast %jit3A_353 : i32 to vector<1x128xi32>
          %select_n3A_355 = arith.select %lt3A_328, %roll3A_310, %broadcast_in_dim3A_354 : vector<1x128xi1>, vector<1x128xi32>
          %swap3A_356 = arith.constant 0 : index
          %swap3A_357 = arith.constant 0 : index
          %swap3A_358 = vector.load %arg6[%swap3A_356, %swap3A_357] : memref<1x128xi32, #tpu.memory_space<vmem>>, vector<1x128xi32>
          tpu.vector_store %arg6[%swap3A_356, %swap3A_357], %select_n3A_355 {strides = array<i32>} : memref<1x128xi32, #tpu.memory_space<vmem>>, vector<1x128xi32>,
        } else {
        }
        %not3A = arith.constant true
        %not3A_335 = arith.xori %ge3A_331, %not3A : i1
        %convert_element_type3A_336 = arith.extui %not3A_335 : i1 to i32
        %cond3A_337 = arith.constant 0 : i32
        %cond3A_338 = arith.cmpi ne, %convert_element_type3A_336, %cond3A_337 : i32
        scf.if %cond3A_338 {
          %swap3A_341 = arith.constant 0 : index
          %swap3A_342 = arith.constant 0 : index
          %swap3A_343 = vector.load %arg5[%swap3A_341, %swap3A_342] : memref<1x128xi32, #tpu.memory_space<vmem>>, vector<1x128xi32>
          tpu.vector_store %arg5[%swap3A_341, %swap3A_342], %select_n3A_319 {strides = array<i32>} : memref<1x128xi32, #tpu.memory_space<vmem>>, vector<1x128xi32>,
          %swap3A_344 = arith.constant 0 : index
          %swap3A_345 = arith.constant 0 : index
          %swap3A_346 = vector.load %arg6[%swap3A_344, %swap3A_345] : memref<1x128xi32, #tpu.memory_space<vmem>>, vector<1x128xi32>
          tpu.vector_store %arg6[%swap3A_344, %swap3A_345], %select_n3A_323 {strides = array<i32>} : memref<1x128xi32, #tpu.memory_space<vmem>>, vector<1x128xi32>,
        } else {
        }
        %add3A_339 = arith.addi %get3A_305, %reduce_sum3A_105 : i32
        %swap3A = arith.constant 0 : index
        %swap3A_340 = memref.load %arg4[%swap3A] : memref<1xi32, #tpu.memory_space<smem>>
        memref.store %add3A_339, %arg4[%swap3A] : memref<1xi32, #tpu.memory_space<smem>>
      } else {
      }
      %add3A_111 = arith.constant 48 : i32
      %add3A_112 = arith.addi %mul3A_4, %add3A_111 : i32
      %slice3A_113 = vector.extract_strided_slice %and3A {offsets = [48, 0], sizes = [8, 4096], strides = [1, 1]} : vector<128x4096xi1> to vector<8x4096xi1>
      %convert_element_type3A_114 = arith.extui %slice3A_113 : vector<8x4096xi1> to vector<8x4096xi32>
      %reduce_sum3A_115 = vector.shape_cast %convert_element_type3A_114 : vector<8x4096xi32> to vector<1x8x4096xi32>
      %reduce_sum3A_116 = arith.constant dense<0> : vector<1xi32>
      %reduce_sum3A_117 = vector.multi_reduction <add>, %reduce_sum3A_115, %reduce_sum3A_116 [1, 2] : vector<1x8x4096xi32> to vector<1xi32>
      %reduce_sum3A_118 = vector.shape_cast %reduce_sum3A_117 : vector<1xi32> to vector<1x1x1xi32>
      %reduce_sum3A_119 = vector.extract %reduce_sum3A_118[0, 0, 0] : i32 from vector<1x1x1xi32>
      %gt3A_120 = arith.constant 0 : i32
      %gt3A_121 = arith.cmpi sgt, %reduce_sum3A_119, %gt3A_120 : i32
      %convert_element_type3A_122 = arith.extui %gt3A_121 : i1 to i32
      %cond3A_123 = arith.constant 0 : i32
      %cond3A_124 = arith.cmpi ne, %convert_element_type3A_122, %cond3A_123 : i32
      scf.if %cond3A_124 {
        %jit3A = arith.constant 1073741824 : i32
        %broadcast_in_dim3A = vector.broadcast %jit3A : i32 to vector<8x4096xi32>
        %select_n3A = arith.select %slice3A_113, %iota3A_15, %broadcast_in_dim3A : vector<8x4096xi1>, vector<8x4096xi32>
        %convert_element_type3A_251 = arith.extui %slice3A_113 : vector<8x4096xi1> to vector<8x4096xi32>
        %reduce_sum3A_252 = arith.constant dense<0> : vector<8xi32>
        %reduce_sum3A_253 = vector.multi_reduction <add>, %convert_element_type3A_251, %reduce_sum3A_252 [1] : vector<8x4096xi32> to vector<8xi32>
        %broadcast_in_dim3A_254 = vector.shape_cast %reduce_sum3A_253 : vector<8xi32> to vector<8x1xi32>
        %ge3A = arith.constant 1 : i32
        %ge3A_255 = vector.broadcast %ge3A : i32 to vector<8x1xi32>
        %ge3A_256 = arith.cmpi sge, %iota3A_17, %ge3A_255 : vector<8x1xi32>
        %roll3A = arith.constant 1 : i32
        %roll3A_257 = tpu.dynamic_rotate %broadcast_in_dim3A_254 by %roll3A dim 0 : vector<8x1xi32>, i32 -> vector<8x1xi32>
        %jit3A_258 = arith.constant 0 : i32
        %broadcast_in_dim3A_259 = vector.broadcast %jit3A_258 : i32 to vector<8x1xi32>
        %select_n3A_260 = arith.select %ge3A_256, %roll3A_257, %broadcast_in_dim3A_259 : vector<8x1xi1>, vector<8x1xi32>
        %add3A_261 = arith.addi %broadcast_in_dim3A_254, %select_n3A_260 : vector<8x1xi32>
        %ge3A_262 = arith.constant 2 : i32
        %ge3A_263 = vector.broadcast %ge3A_262 : i32 to vector<8x1xi32>
        %ge3A_264 = arith.cmpi sge, %iota3A_17, %ge3A_263 : vector<8x1xi32>
        %roll3A_265 = arith.constant 2 : i32
        %roll3A_266 = tpu.dynamic_rotate %add3A_261 by %roll3A_265 dim 0 : vector<8x1xi32>, i32 -> vector<8x1xi32>
        %jit3A_267 = arith.constant 0 : i32
        %broadcast_in_dim3A_268 = vector.broadcast %jit3A_267 : i32 to vector<8x1xi32>
        %select_n3A_269 = arith.select %ge3A_264, %roll3A_266, %broadcast_in_dim3A_268 : vector<8x1xi1>, vector<8x1xi32>
        %add3A_270 = arith.addi %add3A_261, %select_n3A_269 : vector<8x1xi32>
        %ge3A_271 = arith.constant 4 : i32
        %ge3A_272 = vector.broadcast %ge3A_271 : i32 to vector<8x1xi32>
        %ge3A_273 = arith.cmpi sge, %iota3A_17, %ge3A_272 : vector<8x1xi32>
        %roll3A_274 = arith.constant 4 : i32
        %roll3A_275 = tpu.dynamic_rotate %add3A_270 by %roll3A_274 dim 0 : vector<8x1xi32>, i32 -> vector<8x1xi32>
        %jit3A_276 = arith.constant 0 : i32
        %broadcast_in_dim3A_277 = vector.broadcast %jit3A_276 : i32 to vector<8x1xi32>
        %select_n3A_278 = arith.select %ge3A_273, %roll3A_275, %broadcast_in_dim3A_277 : vector<8x1xi1>, vector<8x1xi32>
        %add3A_279 = arith.addi %add3A_270, %select_n3A_278 : vector<8x1xi32>
        %sub3A = arith.subi %add3A_279, %broadcast_in_dim3A_254 : vector<8x1xi32>
        %reduce_max3A = vector.shape_cast %broadcast_in_dim3A_254 : vector<8x1xi32> to vector<1x8x1xi32>
        %reduce_max3A_280 = arith.constant dense<-2147483648> : vector<1xi32>
        %reduce_max3A_281 = vector.multi_reduction <maxsi>, %reduce_max3A, %reduce_max3A_280 [1, 2] : vector<1x8x1xi32> to vector<1xi32>
        %reduce_max3A_282 = vector.shape_cast %reduce_max3A_281 : vector<1xi32> to vector<1x1x1xi32>
        %reduce_max3A_283 = vector.extract %reduce_max3A_282[0, 0, 0] : i32 from vector<1x1x1xi32>
        %add3A_284 = vector.broadcast %add3A_112 : i32 to vector<8x1xi32>
        %add3A_285 = arith.addi %iota3A_17, %add3A_284 : vector<8x1xi32>
        %broadcast_in_dim3A_286 = arith.constant 0 : i32
        %broadcast_in_dim3A_287 = vector.broadcast %broadcast_in_dim3A_286 : i32 to vector<8x128xi32>
        %while3A = arith.constant 0 : i32
        %while3A_288 = arith.subi %reduce_max3A_283, %while3A : i32
        %while3A_289 = arith.addi %while3A, %while3A_288 : i32
        %while3A_290 = arith.constant 1 : i32
        %while3A_291 = arith.divsi %while3A_288, %while3A_290 : i32
        %while3A_292 = arith.muli %while3A_291, %while3A_290 : i32
        %while3A_293 = arith.addi %while3A, %while3A_292 : i32
        %while3A_294 = arith.constant 1 : i32
        %while3A_295:3 = scf.for %while3A_341 = %while3A to %while3A_293 step %while3A_294 iter_args(%while3A_342 = %select_n3A, %while3A_343 = %broadcast_in_dim3A_287, %while3A_344 = %broadcast_in_dim3A_287) -> (vector<8x4096xi32>, vector<8x128xi32>, vector<8x128xi32>)  : i32 {
          %reduce_min3A = arith.constant dense<2147483647> : vector<8xi32>
          %reduce_min3A_345 = vector.multi_reduction <minsi>, %while3A_342, %reduce_min3A [1] : vector<8x4096xi32> to vector<8xi32>
          %broadcast_in_dim3A_346 = vector.shape_cast %reduce_min3A_345 : vector<8xi32> to vector<8x1xi32>
          %lt3A_347 = arith.constant 1073741824 : i32
          %lt3A_348 = vector.broadcast %lt3A_347 : i32 to vector<8x1xi32>
          %lt3A_349 = arith.cmpi slt, %broadcast_in_dim3A_346, %lt3A_348 : vector<8x1xi32>
          %add3A_350 = vector.broadcast %while3A_341 : i32 to vector<8x1xi32>
          %add3A_351 = arith.addi %sub3A, %add3A_350 : vector<8x1xi32>
          %eq3A_352 = vector.broadcast %add3A_351 : vector<8x1xi32> to vector<8x128xi32>
          %eq3A_353 = arith.cmpi eq, %iota3A_16, %eq3A_352 : vector<8x128xi32>
          %and3A_354 = vector.broadcast %lt3A_349 : vector<8x1xi1> to vector<8x128xi1>
          %and3A_355 = arith.andi %eq3A_353, %and3A_354 : vector<8x128xi1>
          %broadcast_in_dim3A_356 = vector.shape_cast %add3A_285 : vector<8x1xi32> to vector<8x1xi32>
          %broadcast_in_dim3A_357 = vector.broadcast %broadcast_in_dim3A_356 : vector<8x1xi32> to vector<8x128xi32>
          %select_n3A_358 = arith.select %and3A_355, %broadcast_in_dim3A_357, %while3A_343 : vector<8x128xi1>, vector<8x128xi32>
          %broadcast_in_dim3A_359 = vector.shape_cast %broadcast_in_dim3A_346 : vector<8x1xi32> to vector<8x1xi32>
          %broadcast_in_dim3A_360 = vector.broadcast %broadcast_in_dim3A_359 : vector<8x1xi32> to vector<8x128xi32>
          %select_n3A_361 = arith.select %and3A_355, %broadcast_in_dim3A_360, %while3A_344 : vector<8x128xi1>, vector<8x128xi32>
          %eq3A_362 = vector.broadcast %broadcast_in_dim3A_346 : vector<8x1xi32> to vector<8x4096xi32>
          %eq3A_363 = arith.cmpi eq, %while3A_342, %eq3A_362 : vector<8x4096xi32>
          %jit3A_364 = arith.constant 1073741824 : i32
          %broadcast_in_dim3A_365 = vector.broadcast %jit3A_364 : i32 to vector<8x4096xi32>
          %select_n3A_366 = arith.select %eq3A_363, %broadcast_in_dim3A_365, %while3A_342 : vector<8x4096xi1>, vector<8x4096xi32>
          scf.yield %select_n3A_366, %select_n3A_358, %select_n3A_361 : vector<8x4096xi32>, vector<8x128xi32>, vector<8x128xi32>
        }
        %while3A_296 = arith.constant 1 : i32
        %while3A_297:3 = scf.for %while3A_341 = %while3A_293 to %while3A_289 step %while3A_296 iter_args(%while3A_342 = %while3A_295#0, %while3A_343 = %while3A_295#1, %while3A_344 = %while3A_295#2) -> (vector<8x4096xi32>, vector<8x128xi32>, vector<8x128xi32>)  : i32 {
          %reduce_min3A = arith.constant dense<2147483647> : vector<8xi32>
          %reduce_min3A_345 = vector.multi_reduction <minsi>, %while3A_342, %reduce_min3A [1] : vector<8x4096xi32> to vector<8xi32>
          %broadcast_in_dim3A_346 = vector.shape_cast %reduce_min3A_345 : vector<8xi32> to vector<8x1xi32>
          %lt3A_347 = arith.constant 1073741824 : i32
          %lt3A_348 = vector.broadcast %lt3A_347 : i32 to vector<8x1xi32>
          %lt3A_349 = arith.cmpi slt, %broadcast_in_dim3A_346, %lt3A_348 : vector<8x1xi32>
          %add3A_350 = vector.broadcast %while3A_341 : i32 to vector<8x1xi32>
          %add3A_351 = arith.addi %sub3A, %add3A_350 : vector<8x1xi32>
          %eq3A_352 = vector.broadcast %add3A_351 : vector<8x1xi32> to vector<8x128xi32>
          %eq3A_353 = arith.cmpi eq, %iota3A_16, %eq3A_352 : vector<8x128xi32>
          %and3A_354 = vector.broadcast %lt3A_349 : vector<8x1xi1> to vector<8x128xi1>
          %and3A_355 = arith.andi %eq3A_353, %and3A_354 : vector<8x128xi1>
          %broadcast_in_dim3A_356 = vector.shape_cast %add3A_285 : vector<8x1xi32> to vector<8x1xi32>
          %broadcast_in_dim3A_357 = vector.broadcast %broadcast_in_dim3A_356 : vector<8x1xi32> to vector<8x128xi32>
          %select_n3A_358 = arith.select %and3A_355, %broadcast_in_dim3A_357, %while3A_343 : vector<8x128xi1>, vector<8x128xi32>
          %broadcast_in_dim3A_359 = vector.shape_cast %broadcast_in_dim3A_346 : vector<8x1xi32> to vector<8x1xi32>
          %broadcast_in_dim3A_360 = vector.broadcast %broadcast_in_dim3A_359 : vector<8x1xi32> to vector<8x128xi32>
          %select_n3A_361 = arith.select %and3A_355, %broadcast_in_dim3A_360, %while3A_344 : vector<8x128xi1>, vector<8x128xi32>
          %eq3A_362 = vector.broadcast %broadcast_in_dim3A_346 : vector<8x1xi32> to vector<8x4096xi32>
          %eq3A_363 = arith.cmpi eq, %while3A_342, %eq3A_362 : vector<8x4096xi32>
          %jit3A_364 = arith.constant 1073741824 : i32
          %broadcast_in_dim3A_365 = vector.broadcast %jit3A_364 : i32 to vector<8x4096xi32>
          %select_n3A_366 = arith.select %eq3A_363, %broadcast_in_dim3A_365, %while3A_342 : vector<8x4096xi1>, vector<8x4096xi32>
          scf.yield %select_n3A_366, %select_n3A_358, %select_n3A_361 : vector<8x4096xi32>, vector<8x128xi32>, vector<8x128xi32>
        }
        %reduce_sum3A_298 = arith.constant dense<0> : vector<128xi32>
        %reduce_sum3A_299 = vector.multi_reduction <add>, %while3A_297#1, %reduce_sum3A_298 [0] : vector<8x128xi32> to vector<128xi32>
        %broadcast_in_dim3A_300 = vector.shape_cast %reduce_sum3A_299 : vector<128xi32> to vector<1x128xi32>
        %reduce_sum3A_301 = arith.constant dense<0> : vector<128xi32>
        %reduce_sum3A_302 = vector.multi_reduction <add>, %while3A_297#2, %reduce_sum3A_301 [0] : vector<8x128xi32> to vector<128xi32>
        %broadcast_in_dim3A_303 = vector.shape_cast %reduce_sum3A_302 : vector<128xi32> to vector<1x128xi32>
        %get3A_304 = arith.constant 0 : index
        %get3A_305 = memref.load %arg4[%get3A_304] : memref<1xi32, #tpu.memory_space<smem>>
        %and3A_306 = arith.constant 127 : i32
        %and3A_307 = arith.andi %get3A_305, %and3A_306 : i32
        %sub3A_308 = arith.subi %get3A_305, %and3A_307 : i32
        %multiple_of3A = tpu.assume_multiple %sub3A_308, 128 : i32
        %roll3A_309 = tpu.dynamic_rotate %broadcast_in_dim3A_300 by %and3A_307 dim 1 : vector<1x128xi32>, i32 -> vector<1x128xi32>
        %roll3A_310 = tpu.dynamic_rotate %broadcast_in_dim3A_303 by %and3A_307 dim 1 : vector<1x128xi32>, i32 -> vector<1x128xi32>
        %ge3A_311 = vector.broadcast %and3A_307 : i32 to vector<1x128xi32>
        %ge3A_312 = arith.cmpi sge, %iota3A, %ge3A_311 : vector<1x128xi32>
        %add3A_313 = arith.addi %and3A_307, %reduce_sum3A_119 : i32
        %lt3A = vector.broadcast %add3A_313 : i32 to vector<1x128xi32>
        %lt3A_314 = arith.cmpi slt, %iota3A, %lt3A : vector<1x128xi32>
        %and3A_315 = arith.andi %ge3A_312, %lt3A_314 : vector<1x128xi1>
        %get3A_316 = arith.constant 0 : index
        %get3A_317 = arith.constant 0 : index
        %get3A_318 = vector.load %arg5[%get3A_316, %get3A_317] : memref<1x128xi32, #tpu.memory_space<vmem>>, vector<1x128xi32>
        %select_n3A_319 = arith.select %and3A_315, %roll3A_309, %get3A_318 : vector<1x128xi1>, vector<1x128xi32>
        %get3A_320 = arith.constant 0 : index
        %get3A_321 = arith.constant 0 : index
        %get3A_322 = vector.load %arg6[%get3A_320, %get3A_321] : memref<1x128xi32, #tpu.memory_space<vmem>>, vector<1x128xi32>
        %select_n3A_323 = arith.select %and3A_315, %roll3A_310, %get3A_322 : vector<1x128xi1>, vector<1x128xi32>
        %add3A_324 = arith.addi %and3A_307, %reduce_sum3A_119 : i32
        %sub3A_325 = arith.constant 128 : i32
        %sub3A_326 = arith.subi %add3A_324, %sub3A_325 : i32
        %lt3A_327 = vector.broadcast %sub3A_326 : i32 to vector<1x128xi32>
        %lt3A_328 = arith.cmpi slt, %iota3A, %lt3A_327 : vector<1x128xi32>
        %add3A_329 = arith.addi %and3A_307, %reduce_sum3A_119 : i32
        %ge3A_330 = arith.constant 128 : i32
        %ge3A_331 = arith.cmpi sge, %add3A_329, %ge3A_330 : i32
        %convert_element_type3A_332 = arith.extui %ge3A_331 : i1 to i32
        %cond3A_333 = arith.constant 0 : i32
        %cond3A_334 = arith.cmpi ne, %convert_element_type3A_332, %cond3A_333 : i32
        scf.if %cond3A_334 {
          %swap3A_341 = arith.constant 0 : index
          %swap3A_342 = arith.index_cast %multiple_of3A : i32 to index
          %swap3A_343 = vector.load %arg2[%swap3A_341, %swap3A_342] : memref<1x4224xi32, #tpu.memory_space<vmem>>, vector<1x128xi32>
          tpu.vector_store %arg2[%swap3A_341, %swap3A_342], %select_n3A_319 {strides = array<i32>} : memref<1x4224xi32, #tpu.memory_space<vmem>>, vector<1x128xi32>,
          %swap3A_344 = arith.constant 0 : index
          %swap3A_345 = arith.index_cast %multiple_of3A : i32 to index
          %swap3A_346 = vector.load %arg3[%swap3A_344, %swap3A_345] : memref<1x4224xi32, #tpu.memory_space<vmem>>, vector<1x128xi32>
          tpu.vector_store %arg3[%swap3A_344, %swap3A_345], %select_n3A_323 {strides = array<i32>} : memref<1x4224xi32, #tpu.memory_space<vmem>>, vector<1x128xi32>,
          %jit3A_347 = arith.constant 0 : i32
          %broadcast_in_dim3A_348 = vector.broadcast %jit3A_347 : i32 to vector<1x128xi32>
          %select_n3A_349 = arith.select %lt3A_328, %roll3A_309, %broadcast_in_dim3A_348 : vector<1x128xi1>, vector<1x128xi32>
          %swap3A_350 = arith.constant 0 : index
          %swap3A_351 = arith.constant 0 : index
          %swap3A_352 = vector.load %arg5[%swap3A_350, %swap3A_351] : memref<1x128xi32, #tpu.memory_space<vmem>>, vector<1x128xi32>
          tpu.vector_store %arg5[%swap3A_350, %swap3A_351], %select_n3A_349 {strides = array<i32>} : memref<1x128xi32, #tpu.memory_space<vmem>>, vector<1x128xi32>,
          %jit3A_353 = arith.constant 0 : i32
          %broadcast_in_dim3A_354 = vector.broadcast %jit3A_353 : i32 to vector<1x128xi32>
          %select_n3A_355 = arith.select %lt3A_328, %roll3A_310, %broadcast_in_dim3A_354 : vector<1x128xi1>, vector<1x128xi32>
          %swap3A_356 = arith.constant 0 : index
          %swap3A_357 = arith.constant 0 : index
          %swap3A_358 = vector.load %arg6[%swap3A_356, %swap3A_357] : memref<1x128xi32, #tpu.memory_space<vmem>>, vector<1x128xi32>
          tpu.vector_store %arg6[%swap3A_356, %swap3A_357], %select_n3A_355 {strides = array<i32>} : memref<1x128xi32, #tpu.memory_space<vmem>>, vector<1x128xi32>,
        } else {
        }
        %not3A = arith.constant true
        %not3A_335 = arith.xori %ge3A_331, %not3A : i1
        %convert_element_type3A_336 = arith.extui %not3A_335 : i1 to i32
        %cond3A_337 = arith.constant 0 : i32
        %cond3A_338 = arith.cmpi ne, %convert_element_type3A_336, %cond3A_337 : i32
        scf.if %cond3A_338 {
          %swap3A_341 = arith.constant 0 : index
          %swap3A_342 = arith.constant 0 : index
          %swap3A_343 = vector.load %arg5[%swap3A_341, %swap3A_342] : memref<1x128xi32, #tpu.memory_space<vmem>>, vector<1x128xi32>
          tpu.vector_store %arg5[%swap3A_341, %swap3A_342], %select_n3A_319 {strides = array<i32>} : memref<1x128xi32, #tpu.memory_space<vmem>>, vector<1x128xi32>,
          %swap3A_344 = arith.constant 0 : index
          %swap3A_345 = arith.constant 0 : index
          %swap3A_346 = vector.load %arg6[%swap3A_344, %swap3A_345] : memref<1x128xi32, #tpu.memory_space<vmem>>, vector<1x128xi32>
          tpu.vector_store %arg6[%swap3A_344, %swap3A_345], %select_n3A_323 {strides = array<i32>} : memref<1x128xi32, #tpu.memory_space<vmem>>, vector<1x128xi32>,
        } else {
        }
        %add3A_339 = arith.addi %get3A_305, %reduce_sum3A_119 : i32
        %swap3A = arith.constant 0 : index
        %swap3A_340 = memref.load %arg4[%swap3A] : memref<1xi32, #tpu.memory_space<smem>>
        memref.store %add3A_339, %arg4[%swap3A] : memref<1xi32, #tpu.memory_space<smem>>
      } else {
      }
      %add3A_125 = arith.constant 56 : i32
      %add3A_126 = arith.addi %mul3A_4, %add3A_125 : i32
      %slice3A_127 = vector.extract_strided_slice %and3A {offsets = [56, 0], sizes = [8, 4096], strides = [1, 1]} : vector<128x4096xi1> to vector<8x4096xi1>
      %convert_element_type3A_128 = arith.extui %slice3A_127 : vector<8x4096xi1> to vector<8x4096xi32>
      %reduce_sum3A_129 = vector.shape_cast %convert_element_type3A_128 : vector<8x4096xi32> to vector<1x8x4096xi32>
      %reduce_sum3A_130 = arith.constant dense<0> : vector<1xi32>
      %reduce_sum3A_131 = vector.multi_reduction <add>, %reduce_sum3A_129, %reduce_sum3A_130 [1, 2] : vector<1x8x4096xi32> to vector<1xi32>
      %reduce_sum3A_132 = vector.shape_cast %reduce_sum3A_131 : vector<1xi32> to vector<1x1x1xi32>
      %reduce_sum3A_133 = vector.extract %reduce_sum3A_132[0, 0, 0] : i32 from vector<1x1x1xi32>
      %gt3A_134 = arith.constant 0 : i32
      %gt3A_135 = arith.cmpi sgt, %reduce_sum3A_133, %gt3A_134 : i32
      %convert_element_type3A_136 = arith.extui %gt3A_135 : i1 to i32
      %cond3A_137 = arith.constant 0 : i32
      %cond3A_138 = arith.cmpi ne, %convert_element_type3A_136, %cond3A_137 : i32
      scf.if %cond3A_138 {
        %jit3A = arith.constant 1073741824 : i32
        %broadcast_in_dim3A = vector.broadcast %jit3A : i32 to vector<8x4096xi32>
        %select_n3A = arith.select %slice3A_127, %iota3A_15, %broadcast_in_dim3A : vector<8x4096xi1>, vector<8x4096xi32>
        %convert_element_type3A_251 = arith.extui %slice3A_127 : vector<8x4096xi1> to vector<8x4096xi32>
        %reduce_sum3A_252 = arith.constant dense<0> : vector<8xi32>
        %reduce_sum3A_253 = vector.multi_reduction <add>, %convert_element_type3A_251, %reduce_sum3A_252 [1] : vector<8x4096xi32> to vector<8xi32>
        %broadcast_in_dim3A_254 = vector.shape_cast %reduce_sum3A_253 : vector<8xi32> to vector<8x1xi32>
        %ge3A = arith.constant 1 : i32
        %ge3A_255 = vector.broadcast %ge3A : i32 to vector<8x1xi32>
        %ge3A_256 = arith.cmpi sge, %iota3A_17, %ge3A_255 : vector<8x1xi32>
        %roll3A = arith.constant 1 : i32
        %roll3A_257 = tpu.dynamic_rotate %broadcast_in_dim3A_254 by %roll3A dim 0 : vector<8x1xi32>, i32 -> vector<8x1xi32>
        %jit3A_258 = arith.constant 0 : i32
        %broadcast_in_dim3A_259 = vector.broadcast %jit3A_258 : i32 to vector<8x1xi32>
        %select_n3A_260 = arith.select %ge3A_256, %roll3A_257, %broadcast_in_dim3A_259 : vector<8x1xi1>, vector<8x1xi32>
        %add3A_261 = arith.addi %broadcast_in_dim3A_254, %select_n3A_260 : vector<8x1xi32>
        %ge3A_262 = arith.constant 2 : i32
        %ge3A_263 = vector.broadcast %ge3A_262 : i32 to vector<8x1xi32>
        %ge3A_264 = arith.cmpi sge, %iota3A_17, %ge3A_263 : vector<8x1xi32>
        %roll3A_265 = arith.constant 2 : i32
        %roll3A_266 = tpu.dynamic_rotate %add3A_261 by %roll3A_265 dim 0 : vector<8x1xi32>, i32 -> vector<8x1xi32>
        %jit3A_267 = arith.constant 0 : i32
        %broadcast_in_dim3A_268 = vector.broadcast %jit3A_267 : i32 to vector<8x1xi32>
        %select_n3A_269 = arith.select %ge3A_264, %roll3A_266, %broadcast_in_dim3A_268 : vector<8x1xi1>, vector<8x1xi32>
        %add3A_270 = arith.addi %add3A_261, %select_n3A_269 : vector<8x1xi32>
        %ge3A_271 = arith.constant 4 : i32
        %ge3A_272 = vector.broadcast %ge3A_271 : i32 to vector<8x1xi32>
        %ge3A_273 = arith.cmpi sge, %iota3A_17, %ge3A_272 : vector<8x1xi32>
        %roll3A_274 = arith.constant 4 : i32
        %roll3A_275 = tpu.dynamic_rotate %add3A_270 by %roll3A_274 dim 0 : vector<8x1xi32>, i32 -> vector<8x1xi32>
        %jit3A_276 = arith.constant 0 : i32
        %broadcast_in_dim3A_277 = vector.broadcast %jit3A_276 : i32 to vector<8x1xi32>
        %select_n3A_278 = arith.select %ge3A_273, %roll3A_275, %broadcast_in_dim3A_277 : vector<8x1xi1>, vector<8x1xi32>
        %add3A_279 = arith.addi %add3A_270, %select_n3A_278 : vector<8x1xi32>
        %sub3A = arith.subi %add3A_279, %broadcast_in_dim3A_254 : vector<8x1xi32>
        %reduce_max3A = vector.shape_cast %broadcast_in_dim3A_254 : vector<8x1xi32> to vector<1x8x1xi32>
        %reduce_max3A_280 = arith.constant dense<-2147483648> : vector<1xi32>
        %reduce_max3A_281 = vector.multi_reduction <maxsi>, %reduce_max3A, %reduce_max3A_280 [1, 2] : vector<1x8x1xi32> to vector<1xi32>
        %reduce_max3A_282 = vector.shape_cast %reduce_max3A_281 : vector<1xi32> to vector<1x1x1xi32>
        %reduce_max3A_283 = vector.extract %reduce_max3A_282[0, 0, 0] : i32 from vector<1x1x1xi32>
        %add3A_284 = vector.broadcast %add3A_126 : i32 to vector<8x1xi32>
        %add3A_285 = arith.addi %iota3A_17, %add3A_284 : vector<8x1xi32>
        %broadcast_in_dim3A_286 = arith.constant 0 : i32
        %broadcast_in_dim3A_287 = vector.broadcast %broadcast_in_dim3A_286 : i32 to vector<8x128xi32>
        %while3A = arith.constant 0 : i32
        %while3A_288 = arith.subi %reduce_max3A_283, %while3A : i32
        %while3A_289 = arith.addi %while3A, %while3A_288 : i32
        %while3A_290 = arith.constant 1 : i32
        %while3A_291 = arith.divsi %while3A_288, %while3A_290 : i32
        %while3A_292 = arith.muli %while3A_291, %while3A_290 : i32
        %while3A_293 = arith.addi %while3A, %while3A_292 : i32
        %while3A_294 = arith.constant 1 : i32
        %while3A_295:3 = scf.for %while3A_341 = %while3A to %while3A_293 step %while3A_294 iter_args(%while3A_342 = %select_n3A, %while3A_343 = %broadcast_in_dim3A_287, %while3A_344 = %broadcast_in_dim3A_287) -> (vector<8x4096xi32>, vector<8x128xi32>, vector<8x128xi32>)  : i32 {
          %reduce_min3A = arith.constant dense<2147483647> : vector<8xi32>
          %reduce_min3A_345 = vector.multi_reduction <minsi>, %while3A_342, %reduce_min3A [1] : vector<8x4096xi32> to vector<8xi32>
          %broadcast_in_dim3A_346 = vector.shape_cast %reduce_min3A_345 : vector<8xi32> to vector<8x1xi32>
          %lt3A_347 = arith.constant 1073741824 : i32
          %lt3A_348 = vector.broadcast %lt3A_347 : i32 to vector<8x1xi32>
          %lt3A_349 = arith.cmpi slt, %broadcast_in_dim3A_346, %lt3A_348 : vector<8x1xi32>
          %add3A_350 = vector.broadcast %while3A_341 : i32 to vector<8x1xi32>
          %add3A_351 = arith.addi %sub3A, %add3A_350 : vector<8x1xi32>
          %eq3A_352 = vector.broadcast %add3A_351 : vector<8x1xi32> to vector<8x128xi32>
          %eq3A_353 = arith.cmpi eq, %iota3A_16, %eq3A_352 : vector<8x128xi32>
          %and3A_354 = vector.broadcast %lt3A_349 : vector<8x1xi1> to vector<8x128xi1>
          %and3A_355 = arith.andi %eq3A_353, %and3A_354 : vector<8x128xi1>
          %broadcast_in_dim3A_356 = vector.shape_cast %add3A_285 : vector<8x1xi32> to vector<8x1xi32>
          %broadcast_in_dim3A_357 = vector.broadcast %broadcast_in_dim3A_356 : vector<8x1xi32> to vector<8x128xi32>
          %select_n3A_358 = arith.select %and3A_355, %broadcast_in_dim3A_357, %while3A_343 : vector<8x128xi1>, vector<8x128xi32>
          %broadcast_in_dim3A_359 = vector.shape_cast %broadcast_in_dim3A_346 : vector<8x1xi32> to vector<8x1xi32>
          %broadcast_in_dim3A_360 = vector.broadcast %broadcast_in_dim3A_359 : vector<8x1xi32> to vector<8x128xi32>
          %select_n3A_361 = arith.select %and3A_355, %broadcast_in_dim3A_360, %while3A_344 : vector<8x128xi1>, vector<8x128xi32>
          %eq3A_362 = vector.broadcast %broadcast_in_dim3A_346 : vector<8x1xi32> to vector<8x4096xi32>
          %eq3A_363 = arith.cmpi eq, %while3A_342, %eq3A_362 : vector<8x4096xi32>
          %jit3A_364 = arith.constant 1073741824 : i32
          %broadcast_in_dim3A_365 = vector.broadcast %jit3A_364 : i32 to vector<8x4096xi32>
          %select_n3A_366 = arith.select %eq3A_363, %broadcast_in_dim3A_365, %while3A_342 : vector<8x4096xi1>, vector<8x4096xi32>
          scf.yield %select_n3A_366, %select_n3A_358, %select_n3A_361 : vector<8x4096xi32>, vector<8x128xi32>, vector<8x128xi32>
        }
        %while3A_296 = arith.constant 1 : i32
        %while3A_297:3 = scf.for %while3A_341 = %while3A_293 to %while3A_289 step %while3A_296 iter_args(%while3A_342 = %while3A_295#0, %while3A_343 = %while3A_295#1, %while3A_344 = %while3A_295#2) -> (vector<8x4096xi32>, vector<8x128xi32>, vector<8x128xi32>)  : i32 {
          %reduce_min3A = arith.constant dense<2147483647> : vector<8xi32>
          %reduce_min3A_345 = vector.multi_reduction <minsi>, %while3A_342, %reduce_min3A [1] : vector<8x4096xi32> to vector<8xi32>
          %broadcast_in_dim3A_346 = vector.shape_cast %reduce_min3A_345 : vector<8xi32> to vector<8x1xi32>
          %lt3A_347 = arith.constant 1073741824 : i32
          %lt3A_348 = vector.broadcast %lt3A_347 : i32 to vector<8x1xi32>
          %lt3A_349 = arith.cmpi slt, %broadcast_in_dim3A_346, %lt3A_348 : vector<8x1xi32>
          %add3A_350 = vector.broadcast %while3A_341 : i32 to vector<8x1xi32>
          %add3A_351 = arith.addi %sub3A, %add3A_350 : vector<8x1xi32>
          %eq3A_352 = vector.broadcast %add3A_351 : vector<8x1xi32> to vector<8x128xi32>
          %eq3A_353 = arith.cmpi eq, %iota3A_16, %eq3A_352 : vector<8x128xi32>
          %and3A_354 = vector.broadcast %lt3A_349 : vector<8x1xi1> to vector<8x128xi1>
          %and3A_355 = arith.andi %eq3A_353, %and3A_354 : vector<8x128xi1>
          %broadcast_in_dim3A_356 = vector.shape_cast %add3A_285 : vector<8x1xi32> to vector<8x1xi32>
          %broadcast_in_dim3A_357 = vector.broadcast %broadcast_in_dim3A_356 : vector<8x1xi32> to vector<8x128xi32>
          %select_n3A_358 = arith.select %and3A_355, %broadcast_in_dim3A_357, %while3A_343 : vector<8x128xi1>, vector<8x128xi32>
          %broadcast_in_dim3A_359 = vector.shape_cast %broadcast_in_dim3A_346 : vector<8x1xi32> to vector<8x1xi32>
          %broadcast_in_dim3A_360 = vector.broadcast %broadcast_in_dim3A_359 : vector<8x1xi32> to vector<8x128xi32>
          %select_n3A_361 = arith.select %and3A_355, %broadcast_in_dim3A_360, %while3A_344 : vector<8x128xi1>, vector<8x128xi32>
          %eq3A_362 = vector.broadcast %broadcast_in_dim3A_346 : vector<8x1xi32> to vector<8x4096xi32>
          %eq3A_363 = arith.cmpi eq, %while3A_342, %eq3A_362 : vector<8x4096xi32>
          %jit3A_364 = arith.constant 1073741824 : i32
          %broadcast_in_dim3A_365 = vector.broadcast %jit3A_364 : i32 to vector<8x4096xi32>
          %select_n3A_366 = arith.select %eq3A_363, %broadcast_in_dim3A_365, %while3A_342 : vector<8x4096xi1>, vector<8x4096xi32>
          scf.yield %select_n3A_366, %select_n3A_358, %select_n3A_361 : vector<8x4096xi32>, vector<8x128xi32>, vector<8x128xi32>
        }
        %reduce_sum3A_298 = arith.constant dense<0> : vector<128xi32>
        %reduce_sum3A_299 = vector.multi_reduction <add>, %while3A_297#1, %reduce_sum3A_298 [0] : vector<8x128xi32> to vector<128xi32>
        %broadcast_in_dim3A_300 = vector.shape_cast %reduce_sum3A_299 : vector<128xi32> to vector<1x128xi32>
        %reduce_sum3A_301 = arith.constant dense<0> : vector<128xi32>
        %reduce_sum3A_302 = vector.multi_reduction <add>, %while3A_297#2, %reduce_sum3A_301 [0] : vector<8x128xi32> to vector<128xi32>
        %broadcast_in_dim3A_303 = vector.shape_cast %reduce_sum3A_302 : vector<128xi32> to vector<1x128xi32>
        %get3A_304 = arith.constant 0 : index
        %get3A_305 = memref.load %arg4[%get3A_304] : memref<1xi32, #tpu.memory_space<smem>>
        %and3A_306 = arith.constant 127 : i32
        %and3A_307 = arith.andi %get3A_305, %and3A_306 : i32
        %sub3A_308 = arith.subi %get3A_305, %and3A_307 : i32
        %multiple_of3A = tpu.assume_multiple %sub3A_308, 128 : i32
        %roll3A_309 = tpu.dynamic_rotate %broadcast_in_dim3A_300 by %and3A_307 dim 1 : vector<1x128xi32>, i32 -> vector<1x128xi32>
        %roll3A_310 = tpu.dynamic_rotate %broadcast_in_dim3A_303 by %and3A_307 dim 1 : vector<1x128xi32>, i32 -> vector<1x128xi32>
        %ge3A_311 = vector.broadcast %and3A_307 : i32 to vector<1x128xi32>
        %ge3A_312 = arith.cmpi sge, %iota3A, %ge3A_311 : vector<1x128xi32>
        %add3A_313 = arith.addi %and3A_307, %reduce_sum3A_133 : i32
        %lt3A = vector.broadcast %add3A_313 : i32 to vector<1x128xi32>
        %lt3A_314 = arith.cmpi slt, %iota3A, %lt3A : vector<1x128xi32>
        %and3A_315 = arith.andi %ge3A_312, %lt3A_314 : vector<1x128xi1>
        %get3A_316 = arith.constant 0 : index
        %get3A_317 = arith.constant 0 : index
        %get3A_318 = vector.load %arg5[%get3A_316, %get3A_317] : memref<1x128xi32, #tpu.memory_space<vmem>>, vector<1x128xi32>
        %select_n3A_319 = arith.select %and3A_315, %roll3A_309, %get3A_318 : vector<1x128xi1>, vector<1x128xi32>
        %get3A_320 = arith.constant 0 : index
        %get3A_321 = arith.constant 0 : index
        %get3A_322 = vector.load %arg6[%get3A_320, %get3A_321] : memref<1x128xi32, #tpu.memory_space<vmem>>, vector<1x128xi32>
        %select_n3A_323 = arith.select %and3A_315, %roll3A_310, %get3A_322 : vector<1x128xi1>, vector<1x128xi32>
        %add3A_324 = arith.addi %and3A_307, %reduce_sum3A_133 : i32
        %sub3A_325 = arith.constant 128 : i32
        %sub3A_326 = arith.subi %add3A_324, %sub3A_325 : i32
        %lt3A_327 = vector.broadcast %sub3A_326 : i32 to vector<1x128xi32>
        %lt3A_328 = arith.cmpi slt, %iota3A, %lt3A_327 : vector<1x128xi32>
        %add3A_329 = arith.addi %and3A_307, %reduce_sum3A_133 : i32
        %ge3A_330 = arith.constant 128 : i32
        %ge3A_331 = arith.cmpi sge, %add3A_329, %ge3A_330 : i32
        %convert_element_type3A_332 = arith.extui %ge3A_331 : i1 to i32
        %cond3A_333 = arith.constant 0 : i32
        %cond3A_334 = arith.cmpi ne, %convert_element_type3A_332, %cond3A_333 : i32
        scf.if %cond3A_334 {
          %swap3A_341 = arith.constant 0 : index
          %swap3A_342 = arith.index_cast %multiple_of3A : i32 to index
          %swap3A_343 = vector.load %arg2[%swap3A_341, %swap3A_342] : memref<1x4224xi32, #tpu.memory_space<vmem>>, vector<1x128xi32>
          tpu.vector_store %arg2[%swap3A_341, %swap3A_342], %select_n3A_319 {strides = array<i32>} : memref<1x4224xi32, #tpu.memory_space<vmem>>, vector<1x128xi32>,
          %swap3A_344 = arith.constant 0 : index
          %swap3A_345 = arith.index_cast %multiple_of3A : i32 to index
          %swap3A_346 = vector.load %arg3[%swap3A_344, %swap3A_345] : memref<1x4224xi32, #tpu.memory_space<vmem>>, vector<1x128xi32>
          tpu.vector_store %arg3[%swap3A_344, %swap3A_345], %select_n3A_323 {strides = array<i32>} : memref<1x4224xi32, #tpu.memory_space<vmem>>, vector<1x128xi32>,
          %jit3A_347 = arith.constant 0 : i32
          %broadcast_in_dim3A_348 = vector.broadcast %jit3A_347 : i32 to vector<1x128xi32>
          %select_n3A_349 = arith.select %lt3A_328, %roll3A_309, %broadcast_in_dim3A_348 : vector<1x128xi1>, vector<1x128xi32>
          %swap3A_350 = arith.constant 0 : index
          %swap3A_351 = arith.constant 0 : index
          %swap3A_352 = vector.load %arg5[%swap3A_350, %swap3A_351] : memref<1x128xi32, #tpu.memory_space<vmem>>, vector<1x128xi32>
          tpu.vector_store %arg5[%swap3A_350, %swap3A_351], %select_n3A_349 {strides = array<i32>} : memref<1x128xi32, #tpu.memory_space<vmem>>, vector<1x128xi32>,
          %jit3A_353 = arith.constant 0 : i32
          %broadcast_in_dim3A_354 = vector.broadcast %jit3A_353 : i32 to vector<1x128xi32>
          %select_n3A_355 = arith.select %lt3A_328, %roll3A_310, %broadcast_in_dim3A_354 : vector<1x128xi1>, vector<1x128xi32>
          %swap3A_356 = arith.constant 0 : index
          %swap3A_357 = arith.constant 0 : index
          %swap3A_358 = vector.load %arg6[%swap3A_356, %swap3A_357] : memref<1x128xi32, #tpu.memory_space<vmem>>, vector<1x128xi32>
          tpu.vector_store %arg6[%swap3A_356, %swap3A_357], %select_n3A_355 {strides = array<i32>} : memref<1x128xi32, #tpu.memory_space<vmem>>, vector<1x128xi32>,
        } else {
        }
        %not3A = arith.constant true
        %not3A_335 = arith.xori %ge3A_331, %not3A : i1
        %convert_element_type3A_336 = arith.extui %not3A_335 : i1 to i32
        %cond3A_337 = arith.constant 0 : i32
        %cond3A_338 = arith.cmpi ne, %convert_element_type3A_336, %cond3A_337 : i32
        scf.if %cond3A_338 {
          %swap3A_341 = arith.constant 0 : index
          %swap3A_342 = arith.constant 0 : index
          %swap3A_343 = vector.load %arg5[%swap3A_341, %swap3A_342] : memref<1x128xi32, #tpu.memory_space<vmem>>, vector<1x128xi32>
          tpu.vector_store %arg5[%swap3A_341, %swap3A_342], %select_n3A_319 {strides = array<i32>} : memref<1x128xi32, #tpu.memory_space<vmem>>, vector<1x128xi32>,
          %swap3A_344 = arith.constant 0 : index
          %swap3A_345 = arith.constant 0 : index
          %swap3A_346 = vector.load %arg6[%swap3A_344, %swap3A_345] : memref<1x128xi32, #tpu.memory_space<vmem>>, vector<1x128xi32>
          tpu.vector_store %arg6[%swap3A_344, %swap3A_345], %select_n3A_323 {strides = array<i32>} : memref<1x128xi32, #tpu.memory_space<vmem>>, vector<1x128xi32>,
        } else {
        }
        %add3A_339 = arith.addi %get3A_305, %reduce_sum3A_133 : i32
        %swap3A = arith.constant 0 : index
        %swap3A_340 = memref.load %arg4[%swap3A] : memref<1xi32, #tpu.memory_space<smem>>
        memref.store %add3A_339, %arg4[%swap3A] : memref<1xi32, #tpu.memory_space<smem>>
      } else {
      }
      %add3A_139 = arith.constant 64 : i32
      %add3A_140 = arith.addi %mul3A_4, %add3A_139 : i32
      %slice3A_141 = vector.extract_strided_slice %and3A {offsets = [64, 0], sizes = [8, 4096], strides = [1, 1]} : vector<128x4096xi1> to vector<8x4096xi1>
      %convert_element_type3A_142 = arith.extui %slice3A_141 : vector<8x4096xi1> to vector<8x4096xi32>
      %reduce_sum3A_143 = vector.shape_cast %convert_element_type3A_142 : vector<8x4096xi32> to vector<1x8x4096xi32>
      %reduce_sum3A_144 = arith.constant dense<0> : vector<1xi32>
      %reduce_sum3A_145 = vector.multi_reduction <add>, %reduce_sum3A_143, %reduce_sum3A_144 [1, 2] : vector<1x8x4096xi32> to vector<1xi32>
      %reduce_sum3A_146 = vector.shape_cast %reduce_sum3A_145 : vector<1xi32> to vector<1x1x1xi32>
      %reduce_sum3A_147 = vector.extract %reduce_sum3A_146[0, 0, 0] : i32 from vector<1x1x1xi32>
      %gt3A_148 = arith.constant 0 : i32
      %gt3A_149 = arith.cmpi sgt, %reduce_sum3A_147, %gt3A_148 : i32
      %convert_element_type3A_150 = arith.extui %gt3A_149 : i1 to i32
      %cond3A_151 = arith.constant 0 : i32
      %cond3A_152 = arith.cmpi ne, %convert_element_type3A_150, %cond3A_151 : i32
      scf.if %cond3A_152 {
        %jit3A = arith.constant 1073741824 : i32
        %broadcast_in_dim3A = vector.broadcast %jit3A : i32 to vector<8x4096xi32>
        %select_n3A = arith.select %slice3A_141, %iota3A_15, %broadcast_in_dim3A : vector<8x4096xi1>, vector<8x4096xi32>
        %convert_element_type3A_251 = arith.extui %slice3A_141 : vector<8x4096xi1> to vector<8x4096xi32>
        %reduce_sum3A_252 = arith.constant dense<0> : vector<8xi32>
        %reduce_sum3A_253 = vector.multi_reduction <add>, %convert_element_type3A_251, %reduce_sum3A_252 [1] : vector<8x4096xi32> to vector<8xi32>
        %broadcast_in_dim3A_254 = vector.shape_cast %reduce_sum3A_253 : vector<8xi32> to vector<8x1xi32>
        %ge3A = arith.constant 1 : i32
        %ge3A_255 = vector.broadcast %ge3A : i32 to vector<8x1xi32>
        %ge3A_256 = arith.cmpi sge, %iota3A_17, %ge3A_255 : vector<8x1xi32>
        %roll3A = arith.constant 1 : i32
        %roll3A_257 = tpu.dynamic_rotate %broadcast_in_dim3A_254 by %roll3A dim 0 : vector<8x1xi32>, i32 -> vector<8x1xi32>
        %jit3A_258 = arith.constant 0 : i32
        %broadcast_in_dim3A_259 = vector.broadcast %jit3A_258 : i32 to vector<8x1xi32>
        %select_n3A_260 = arith.select %ge3A_256, %roll3A_257, %broadcast_in_dim3A_259 : vector<8x1xi1>, vector<8x1xi32>
        %add3A_261 = arith.addi %broadcast_in_dim3A_254, %select_n3A_260 : vector<8x1xi32>
        %ge3A_262 = arith.constant 2 : i32
        %ge3A_263 = vector.broadcast %ge3A_262 : i32 to vector<8x1xi32>
        %ge3A_264 = arith.cmpi sge, %iota3A_17, %ge3A_263 : vector<8x1xi32>
        %roll3A_265 = arith.constant 2 : i32
        %roll3A_266 = tpu.dynamic_rotate %add3A_261 by %roll3A_265 dim 0 : vector<8x1xi32>, i32 -> vector<8x1xi32>
        %jit3A_267 = arith.constant 0 : i32
        %broadcast_in_dim3A_268 = vector.broadcast %jit3A_267 : i32 to vector<8x1xi32>
        %select_n3A_269 = arith.select %ge3A_264, %roll3A_266, %broadcast_in_dim3A_268 : vector<8x1xi1>, vector<8x1xi32>
        %add3A_270 = arith.addi %add3A_261, %select_n3A_269 : vector<8x1xi32>
        %ge3A_271 = arith.constant 4 : i32
        %ge3A_272 = vector.broadcast %ge3A_271 : i32 to vector<8x1xi32>
        %ge3A_273 = arith.cmpi sge, %iota3A_17, %ge3A_272 : vector<8x1xi32>
        %roll3A_274 = arith.constant 4 : i32
        %roll3A_275 = tpu.dynamic_rotate %add3A_270 by %roll3A_274 dim 0 : vector<8x1xi32>, i32 -> vector<8x1xi32>
        %jit3A_276 = arith.constant 0 : i32
        %broadcast_in_dim3A_277 = vector.broadcast %jit3A_276 : i32 to vector<8x1xi32>
        %select_n3A_278 = arith.select %ge3A_273, %roll3A_275, %broadcast_in_dim3A_277 : vector<8x1xi1>, vector<8x1xi32>
        %add3A_279 = arith.addi %add3A_270, %select_n3A_278 : vector<8x1xi32>
        %sub3A = arith.subi %add3A_279, %broadcast_in_dim3A_254 : vector<8x1xi32>
        %reduce_max3A = vector.shape_cast %broadcast_in_dim3A_254 : vector<8x1xi32> to vector<1x8x1xi32>
        %reduce_max3A_280 = arith.constant dense<-2147483648> : vector<1xi32>
        %reduce_max3A_281 = vector.multi_reduction <maxsi>, %reduce_max3A, %reduce_max3A_280 [1, 2] : vector<1x8x1xi32> to vector<1xi32>
        %reduce_max3A_282 = vector.shape_cast %reduce_max3A_281 : vector<1xi32> to vector<1x1x1xi32>
        %reduce_max3A_283 = vector.extract %reduce_max3A_282[0, 0, 0] : i32 from vector<1x1x1xi32>
        %add3A_284 = vector.broadcast %add3A_140 : i32 to vector<8x1xi32>
        %add3A_285 = arith.addi %iota3A_17, %add3A_284 : vector<8x1xi32>
        %broadcast_in_dim3A_286 = arith.constant 0 : i32
        %broadcast_in_dim3A_287 = vector.broadcast %broadcast_in_dim3A_286 : i32 to vector<8x128xi32>
        %while3A = arith.constant 0 : i32
        %while3A_288 = arith.subi %reduce_max3A_283, %while3A : i32
        %while3A_289 = arith.addi %while3A, %while3A_288 : i32
        %while3A_290 = arith.constant 1 : i32
        %while3A_291 = arith.divsi %while3A_288, %while3A_290 : i32
        %while3A_292 = arith.muli %while3A_291, %while3A_290 : i32
        %while3A_293 = arith.addi %while3A, %while3A_292 : i32
        %while3A_294 = arith.constant 1 : i32
        %while3A_295:3 = scf.for %while3A_341 = %while3A to %while3A_293 step %while3A_294 iter_args(%while3A_342 = %select_n3A, %while3A_343 = %broadcast_in_dim3A_287, %while3A_344 = %broadcast_in_dim3A_287) -> (vector<8x4096xi32>, vector<8x128xi32>, vector<8x128xi32>)  : i32 {
          %reduce_min3A = arith.constant dense<2147483647> : vector<8xi32>
          %reduce_min3A_345 = vector.multi_reduction <minsi>, %while3A_342, %reduce_min3A [1] : vector<8x4096xi32> to vector<8xi32>
          %broadcast_in_dim3A_346 = vector.shape_cast %reduce_min3A_345 : vector<8xi32> to vector<8x1xi32>
          %lt3A_347 = arith.constant 1073741824 : i32
          %lt3A_348 = vector.broadcast %lt3A_347 : i32 to vector<8x1xi32>
          %lt3A_349 = arith.cmpi slt, %broadcast_in_dim3A_346, %lt3A_348 : vector<8x1xi32>
          %add3A_350 = vector.broadcast %while3A_341 : i32 to vector<8x1xi32>
          %add3A_351 = arith.addi %sub3A, %add3A_350 : vector<8x1xi32>
          %eq3A_352 = vector.broadcast %add3A_351 : vector<8x1xi32> to vector<8x128xi32>
          %eq3A_353 = arith.cmpi eq, %iota3A_16, %eq3A_352 : vector<8x128xi32>
          %and3A_354 = vector.broadcast %lt3A_349 : vector<8x1xi1> to vector<8x128xi1>
          %and3A_355 = arith.andi %eq3A_353, %and3A_354 : vector<8x128xi1>
          %broadcast_in_dim3A_356 = vector.shape_cast %add3A_285 : vector<8x1xi32> to vector<8x1xi32>
          %broadcast_in_dim3A_357 = vector.broadcast %broadcast_in_dim3A_356 : vector<8x1xi32> to vector<8x128xi32>
          %select_n3A_358 = arith.select %and3A_355, %broadcast_in_dim3A_357, %while3A_343 : vector<8x128xi1>, vector<8x128xi32>
          %broadcast_in_dim3A_359 = vector.shape_cast %broadcast_in_dim3A_346 : vector<8x1xi32> to vector<8x1xi32>
          %broadcast_in_dim3A_360 = vector.broadcast %broadcast_in_dim3A_359 : vector<8x1xi32> to vector<8x128xi32>
          %select_n3A_361 = arith.select %and3A_355, %broadcast_in_dim3A_360, %while3A_344 : vector<8x128xi1>, vector<8x128xi32>
          %eq3A_362 = vector.broadcast %broadcast_in_dim3A_346 : vector<8x1xi32> to vector<8x4096xi32>
          %eq3A_363 = arith.cmpi eq, %while3A_342, %eq3A_362 : vector<8x4096xi32>
          %jit3A_364 = arith.constant 1073741824 : i32
          %broadcast_in_dim3A_365 = vector.broadcast %jit3A_364 : i32 to vector<8x4096xi32>
          %select_n3A_366 = arith.select %eq3A_363, %broadcast_in_dim3A_365, %while3A_342 : vector<8x4096xi1>, vector<8x4096xi32>
          scf.yield %select_n3A_366, %select_n3A_358, %select_n3A_361 : vector<8x4096xi32>, vector<8x128xi32>, vector<8x128xi32>
        }
        %while3A_296 = arith.constant 1 : i32
        %while3A_297:3 = scf.for %while3A_341 = %while3A_293 to %while3A_289 step %while3A_296 iter_args(%while3A_342 = %while3A_295#0, %while3A_343 = %while3A_295#1, %while3A_344 = %while3A_295#2) -> (vector<8x4096xi32>, vector<8x128xi32>, vector<8x128xi32>)  : i32 {
          %reduce_min3A = arith.constant dense<2147483647> : vector<8xi32>
          %reduce_min3A_345 = vector.multi_reduction <minsi>, %while3A_342, %reduce_min3A [1] : vector<8x4096xi32> to vector<8xi32>
          %broadcast_in_dim3A_346 = vector.shape_cast %reduce_min3A_345 : vector<8xi32> to vector<8x1xi32>
          %lt3A_347 = arith.constant 1073741824 : i32
          %lt3A_348 = vector.broadcast %lt3A_347 : i32 to vector<8x1xi32>
          %lt3A_349 = arith.cmpi slt, %broadcast_in_dim3A_346, %lt3A_348 : vector<8x1xi32>
          %add3A_350 = vector.broadcast %while3A_341 : i32 to vector<8x1xi32>
          %add3A_351 = arith.addi %sub3A, %add3A_350 : vector<8x1xi32>
          %eq3A_352 = vector.broadcast %add3A_351 : vector<8x1xi32> to vector<8x128xi32>
          %eq3A_353 = arith.cmpi eq, %iota3A_16, %eq3A_352 : vector<8x128xi32>
          %and3A_354 = vector.broadcast %lt3A_349 : vector<8x1xi1> to vector<8x128xi1>
          %and3A_355 = arith.andi %eq3A_353, %and3A_354 : vector<8x128xi1>
          %broadcast_in_dim3A_356 = vector.shape_cast %add3A_285 : vector<8x1xi32> to vector<8x1xi32>
          %broadcast_in_dim3A_357 = vector.broadcast %broadcast_in_dim3A_356 : vector<8x1xi32> to vector<8x128xi32>
          %select_n3A_358 = arith.select %and3A_355, %broadcast_in_dim3A_357, %while3A_343 : vector<8x128xi1>, vector<8x128xi32>
          %broadcast_in_dim3A_359 = vector.shape_cast %broadcast_in_dim3A_346 : vector<8x1xi32> to vector<8x1xi32>
          %broadcast_in_dim3A_360 = vector.broadcast %broadcast_in_dim3A_359 : vector<8x1xi32> to vector<8x128xi32>
          %select_n3A_361 = arith.select %and3A_355, %broadcast_in_dim3A_360, %while3A_344 : vector<8x128xi1>, vector<8x128xi32>
          %eq3A_362 = vector.broadcast %broadcast_in_dim3A_346 : vector<8x1xi32> to vector<8x4096xi32>
          %eq3A_363 = arith.cmpi eq, %while3A_342, %eq3A_362 : vector<8x4096xi32>
          %jit3A_364 = arith.constant 1073741824 : i32
          %broadcast_in_dim3A_365 = vector.broadcast %jit3A_364 : i32 to vector<8x4096xi32>
          %select_n3A_366 = arith.select %eq3A_363, %broadcast_in_dim3A_365, %while3A_342 : vector<8x4096xi1>, vector<8x4096xi32>
          scf.yield %select_n3A_366, %select_n3A_358, %select_n3A_361 : vector<8x4096xi32>, vector<8x128xi32>, vector<8x128xi32>
        }
        %reduce_sum3A_298 = arith.constant dense<0> : vector<128xi32>
        %reduce_sum3A_299 = vector.multi_reduction <add>, %while3A_297#1, %reduce_sum3A_298 [0] : vector<8x128xi32> to vector<128xi32>
        %broadcast_in_dim3A_300 = vector.shape_cast %reduce_sum3A_299 : vector<128xi32> to vector<1x128xi32>
        %reduce_sum3A_301 = arith.constant dense<0> : vector<128xi32>
        %reduce_sum3A_302 = vector.multi_reduction <add>, %while3A_297#2, %reduce_sum3A_301 [0] : vector<8x128xi32> to vector<128xi32>
        %broadcast_in_dim3A_303 = vector.shape_cast %reduce_sum3A_302 : vector<128xi32> to vector<1x128xi32>
        %get3A_304 = arith.constant 0 : index
        %get3A_305 = memref.load %arg4[%get3A_304] : memref<1xi32, #tpu.memory_space<smem>>
        %and3A_306 = arith.constant 127 : i32
        %and3A_307 = arith.andi %get3A_305, %and3A_306 : i32
        %sub3A_308 = arith.subi %get3A_305, %and3A_307 : i32
        %multiple_of3A = tpu.assume_multiple %sub3A_308, 128 : i32
        %roll3A_309 = tpu.dynamic_rotate %broadcast_in_dim3A_300 by %and3A_307 dim 1 : vector<1x128xi32>, i32 -> vector<1x128xi32>
        %roll3A_310 = tpu.dynamic_rotate %broadcast_in_dim3A_303 by %and3A_307 dim 1 : vector<1x128xi32>, i32 -> vector<1x128xi32>
        %ge3A_311 = vector.broadcast %and3A_307 : i32 to vector<1x128xi32>
        %ge3A_312 = arith.cmpi sge, %iota3A, %ge3A_311 : vector<1x128xi32>
        %add3A_313 = arith.addi %and3A_307, %reduce_sum3A_147 : i32
        %lt3A = vector.broadcast %add3A_313 : i32 to vector<1x128xi32>
        %lt3A_314 = arith.cmpi slt, %iota3A, %lt3A : vector<1x128xi32>
        %and3A_315 = arith.andi %ge3A_312, %lt3A_314 : vector<1x128xi1>
        %get3A_316 = arith.constant 0 : index
        %get3A_317 = arith.constant 0 : index
        %get3A_318 = vector.load %arg5[%get3A_316, %get3A_317] : memref<1x128xi32, #tpu.memory_space<vmem>>, vector<1x128xi32>
        %select_n3A_319 = arith.select %and3A_315, %roll3A_309, %get3A_318 : vector<1x128xi1>, vector<1x128xi32>
        %get3A_320 = arith.constant 0 : index
        %get3A_321 = arith.constant 0 : index
        %get3A_322 = vector.load %arg6[%get3A_320, %get3A_321] : memref<1x128xi32, #tpu.memory_space<vmem>>, vector<1x128xi32>
        %select_n3A_323 = arith.select %and3A_315, %roll3A_310, %get3A_322 : vector<1x128xi1>, vector<1x128xi32>
        %add3A_324 = arith.addi %and3A_307, %reduce_sum3A_147 : i32
        %sub3A_325 = arith.constant 128 : i32
        %sub3A_326 = arith.subi %add3A_324, %sub3A_325 : i32
        %lt3A_327 = vector.broadcast %sub3A_326 : i32 to vector<1x128xi32>
        %lt3A_328 = arith.cmpi slt, %iota3A, %lt3A_327 : vector<1x128xi32>
        %add3A_329 = arith.addi %and3A_307, %reduce_sum3A_147 : i32
        %ge3A_330 = arith.constant 128 : i32
        %ge3A_331 = arith.cmpi sge, %add3A_329, %ge3A_330 : i32
        %convert_element_type3A_332 = arith.extui %ge3A_331 : i1 to i32
        %cond3A_333 = arith.constant 0 : i32
        %cond3A_334 = arith.cmpi ne, %convert_element_type3A_332, %cond3A_333 : i32
        scf.if %cond3A_334 {
          %swap3A_341 = arith.constant 0 : index
          %swap3A_342 = arith.index_cast %multiple_of3A : i32 to index
          %swap3A_343 = vector.load %arg2[%swap3A_341, %swap3A_342] : memref<1x4224xi32, #tpu.memory_space<vmem>>, vector<1x128xi32>
          tpu.vector_store %arg2[%swap3A_341, %swap3A_342], %select_n3A_319 {strides = array<i32>} : memref<1x4224xi32, #tpu.memory_space<vmem>>, vector<1x128xi32>,
          %swap3A_344 = arith.constant 0 : index
          %swap3A_345 = arith.index_cast %multiple_of3A : i32 to index
          %swap3A_346 = vector.load %arg3[%swap3A_344, %swap3A_345] : memref<1x4224xi32, #tpu.memory_space<vmem>>, vector<1x128xi32>
          tpu.vector_store %arg3[%swap3A_344, %swap3A_345], %select_n3A_323 {strides = array<i32>} : memref<1x4224xi32, #tpu.memory_space<vmem>>, vector<1x128xi32>,
          %jit3A_347 = arith.constant 0 : i32
          %broadcast_in_dim3A_348 = vector.broadcast %jit3A_347 : i32 to vector<1x128xi32>
          %select_n3A_349 = arith.select %lt3A_328, %roll3A_309, %broadcast_in_dim3A_348 : vector<1x128xi1>, vector<1x128xi32>
          %swap3A_350 = arith.constant 0 : index
          %swap3A_351 = arith.constant 0 : index
          %swap3A_352 = vector.load %arg5[%swap3A_350, %swap3A_351] : memref<1x128xi32, #tpu.memory_space<vmem>>, vector<1x128xi32>
          tpu.vector_store %arg5[%swap3A_350, %swap3A_351], %select_n3A_349 {strides = array<i32>} : memref<1x128xi32, #tpu.memory_space<vmem>>, vector<1x128xi32>,
          %jit3A_353 = arith.constant 0 : i32
          %broadcast_in_dim3A_354 = vector.broadcast %jit3A_353 : i32 to vector<1x128xi32>
          %select_n3A_355 = arith.select %lt3A_328, %roll3A_310, %broadcast_in_dim3A_354 : vector<1x128xi1>, vector<1x128xi32>
          %swap3A_356 = arith.constant 0 : index
          %swap3A_357 = arith.constant 0 : index
          %swap3A_358 = vector.load %arg6[%swap3A_356, %swap3A_357] : memref<1x128xi32, #tpu.memory_space<vmem>>, vector<1x128xi32>
          tpu.vector_store %arg6[%swap3A_356, %swap3A_357], %select_n3A_355 {strides = array<i32>} : memref<1x128xi32, #tpu.memory_space<vmem>>, vector<1x128xi32>,
        } else {
        }
        %not3A = arith.constant true
        %not3A_335 = arith.xori %ge3A_331, %not3A : i1
        %convert_element_type3A_336 = arith.extui %not3A_335 : i1 to i32
        %cond3A_337 = arith.constant 0 : i32
        %cond3A_338 = arith.cmpi ne, %convert_element_type3A_336, %cond3A_337 : i32
        scf.if %cond3A_338 {
          %swap3A_341 = arith.constant 0 : index
          %swap3A_342 = arith.constant 0 : index
          %swap3A_343 = vector.load %arg5[%swap3A_341, %swap3A_342] : memref<1x128xi32, #tpu.memory_space<vmem>>, vector<1x128xi32>
          tpu.vector_store %arg5[%swap3A_341, %swap3A_342], %select_n3A_319 {strides = array<i32>} : memref<1x128xi32, #tpu.memory_space<vmem>>, vector<1x128xi32>,
          %swap3A_344 = arith.constant 0 : index
          %swap3A_345 = arith.constant 0 : index
          %swap3A_346 = vector.load %arg6[%swap3A_344, %swap3A_345] : memref<1x128xi32, #tpu.memory_space<vmem>>, vector<1x128xi32>
          tpu.vector_store %arg6[%swap3A_344, %swap3A_345], %select_n3A_323 {strides = array<i32>} : memref<1x128xi32, #tpu.memory_space<vmem>>, vector<1x128xi32>,
        } else {
        }
        %add3A_339 = arith.addi %get3A_305, %reduce_sum3A_147 : i32
        %swap3A = arith.constant 0 : index
        %swap3A_340 = memref.load %arg4[%swap3A] : memref<1xi32, #tpu.memory_space<smem>>
        memref.store %add3A_339, %arg4[%swap3A] : memref<1xi32, #tpu.memory_space<smem>>
      } else {
      }
      %add3A_153 = arith.constant 72 : i32
      %add3A_154 = arith.addi %mul3A_4, %add3A_153 : i32
      %slice3A_155 = vector.extract_strided_slice %and3A {offsets = [72, 0], sizes = [8, 4096], strides = [1, 1]} : vector<128x4096xi1> to vector<8x4096xi1>
      %convert_element_type3A_156 = arith.extui %slice3A_155 : vector<8x4096xi1> to vector<8x4096xi32>
      %reduce_sum3A_157 = vector.shape_cast %convert_element_type3A_156 : vector<8x4096xi32> to vector<1x8x4096xi32>
      %reduce_sum3A_158 = arith.constant dense<0> : vector<1xi32>
      %reduce_sum3A_159 = vector.multi_reduction <add>, %reduce_sum3A_157, %reduce_sum3A_158 [1, 2] : vector<1x8x4096xi32> to vector<1xi32>
      %reduce_sum3A_160 = vector.shape_cast %reduce_sum3A_159 : vector<1xi32> to vector<1x1x1xi32>
      %reduce_sum3A_161 = vector.extract %reduce_sum3A_160[0, 0, 0] : i32 from vector<1x1x1xi32>
      %gt3A_162 = arith.constant 0 : i32
      %gt3A_163 = arith.cmpi sgt, %reduce_sum3A_161, %gt3A_162 : i32
      %convert_element_type3A_164 = arith.extui %gt3A_163 : i1 to i32
      %cond3A_165 = arith.constant 0 : i32
      %cond3A_166 = arith.cmpi ne, %convert_element_type3A_164, %cond3A_165 : i32
      scf.if %cond3A_166 {
        %jit3A = arith.constant 1073741824 : i32
        %broadcast_in_dim3A = vector.broadcast %jit3A : i32 to vector<8x4096xi32>
        %select_n3A = arith.select %slice3A_155, %iota3A_15, %broadcast_in_dim3A : vector<8x4096xi1>, vector<8x4096xi32>
        %convert_element_type3A_251 = arith.extui %slice3A_155 : vector<8x4096xi1> to vector<8x4096xi32>
        %reduce_sum3A_252 = arith.constant dense<0> : vector<8xi32>
        %reduce_sum3A_253 = vector.multi_reduction <add>, %convert_element_type3A_251, %reduce_sum3A_252 [1] : vector<8x4096xi32> to vector<8xi32>
        %broadcast_in_dim3A_254 = vector.shape_cast %reduce_sum3A_253 : vector<8xi32> to vector<8x1xi32>
        %ge3A = arith.constant 1 : i32
        %ge3A_255 = vector.broadcast %ge3A : i32 to vector<8x1xi32>
        %ge3A_256 = arith.cmpi sge, %iota3A_17, %ge3A_255 : vector<8x1xi32>
        %roll3A = arith.constant 1 : i32
        %roll3A_257 = tpu.dynamic_rotate %broadcast_in_dim3A_254 by %roll3A dim 0 : vector<8x1xi32>, i32 -> vector<8x1xi32>
        %jit3A_258 = arith.constant 0 : i32
        %broadcast_in_dim3A_259 = vector.broadcast %jit3A_258 : i32 to vector<8x1xi32>
        %select_n3A_260 = arith.select %ge3A_256, %roll3A_257, %broadcast_in_dim3A_259 : vector<8x1xi1>, vector<8x1xi32>
        %add3A_261 = arith.addi %broadcast_in_dim3A_254, %select_n3A_260 : vector<8x1xi32>
        %ge3A_262 = arith.constant 2 : i32
        %ge3A_263 = vector.broadcast %ge3A_262 : i32 to vector<8x1xi32>
        %ge3A_264 = arith.cmpi sge, %iota3A_17, %ge3A_263 : vector<8x1xi32>
        %roll3A_265 = arith.constant 2 : i32
        %roll3A_266 = tpu.dynamic_rotate %add3A_261 by %roll3A_265 dim 0 : vector<8x1xi32>, i32 -> vector<8x1xi32>
        %jit3A_267 = arith.constant 0 : i32
        %broadcast_in_dim3A_268 = vector.broadcast %jit3A_267 : i32 to vector<8x1xi32>
        %select_n3A_269 = arith.select %ge3A_264, %roll3A_266, %broadcast_in_dim3A_268 : vector<8x1xi1>, vector<8x1xi32>
        %add3A_270 = arith.addi %add3A_261, %select_n3A_269 : vector<8x1xi32>
        %ge3A_271 = arith.constant 4 : i32
        %ge3A_272 = vector.broadcast %ge3A_271 : i32 to vector<8x1xi32>
        %ge3A_273 = arith.cmpi sge, %iota3A_17, %ge3A_272 : vector<8x1xi32>
        %roll3A_274 = arith.constant 4 : i32
        %roll3A_275 = tpu.dynamic_rotate %add3A_270 by %roll3A_274 dim 0 : vector<8x1xi32>, i32 -> vector<8x1xi32>
        %jit3A_276 = arith.constant 0 : i32
        %broadcast_in_dim3A_277 = vector.broadcast %jit3A_276 : i32 to vector<8x1xi32>
        %select_n3A_278 = arith.select %ge3A_273, %roll3A_275, %broadcast_in_dim3A_277 : vector<8x1xi1>, vector<8x1xi32>
        %add3A_279 = arith.addi %add3A_270, %select_n3A_278 : vector<8x1xi32>
        %sub3A = arith.subi %add3A_279, %broadcast_in_dim3A_254 : vector<8x1xi32>
        %reduce_max3A = vector.shape_cast %broadcast_in_dim3A_254 : vector<8x1xi32> to vector<1x8x1xi32>
        %reduce_max3A_280 = arith.constant dense<-2147483648> : vector<1xi32>
        %reduce_max3A_281 = vector.multi_reduction <maxsi>, %reduce_max3A, %reduce_max3A_280 [1, 2] : vector<1x8x1xi32> to vector<1xi32>
        %reduce_max3A_282 = vector.shape_cast %reduce_max3A_281 : vector<1xi32> to vector<1x1x1xi32>
        %reduce_max3A_283 = vector.extract %reduce_max3A_282[0, 0, 0] : i32 from vector<1x1x1xi32>
        %add3A_284 = vector.broadcast %add3A_154 : i32 to vector<8x1xi32>
        %add3A_285 = arith.addi %iota3A_17, %add3A_284 : vector<8x1xi32>
        %broadcast_in_dim3A_286 = arith.constant 0 : i32
        %broadcast_in_dim3A_287 = vector.broadcast %broadcast_in_dim3A_286 : i32 to vector<8x128xi32>
        %while3A = arith.constant 0 : i32
        %while3A_288 = arith.subi %reduce_max3A_283, %while3A : i32
        %while3A_289 = arith.addi %while3A, %while3A_288 : i32
        %while3A_290 = arith.constant 1 : i32
        %while3A_291 = arith.divsi %while3A_288, %while3A_290 : i32
        %while3A_292 = arith.muli %while3A_291, %while3A_290 : i32
        %while3A_293 = arith.addi %while3A, %while3A_292 : i32
        %while3A_294 = arith.constant 1 : i32
        %while3A_295:3 = scf.for %while3A_341 = %while3A to %while3A_293 step %while3A_294 iter_args(%while3A_342 = %select_n3A, %while3A_343 = %broadcast_in_dim3A_287, %while3A_344 = %broadcast_in_dim3A_287) -> (vector<8x4096xi32>, vector<8x128xi32>, vector<8x128xi32>)  : i32 {
          %reduce_min3A = arith.constant dense<2147483647> : vector<8xi32>
          %reduce_min3A_345 = vector.multi_reduction <minsi>, %while3A_342, %reduce_min3A [1] : vector<8x4096xi32> to vector<8xi32>
          %broadcast_in_dim3A_346 = vector.shape_cast %reduce_min3A_345 : vector<8xi32> to vector<8x1xi32>
          %lt3A_347 = arith.constant 1073741824 : i32
          %lt3A_348 = vector.broadcast %lt3A_347 : i32 to vector<8x1xi32>
          %lt3A_349 = arith.cmpi slt, %broadcast_in_dim3A_346, %lt3A_348 : vector<8x1xi32>
          %add3A_350 = vector.broadcast %while3A_341 : i32 to vector<8x1xi32>
          %add3A_351 = arith.addi %sub3A, %add3A_350 : vector<8x1xi32>
          %eq3A_352 = vector.broadcast %add3A_351 : vector<8x1xi32> to vector<8x128xi32>
          %eq3A_353 = arith.cmpi eq, %iota3A_16, %eq3A_352 : vector<8x128xi32>
          %and3A_354 = vector.broadcast %lt3A_349 : vector<8x1xi1> to vector<8x128xi1>
          %and3A_355 = arith.andi %eq3A_353, %and3A_354 : vector<8x128xi1>
          %broadcast_in_dim3A_356 = vector.shape_cast %add3A_285 : vector<8x1xi32> to vector<8x1xi32>
          %broadcast_in_dim3A_357 = vector.broadcast %broadcast_in_dim3A_356 : vector<8x1xi32> to vector<8x128xi32>
          %select_n3A_358 = arith.select %and3A_355, %broadcast_in_dim3A_357, %while3A_343 : vector<8x128xi1>, vector<8x128xi32>
          %broadcast_in_dim3A_359 = vector.shape_cast %broadcast_in_dim3A_346 : vector<8x1xi32> to vector<8x1xi32>
          %broadcast_in_dim3A_360 = vector.broadcast %broadcast_in_dim3A_359 : vector<8x1xi32> to vector<8x128xi32>
          %select_n3A_361 = arith.select %and3A_355, %broadcast_in_dim3A_360, %while3A_344 : vector<8x128xi1>, vector<8x128xi32>
          %eq3A_362 = vector.broadcast %broadcast_in_dim3A_346 : vector<8x1xi32> to vector<8x4096xi32>
          %eq3A_363 = arith.cmpi eq, %while3A_342, %eq3A_362 : vector<8x4096xi32>
          %jit3A_364 = arith.constant 1073741824 : i32
          %broadcast_in_dim3A_365 = vector.broadcast %jit3A_364 : i32 to vector<8x4096xi32>
          %select_n3A_366 = arith.select %eq3A_363, %broadcast_in_dim3A_365, %while3A_342 : vector<8x4096xi1>, vector<8x4096xi32>
          scf.yield %select_n3A_366, %select_n3A_358, %select_n3A_361 : vector<8x4096xi32>, vector<8x128xi32>, vector<8x128xi32>
        }
        %while3A_296 = arith.constant 1 : i32
        %while3A_297:3 = scf.for %while3A_341 = %while3A_293 to %while3A_289 step %while3A_296 iter_args(%while3A_342 = %while3A_295#0, %while3A_343 = %while3A_295#1, %while3A_344 = %while3A_295#2) -> (vector<8x4096xi32>, vector<8x128xi32>, vector<8x128xi32>)  : i32 {
          %reduce_min3A = arith.constant dense<2147483647> : vector<8xi32>
          %reduce_min3A_345 = vector.multi_reduction <minsi>, %while3A_342, %reduce_min3A [1] : vector<8x4096xi32> to vector<8xi32>
          %broadcast_in_dim3A_346 = vector.shape_cast %reduce_min3A_345 : vector<8xi32> to vector<8x1xi32>
          %lt3A_347 = arith.constant 1073741824 : i32
          %lt3A_348 = vector.broadcast %lt3A_347 : i32 to vector<8x1xi32>
          %lt3A_349 = arith.cmpi slt, %broadcast_in_dim3A_346, %lt3A_348 : vector<8x1xi32>
          %add3A_350 = vector.broadcast %while3A_341 : i32 to vector<8x1xi32>
          %add3A_351 = arith.addi %sub3A, %add3A_350 : vector<8x1xi32>
          %eq3A_352 = vector.broadcast %add3A_351 : vector<8x1xi32> to vector<8x128xi32>
          %eq3A_353 = arith.cmpi eq, %iota3A_16, %eq3A_352 : vector<8x128xi32>
          %and3A_354 = vector.broadcast %lt3A_349 : vector<8x1xi1> to vector<8x128xi1>
          %and3A_355 = arith.andi %eq3A_353, %and3A_354 : vector<8x128xi1>
          %broadcast_in_dim3A_356 = vector.shape_cast %add3A_285 : vector<8x1xi32> to vector<8x1xi32>
          %broadcast_in_dim3A_357 = vector.broadcast %broadcast_in_dim3A_356 : vector<8x1xi32> to vector<8x128xi32>
          %select_n3A_358 = arith.select %and3A_355, %broadcast_in_dim3A_357, %while3A_343 : vector<8x128xi1>, vector<8x128xi32>
          %broadcast_in_dim3A_359 = vector.shape_cast %broadcast_in_dim3A_346 : vector<8x1xi32> to vector<8x1xi32>
          %broadcast_in_dim3A_360 = vector.broadcast %broadcast_in_dim3A_359 : vector<8x1xi32> to vector<8x128xi32>
          %select_n3A_361 = arith.select %and3A_355, %broadcast_in_dim3A_360, %while3A_344 : vector<8x128xi1>, vector<8x128xi32>
          %eq3A_362 = vector.broadcast %broadcast_in_dim3A_346 : vector<8x1xi32> to vector<8x4096xi32>
          %eq3A_363 = arith.cmpi eq, %while3A_342, %eq3A_362 : vector<8x4096xi32>
          %jit3A_364 = arith.constant 1073741824 : i32
          %broadcast_in_dim3A_365 = vector.broadcast %jit3A_364 : i32 to vector<8x4096xi32>
          %select_n3A_366 = arith.select %eq3A_363, %broadcast_in_dim3A_365, %while3A_342 : vector<8x4096xi1>, vector<8x4096xi32>
          scf.yield %select_n3A_366, %select_n3A_358, %select_n3A_361 : vector<8x4096xi32>, vector<8x128xi32>, vector<8x128xi32>
        }
        %reduce_sum3A_298 = arith.constant dense<0> : vector<128xi32>
        %reduce_sum3A_299 = vector.multi_reduction <add>, %while3A_297#1, %reduce_sum3A_298 [0] : vector<8x128xi32> to vector<128xi32>
        %broadcast_in_dim3A_300 = vector.shape_cast %reduce_sum3A_299 : vector<128xi32> to vector<1x128xi32>
        %reduce_sum3A_301 = arith.constant dense<0> : vector<128xi32>
        %reduce_sum3A_302 = vector.multi_reduction <add>, %while3A_297#2, %reduce_sum3A_301 [0] : vector<8x128xi32> to vector<128xi32>
        %broadcast_in_dim3A_303 = vector.shape_cast %reduce_sum3A_302 : vector<128xi32> to vector<1x128xi32>
        %get3A_304 = arith.constant 0 : index
        %get3A_305 = memref.load %arg4[%get3A_304] : memref<1xi32, #tpu.memory_space<smem>>
        %and3A_306 = arith.constant 127 : i32
        %and3A_307 = arith.andi %get3A_305, %and3A_306 : i32
        %sub3A_308 = arith.subi %get3A_305, %and3A_307 : i32
        %multiple_of3A = tpu.assume_multiple %sub3A_308, 128 : i32
        %roll3A_309 = tpu.dynamic_rotate %broadcast_in_dim3A_300 by %and3A_307 dim 1 : vector<1x128xi32>, i32 -> vector<1x128xi32>
        %roll3A_310 = tpu.dynamic_rotate %broadcast_in_dim3A_303 by %and3A_307 dim 1 : vector<1x128xi32>, i32 -> vector<1x128xi32>
        %ge3A_311 = vector.broadcast %and3A_307 : i32 to vector<1x128xi32>
        %ge3A_312 = arith.cmpi sge, %iota3A, %ge3A_311 : vector<1x128xi32>
        %add3A_313 = arith.addi %and3A_307, %reduce_sum3A_161 : i32
        %lt3A = vector.broadcast %add3A_313 : i32 to vector<1x128xi32>
        %lt3A_314 = arith.cmpi slt, %iota3A, %lt3A : vector<1x128xi32>
        %and3A_315 = arith.andi %ge3A_312, %lt3A_314 : vector<1x128xi1>
        %get3A_316 = arith.constant 0 : index
        %get3A_317 = arith.constant 0 : index
        %get3A_318 = vector.load %arg5[%get3A_316, %get3A_317] : memref<1x128xi32, #tpu.memory_space<vmem>>, vector<1x128xi32>
        %select_n3A_319 = arith.select %and3A_315, %roll3A_309, %get3A_318 : vector<1x128xi1>, vector<1x128xi32>
        %get3A_320 = arith.constant 0 : index
        %get3A_321 = arith.constant 0 : index
        %get3A_322 = vector.load %arg6[%get3A_320, %get3A_321] : memref<1x128xi32, #tpu.memory_space<vmem>>, vector<1x128xi32>
        %select_n3A_323 = arith.select %and3A_315, %roll3A_310, %get3A_322 : vector<1x128xi1>, vector<1x128xi32>
        %add3A_324 = arith.addi %and3A_307, %reduce_sum3A_161 : i32
        %sub3A_325 = arith.constant 128 : i32
        %sub3A_326 = arith.subi %add3A_324, %sub3A_325 : i32
        %lt3A_327 = vector.broadcast %sub3A_326 : i32 to vector<1x128xi32>
        %lt3A_328 = arith.cmpi slt, %iota3A, %lt3A_327 : vector<1x128xi32>
        %add3A_329 = arith.addi %and3A_307, %reduce_sum3A_161 : i32
        %ge3A_330 = arith.constant 128 : i32
        %ge3A_331 = arith.cmpi sge, %add3A_329, %ge3A_330 : i32
        %convert_element_type3A_332 = arith.extui %ge3A_331 : i1 to i32
        %cond3A_333 = arith.constant 0 : i32
        %cond3A_334 = arith.cmpi ne, %convert_element_type3A_332, %cond3A_333 : i32
        scf.if %cond3A_334 {
          %swap3A_341 = arith.constant 0 : index
          %swap3A_342 = arith.index_cast %multiple_of3A : i32 to index
          %swap3A_343 = vector.load %arg2[%swap3A_341, %swap3A_342] : memref<1x4224xi32, #tpu.memory_space<vmem>>, vector<1x128xi32>
          tpu.vector_store %arg2[%swap3A_341, %swap3A_342], %select_n3A_319 {strides = array<i32>} : memref<1x4224xi32, #tpu.memory_space<vmem>>, vector<1x128xi32>,
          %swap3A_344 = arith.constant 0 : index
          %swap3A_345 = arith.index_cast %multiple_of3A : i32 to index
          %swap3A_346 = vector.load %arg3[%swap3A_344, %swap3A_345] : memref<1x4224xi32, #tpu.memory_space<vmem>>, vector<1x128xi32>
          tpu.vector_store %arg3[%swap3A_344, %swap3A_345], %select_n3A_323 {strides = array<i32>} : memref<1x4224xi32, #tpu.memory_space<vmem>>, vector<1x128xi32>,
          %jit3A_347 = arith.constant 0 : i32
          %broadcast_in_dim3A_348 = vector.broadcast %jit3A_347 : i32 to vector<1x128xi32>
          %select_n3A_349 = arith.select %lt3A_328, %roll3A_309, %broadcast_in_dim3A_348 : vector<1x128xi1>, vector<1x128xi32>
          %swap3A_350 = arith.constant 0 : index
          %swap3A_351 = arith.constant 0 : index
          %swap3A_352 = vector.load %arg5[%swap3A_350, %swap3A_351] : memref<1x128xi32, #tpu.memory_space<vmem>>, vector<1x128xi32>
          tpu.vector_store %arg5[%swap3A_350, %swap3A_351], %select_n3A_349 {strides = array<i32>} : memref<1x128xi32, #tpu.memory_space<vmem>>, vector<1x128xi32>,
          %jit3A_353 = arith.constant 0 : i32
          %broadcast_in_dim3A_354 = vector.broadcast %jit3A_353 : i32 to vector<1x128xi32>
          %select_n3A_355 = arith.select %lt3A_328, %roll3A_310, %broadcast_in_dim3A_354 : vector<1x128xi1>, vector<1x128xi32>
          %swap3A_356 = arith.constant 0 : index
          %swap3A_357 = arith.constant 0 : index
          %swap3A_358 = vector.load %arg6[%swap3A_356, %swap3A_357] : memref<1x128xi32, #tpu.memory_space<vmem>>, vector<1x128xi32>
          tpu.vector_store %arg6[%swap3A_356, %swap3A_357], %select_n3A_355 {strides = array<i32>} : memref<1x128xi32, #tpu.memory_space<vmem>>, vector<1x128xi32>,
        } else {
        }
        %not3A = arith.constant true
        %not3A_335 = arith.xori %ge3A_331, %not3A : i1
        %convert_element_type3A_336 = arith.extui %not3A_335 : i1 to i32
        %cond3A_337 = arith.constant 0 : i32
        %cond3A_338 = arith.cmpi ne, %convert_element_type3A_336, %cond3A_337 : i32
        scf.if %cond3A_338 {
          %swap3A_341 = arith.constant 0 : index
          %swap3A_342 = arith.constant 0 : index
          %swap3A_343 = vector.load %arg5[%swap3A_341, %swap3A_342] : memref<1x128xi32, #tpu.memory_space<vmem>>, vector<1x128xi32>
          tpu.vector_store %arg5[%swap3A_341, %swap3A_342], %select_n3A_319 {strides = array<i32>} : memref<1x128xi32, #tpu.memory_space<vmem>>, vector<1x128xi32>,
          %swap3A_344 = arith.constant 0 : index
          %swap3A_345 = arith.constant 0 : index
          %swap3A_346 = vector.load %arg6[%swap3A_344, %swap3A_345] : memref<1x128xi32, #tpu.memory_space<vmem>>, vector<1x128xi32>
          tpu.vector_store %arg6[%swap3A_344, %swap3A_345], %select_n3A_323 {strides = array<i32>} : memref<1x128xi32, #tpu.memory_space<vmem>>, vector<1x128xi32>,
        } else {
        }
        %add3A_339 = arith.addi %get3A_305, %reduce_sum3A_161 : i32
        %swap3A = arith.constant 0 : index
        %swap3A_340 = memref.load %arg4[%swap3A] : memref<1xi32, #tpu.memory_space<smem>>
        memref.store %add3A_339, %arg4[%swap3A] : memref<1xi32, #tpu.memory_space<smem>>
      } else {
      }
      %add3A_167 = arith.constant 80 : i32
      %add3A_168 = arith.addi %mul3A_4, %add3A_167 : i32
      %slice3A_169 = vector.extract_strided_slice %and3A {offsets = [80, 0], sizes = [8, 4096], strides = [1, 1]} : vector<128x4096xi1> to vector<8x4096xi1>
      %convert_element_type3A_170 = arith.extui %slice3A_169 : vector<8x4096xi1> to vector<8x4096xi32>
      %reduce_sum3A_171 = vector.shape_cast %convert_element_type3A_170 : vector<8x4096xi32> to vector<1x8x4096xi32>
      %reduce_sum3A_172 = arith.constant dense<0> : vector<1xi32>
      %reduce_sum3A_173 = vector.multi_reduction <add>, %reduce_sum3A_171, %reduce_sum3A_172 [1, 2] : vector<1x8x4096xi32> to vector<1xi32>
      %reduce_sum3A_174 = vector.shape_cast %reduce_sum3A_173 : vector<1xi32> to vector<1x1x1xi32>
      %reduce_sum3A_175 = vector.extract %reduce_sum3A_174[0, 0, 0] : i32 from vector<1x1x1xi32>
      %gt3A_176 = arith.constant 0 : i32
      %gt3A_177 = arith.cmpi sgt, %reduce_sum3A_175, %gt3A_176 : i32
      %convert_element_type3A_178 = arith.extui %gt3A_177 : i1 to i32
      %cond3A_179 = arith.constant 0 : i32
      %cond3A_180 = arith.cmpi ne, %convert_element_type3A_178, %cond3A_179 : i32
      scf.if %cond3A_180 {
        %jit3A = arith.constant 1073741824 : i32
        %broadcast_in_dim3A = vector.broadcast %jit3A : i32 to vector<8x4096xi32>
        %select_n3A = arith.select %slice3A_169, %iota3A_15, %broadcast_in_dim3A : vector<8x4096xi1>, vector<8x4096xi32>
        %convert_element_type3A_251 = arith.extui %slice3A_169 : vector<8x4096xi1> to vector<8x4096xi32>
        %reduce_sum3A_252 = arith.constant dense<0> : vector<8xi32>
        %reduce_sum3A_253 = vector.multi_reduction <add>, %convert_element_type3A_251, %reduce_sum3A_252 [1] : vector<8x4096xi32> to vector<8xi32>
        %broadcast_in_dim3A_254 = vector.shape_cast %reduce_sum3A_253 : vector<8xi32> to vector<8x1xi32>
        %ge3A = arith.constant 1 : i32
        %ge3A_255 = vector.broadcast %ge3A : i32 to vector<8x1xi32>
        %ge3A_256 = arith.cmpi sge, %iota3A_17, %ge3A_255 : vector<8x1xi32>
        %roll3A = arith.constant 1 : i32
        %roll3A_257 = tpu.dynamic_rotate %broadcast_in_dim3A_254 by %roll3A dim 0 : vector<8x1xi32>, i32 -> vector<8x1xi32>
        %jit3A_258 = arith.constant 0 : i32
        %broadcast_in_dim3A_259 = vector.broadcast %jit3A_258 : i32 to vector<8x1xi32>
        %select_n3A_260 = arith.select %ge3A_256, %roll3A_257, %broadcast_in_dim3A_259 : vector<8x1xi1>, vector<8x1xi32>
        %add3A_261 = arith.addi %broadcast_in_dim3A_254, %select_n3A_260 : vector<8x1xi32>
        %ge3A_262 = arith.constant 2 : i32
        %ge3A_263 = vector.broadcast %ge3A_262 : i32 to vector<8x1xi32>
        %ge3A_264 = arith.cmpi sge, %iota3A_17, %ge3A_263 : vector<8x1xi32>
        %roll3A_265 = arith.constant 2 : i32
        %roll3A_266 = tpu.dynamic_rotate %add3A_261 by %roll3A_265 dim 0 : vector<8x1xi32>, i32 -> vector<8x1xi32>
        %jit3A_267 = arith.constant 0 : i32
        %broadcast_in_dim3A_268 = vector.broadcast %jit3A_267 : i32 to vector<8x1xi32>
        %select_n3A_269 = arith.select %ge3A_264, %roll3A_266, %broadcast_in_dim3A_268 : vector<8x1xi1>, vector<8x1xi32>
        %add3A_270 = arith.addi %add3A_261, %select_n3A_269 : vector<8x1xi32>
        %ge3A_271 = arith.constant 4 : i32
        %ge3A_272 = vector.broadcast %ge3A_271 : i32 to vector<8x1xi32>
        %ge3A_273 = arith.cmpi sge, %iota3A_17, %ge3A_272 : vector<8x1xi32>
        %roll3A_274 = arith.constant 4 : i32
        %roll3A_275 = tpu.dynamic_rotate %add3A_270 by %roll3A_274 dim 0 : vector<8x1xi32>, i32 -> vector<8x1xi32>
        %jit3A_276 = arith.constant 0 : i32
        %broadcast_in_dim3A_277 = vector.broadcast %jit3A_276 : i32 to vector<8x1xi32>
        %select_n3A_278 = arith.select %ge3A_273, %roll3A_275, %broadcast_in_dim3A_277 : vector<8x1xi1>, vector<8x1xi32>
        %add3A_279 = arith.addi %add3A_270, %select_n3A_278 : vector<8x1xi32>
        %sub3A = arith.subi %add3A_279, %broadcast_in_dim3A_254 : vector<8x1xi32>
        %reduce_max3A = vector.shape_cast %broadcast_in_dim3A_254 : vector<8x1xi32> to vector<1x8x1xi32>
        %reduce_max3A_280 = arith.constant dense<-2147483648> : vector<1xi32>
        %reduce_max3A_281 = vector.multi_reduction <maxsi>, %reduce_max3A, %reduce_max3A_280 [1, 2] : vector<1x8x1xi32> to vector<1xi32>
        %reduce_max3A_282 = vector.shape_cast %reduce_max3A_281 : vector<1xi32> to vector<1x1x1xi32>
        %reduce_max3A_283 = vector.extract %reduce_max3A_282[0, 0, 0] : i32 from vector<1x1x1xi32>
        %add3A_284 = vector.broadcast %add3A_168 : i32 to vector<8x1xi32>
        %add3A_285 = arith.addi %iota3A_17, %add3A_284 : vector<8x1xi32>
        %broadcast_in_dim3A_286 = arith.constant 0 : i32
        %broadcast_in_dim3A_287 = vector.broadcast %broadcast_in_dim3A_286 : i32 to vector<8x128xi32>
        %while3A = arith.constant 0 : i32
        %while3A_288 = arith.subi %reduce_max3A_283, %while3A : i32
        %while3A_289 = arith.addi %while3A, %while3A_288 : i32
        %while3A_290 = arith.constant 1 : i32
        %while3A_291 = arith.divsi %while3A_288, %while3A_290 : i32
        %while3A_292 = arith.muli %while3A_291, %while3A_290 : i32
        %while3A_293 = arith.addi %while3A, %while3A_292 : i32
        %while3A_294 = arith.constant 1 : i32
        %while3A_295:3 = scf.for %while3A_341 = %while3A to %while3A_293 step %while3A_294 iter_args(%while3A_342 = %select_n3A, %while3A_343 = %broadcast_in_dim3A_287, %while3A_344 = %broadcast_in_dim3A_287) -> (vector<8x4096xi32>, vector<8x128xi32>, vector<8x128xi32>)  : i32 {
          %reduce_min3A = arith.constant dense<2147483647> : vector<8xi32>
          %reduce_min3A_345 = vector.multi_reduction <minsi>, %while3A_342, %reduce_min3A [1] : vector<8x4096xi32> to vector<8xi32>
          %broadcast_in_dim3A_346 = vector.shape_cast %reduce_min3A_345 : vector<8xi32> to vector<8x1xi32>
          %lt3A_347 = arith.constant 1073741824 : i32
          %lt3A_348 = vector.broadcast %lt3A_347 : i32 to vector<8x1xi32>
          %lt3A_349 = arith.cmpi slt, %broadcast_in_dim3A_346, %lt3A_348 : vector<8x1xi32>
          %add3A_350 = vector.broadcast %while3A_341 : i32 to vector<8x1xi32>
          %add3A_351 = arith.addi %sub3A, %add3A_350 : vector<8x1xi32>
          %eq3A_352 = vector.broadcast %add3A_351 : vector<8x1xi32> to vector<8x128xi32>
          %eq3A_353 = arith.cmpi eq, %iota3A_16, %eq3A_352 : vector<8x128xi32>
          %and3A_354 = vector.broadcast %lt3A_349 : vector<8x1xi1> to vector<8x128xi1>
          %and3A_355 = arith.andi %eq3A_353, %and3A_354 : vector<8x128xi1>
          %broadcast_in_dim3A_356 = vector.shape_cast %add3A_285 : vector<8x1xi32> to vector<8x1xi32>
          %broadcast_in_dim3A_357 = vector.broadcast %broadcast_in_dim3A_356 : vector<8x1xi32> to vector<8x128xi32>
          %select_n3A_358 = arith.select %and3A_355, %broadcast_in_dim3A_357, %while3A_343 : vector<8x128xi1>, vector<8x128xi32>
          %broadcast_in_dim3A_359 = vector.shape_cast %broadcast_in_dim3A_346 : vector<8x1xi32> to vector<8x1xi32>
          %broadcast_in_dim3A_360 = vector.broadcast %broadcast_in_dim3A_359 : vector<8x1xi32> to vector<8x128xi32>
          %select_n3A_361 = arith.select %and3A_355, %broadcast_in_dim3A_360, %while3A_344 : vector<8x128xi1>, vector<8x128xi32>
          %eq3A_362 = vector.broadcast %broadcast_in_dim3A_346 : vector<8x1xi32> to vector<8x4096xi32>
          %eq3A_363 = arith.cmpi eq, %while3A_342, %eq3A_362 : vector<8x4096xi32>
          %jit3A_364 = arith.constant 1073741824 : i32
          %broadcast_in_dim3A_365 = vector.broadcast %jit3A_364 : i32 to vector<8x4096xi32>
          %select_n3A_366 = arith.select %eq3A_363, %broadcast_in_dim3A_365, %while3A_342 : vector<8x4096xi1>, vector<8x4096xi32>
          scf.yield %select_n3A_366, %select_n3A_358, %select_n3A_361 : vector<8x4096xi32>, vector<8x128xi32>, vector<8x128xi32>
        }
        %while3A_296 = arith.constant 1 : i32
        %while3A_297:3 = scf.for %while3A_341 = %while3A_293 to %while3A_289 step %while3A_296 iter_args(%while3A_342 = %while3A_295#0, %while3A_343 = %while3A_295#1, %while3A_344 = %while3A_295#2) -> (vector<8x4096xi32>, vector<8x128xi32>, vector<8x128xi32>)  : i32 {
          %reduce_min3A = arith.constant dense<2147483647> : vector<8xi32>
          %reduce_min3A_345 = vector.multi_reduction <minsi>, %while3A_342, %reduce_min3A [1] : vector<8x4096xi32> to vector<8xi32>
          %broadcast_in_dim3A_346 = vector.shape_cast %reduce_min3A_345 : vector<8xi32> to vector<8x1xi32>
          %lt3A_347 = arith.constant 1073741824 : i32
          %lt3A_348 = vector.broadcast %lt3A_347 : i32 to vector<8x1xi32>
          %lt3A_349 = arith.cmpi slt, %broadcast_in_dim3A_346, %lt3A_348 : vector<8x1xi32>
          %add3A_350 = vector.broadcast %while3A_341 : i32 to vector<8x1xi32>
          %add3A_351 = arith.addi %sub3A, %add3A_350 : vector<8x1xi32>
          %eq3A_352 = vector.broadcast %add3A_351 : vector<8x1xi32> to vector<8x128xi32>
          %eq3A_353 = arith.cmpi eq, %iota3A_16, %eq3A_352 : vector<8x128xi32>
          %and3A_354 = vector.broadcast %lt3A_349 : vector<8x1xi1> to vector<8x128xi1>
          %and3A_355 = arith.andi %eq3A_353, %and3A_354 : vector<8x128xi1>
          %broadcast_in_dim3A_356 = vector.shape_cast %add3A_285 : vector<8x1xi32> to vector<8x1xi32>
          %broadcast_in_dim3A_357 = vector.broadcast %broadcast_in_dim3A_356 : vector<8x1xi32> to vector<8x128xi32>
          %select_n3A_358 = arith.select %and3A_355, %broadcast_in_dim3A_357, %while3A_343 : vector<8x128xi1>, vector<8x128xi32>
          %broadcast_in_dim3A_359 = vector.shape_cast %broadcast_in_dim3A_346 : vector<8x1xi32> to vector<8x1xi32>
          %broadcast_in_dim3A_360 = vector.broadcast %broadcast_in_dim3A_359 : vector<8x1xi32> to vector<8x128xi32>
          %select_n3A_361 = arith.select %and3A_355, %broadcast_in_dim3A_360, %while3A_344 : vector<8x128xi1>, vector<8x128xi32>
          %eq3A_362 = vector.broadcast %broadcast_in_dim3A_346 : vector<8x1xi32> to vector<8x4096xi32>
          %eq3A_363 = arith.cmpi eq, %while3A_342, %eq3A_362 : vector<8x4096xi32>
          %jit3A_364 = arith.constant 1073741824 : i32
          %broadcast_in_dim3A_365 = vector.broadcast %jit3A_364 : i32 to vector<8x4096xi32>
          %select_n3A_366 = arith.select %eq3A_363, %broadcast_in_dim3A_365, %while3A_342 : vector<8x4096xi1>, vector<8x4096xi32>
          scf.yield %select_n3A_366, %select_n3A_358, %select_n3A_361 : vector<8x4096xi32>, vector<8x128xi32>, vector<8x128xi32>
        }
        %reduce_sum3A_298 = arith.constant dense<0> : vector<128xi32>
        %reduce_sum3A_299 = vector.multi_reduction <add>, %while3A_297#1, %reduce_sum3A_298 [0] : vector<8x128xi32> to vector<128xi32>
        %broadcast_in_dim3A_300 = vector.shape_cast %reduce_sum3A_299 : vector<128xi32> to vector<1x128xi32>
        %reduce_sum3A_301 = arith.constant dense<0> : vector<128xi32>
        %reduce_sum3A_302 = vector.multi_reduction <add>, %while3A_297#2, %reduce_sum3A_301 [0] : vector<8x128xi32> to vector<128xi32>
        %broadcast_in_dim3A_303 = vector.shape_cast %reduce_sum3A_302 : vector<128xi32> to vector<1x128xi32>
        %get3A_304 = arith.constant 0 : index
        %get3A_305 = memref.load %arg4[%get3A_304] : memref<1xi32, #tpu.memory_space<smem>>
        %and3A_306 = arith.constant 127 : i32
        %and3A_307 = arith.andi %get3A_305, %and3A_306 : i32
        %sub3A_308 = arith.subi %get3A_305, %and3A_307 : i32
        %multiple_of3A = tpu.assume_multiple %sub3A_308, 128 : i32
        %roll3A_309 = tpu.dynamic_rotate %broadcast_in_dim3A_300 by %and3A_307 dim 1 : vector<1x128xi32>, i32 -> vector<1x128xi32>
        %roll3A_310 = tpu.dynamic_rotate %broadcast_in_dim3A_303 by %and3A_307 dim 1 : vector<1x128xi32>, i32 -> vector<1x128xi32>
        %ge3A_311 = vector.broadcast %and3A_307 : i32 to vector<1x128xi32>
        %ge3A_312 = arith.cmpi sge, %iota3A, %ge3A_311 : vector<1x128xi32>
        %add3A_313 = arith.addi %and3A_307, %reduce_sum3A_175 : i32
        %lt3A = vector.broadcast %add3A_313 : i32 to vector<1x128xi32>
        %lt3A_314 = arith.cmpi slt, %iota3A, %lt3A : vector<1x128xi32>
        %and3A_315 = arith.andi %ge3A_312, %lt3A_314 : vector<1x128xi1>
        %get3A_316 = arith.constant 0 : index
        %get3A_317 = arith.constant 0 : index
        %get3A_318 = vector.load %arg5[%get3A_316, %get3A_317] : memref<1x128xi32, #tpu.memory_space<vmem>>, vector<1x128xi32>
        %select_n3A_319 = arith.select %and3A_315, %roll3A_309, %get3A_318 : vector<1x128xi1>, vector<1x128xi32>
        %get3A_320 = arith.constant 0 : index
        %get3A_321 = arith.constant 0 : index
        %get3A_322 = vector.load %arg6[%get3A_320, %get3A_321] : memref<1x128xi32, #tpu.memory_space<vmem>>, vector<1x128xi32>
        %select_n3A_323 = arith.select %and3A_315, %roll3A_310, %get3A_322 : vector<1x128xi1>, vector<1x128xi32>
        %add3A_324 = arith.addi %and3A_307, %reduce_sum3A_175 : i32
        %sub3A_325 = arith.constant 128 : i32
        %sub3A_326 = arith.subi %add3A_324, %sub3A_325 : i32
        %lt3A_327 = vector.broadcast %sub3A_326 : i32 to vector<1x128xi32>
        %lt3A_328 = arith.cmpi slt, %iota3A, %lt3A_327 : vector<1x128xi32>
        %add3A_329 = arith.addi %and3A_307, %reduce_sum3A_175 : i32
        %ge3A_330 = arith.constant 128 : i32
        %ge3A_331 = arith.cmpi sge, %add3A_329, %ge3A_330 : i32
        %convert_element_type3A_332 = arith.extui %ge3A_331 : i1 to i32
        %cond3A_333 = arith.constant 0 : i32
        %cond3A_334 = arith.cmpi ne, %convert_element_type3A_332, %cond3A_333 : i32
        scf.if %cond3A_334 {
          %swap3A_341 = arith.constant 0 : index
          %swap3A_342 = arith.index_cast %multiple_of3A : i32 to index
          %swap3A_343 = vector.load %arg2[%swap3A_341, %swap3A_342] : memref<1x4224xi32, #tpu.memory_space<vmem>>, vector<1x128xi32>
          tpu.vector_store %arg2[%swap3A_341, %swap3A_342], %select_n3A_319 {strides = array<i32>} : memref<1x4224xi32, #tpu.memory_space<vmem>>, vector<1x128xi32>,
          %swap3A_344 = arith.constant 0 : index
          %swap3A_345 = arith.index_cast %multiple_of3A : i32 to index
          %swap3A_346 = vector.load %arg3[%swap3A_344, %swap3A_345] : memref<1x4224xi32, #tpu.memory_space<vmem>>, vector<1x128xi32>
          tpu.vector_store %arg3[%swap3A_344, %swap3A_345], %select_n3A_323 {strides = array<i32>} : memref<1x4224xi32, #tpu.memory_space<vmem>>, vector<1x128xi32>,
          %jit3A_347 = arith.constant 0 : i32
          %broadcast_in_dim3A_348 = vector.broadcast %jit3A_347 : i32 to vector<1x128xi32>
          %select_n3A_349 = arith.select %lt3A_328, %roll3A_309, %broadcast_in_dim3A_348 : vector<1x128xi1>, vector<1x128xi32>
          %swap3A_350 = arith.constant 0 : index
          %swap3A_351 = arith.constant 0 : index
          %swap3A_352 = vector.load %arg5[%swap3A_350, %swap3A_351] : memref<1x128xi32, #tpu.memory_space<vmem>>, vector<1x128xi32>
          tpu.vector_store %arg5[%swap3A_350, %swap3A_351], %select_n3A_349 {strides = array<i32>} : memref<1x128xi32, #tpu.memory_space<vmem>>, vector<1x128xi32>,
          %jit3A_353 = arith.constant 0 : i32
          %broadcast_in_dim3A_354 = vector.broadcast %jit3A_353 : i32 to vector<1x128xi32>
          %select_n3A_355 = arith.select %lt3A_328, %roll3A_310, %broadcast_in_dim3A_354 : vector<1x128xi1>, vector<1x128xi32>
          %swap3A_356 = arith.constant 0 : index
          %swap3A_357 = arith.constant 0 : index
          %swap3A_358 = vector.load %arg6[%swap3A_356, %swap3A_357] : memref<1x128xi32, #tpu.memory_space<vmem>>, vector<1x128xi32>
          tpu.vector_store %arg6[%swap3A_356, %swap3A_357], %select_n3A_355 {strides = array<i32>} : memref<1x128xi32, #tpu.memory_space<vmem>>, vector<1x128xi32>,
        } else {
        }
        %not3A = arith.constant true
        %not3A_335 = arith.xori %ge3A_331, %not3A : i1
        %convert_element_type3A_336 = arith.extui %not3A_335 : i1 to i32
        %cond3A_337 = arith.constant 0 : i32
        %cond3A_338 = arith.cmpi ne, %convert_element_type3A_336, %cond3A_337 : i32
        scf.if %cond3A_338 {
          %swap3A_341 = arith.constant 0 : index
          %swap3A_342 = arith.constant 0 : index
          %swap3A_343 = vector.load %arg5[%swap3A_341, %swap3A_342] : memref<1x128xi32, #tpu.memory_space<vmem>>, vector<1x128xi32>
          tpu.vector_store %arg5[%swap3A_341, %swap3A_342], %select_n3A_319 {strides = array<i32>} : memref<1x128xi32, #tpu.memory_space<vmem>>, vector<1x128xi32>,
          %swap3A_344 = arith.constant 0 : index
          %swap3A_345 = arith.constant 0 : index
          %swap3A_346 = vector.load %arg6[%swap3A_344, %swap3A_345] : memref<1x128xi32, #tpu.memory_space<vmem>>, vector<1x128xi32>
          tpu.vector_store %arg6[%swap3A_344, %swap3A_345], %select_n3A_323 {strides = array<i32>} : memref<1x128xi32, #tpu.memory_space<vmem>>, vector<1x128xi32>,
        } else {
        }
        %add3A_339 = arith.addi %get3A_305, %reduce_sum3A_175 : i32
        %swap3A = arith.constant 0 : index
        %swap3A_340 = memref.load %arg4[%swap3A] : memref<1xi32, #tpu.memory_space<smem>>
        memref.store %add3A_339, %arg4[%swap3A] : memref<1xi32, #tpu.memory_space<smem>>
      } else {
      }
      %add3A_181 = arith.constant 88 : i32
      %add3A_182 = arith.addi %mul3A_4, %add3A_181 : i32
      %slice3A_183 = vector.extract_strided_slice %and3A {offsets = [88, 0], sizes = [8, 4096], strides = [1, 1]} : vector<128x4096xi1> to vector<8x4096xi1>
      %convert_element_type3A_184 = arith.extui %slice3A_183 : vector<8x4096xi1> to vector<8x4096xi32>
      %reduce_sum3A_185 = vector.shape_cast %convert_element_type3A_184 : vector<8x4096xi32> to vector<1x8x4096xi32>
      %reduce_sum3A_186 = arith.constant dense<0> : vector<1xi32>
      %reduce_sum3A_187 = vector.multi_reduction <add>, %reduce_sum3A_185, %reduce_sum3A_186 [1, 2] : vector<1x8x4096xi32> to vector<1xi32>
      %reduce_sum3A_188 = vector.shape_cast %reduce_sum3A_187 : vector<1xi32> to vector<1x1x1xi32>
      %reduce_sum3A_189 = vector.extract %reduce_sum3A_188[0, 0, 0] : i32 from vector<1x1x1xi32>
      %gt3A_190 = arith.constant 0 : i32
      %gt3A_191 = arith.cmpi sgt, %reduce_sum3A_189, %gt3A_190 : i32
      %convert_element_type3A_192 = arith.extui %gt3A_191 : i1 to i32
      %cond3A_193 = arith.constant 0 : i32
      %cond3A_194 = arith.cmpi ne, %convert_element_type3A_192, %cond3A_193 : i32
      scf.if %cond3A_194 {
        %jit3A = arith.constant 1073741824 : i32
        %broadcast_in_dim3A = vector.broadcast %jit3A : i32 to vector<8x4096xi32>
        %select_n3A = arith.select %slice3A_183, %iota3A_15, %broadcast_in_dim3A : vector<8x4096xi1>, vector<8x4096xi32>
        %convert_element_type3A_251 = arith.extui %slice3A_183 : vector<8x4096xi1> to vector<8x4096xi32>
        %reduce_sum3A_252 = arith.constant dense<0> : vector<8xi32>
        %reduce_sum3A_253 = vector.multi_reduction <add>, %convert_element_type3A_251, %reduce_sum3A_252 [1] : vector<8x4096xi32> to vector<8xi32>
        %broadcast_in_dim3A_254 = vector.shape_cast %reduce_sum3A_253 : vector<8xi32> to vector<8x1xi32>
        %ge3A = arith.constant 1 : i32
        %ge3A_255 = vector.broadcast %ge3A : i32 to vector<8x1xi32>
        %ge3A_256 = arith.cmpi sge, %iota3A_17, %ge3A_255 : vector<8x1xi32>
        %roll3A = arith.constant 1 : i32
        %roll3A_257 = tpu.dynamic_rotate %broadcast_in_dim3A_254 by %roll3A dim 0 : vector<8x1xi32>, i32 -> vector<8x1xi32>
        %jit3A_258 = arith.constant 0 : i32
        %broadcast_in_dim3A_259 = vector.broadcast %jit3A_258 : i32 to vector<8x1xi32>
        %select_n3A_260 = arith.select %ge3A_256, %roll3A_257, %broadcast_in_dim3A_259 : vector<8x1xi1>, vector<8x1xi32>
        %add3A_261 = arith.addi %broadcast_in_dim3A_254, %select_n3A_260 : vector<8x1xi32>
        %ge3A_262 = arith.constant 2 : i32
        %ge3A_263 = vector.broadcast %ge3A_262 : i32 to vector<8x1xi32>
        %ge3A_264 = arith.cmpi sge, %iota3A_17, %ge3A_263 : vector<8x1xi32>
        %roll3A_265 = arith.constant 2 : i32
        %roll3A_266 = tpu.dynamic_rotate %add3A_261 by %roll3A_265 dim 0 : vector<8x1xi32>, i32 -> vector<8x1xi32>
        %jit3A_267 = arith.constant 0 : i32
        %broadcast_in_dim3A_268 = vector.broadcast %jit3A_267 : i32 to vector<8x1xi32>
        %select_n3A_269 = arith.select %ge3A_264, %roll3A_266, %broadcast_in_dim3A_268 : vector<8x1xi1>, vector<8x1xi32>
        %add3A_270 = arith.addi %add3A_261, %select_n3A_269 : vector<8x1xi32>
        %ge3A_271 = arith.constant 4 : i32
        %ge3A_272 = vector.broadcast %ge3A_271 : i32 to vector<8x1xi32>
        %ge3A_273 = arith.cmpi sge, %iota3A_17, %ge3A_272 : vector<8x1xi32>
        %roll3A_274 = arith.constant 4 : i32
        %roll3A_275 = tpu.dynamic_rotate %add3A_270 by %roll3A_274 dim 0 : vector<8x1xi32>, i32 -> vector<8x1xi32>
        %jit3A_276 = arith.constant 0 : i32
        %broadcast_in_dim3A_277 = vector.broadcast %jit3A_276 : i32 to vector<8x1xi32>
        %select_n3A_278 = arith.select %ge3A_273, %roll3A_275, %broadcast_in_dim3A_277 : vector<8x1xi1>, vector<8x1xi32>
        %add3A_279 = arith.addi %add3A_270, %select_n3A_278 : vector<8x1xi32>
        %sub3A = arith.subi %add3A_279, %broadcast_in_dim3A_254 : vector<8x1xi32>
        %reduce_max3A = vector.shape_cast %broadcast_in_dim3A_254 : vector<8x1xi32> to vector<1x8x1xi32>
        %reduce_max3A_280 = arith.constant dense<-2147483648> : vector<1xi32>
        %reduce_max3A_281 = vector.multi_reduction <maxsi>, %reduce_max3A, %reduce_max3A_280 [1, 2] : vector<1x8x1xi32> to vector<1xi32>
        %reduce_max3A_282 = vector.shape_cast %reduce_max3A_281 : vector<1xi32> to vector<1x1x1xi32>
        %reduce_max3A_283 = vector.extract %reduce_max3A_282[0, 0, 0] : i32 from vector<1x1x1xi32>
        %add3A_284 = vector.broadcast %add3A_182 : i32 to vector<8x1xi32>
        %add3A_285 = arith.addi %iota3A_17, %add3A_284 : vector<8x1xi32>
        %broadcast_in_dim3A_286 = arith.constant 0 : i32
        %broadcast_in_dim3A_287 = vector.broadcast %broadcast_in_dim3A_286 : i32 to vector<8x128xi32>
        %while3A = arith.constant 0 : i32
        %while3A_288 = arith.subi %reduce_max3A_283, %while3A : i32
        %while3A_289 = arith.addi %while3A, %while3A_288 : i32
        %while3A_290 = arith.constant 1 : i32
        %while3A_291 = arith.divsi %while3A_288, %while3A_290 : i32
        %while3A_292 = arith.muli %while3A_291, %while3A_290 : i32
        %while3A_293 = arith.addi %while3A, %while3A_292 : i32
        %while3A_294 = arith.constant 1 : i32
        %while3A_295:3 = scf.for %while3A_341 = %while3A to %while3A_293 step %while3A_294 iter_args(%while3A_342 = %select_n3A, %while3A_343 = %broadcast_in_dim3A_287, %while3A_344 = %broadcast_in_dim3A_287) -> (vector<8x4096xi32>, vector<8x128xi32>, vector<8x128xi32>)  : i32 {
          %reduce_min3A = arith.constant dense<2147483647> : vector<8xi32>
          %reduce_min3A_345 = vector.multi_reduction <minsi>, %while3A_342, %reduce_min3A [1] : vector<8x4096xi32> to vector<8xi32>
          %broadcast_in_dim3A_346 = vector.shape_cast %reduce_min3A_345 : vector<8xi32> to vector<8x1xi32>
          %lt3A_347 = arith.constant 1073741824 : i32
          %lt3A_348 = vector.broadcast %lt3A_347 : i32 to vector<8x1xi32>
          %lt3A_349 = arith.cmpi slt, %broadcast_in_dim3A_346, %lt3A_348 : vector<8x1xi32>
          %add3A_350 = vector.broadcast %while3A_341 : i32 to vector<8x1xi32>
          %add3A_351 = arith.addi %sub3A, %add3A_350 : vector<8x1xi32>
          %eq3A_352 = vector.broadcast %add3A_351 : vector<8x1xi32> to vector<8x128xi32>
          %eq3A_353 = arith.cmpi eq, %iota3A_16, %eq3A_352 : vector<8x128xi32>
          %and3A_354 = vector.broadcast %lt3A_349 : vector<8x1xi1> to vector<8x128xi1>
          %and3A_355 = arith.andi %eq3A_353, %and3A_354 : vector<8x128xi1>
          %broadcast_in_dim3A_356 = vector.shape_cast %add3A_285 : vector<8x1xi32> to vector<8x1xi32>
          %broadcast_in_dim3A_357 = vector.broadcast %broadcast_in_dim3A_356 : vector<8x1xi32> to vector<8x128xi32>
          %select_n3A_358 = arith.select %and3A_355, %broadcast_in_dim3A_357, %while3A_343 : vector<8x128xi1>, vector<8x128xi32>
          %broadcast_in_dim3A_359 = vector.shape_cast %broadcast_in_dim3A_346 : vector<8x1xi32> to vector<8x1xi32>
          %broadcast_in_dim3A_360 = vector.broadcast %broadcast_in_dim3A_359 : vector<8x1xi32> to vector<8x128xi32>
          %select_n3A_361 = arith.select %and3A_355, %broadcast_in_dim3A_360, %while3A_344 : vector<8x128xi1>, vector<8x128xi32>
          %eq3A_362 = vector.broadcast %broadcast_in_dim3A_346 : vector<8x1xi32> to vector<8x4096xi32>
          %eq3A_363 = arith.cmpi eq, %while3A_342, %eq3A_362 : vector<8x4096xi32>
          %jit3A_364 = arith.constant 1073741824 : i32
          %broadcast_in_dim3A_365 = vector.broadcast %jit3A_364 : i32 to vector<8x4096xi32>
          %select_n3A_366 = arith.select %eq3A_363, %broadcast_in_dim3A_365, %while3A_342 : vector<8x4096xi1>, vector<8x4096xi32>
          scf.yield %select_n3A_366, %select_n3A_358, %select_n3A_361 : vector<8x4096xi32>, vector<8x128xi32>, vector<8x128xi32>
        }
        %while3A_296 = arith.constant 1 : i32
        %while3A_297:3 = scf.for %while3A_341 = %while3A_293 to %while3A_289 step %while3A_296 iter_args(%while3A_342 = %while3A_295#0, %while3A_343 = %while3A_295#1, %while3A_344 = %while3A_295#2) -> (vector<8x4096xi32>, vector<8x128xi32>, vector<8x128xi32>)  : i32 {
          %reduce_min3A = arith.constant dense<2147483647> : vector<8xi32>
          %reduce_min3A_345 = vector.multi_reduction <minsi>, %while3A_342, %reduce_min3A [1] : vector<8x4096xi32> to vector<8xi32>
          %broadcast_in_dim3A_346 = vector.shape_cast %reduce_min3A_345 : vector<8xi32> to vector<8x1xi32>
          %lt3A_347 = arith.constant 1073741824 : i32
          %lt3A_348 = vector.broadcast %lt3A_347 : i32 to vector<8x1xi32>
          %lt3A_349 = arith.cmpi slt, %broadcast_in_dim3A_346, %lt3A_348 : vector<8x1xi32>
          %add3A_350 = vector.broadcast %while3A_341 : i32 to vector<8x1xi32>
          %add3A_351 = arith.addi %sub3A, %add3A_350 : vector<8x1xi32>
          %eq3A_352 = vector.broadcast %add3A_351 : vector<8x1xi32> to vector<8x128xi32>
          %eq3A_353 = arith.cmpi eq, %iota3A_16, %eq3A_352 : vector<8x128xi32>
          %and3A_354 = vector.broadcast %lt3A_349 : vector<8x1xi1> to vector<8x128xi1>
          %and3A_355 = arith.andi %eq3A_353, %and3A_354 : vector<8x128xi1>
          %broadcast_in_dim3A_356 = vector.shape_cast %add3A_285 : vector<8x1xi32> to vector<8x1xi32>
          %broadcast_in_dim3A_357 = vector.broadcast %broadcast_in_dim3A_356 : vector<8x1xi32> to vector<8x128xi32>
          %select_n3A_358 = arith.select %and3A_355, %broadcast_in_dim3A_357, %while3A_343 : vector<8x128xi1>, vector<8x128xi32>
          %broadcast_in_dim3A_359 = vector.shape_cast %broadcast_in_dim3A_346 : vector<8x1xi32> to vector<8x1xi32>
          %broadcast_in_dim3A_360 = vector.broadcast %broadcast_in_dim3A_359 : vector<8x1xi32> to vector<8x128xi32>
          %select_n3A_361 = arith.select %and3A_355, %broadcast_in_dim3A_360, %while3A_344 : vector<8x128xi1>, vector<8x128xi32>
          %eq3A_362 = vector.broadcast %broadcast_in_dim3A_346 : vector<8x1xi32> to vector<8x4096xi32>
          %eq3A_363 = arith.cmpi eq, %while3A_342, %eq3A_362 : vector<8x4096xi32>
          %jit3A_364 = arith.constant 1073741824 : i32
          %broadcast_in_dim3A_365 = vector.broadcast %jit3A_364 : i32 to vector<8x4096xi32>
          %select_n3A_366 = arith.select %eq3A_363, %broadcast_in_dim3A_365, %while3A_342 : vector<8x4096xi1>, vector<8x4096xi32>
          scf.yield %select_n3A_366, %select_n3A_358, %select_n3A_361 : vector<8x4096xi32>, vector<8x128xi32>, vector<8x128xi32>
        }
        %reduce_sum3A_298 = arith.constant dense<0> : vector<128xi32>
        %reduce_sum3A_299 = vector.multi_reduction <add>, %while3A_297#1, %reduce_sum3A_298 [0] : vector<8x128xi32> to vector<128xi32>
        %broadcast_in_dim3A_300 = vector.shape_cast %reduce_sum3A_299 : vector<128xi32> to vector<1x128xi32>
        %reduce_sum3A_301 = arith.constant dense<0> : vector<128xi32>
        %reduce_sum3A_302 = vector.multi_reduction <add>, %while3A_297#2, %reduce_sum3A_301 [0] : vector<8x128xi32> to vector<128xi32>
        %broadcast_in_dim3A_303 = vector.shape_cast %reduce_sum3A_302 : vector<128xi32> to vector<1x128xi32>
        %get3A_304 = arith.constant 0 : index
        %get3A_305 = memref.load %arg4[%get3A_304] : memref<1xi32, #tpu.memory_space<smem>>
        %and3A_306 = arith.constant 127 : i32
        %and3A_307 = arith.andi %get3A_305, %and3A_306 : i32
        %sub3A_308 = arith.subi %get3A_305, %and3A_307 : i32
        %multiple_of3A = tpu.assume_multiple %sub3A_308, 128 : i32
        %roll3A_309 = tpu.dynamic_rotate %broadcast_in_dim3A_300 by %and3A_307 dim 1 : vector<1x128xi32>, i32 -> vector<1x128xi32>
        %roll3A_310 = tpu.dynamic_rotate %broadcast_in_dim3A_303 by %and3A_307 dim 1 : vector<1x128xi32>, i32 -> vector<1x128xi32>
        %ge3A_311 = vector.broadcast %and3A_307 : i32 to vector<1x128xi32>
        %ge3A_312 = arith.cmpi sge, %iota3A, %ge3A_311 : vector<1x128xi32>
        %add3A_313 = arith.addi %and3A_307, %reduce_sum3A_189 : i32
        %lt3A = vector.broadcast %add3A_313 : i32 to vector<1x128xi32>
        %lt3A_314 = arith.cmpi slt, %iota3A, %lt3A : vector<1x128xi32>
        %and3A_315 = arith.andi %ge3A_312, %lt3A_314 : vector<1x128xi1>
        %get3A_316 = arith.constant 0 : index
        %get3A_317 = arith.constant 0 : index
        %get3A_318 = vector.load %arg5[%get3A_316, %get3A_317] : memref<1x128xi32, #tpu.memory_space<vmem>>, vector<1x128xi32>
        %select_n3A_319 = arith.select %and3A_315, %roll3A_309, %get3A_318 : vector<1x128xi1>, vector<1x128xi32>
        %get3A_320 = arith.constant 0 : index
        %get3A_321 = arith.constant 0 : index
        %get3A_322 = vector.load %arg6[%get3A_320, %get3A_321] : memref<1x128xi32, #tpu.memory_space<vmem>>, vector<1x128xi32>
        %select_n3A_323 = arith.select %and3A_315, %roll3A_310, %get3A_322 : vector<1x128xi1>, vector<1x128xi32>
        %add3A_324 = arith.addi %and3A_307, %reduce_sum3A_189 : i32
        %sub3A_325 = arith.constant 128 : i32
        %sub3A_326 = arith.subi %add3A_324, %sub3A_325 : i32
        %lt3A_327 = vector.broadcast %sub3A_326 : i32 to vector<1x128xi32>
        %lt3A_328 = arith.cmpi slt, %iota3A, %lt3A_327 : vector<1x128xi32>
        %add3A_329 = arith.addi %and3A_307, %reduce_sum3A_189 : i32
        %ge3A_330 = arith.constant 128 : i32
        %ge3A_331 = arith.cmpi sge, %add3A_329, %ge3A_330 : i32
        %convert_element_type3A_332 = arith.extui %ge3A_331 : i1 to i32
        %cond3A_333 = arith.constant 0 : i32
        %cond3A_334 = arith.cmpi ne, %convert_element_type3A_332, %cond3A_333 : i32
        scf.if %cond3A_334 {
          %swap3A_341 = arith.constant 0 : index
          %swap3A_342 = arith.index_cast %multiple_of3A : i32 to index
          %swap3A_343 = vector.load %arg2[%swap3A_341, %swap3A_342] : memref<1x4224xi32, #tpu.memory_space<vmem>>, vector<1x128xi32>
          tpu.vector_store %arg2[%swap3A_341, %swap3A_342], %select_n3A_319 {strides = array<i32>} : memref<1x4224xi32, #tpu.memory_space<vmem>>, vector<1x128xi32>,
          %swap3A_344 = arith.constant 0 : index
          %swap3A_345 = arith.index_cast %multiple_of3A : i32 to index
          %swap3A_346 = vector.load %arg3[%swap3A_344, %swap3A_345] : memref<1x4224xi32, #tpu.memory_space<vmem>>, vector<1x128xi32>
          tpu.vector_store %arg3[%swap3A_344, %swap3A_345], %select_n3A_323 {strides = array<i32>} : memref<1x4224xi32, #tpu.memory_space<vmem>>, vector<1x128xi32>,
          %jit3A_347 = arith.constant 0 : i32
          %broadcast_in_dim3A_348 = vector.broadcast %jit3A_347 : i32 to vector<1x128xi32>
          %select_n3A_349 = arith.select %lt3A_328, %roll3A_309, %broadcast_in_dim3A_348 : vector<1x128xi1>, vector<1x128xi32>
          %swap3A_350 = arith.constant 0 : index
          %swap3A_351 = arith.constant 0 : index
          %swap3A_352 = vector.load %arg5[%swap3A_350, %swap3A_351] : memref<1x128xi32, #tpu.memory_space<vmem>>, vector<1x128xi32>
          tpu.vector_store %arg5[%swap3A_350, %swap3A_351], %select_n3A_349 {strides = array<i32>} : memref<1x128xi32, #tpu.memory_space<vmem>>, vector<1x128xi32>,
          %jit3A_353 = arith.constant 0 : i32
          %broadcast_in_dim3A_354 = vector.broadcast %jit3A_353 : i32 to vector<1x128xi32>
          %select_n3A_355 = arith.select %lt3A_328, %roll3A_310, %broadcast_in_dim3A_354 : vector<1x128xi1>, vector<1x128xi32>
          %swap3A_356 = arith.constant 0 : index
          %swap3A_357 = arith.constant 0 : index
          %swap3A_358 = vector.load %arg6[%swap3A_356, %swap3A_357] : memref<1x128xi32, #tpu.memory_space<vmem>>, vector<1x128xi32>
          tpu.vector_store %arg6[%swap3A_356, %swap3A_357], %select_n3A_355 {strides = array<i32>} : memref<1x128xi32, #tpu.memory_space<vmem>>, vector<1x128xi32>,
        } else {
        }
        %not3A = arith.constant true
        %not3A_335 = arith.xori %ge3A_331, %not3A : i1
        %convert_element_type3A_336 = arith.extui %not3A_335 : i1 to i32
        %cond3A_337 = arith.constant 0 : i32
        %cond3A_338 = arith.cmpi ne, %convert_element_type3A_336, %cond3A_337 : i32
        scf.if %cond3A_338 {
          %swap3A_341 = arith.constant 0 : index
          %swap3A_342 = arith.constant 0 : index
          %swap3A_343 = vector.load %arg5[%swap3A_341, %swap3A_342] : memref<1x128xi32, #tpu.memory_space<vmem>>, vector<1x128xi32>
          tpu.vector_store %arg5[%swap3A_341, %swap3A_342], %select_n3A_319 {strides = array<i32>} : memref<1x128xi32, #tpu.memory_space<vmem>>, vector<1x128xi32>,
          %swap3A_344 = arith.constant 0 : index
          %swap3A_345 = arith.constant 0 : index
          %swap3A_346 = vector.load %arg6[%swap3A_344, %swap3A_345] : memref<1x128xi32, #tpu.memory_space<vmem>>, vector<1x128xi32>
          tpu.vector_store %arg6[%swap3A_344, %swap3A_345], %select_n3A_323 {strides = array<i32>} : memref<1x128xi32, #tpu.memory_space<vmem>>, vector<1x128xi32>,
        } else {
        }
        %add3A_339 = arith.addi %get3A_305, %reduce_sum3A_189 : i32
        %swap3A = arith.constant 0 : index
        %swap3A_340 = memref.load %arg4[%swap3A] : memref<1xi32, #tpu.memory_space<smem>>
        memref.store %add3A_339, %arg4[%swap3A] : memref<1xi32, #tpu.memory_space<smem>>
      } else {
      }
      %add3A_195 = arith.constant 96 : i32
      %add3A_196 = arith.addi %mul3A_4, %add3A_195 : i32
      %slice3A_197 = vector.extract_strided_slice %and3A {offsets = [96, 0], sizes = [8, 4096], strides = [1, 1]} : vector<128x4096xi1> to vector<8x4096xi1>
      %convert_element_type3A_198 = arith.extui %slice3A_197 : vector<8x4096xi1> to vector<8x4096xi32>
      %reduce_sum3A_199 = vector.shape_cast %convert_element_type3A_198 : vector<8x4096xi32> to vector<1x8x4096xi32>
      %reduce_sum3A_200 = arith.constant dense<0> : vector<1xi32>
      %reduce_sum3A_201 = vector.multi_reduction <add>, %reduce_sum3A_199, %reduce_sum3A_200 [1, 2] : vector<1x8x4096xi32> to vector<1xi32>
      %reduce_sum3A_202 = vector.shape_cast %reduce_sum3A_201 : vector<1xi32> to vector<1x1x1xi32>
      %reduce_sum3A_203 = vector.extract %reduce_sum3A_202[0, 0, 0] : i32 from vector<1x1x1xi32>
      %gt3A_204 = arith.constant 0 : i32
      %gt3A_205 = arith.cmpi sgt, %reduce_sum3A_203, %gt3A_204 : i32
      %convert_element_type3A_206 = arith.extui %gt3A_205 : i1 to i32
      %cond3A_207 = arith.constant 0 : i32
      %cond3A_208 = arith.cmpi ne, %convert_element_type3A_206, %cond3A_207 : i32
      scf.if %cond3A_208 {
        %jit3A = arith.constant 1073741824 : i32
        %broadcast_in_dim3A = vector.broadcast %jit3A : i32 to vector<8x4096xi32>
        %select_n3A = arith.select %slice3A_197, %iota3A_15, %broadcast_in_dim3A : vector<8x4096xi1>, vector<8x4096xi32>
        %convert_element_type3A_251 = arith.extui %slice3A_197 : vector<8x4096xi1> to vector<8x4096xi32>
        %reduce_sum3A_252 = arith.constant dense<0> : vector<8xi32>
        %reduce_sum3A_253 = vector.multi_reduction <add>, %convert_element_type3A_251, %reduce_sum3A_252 [1] : vector<8x4096xi32> to vector<8xi32>
        %broadcast_in_dim3A_254 = vector.shape_cast %reduce_sum3A_253 : vector<8xi32> to vector<8x1xi32>
        %ge3A = arith.constant 1 : i32
        %ge3A_255 = vector.broadcast %ge3A : i32 to vector<8x1xi32>
        %ge3A_256 = arith.cmpi sge, %iota3A_17, %ge3A_255 : vector<8x1xi32>
        %roll3A = arith.constant 1 : i32
        %roll3A_257 = tpu.dynamic_rotate %broadcast_in_dim3A_254 by %roll3A dim 0 : vector<8x1xi32>, i32 -> vector<8x1xi32>
        %jit3A_258 = arith.constant 0 : i32
        %broadcast_in_dim3A_259 = vector.broadcast %jit3A_258 : i32 to vector<8x1xi32>
        %select_n3A_260 = arith.select %ge3A_256, %roll3A_257, %broadcast_in_dim3A_259 : vector<8x1xi1>, vector<8x1xi32>
        %add3A_261 = arith.addi %broadcast_in_dim3A_254, %select_n3A_260 : vector<8x1xi32>
        %ge3A_262 = arith.constant 2 : i32
        %ge3A_263 = vector.broadcast %ge3A_262 : i32 to vector<8x1xi32>
        %ge3A_264 = arith.cmpi sge, %iota3A_17, %ge3A_263 : vector<8x1xi32>
        %roll3A_265 = arith.constant 2 : i32
        %roll3A_266 = tpu.dynamic_rotate %add3A_261 by %roll3A_265 dim 0 : vector<8x1xi32>, i32 -> vector<8x1xi32>
        %jit3A_267 = arith.constant 0 : i32
        %broadcast_in_dim3A_268 = vector.broadcast %jit3A_267 : i32 to vector<8x1xi32>
        %select_n3A_269 = arith.select %ge3A_264, %roll3A_266, %broadcast_in_dim3A_268 : vector<8x1xi1>, vector<8x1xi32>
        %add3A_270 = arith.addi %add3A_261, %select_n3A_269 : vector<8x1xi32>
        %ge3A_271 = arith.constant 4 : i32
        %ge3A_272 = vector.broadcast %ge3A_271 : i32 to vector<8x1xi32>
        %ge3A_273 = arith.cmpi sge, %iota3A_17, %ge3A_272 : vector<8x1xi32>
        %roll3A_274 = arith.constant 4 : i32
        %roll3A_275 = tpu.dynamic_rotate %add3A_270 by %roll3A_274 dim 0 : vector<8x1xi32>, i32 -> vector<8x1xi32>
        %jit3A_276 = arith.constant 0 : i32
        %broadcast_in_dim3A_277 = vector.broadcast %jit3A_276 : i32 to vector<8x1xi32>
        %select_n3A_278 = arith.select %ge3A_273, %roll3A_275, %broadcast_in_dim3A_277 : vector<8x1xi1>, vector<8x1xi32>
        %add3A_279 = arith.addi %add3A_270, %select_n3A_278 : vector<8x1xi32>
        %sub3A = arith.subi %add3A_279, %broadcast_in_dim3A_254 : vector<8x1xi32>
        %reduce_max3A = vector.shape_cast %broadcast_in_dim3A_254 : vector<8x1xi32> to vector<1x8x1xi32>
        %reduce_max3A_280 = arith.constant dense<-2147483648> : vector<1xi32>
        %reduce_max3A_281 = vector.multi_reduction <maxsi>, %reduce_max3A, %reduce_max3A_280 [1, 2] : vector<1x8x1xi32> to vector<1xi32>
        %reduce_max3A_282 = vector.shape_cast %reduce_max3A_281 : vector<1xi32> to vector<1x1x1xi32>
        %reduce_max3A_283 = vector.extract %reduce_max3A_282[0, 0, 0] : i32 from vector<1x1x1xi32>
        %add3A_284 = vector.broadcast %add3A_196 : i32 to vector<8x1xi32>
        %add3A_285 = arith.addi %iota3A_17, %add3A_284 : vector<8x1xi32>
        %broadcast_in_dim3A_286 = arith.constant 0 : i32
        %broadcast_in_dim3A_287 = vector.broadcast %broadcast_in_dim3A_286 : i32 to vector<8x128xi32>
        %while3A = arith.constant 0 : i32
        %while3A_288 = arith.subi %reduce_max3A_283, %while3A : i32
        %while3A_289 = arith.addi %while3A, %while3A_288 : i32
        %while3A_290 = arith.constant 1 : i32
        %while3A_291 = arith.divsi %while3A_288, %while3A_290 : i32
        %while3A_292 = arith.muli %while3A_291, %while3A_290 : i32
        %while3A_293 = arith.addi %while3A, %while3A_292 : i32
        %while3A_294 = arith.constant 1 : i32
        %while3A_295:3 = scf.for %while3A_341 = %while3A to %while3A_293 step %while3A_294 iter_args(%while3A_342 = %select_n3A, %while3A_343 = %broadcast_in_dim3A_287, %while3A_344 = %broadcast_in_dim3A_287) -> (vector<8x4096xi32>, vector<8x128xi32>, vector<8x128xi32>)  : i32 {
          %reduce_min3A = arith.constant dense<2147483647> : vector<8xi32>
          %reduce_min3A_345 = vector.multi_reduction <minsi>, %while3A_342, %reduce_min3A [1] : vector<8x4096xi32> to vector<8xi32>
          %broadcast_in_dim3A_346 = vector.shape_cast %reduce_min3A_345 : vector<8xi32> to vector<8x1xi32>
          %lt3A_347 = arith.constant 1073741824 : i32
          %lt3A_348 = vector.broadcast %lt3A_347 : i32 to vector<8x1xi32>
          %lt3A_349 = arith.cmpi slt, %broadcast_in_dim3A_346, %lt3A_348 : vector<8x1xi32>
          %add3A_350 = vector.broadcast %while3A_341 : i32 to vector<8x1xi32>
          %add3A_351 = arith.addi %sub3A, %add3A_350 : vector<8x1xi32>
          %eq3A_352 = vector.broadcast %add3A_351 : vector<8x1xi32> to vector<8x128xi32>
          %eq3A_353 = arith.cmpi eq, %iota3A_16, %eq3A_352 : vector<8x128xi32>
          %and3A_354 = vector.broadcast %lt3A_349 : vector<8x1xi1> to vector<8x128xi1>
          %and3A_355 = arith.andi %eq3A_353, %and3A_354 : vector<8x128xi1>
          %broadcast_in_dim3A_356 = vector.shape_cast %add3A_285 : vector<8x1xi32> to vector<8x1xi32>
          %broadcast_in_dim3A_357 = vector.broadcast %broadcast_in_dim3A_356 : vector<8x1xi32> to vector<8x128xi32>
          %select_n3A_358 = arith.select %and3A_355, %broadcast_in_dim3A_357, %while3A_343 : vector<8x128xi1>, vector<8x128xi32>
          %broadcast_in_dim3A_359 = vector.shape_cast %broadcast_in_dim3A_346 : vector<8x1xi32> to vector<8x1xi32>
          %broadcast_in_dim3A_360 = vector.broadcast %broadcast_in_dim3A_359 : vector<8x1xi32> to vector<8x128xi32>
          %select_n3A_361 = arith.select %and3A_355, %broadcast_in_dim3A_360, %while3A_344 : vector<8x128xi1>, vector<8x128xi32>
          %eq3A_362 = vector.broadcast %broadcast_in_dim3A_346 : vector<8x1xi32> to vector<8x4096xi32>
          %eq3A_363 = arith.cmpi eq, %while3A_342, %eq3A_362 : vector<8x4096xi32>
          %jit3A_364 = arith.constant 1073741824 : i32
          %broadcast_in_dim3A_365 = vector.broadcast %jit3A_364 : i32 to vector<8x4096xi32>
          %select_n3A_366 = arith.select %eq3A_363, %broadcast_in_dim3A_365, %while3A_342 : vector<8x4096xi1>, vector<8x4096xi32>
          scf.yield %select_n3A_366, %select_n3A_358, %select_n3A_361 : vector<8x4096xi32>, vector<8x128xi32>, vector<8x128xi32>
        }
        %while3A_296 = arith.constant 1 : i32
        %while3A_297:3 = scf.for %while3A_341 = %while3A_293 to %while3A_289 step %while3A_296 iter_args(%while3A_342 = %while3A_295#0, %while3A_343 = %while3A_295#1, %while3A_344 = %while3A_295#2) -> (vector<8x4096xi32>, vector<8x128xi32>, vector<8x128xi32>)  : i32 {
          %reduce_min3A = arith.constant dense<2147483647> : vector<8xi32>
          %reduce_min3A_345 = vector.multi_reduction <minsi>, %while3A_342, %reduce_min3A [1] : vector<8x4096xi32> to vector<8xi32>
          %broadcast_in_dim3A_346 = vector.shape_cast %reduce_min3A_345 : vector<8xi32> to vector<8x1xi32>
          %lt3A_347 = arith.constant 1073741824 : i32
          %lt3A_348 = vector.broadcast %lt3A_347 : i32 to vector<8x1xi32>
          %lt3A_349 = arith.cmpi slt, %broadcast_in_dim3A_346, %lt3A_348 : vector<8x1xi32>
          %add3A_350 = vector.broadcast %while3A_341 : i32 to vector<8x1xi32>
          %add3A_351 = arith.addi %sub3A, %add3A_350 : vector<8x1xi32>
          %eq3A_352 = vector.broadcast %add3A_351 : vector<8x1xi32> to vector<8x128xi32>
          %eq3A_353 = arith.cmpi eq, %iota3A_16, %eq3A_352 : vector<8x128xi32>
          %and3A_354 = vector.broadcast %lt3A_349 : vector<8x1xi1> to vector<8x128xi1>
          %and3A_355 = arith.andi %eq3A_353, %and3A_354 : vector<8x128xi1>
          %broadcast_in_dim3A_356 = vector.shape_cast %add3A_285 : vector<8x1xi32> to vector<8x1xi32>
          %broadcast_in_dim3A_357 = vector.broadcast %broadcast_in_dim3A_356 : vector<8x1xi32> to vector<8x128xi32>
          %select_n3A_358 = arith.select %and3A_355, %broadcast_in_dim3A_357, %while3A_343 : vector<8x128xi1>, vector<8x128xi32>
          %broadcast_in_dim3A_359 = vector.shape_cast %broadcast_in_dim3A_346 : vector<8x1xi32> to vector<8x1xi32>
          %broadcast_in_dim3A_360 = vector.broadcast %broadcast_in_dim3A_359 : vector<8x1xi32> to vector<8x128xi32>
          %select_n3A_361 = arith.select %and3A_355, %broadcast_in_dim3A_360, %while3A_344 : vector<8x128xi1>, vector<8x128xi32>
          %eq3A_362 = vector.broadcast %broadcast_in_dim3A_346 : vector<8x1xi32> to vector<8x4096xi32>
          %eq3A_363 = arith.cmpi eq, %while3A_342, %eq3A_362 : vector<8x4096xi32>
          %jit3A_364 = arith.constant 1073741824 : i32
          %broadcast_in_dim3A_365 = vector.broadcast %jit3A_364 : i32 to vector<8x4096xi32>
          %select_n3A_366 = arith.select %eq3A_363, %broadcast_in_dim3A_365, %while3A_342 : vector<8x4096xi1>, vector<8x4096xi32>
          scf.yield %select_n3A_366, %select_n3A_358, %select_n3A_361 : vector<8x4096xi32>, vector<8x128xi32>, vector<8x128xi32>
        }
        %reduce_sum3A_298 = arith.constant dense<0> : vector<128xi32>
        %reduce_sum3A_299 = vector.multi_reduction <add>, %while3A_297#1, %reduce_sum3A_298 [0] : vector<8x128xi32> to vector<128xi32>
        %broadcast_in_dim3A_300 = vector.shape_cast %reduce_sum3A_299 : vector<128xi32> to vector<1x128xi32>
        %reduce_sum3A_301 = arith.constant dense<0> : vector<128xi32>
        %reduce_sum3A_302 = vector.multi_reduction <add>, %while3A_297#2, %reduce_sum3A_301 [0] : vector<8x128xi32> to vector<128xi32>
        %broadcast_in_dim3A_303 = vector.shape_cast %reduce_sum3A_302 : vector<128xi32> to vector<1x128xi32>
        %get3A_304 = arith.constant 0 : index
        %get3A_305 = memref.load %arg4[%get3A_304] : memref<1xi32, #tpu.memory_space<smem>>
        %and3A_306 = arith.constant 127 : i32
        %and3A_307 = arith.andi %get3A_305, %and3A_306 : i32
        %sub3A_308 = arith.subi %get3A_305, %and3A_307 : i32
        %multiple_of3A = tpu.assume_multiple %sub3A_308, 128 : i32
        %roll3A_309 = tpu.dynamic_rotate %broadcast_in_dim3A_300 by %and3A_307 dim 1 : vector<1x128xi32>, i32 -> vector<1x128xi32>
        %roll3A_310 = tpu.dynamic_rotate %broadcast_in_dim3A_303 by %and3A_307 dim 1 : vector<1x128xi32>, i32 -> vector<1x128xi32>
        %ge3A_311 = vector.broadcast %and3A_307 : i32 to vector<1x128xi32>
        %ge3A_312 = arith.cmpi sge, %iota3A, %ge3A_311 : vector<1x128xi32>
        %add3A_313 = arith.addi %and3A_307, %reduce_sum3A_203 : i32
        %lt3A = vector.broadcast %add3A_313 : i32 to vector<1x128xi32>
        %lt3A_314 = arith.cmpi slt, %iota3A, %lt3A : vector<1x128xi32>
        %and3A_315 = arith.andi %ge3A_312, %lt3A_314 : vector<1x128xi1>
        %get3A_316 = arith.constant 0 : index
        %get3A_317 = arith.constant 0 : index
        %get3A_318 = vector.load %arg5[%get3A_316, %get3A_317] : memref<1x128xi32, #tpu.memory_space<vmem>>, vector<1x128xi32>
        %select_n3A_319 = arith.select %and3A_315, %roll3A_309, %get3A_318 : vector<1x128xi1>, vector<1x128xi32>
        %get3A_320 = arith.constant 0 : index
        %get3A_321 = arith.constant 0 : index
        %get3A_322 = vector.load %arg6[%get3A_320, %get3A_321] : memref<1x128xi32, #tpu.memory_space<vmem>>, vector<1x128xi32>
        %select_n3A_323 = arith.select %and3A_315, %roll3A_310, %get3A_322 : vector<1x128xi1>, vector<1x128xi32>
        %add3A_324 = arith.addi %and3A_307, %reduce_sum3A_203 : i32
        %sub3A_325 = arith.constant 128 : i32
        %sub3A_326 = arith.subi %add3A_324, %sub3A_325 : i32
        %lt3A_327 = vector.broadcast %sub3A_326 : i32 to vector<1x128xi32>
        %lt3A_328 = arith.cmpi slt, %iota3A, %lt3A_327 : vector<1x128xi32>
        %add3A_329 = arith.addi %and3A_307, %reduce_sum3A_203 : i32
        %ge3A_330 = arith.constant 128 : i32
        %ge3A_331 = arith.cmpi sge, %add3A_329, %ge3A_330 : i32
        %convert_element_type3A_332 = arith.extui %ge3A_331 : i1 to i32
        %cond3A_333 = arith.constant 0 : i32
        %cond3A_334 = arith.cmpi ne, %convert_element_type3A_332, %cond3A_333 : i32
        scf.if %cond3A_334 {
          %swap3A_341 = arith.constant 0 : index
          %swap3A_342 = arith.index_cast %multiple_of3A : i32 to index
          %swap3A_343 = vector.load %arg2[%swap3A_341, %swap3A_342] : memref<1x4224xi32, #tpu.memory_space<vmem>>, vector<1x128xi32>
          tpu.vector_store %arg2[%swap3A_341, %swap3A_342], %select_n3A_319 {strides = array<i32>} : memref<1x4224xi32, #tpu.memory_space<vmem>>, vector<1x128xi32>,
          %swap3A_344 = arith.constant 0 : index
          %swap3A_345 = arith.index_cast %multiple_of3A : i32 to index
          %swap3A_346 = vector.load %arg3[%swap3A_344, %swap3A_345] : memref<1x4224xi32, #tpu.memory_space<vmem>>, vector<1x128xi32>
          tpu.vector_store %arg3[%swap3A_344, %swap3A_345], %select_n3A_323 {strides = array<i32>} : memref<1x4224xi32, #tpu.memory_space<vmem>>, vector<1x128xi32>,
          %jit3A_347 = arith.constant 0 : i32
          %broadcast_in_dim3A_348 = vector.broadcast %jit3A_347 : i32 to vector<1x128xi32>
          %select_n3A_349 = arith.select %lt3A_328, %roll3A_309, %broadcast_in_dim3A_348 : vector<1x128xi1>, vector<1x128xi32>
          %swap3A_350 = arith.constant 0 : index
          %swap3A_351 = arith.constant 0 : index
          %swap3A_352 = vector.load %arg5[%swap3A_350, %swap3A_351] : memref<1x128xi32, #tpu.memory_space<vmem>>, vector<1x128xi32>
          tpu.vector_store %arg5[%swap3A_350, %swap3A_351], %select_n3A_349 {strides = array<i32>} : memref<1x128xi32, #tpu.memory_space<vmem>>, vector<1x128xi32>,
          %jit3A_353 = arith.constant 0 : i32
          %broadcast_in_dim3A_354 = vector.broadcast %jit3A_353 : i32 to vector<1x128xi32>
          %select_n3A_355 = arith.select %lt3A_328, %roll3A_310, %broadcast_in_dim3A_354 : vector<1x128xi1>, vector<1x128xi32>
          %swap3A_356 = arith.constant 0 : index
          %swap3A_357 = arith.constant 0 : index
          %swap3A_358 = vector.load %arg6[%swap3A_356, %swap3A_357] : memref<1x128xi32, #tpu.memory_space<vmem>>, vector<1x128xi32>
          tpu.vector_store %arg6[%swap3A_356, %swap3A_357], %select_n3A_355 {strides = array<i32>} : memref<1x128xi32, #tpu.memory_space<vmem>>, vector<1x128xi32>,
        } else {
        }
        %not3A = arith.constant true
        %not3A_335 = arith.xori %ge3A_331, %not3A : i1
        %convert_element_type3A_336 = arith.extui %not3A_335 : i1 to i32
        %cond3A_337 = arith.constant 0 : i32
        %cond3A_338 = arith.cmpi ne, %convert_element_type3A_336, %cond3A_337 : i32
        scf.if %cond3A_338 {
          %swap3A_341 = arith.constant 0 : index
          %swap3A_342 = arith.constant 0 : index
          %swap3A_343 = vector.load %arg5[%swap3A_341, %swap3A_342] : memref<1x128xi32, #tpu.memory_space<vmem>>, vector<1x128xi32>
          tpu.vector_store %arg5[%swap3A_341, %swap3A_342], %select_n3A_319 {strides = array<i32>} : memref<1x128xi32, #tpu.memory_space<vmem>>, vector<1x128xi32>,
          %swap3A_344 = arith.constant 0 : index
          %swap3A_345 = arith.constant 0 : index
          %swap3A_346 = vector.load %arg6[%swap3A_344, %swap3A_345] : memref<1x128xi32, #tpu.memory_space<vmem>>, vector<1x128xi32>
          tpu.vector_store %arg6[%swap3A_344, %swap3A_345], %select_n3A_323 {strides = array<i32>} : memref<1x128xi32, #tpu.memory_space<vmem>>, vector<1x128xi32>,
        } else {
        }
        %add3A_339 = arith.addi %get3A_305, %reduce_sum3A_203 : i32
        %swap3A = arith.constant 0 : index
        %swap3A_340 = memref.load %arg4[%swap3A] : memref<1xi32, #tpu.memory_space<smem>>
        memref.store %add3A_339, %arg4[%swap3A] : memref<1xi32, #tpu.memory_space<smem>>
      } else {
      }
      %add3A_209 = arith.constant 104 : i32
      %add3A_210 = arith.addi %mul3A_4, %add3A_209 : i32
      %slice3A_211 = vector.extract_strided_slice %and3A {offsets = [104, 0], sizes = [8, 4096], strides = [1, 1]} : vector<128x4096xi1> to vector<8x4096xi1>
      %convert_element_type3A_212 = arith.extui %slice3A_211 : vector<8x4096xi1> to vector<8x4096xi32>
      %reduce_sum3A_213 = vector.shape_cast %convert_element_type3A_212 : vector<8x4096xi32> to vector<1x8x4096xi32>
      %reduce_sum3A_214 = arith.constant dense<0> : vector<1xi32>
      %reduce_sum3A_215 = vector.multi_reduction <add>, %reduce_sum3A_213, %reduce_sum3A_214 [1, 2] : vector<1x8x4096xi32> to vector<1xi32>
      %reduce_sum3A_216 = vector.shape_cast %reduce_sum3A_215 : vector<1xi32> to vector<1x1x1xi32>
      %reduce_sum3A_217 = vector.extract %reduce_sum3A_216[0, 0, 0] : i32 from vector<1x1x1xi32>
      %gt3A_218 = arith.constant 0 : i32
      %gt3A_219 = arith.cmpi sgt, %reduce_sum3A_217, %gt3A_218 : i32
      %convert_element_type3A_220 = arith.extui %gt3A_219 : i1 to i32
      %cond3A_221 = arith.constant 0 : i32
      %cond3A_222 = arith.cmpi ne, %convert_element_type3A_220, %cond3A_221 : i32
      scf.if %cond3A_222 {
        %jit3A = arith.constant 1073741824 : i32
        %broadcast_in_dim3A = vector.broadcast %jit3A : i32 to vector<8x4096xi32>
        %select_n3A = arith.select %slice3A_211, %iota3A_15, %broadcast_in_dim3A : vector<8x4096xi1>, vector<8x4096xi32>
        %convert_element_type3A_251 = arith.extui %slice3A_211 : vector<8x4096xi1> to vector<8x4096xi32>
        %reduce_sum3A_252 = arith.constant dense<0> : vector<8xi32>
        %reduce_sum3A_253 = vector.multi_reduction <add>, %convert_element_type3A_251, %reduce_sum3A_252 [1] : vector<8x4096xi32> to vector<8xi32>
        %broadcast_in_dim3A_254 = vector.shape_cast %reduce_sum3A_253 : vector<8xi32> to vector<8x1xi32>
        %ge3A = arith.constant 1 : i32
        %ge3A_255 = vector.broadcast %ge3A : i32 to vector<8x1xi32>
        %ge3A_256 = arith.cmpi sge, %iota3A_17, %ge3A_255 : vector<8x1xi32>
        %roll3A = arith.constant 1 : i32
        %roll3A_257 = tpu.dynamic_rotate %broadcast_in_dim3A_254 by %roll3A dim 0 : vector<8x1xi32>, i32 -> vector<8x1xi32>
        %jit3A_258 = arith.constant 0 : i32
        %broadcast_in_dim3A_259 = vector.broadcast %jit3A_258 : i32 to vector<8x1xi32>
        %select_n3A_260 = arith.select %ge3A_256, %roll3A_257, %broadcast_in_dim3A_259 : vector<8x1xi1>, vector<8x1xi32>
        %add3A_261 = arith.addi %broadcast_in_dim3A_254, %select_n3A_260 : vector<8x1xi32>
        %ge3A_262 = arith.constant 2 : i32
        %ge3A_263 = vector.broadcast %ge3A_262 : i32 to vector<8x1xi32>
        %ge3A_264 = arith.cmpi sge, %iota3A_17, %ge3A_263 : vector<8x1xi32>
        %roll3A_265 = arith.constant 2 : i32
        %roll3A_266 = tpu.dynamic_rotate %add3A_261 by %roll3A_265 dim 0 : vector<8x1xi32>, i32 -> vector<8x1xi32>
        %jit3A_267 = arith.constant 0 : i32
        %broadcast_in_dim3A_268 = vector.broadcast %jit3A_267 : i32 to vector<8x1xi32>
        %select_n3A_269 = arith.select %ge3A_264, %roll3A_266, %broadcast_in_dim3A_268 : vector<8x1xi1>, vector<8x1xi32>
        %add3A_270 = arith.addi %add3A_261, %select_n3A_269 : vector<8x1xi32>
        %ge3A_271 = arith.constant 4 : i32
        %ge3A_272 = vector.broadcast %ge3A_271 : i32 to vector<8x1xi32>
        %ge3A_273 = arith.cmpi sge, %iota3A_17, %ge3A_272 : vector<8x1xi32>
        %roll3A_274 = arith.constant 4 : i32
        %roll3A_275 = tpu.dynamic_rotate %add3A_270 by %roll3A_274 dim 0 : vector<8x1xi32>, i32 -> vector<8x1xi32>
        %jit3A_276 = arith.constant 0 : i32
        %broadcast_in_dim3A_277 = vector.broadcast %jit3A_276 : i32 to vector<8x1xi32>
        %select_n3A_278 = arith.select %ge3A_273, %roll3A_275, %broadcast_in_dim3A_277 : vector<8x1xi1>, vector<8x1xi32>
        %add3A_279 = arith.addi %add3A_270, %select_n3A_278 : vector<8x1xi32>
        %sub3A = arith.subi %add3A_279, %broadcast_in_dim3A_254 : vector<8x1xi32>
        %reduce_max3A = vector.shape_cast %broadcast_in_dim3A_254 : vector<8x1xi32> to vector<1x8x1xi32>
        %reduce_max3A_280 = arith.constant dense<-2147483648> : vector<1xi32>
        %reduce_max3A_281 = vector.multi_reduction <maxsi>, %reduce_max3A, %reduce_max3A_280 [1, 2] : vector<1x8x1xi32> to vector<1xi32>
        %reduce_max3A_282 = vector.shape_cast %reduce_max3A_281 : vector<1xi32> to vector<1x1x1xi32>
        %reduce_max3A_283 = vector.extract %reduce_max3A_282[0, 0, 0] : i32 from vector<1x1x1xi32>
        %add3A_284 = vector.broadcast %add3A_210 : i32 to vector<8x1xi32>
        %add3A_285 = arith.addi %iota3A_17, %add3A_284 : vector<8x1xi32>
        %broadcast_in_dim3A_286 = arith.constant 0 : i32
        %broadcast_in_dim3A_287 = vector.broadcast %broadcast_in_dim3A_286 : i32 to vector<8x128xi32>
        %while3A = arith.constant 0 : i32
        %while3A_288 = arith.subi %reduce_max3A_283, %while3A : i32
        %while3A_289 = arith.addi %while3A, %while3A_288 : i32
        %while3A_290 = arith.constant 1 : i32
        %while3A_291 = arith.divsi %while3A_288, %while3A_290 : i32
        %while3A_292 = arith.muli %while3A_291, %while3A_290 : i32
        %while3A_293 = arith.addi %while3A, %while3A_292 : i32
        %while3A_294 = arith.constant 1 : i32
        %while3A_295:3 = scf.for %while3A_341 = %while3A to %while3A_293 step %while3A_294 iter_args(%while3A_342 = %select_n3A, %while3A_343 = %broadcast_in_dim3A_287, %while3A_344 = %broadcast_in_dim3A_287) -> (vector<8x4096xi32>, vector<8x128xi32>, vector<8x128xi32>)  : i32 {
          %reduce_min3A = arith.constant dense<2147483647> : vector<8xi32>
          %reduce_min3A_345 = vector.multi_reduction <minsi>, %while3A_342, %reduce_min3A [1] : vector<8x4096xi32> to vector<8xi32>
          %broadcast_in_dim3A_346 = vector.shape_cast %reduce_min3A_345 : vector<8xi32> to vector<8x1xi32>
          %lt3A_347 = arith.constant 1073741824 : i32
          %lt3A_348 = vector.broadcast %lt3A_347 : i32 to vector<8x1xi32>
          %lt3A_349 = arith.cmpi slt, %broadcast_in_dim3A_346, %lt3A_348 : vector<8x1xi32>
          %add3A_350 = vector.broadcast %while3A_341 : i32 to vector<8x1xi32>
          %add3A_351 = arith.addi %sub3A, %add3A_350 : vector<8x1xi32>
          %eq3A_352 = vector.broadcast %add3A_351 : vector<8x1xi32> to vector<8x128xi32>
          %eq3A_353 = arith.cmpi eq, %iota3A_16, %eq3A_352 : vector<8x128xi32>
          %and3A_354 = vector.broadcast %lt3A_349 : vector<8x1xi1> to vector<8x128xi1>
          %and3A_355 = arith.andi %eq3A_353, %and3A_354 : vector<8x128xi1>
          %broadcast_in_dim3A_356 = vector.shape_cast %add3A_285 : vector<8x1xi32> to vector<8x1xi32>
          %broadcast_in_dim3A_357 = vector.broadcast %broadcast_in_dim3A_356 : vector<8x1xi32> to vector<8x128xi32>
          %select_n3A_358 = arith.select %and3A_355, %broadcast_in_dim3A_357, %while3A_343 : vector<8x128xi1>, vector<8x128xi32>
          %broadcast_in_dim3A_359 = vector.shape_cast %broadcast_in_dim3A_346 : vector<8x1xi32> to vector<8x1xi32>
          %broadcast_in_dim3A_360 = vector.broadcast %broadcast_in_dim3A_359 : vector<8x1xi32> to vector<8x128xi32>
          %select_n3A_361 = arith.select %and3A_355, %broadcast_in_dim3A_360, %while3A_344 : vector<8x128xi1>, vector<8x128xi32>
          %eq3A_362 = vector.broadcast %broadcast_in_dim3A_346 : vector<8x1xi32> to vector<8x4096xi32>
          %eq3A_363 = arith.cmpi eq, %while3A_342, %eq3A_362 : vector<8x4096xi32>
          %jit3A_364 = arith.constant 1073741824 : i32
          %broadcast_in_dim3A_365 = vector.broadcast %jit3A_364 : i32 to vector<8x4096xi32>
          %select_n3A_366 = arith.select %eq3A_363, %broadcast_in_dim3A_365, %while3A_342 : vector<8x4096xi1>, vector<8x4096xi32>
          scf.yield %select_n3A_366, %select_n3A_358, %select_n3A_361 : vector<8x4096xi32>, vector<8x128xi32>, vector<8x128xi32>
        }
        %while3A_296 = arith.constant 1 : i32
        %while3A_297:3 = scf.for %while3A_341 = %while3A_293 to %while3A_289 step %while3A_296 iter_args(%while3A_342 = %while3A_295#0, %while3A_343 = %while3A_295#1, %while3A_344 = %while3A_295#2) -> (vector<8x4096xi32>, vector<8x128xi32>, vector<8x128xi32>)  : i32 {
          %reduce_min3A = arith.constant dense<2147483647> : vector<8xi32>
          %reduce_min3A_345 = vector.multi_reduction <minsi>, %while3A_342, %reduce_min3A [1] : vector<8x4096xi32> to vector<8xi32>
          %broadcast_in_dim3A_346 = vector.shape_cast %reduce_min3A_345 : vector<8xi32> to vector<8x1xi32>
          %lt3A_347 = arith.constant 1073741824 : i32
          %lt3A_348 = vector.broadcast %lt3A_347 : i32 to vector<8x1xi32>
          %lt3A_349 = arith.cmpi slt, %broadcast_in_dim3A_346, %lt3A_348 : vector<8x1xi32>
          %add3A_350 = vector.broadcast %while3A_341 : i32 to vector<8x1xi32>
          %add3A_351 = arith.addi %sub3A, %add3A_350 : vector<8x1xi32>
          %eq3A_352 = vector.broadcast %add3A_351 : vector<8x1xi32> to vector<8x128xi32>
          %eq3A_353 = arith.cmpi eq, %iota3A_16, %eq3A_352 : vector<8x128xi32>
          %and3A_354 = vector.broadcast %lt3A_349 : vector<8x1xi1> to vector<8x128xi1>
          %and3A_355 = arith.andi %eq3A_353, %and3A_354 : vector<8x128xi1>
          %broadcast_in_dim3A_356 = vector.shape_cast %add3A_285 : vector<8x1xi32> to vector<8x1xi32>
          %broadcast_in_dim3A_357 = vector.broadcast %broadcast_in_dim3A_356 : vector<8x1xi32> to vector<8x128xi32>
          %select_n3A_358 = arith.select %and3A_355, %broadcast_in_dim3A_357, %while3A_343 : vector<8x128xi1>, vector<8x128xi32>
          %broadcast_in_dim3A_359 = vector.shape_cast %broadcast_in_dim3A_346 : vector<8x1xi32> to vector<8x1xi32>
          %broadcast_in_dim3A_360 = vector.broadcast %broadcast_in_dim3A_359 : vector<8x1xi32> to vector<8x128xi32>
          %select_n3A_361 = arith.select %and3A_355, %broadcast_in_dim3A_360, %while3A_344 : vector<8x128xi1>, vector<8x128xi32>
          %eq3A_362 = vector.broadcast %broadcast_in_dim3A_346 : vector<8x1xi32> to vector<8x4096xi32>
          %eq3A_363 = arith.cmpi eq, %while3A_342, %eq3A_362 : vector<8x4096xi32>
          %jit3A_364 = arith.constant 1073741824 : i32
          %broadcast_in_dim3A_365 = vector.broadcast %jit3A_364 : i32 to vector<8x4096xi32>
          %select_n3A_366 = arith.select %eq3A_363, %broadcast_in_dim3A_365, %while3A_342 : vector<8x4096xi1>, vector<8x4096xi32>
          scf.yield %select_n3A_366, %select_n3A_358, %select_n3A_361 : vector<8x4096xi32>, vector<8x128xi32>, vector<8x128xi32>
        }
        %reduce_sum3A_298 = arith.constant dense<0> : vector<128xi32>
        %reduce_sum3A_299 = vector.multi_reduction <add>, %while3A_297#1, %reduce_sum3A_298 [0] : vector<8x128xi32> to vector<128xi32>
        %broadcast_in_dim3A_300 = vector.shape_cast %reduce_sum3A_299 : vector<128xi32> to vector<1x128xi32>
        %reduce_sum3A_301 = arith.constant dense<0> : vector<128xi32>
        %reduce_sum3A_302 = vector.multi_reduction <add>, %while3A_297#2, %reduce_sum3A_301 [0] : vector<8x128xi32> to vector<128xi32>
        %broadcast_in_dim3A_303 = vector.shape_cast %reduce_sum3A_302 : vector<128xi32> to vector<1x128xi32>
        %get3A_304 = arith.constant 0 : index
        %get3A_305 = memref.load %arg4[%get3A_304] : memref<1xi32, #tpu.memory_space<smem>>
        %and3A_306 = arith.constant 127 : i32
        %and3A_307 = arith.andi %get3A_305, %and3A_306 : i32
        %sub3A_308 = arith.subi %get3A_305, %and3A_307 : i32
        %multiple_of3A = tpu.assume_multiple %sub3A_308, 128 : i32
        %roll3A_309 = tpu.dynamic_rotate %broadcast_in_dim3A_300 by %and3A_307 dim 1 : vector<1x128xi32>, i32 -> vector<1x128xi32>
        %roll3A_310 = tpu.dynamic_rotate %broadcast_in_dim3A_303 by %and3A_307 dim 1 : vector<1x128xi32>, i32 -> vector<1x128xi32>
        %ge3A_311 = vector.broadcast %and3A_307 : i32 to vector<1x128xi32>
        %ge3A_312 = arith.cmpi sge, %iota3A, %ge3A_311 : vector<1x128xi32>
        %add3A_313 = arith.addi %and3A_307, %reduce_sum3A_217 : i32
        %lt3A = vector.broadcast %add3A_313 : i32 to vector<1x128xi32>
        %lt3A_314 = arith.cmpi slt, %iota3A, %lt3A : vector<1x128xi32>
        %and3A_315 = arith.andi %ge3A_312, %lt3A_314 : vector<1x128xi1>
        %get3A_316 = arith.constant 0 : index
        %get3A_317 = arith.constant 0 : index
        %get3A_318 = vector.load %arg5[%get3A_316, %get3A_317] : memref<1x128xi32, #tpu.memory_space<vmem>>, vector<1x128xi32>
        %select_n3A_319 = arith.select %and3A_315, %roll3A_309, %get3A_318 : vector<1x128xi1>, vector<1x128xi32>
        %get3A_320 = arith.constant 0 : index
        %get3A_321 = arith.constant 0 : index
        %get3A_322 = vector.load %arg6[%get3A_320, %get3A_321] : memref<1x128xi32, #tpu.memory_space<vmem>>, vector<1x128xi32>
        %select_n3A_323 = arith.select %and3A_315, %roll3A_310, %get3A_322 : vector<1x128xi1>, vector<1x128xi32>
        %add3A_324 = arith.addi %and3A_307, %reduce_sum3A_217 : i32
        %sub3A_325 = arith.constant 128 : i32
        %sub3A_326 = arith.subi %add3A_324, %sub3A_325 : i32
        %lt3A_327 = vector.broadcast %sub3A_326 : i32 to vector<1x128xi32>
        %lt3A_328 = arith.cmpi slt, %iota3A, %lt3A_327 : vector<1x128xi32>
        %add3A_329 = arith.addi %and3A_307, %reduce_sum3A_217 : i32
        %ge3A_330 = arith.constant 128 : i32
        %ge3A_331 = arith.cmpi sge, %add3A_329, %ge3A_330 : i32
        %convert_element_type3A_332 = arith.extui %ge3A_331 : i1 to i32
        %cond3A_333 = arith.constant 0 : i32
        %cond3A_334 = arith.cmpi ne, %convert_element_type3A_332, %cond3A_333 : i32
        scf.if %cond3A_334 {
          %swap3A_341 = arith.constant 0 : index
          %swap3A_342 = arith.index_cast %multiple_of3A : i32 to index
          %swap3A_343 = vector.load %arg2[%swap3A_341, %swap3A_342] : memref<1x4224xi32, #tpu.memory_space<vmem>>, vector<1x128xi32>
          tpu.vector_store %arg2[%swap3A_341, %swap3A_342], %select_n3A_319 {strides = array<i32>} : memref<1x4224xi32, #tpu.memory_space<vmem>>, vector<1x128xi32>,
          %swap3A_344 = arith.constant 0 : index
          %swap3A_345 = arith.index_cast %multiple_of3A : i32 to index
          %swap3A_346 = vector.load %arg3[%swap3A_344, %swap3A_345] : memref<1x4224xi32, #tpu.memory_space<vmem>>, vector<1x128xi32>
          tpu.vector_store %arg3[%swap3A_344, %swap3A_345], %select_n3A_323 {strides = array<i32>} : memref<1x4224xi32, #tpu.memory_space<vmem>>, vector<1x128xi32>,
          %jit3A_347 = arith.constant 0 : i32
          %broadcast_in_dim3A_348 = vector.broadcast %jit3A_347 : i32 to vector<1x128xi32>
          %select_n3A_349 = arith.select %lt3A_328, %roll3A_309, %broadcast_in_dim3A_348 : vector<1x128xi1>, vector<1x128xi32>
          %swap3A_350 = arith.constant 0 : index
          %swap3A_351 = arith.constant 0 : index
          %swap3A_352 = vector.load %arg5[%swap3A_350, %swap3A_351] : memref<1x128xi32, #tpu.memory_space<vmem>>, vector<1x128xi32>
          tpu.vector_store %arg5[%swap3A_350, %swap3A_351], %select_n3A_349 {strides = array<i32>} : memref<1x128xi32, #tpu.memory_space<vmem>>, vector<1x128xi32>,
          %jit3A_353 = arith.constant 0 : i32
          %broadcast_in_dim3A_354 = vector.broadcast %jit3A_353 : i32 to vector<1x128xi32>
          %select_n3A_355 = arith.select %lt3A_328, %roll3A_310, %broadcast_in_dim3A_354 : vector<1x128xi1>, vector<1x128xi32>
          %swap3A_356 = arith.constant 0 : index
          %swap3A_357 = arith.constant 0 : index
          %swap3A_358 = vector.load %arg6[%swap3A_356, %swap3A_357] : memref<1x128xi32, #tpu.memory_space<vmem>>, vector<1x128xi32>
          tpu.vector_store %arg6[%swap3A_356, %swap3A_357], %select_n3A_355 {strides = array<i32>} : memref<1x128xi32, #tpu.memory_space<vmem>>, vector<1x128xi32>,
        } else {
        }
        %not3A = arith.constant true
        %not3A_335 = arith.xori %ge3A_331, %not3A : i1
        %convert_element_type3A_336 = arith.extui %not3A_335 : i1 to i32
        %cond3A_337 = arith.constant 0 : i32
        %cond3A_338 = arith.cmpi ne, %convert_element_type3A_336, %cond3A_337 : i32
        scf.if %cond3A_338 {
          %swap3A_341 = arith.constant 0 : index
          %swap3A_342 = arith.constant 0 : index
          %swap3A_343 = vector.load %arg5[%swap3A_341, %swap3A_342] : memref<1x128xi32, #tpu.memory_space<vmem>>, vector<1x128xi32>
          tpu.vector_store %arg5[%swap3A_341, %swap3A_342], %select_n3A_319 {strides = array<i32>} : memref<1x128xi32, #tpu.memory_space<vmem>>, vector<1x128xi32>,
          %swap3A_344 = arith.constant 0 : index
          %swap3A_345 = arith.constant 0 : index
          %swap3A_346 = vector.load %arg6[%swap3A_344, %swap3A_345] : memref<1x128xi32, #tpu.memory_space<vmem>>, vector<1x128xi32>
          tpu.vector_store %arg6[%swap3A_344, %swap3A_345], %select_n3A_323 {strides = array<i32>} : memref<1x128xi32, #tpu.memory_space<vmem>>, vector<1x128xi32>,
        } else {
        }
        %add3A_339 = arith.addi %get3A_305, %reduce_sum3A_217 : i32
        %swap3A = arith.constant 0 : index
        %swap3A_340 = memref.load %arg4[%swap3A] : memref<1xi32, #tpu.memory_space<smem>>
        memref.store %add3A_339, %arg4[%swap3A] : memref<1xi32, #tpu.memory_space<smem>>
      } else {
      }
      %add3A_223 = arith.constant 112 : i32
      %add3A_224 = arith.addi %mul3A_4, %add3A_223 : i32
      %slice3A_225 = vector.extract_strided_slice %and3A {offsets = [112, 0], sizes = [8, 4096], strides = [1, 1]} : vector<128x4096xi1> to vector<8x4096xi1>
      %convert_element_type3A_226 = arith.extui %slice3A_225 : vector<8x4096xi1> to vector<8x4096xi32>
      %reduce_sum3A_227 = vector.shape_cast %convert_element_type3A_226 : vector<8x4096xi32> to vector<1x8x4096xi32>
      %reduce_sum3A_228 = arith.constant dense<0> : vector<1xi32>
      %reduce_sum3A_229 = vector.multi_reduction <add>, %reduce_sum3A_227, %reduce_sum3A_228 [1, 2] : vector<1x8x4096xi32> to vector<1xi32>
      %reduce_sum3A_230 = vector.shape_cast %reduce_sum3A_229 : vector<1xi32> to vector<1x1x1xi32>
      %reduce_sum3A_231 = vector.extract %reduce_sum3A_230[0, 0, 0] : i32 from vector<1x1x1xi32>
      %gt3A_232 = arith.constant 0 : i32
      %gt3A_233 = arith.cmpi sgt, %reduce_sum3A_231, %gt3A_232 : i32
      %convert_element_type3A_234 = arith.extui %gt3A_233 : i1 to i32
      %cond3A_235 = arith.constant 0 : i32
      %cond3A_236 = arith.cmpi ne, %convert_element_type3A_234, %cond3A_235 : i32
      scf.if %cond3A_236 {
        %jit3A = arith.constant 1073741824 : i32
        %broadcast_in_dim3A = vector.broadcast %jit3A : i32 to vector<8x4096xi32>
        %select_n3A = arith.select %slice3A_225, %iota3A_15, %broadcast_in_dim3A : vector<8x4096xi1>, vector<8x4096xi32>
        %convert_element_type3A_251 = arith.extui %slice3A_225 : vector<8x4096xi1> to vector<8x4096xi32>
        %reduce_sum3A_252 = arith.constant dense<0> : vector<8xi32>
        %reduce_sum3A_253 = vector.multi_reduction <add>, %convert_element_type3A_251, %reduce_sum3A_252 [1] : vector<8x4096xi32> to vector<8xi32>
        %broadcast_in_dim3A_254 = vector.shape_cast %reduce_sum3A_253 : vector<8xi32> to vector<8x1xi32>
        %ge3A = arith.constant 1 : i32
        %ge3A_255 = vector.broadcast %ge3A : i32 to vector<8x1xi32>
        %ge3A_256 = arith.cmpi sge, %iota3A_17, %ge3A_255 : vector<8x1xi32>
        %roll3A = arith.constant 1 : i32
        %roll3A_257 = tpu.dynamic_rotate %broadcast_in_dim3A_254 by %roll3A dim 0 : vector<8x1xi32>, i32 -> vector<8x1xi32>
        %jit3A_258 = arith.constant 0 : i32
        %broadcast_in_dim3A_259 = vector.broadcast %jit3A_258 : i32 to vector<8x1xi32>
        %select_n3A_260 = arith.select %ge3A_256, %roll3A_257, %broadcast_in_dim3A_259 : vector<8x1xi1>, vector<8x1xi32>
        %add3A_261 = arith.addi %broadcast_in_dim3A_254, %select_n3A_260 : vector<8x1xi32>
        %ge3A_262 = arith.constant 2 : i32
        %ge3A_263 = vector.broadcast %ge3A_262 : i32 to vector<8x1xi32>
        %ge3A_264 = arith.cmpi sge, %iota3A_17, %ge3A_263 : vector<8x1xi32>
        %roll3A_265 = arith.constant 2 : i32
        %roll3A_266 = tpu.dynamic_rotate %add3A_261 by %roll3A_265 dim 0 : vector<8x1xi32>, i32 -> vector<8x1xi32>
        %jit3A_267 = arith.constant 0 : i32
        %broadcast_in_dim3A_268 = vector.broadcast %jit3A_267 : i32 to vector<8x1xi32>
        %select_n3A_269 = arith.select %ge3A_264, %roll3A_266, %broadcast_in_dim3A_268 : vector<8x1xi1>, vector<8x1xi32>
        %add3A_270 = arith.addi %add3A_261, %select_n3A_269 : vector<8x1xi32>
        %ge3A_271 = arith.constant 4 : i32
        %ge3A_272 = vector.broadcast %ge3A_271 : i32 to vector<8x1xi32>
        %ge3A_273 = arith.cmpi sge, %iota3A_17, %ge3A_272 : vector<8x1xi32>
        %roll3A_274 = arith.constant 4 : i32
        %roll3A_275 = tpu.dynamic_rotate %add3A_270 by %roll3A_274 dim 0 : vector<8x1xi32>, i32 -> vector<8x1xi32>
        %jit3A_276 = arith.constant 0 : i32
        %broadcast_in_dim3A_277 = vector.broadcast %jit3A_276 : i32 to vector<8x1xi32>
        %select_n3A_278 = arith.select %ge3A_273, %roll3A_275, %broadcast_in_dim3A_277 : vector<8x1xi1>, vector<8x1xi32>
        %add3A_279 = arith.addi %add3A_270, %select_n3A_278 : vector<8x1xi32>
        %sub3A = arith.subi %add3A_279, %broadcast_in_dim3A_254 : vector<8x1xi32>
        %reduce_max3A = vector.shape_cast %broadcast_in_dim3A_254 : vector<8x1xi32> to vector<1x8x1xi32>
        %reduce_max3A_280 = arith.constant dense<-2147483648> : vector<1xi32>
        %reduce_max3A_281 = vector.multi_reduction <maxsi>, %reduce_max3A, %reduce_max3A_280 [1, 2] : vector<1x8x1xi32> to vector<1xi32>
        %reduce_max3A_282 = vector.shape_cast %reduce_max3A_281 : vector<1xi32> to vector<1x1x1xi32>
        %reduce_max3A_283 = vector.extract %reduce_max3A_282[0, 0, 0] : i32 from vector<1x1x1xi32>
        %add3A_284 = vector.broadcast %add3A_224 : i32 to vector<8x1xi32>
        %add3A_285 = arith.addi %iota3A_17, %add3A_284 : vector<8x1xi32>
        %broadcast_in_dim3A_286 = arith.constant 0 : i32
        %broadcast_in_dim3A_287 = vector.broadcast %broadcast_in_dim3A_286 : i32 to vector<8x128xi32>
        %while3A = arith.constant 0 : i32
        %while3A_288 = arith.subi %reduce_max3A_283, %while3A : i32
        %while3A_289 = arith.addi %while3A, %while3A_288 : i32
        %while3A_290 = arith.constant 1 : i32
        %while3A_291 = arith.divsi %while3A_288, %while3A_290 : i32
        %while3A_292 = arith.muli %while3A_291, %while3A_290 : i32
        %while3A_293 = arith.addi %while3A, %while3A_292 : i32
        %while3A_294 = arith.constant 1 : i32
        %while3A_295:3 = scf.for %while3A_341 = %while3A to %while3A_293 step %while3A_294 iter_args(%while3A_342 = %select_n3A, %while3A_343 = %broadcast_in_dim3A_287, %while3A_344 = %broadcast_in_dim3A_287) -> (vector<8x4096xi32>, vector<8x128xi32>, vector<8x128xi32>)  : i32 {
          %reduce_min3A = arith.constant dense<2147483647> : vector<8xi32>
          %reduce_min3A_345 = vector.multi_reduction <minsi>, %while3A_342, %reduce_min3A [1] : vector<8x4096xi32> to vector<8xi32>
          %broadcast_in_dim3A_346 = vector.shape_cast %reduce_min3A_345 : vector<8xi32> to vector<8x1xi32>
          %lt3A_347 = arith.constant 1073741824 : i32
          %lt3A_348 = vector.broadcast %lt3A_347 : i32 to vector<8x1xi32>
          %lt3A_349 = arith.cmpi slt, %broadcast_in_dim3A_346, %lt3A_348 : vector<8x1xi32>
          %add3A_350 = vector.broadcast %while3A_341 : i32 to vector<8x1xi32>
          %add3A_351 = arith.addi %sub3A, %add3A_350 : vector<8x1xi32>
          %eq3A_352 = vector.broadcast %add3A_351 : vector<8x1xi32> to vector<8x128xi32>
          %eq3A_353 = arith.cmpi eq, %iota3A_16, %eq3A_352 : vector<8x128xi32>
          %and3A_354 = vector.broadcast %lt3A_349 : vector<8x1xi1> to vector<8x128xi1>
          %and3A_355 = arith.andi %eq3A_353, %and3A_354 : vector<8x128xi1>
          %broadcast_in_dim3A_356 = vector.shape_cast %add3A_285 : vector<8x1xi32> to vector<8x1xi32>
          %broadcast_in_dim3A_357 = vector.broadcast %broadcast_in_dim3A_356 : vector<8x1xi32> to vector<8x128xi32>
          %select_n3A_358 = arith.select %and3A_355, %broadcast_in_dim3A_357, %while3A_343 : vector<8x128xi1>, vector<8x128xi32>
          %broadcast_in_dim3A_359 = vector.shape_cast %broadcast_in_dim3A_346 : vector<8x1xi32> to vector<8x1xi32>
          %broadcast_in_dim3A_360 = vector.broadcast %broadcast_in_dim3A_359 : vector<8x1xi32> to vector<8x128xi32>
          %select_n3A_361 = arith.select %and3A_355, %broadcast_in_dim3A_360, %while3A_344 : vector<8x128xi1>, vector<8x128xi32>
          %eq3A_362 = vector.broadcast %broadcast_in_dim3A_346 : vector<8x1xi32> to vector<8x4096xi32>
          %eq3A_363 = arith.cmpi eq, %while3A_342, %eq3A_362 : vector<8x4096xi32>
          %jit3A_364 = arith.constant 1073741824 : i32
          %broadcast_in_dim3A_365 = vector.broadcast %jit3A_364 : i32 to vector<8x4096xi32>
          %select_n3A_366 = arith.select %eq3A_363, %broadcast_in_dim3A_365, %while3A_342 : vector<8x4096xi1>, vector<8x4096xi32>
          scf.yield %select_n3A_366, %select_n3A_358, %select_n3A_361 : vector<8x4096xi32>, vector<8x128xi32>, vector<8x128xi32>
        }
        %while3A_296 = arith.constant 1 : i32
        %while3A_297:3 = scf.for %while3A_341 = %while3A_293 to %while3A_289 step %while3A_296 iter_args(%while3A_342 = %while3A_295#0, %while3A_343 = %while3A_295#1, %while3A_344 = %while3A_295#2) -> (vector<8x4096xi32>, vector<8x128xi32>, vector<8x128xi32>)  : i32 {
          %reduce_min3A = arith.constant dense<2147483647> : vector<8xi32>
          %reduce_min3A_345 = vector.multi_reduction <minsi>, %while3A_342, %reduce_min3A [1] : vector<8x4096xi32> to vector<8xi32>
          %broadcast_in_dim3A_346 = vector.shape_cast %reduce_min3A_345 : vector<8xi32> to vector<8x1xi32>
          %lt3A_347 = arith.constant 1073741824 : i32
          %lt3A_348 = vector.broadcast %lt3A_347 : i32 to vector<8x1xi32>
          %lt3A_349 = arith.cmpi slt, %broadcast_in_dim3A_346, %lt3A_348 : vector<8x1xi32>
          %add3A_350 = vector.broadcast %while3A_341 : i32 to vector<8x1xi32>
          %add3A_351 = arith.addi %sub3A, %add3A_350 : vector<8x1xi32>
          %eq3A_352 = vector.broadcast %add3A_351 : vector<8x1xi32> to vector<8x128xi32>
          %eq3A_353 = arith.cmpi eq, %iota3A_16, %eq3A_352 : vector<8x128xi32>
          %and3A_354 = vector.broadcast %lt3A_349 : vector<8x1xi1> to vector<8x128xi1>
          %and3A_355 = arith.andi %eq3A_353, %and3A_354 : vector<8x128xi1>
          %broadcast_in_dim3A_356 = vector.shape_cast %add3A_285 : vector<8x1xi32> to vector<8x1xi32>
          %broadcast_in_dim3A_357 = vector.broadcast %broadcast_in_dim3A_356 : vector<8x1xi32> to vector<8x128xi32>
          %select_n3A_358 = arith.select %and3A_355, %broadcast_in_dim3A_357, %while3A_343 : vector<8x128xi1>, vector<8x128xi32>
          %broadcast_in_dim3A_359 = vector.shape_cast %broadcast_in_dim3A_346 : vector<8x1xi32> to vector<8x1xi32>
          %broadcast_in_dim3A_360 = vector.broadcast %broadcast_in_dim3A_359 : vector<8x1xi32> to vector<8x128xi32>
          %select_n3A_361 = arith.select %and3A_355, %broadcast_in_dim3A_360, %while3A_344 : vector<8x128xi1>, vector<8x128xi32>
          %eq3A_362 = vector.broadcast %broadcast_in_dim3A_346 : vector<8x1xi32> to vector<8x4096xi32>
          %eq3A_363 = arith.cmpi eq, %while3A_342, %eq3A_362 : vector<8x4096xi32>
          %jit3A_364 = arith.constant 1073741824 : i32
          %broadcast_in_dim3A_365 = vector.broadcast %jit3A_364 : i32 to vector<8x4096xi32>
          %select_n3A_366 = arith.select %eq3A_363, %broadcast_in_dim3A_365, %while3A_342 : vector<8x4096xi1>, vector<8x4096xi32>
          scf.yield %select_n3A_366, %select_n3A_358, %select_n3A_361 : vector<8x4096xi32>, vector<8x128xi32>, vector<8x128xi32>
        }
        %reduce_sum3A_298 = arith.constant dense<0> : vector<128xi32>
        %reduce_sum3A_299 = vector.multi_reduction <add>, %while3A_297#1, %reduce_sum3A_298 [0] : vector<8x128xi32> to vector<128xi32>
        %broadcast_in_dim3A_300 = vector.shape_cast %reduce_sum3A_299 : vector<128xi32> to vector<1x128xi32>
        %reduce_sum3A_301 = arith.constant dense<0> : vector<128xi32>
        %reduce_sum3A_302 = vector.multi_reduction <add>, %while3A_297#2, %reduce_sum3A_301 [0] : vector<8x128xi32> to vector<128xi32>
        %broadcast_in_dim3A_303 = vector.shape_cast %reduce_sum3A_302 : vector<128xi32> to vector<1x128xi32>
        %get3A_304 = arith.constant 0 : index
        %get3A_305 = memref.load %arg4[%get3A_304] : memref<1xi32, #tpu.memory_space<smem>>
        %and3A_306 = arith.constant 127 : i32
        %and3A_307 = arith.andi %get3A_305, %and3A_306 : i32
        %sub3A_308 = arith.subi %get3A_305, %and3A_307 : i32
        %multiple_of3A = tpu.assume_multiple %sub3A_308, 128 : i32
        %roll3A_309 = tpu.dynamic_rotate %broadcast_in_dim3A_300 by %and3A_307 dim 1 : vector<1x128xi32>, i32 -> vector<1x128xi32>
        %roll3A_310 = tpu.dynamic_rotate %broadcast_in_dim3A_303 by %and3A_307 dim 1 : vector<1x128xi32>, i32 -> vector<1x128xi32>
        %ge3A_311 = vector.broadcast %and3A_307 : i32 to vector<1x128xi32>
        %ge3A_312 = arith.cmpi sge, %iota3A, %ge3A_311 : vector<1x128xi32>
        %add3A_313 = arith.addi %and3A_307, %reduce_sum3A_231 : i32
        %lt3A = vector.broadcast %add3A_313 : i32 to vector<1x128xi32>
        %lt3A_314 = arith.cmpi slt, %iota3A, %lt3A : vector<1x128xi32>
        %and3A_315 = arith.andi %ge3A_312, %lt3A_314 : vector<1x128xi1>
        %get3A_316 = arith.constant 0 : index
        %get3A_317 = arith.constant 0 : index
        %get3A_318 = vector.load %arg5[%get3A_316, %get3A_317] : memref<1x128xi32, #tpu.memory_space<vmem>>, vector<1x128xi32>
        %select_n3A_319 = arith.select %and3A_315, %roll3A_309, %get3A_318 : vector<1x128xi1>, vector<1x128xi32>
        %get3A_320 = arith.constant 0 : index
        %get3A_321 = arith.constant 0 : index
        %get3A_322 = vector.load %arg6[%get3A_320, %get3A_321] : memref<1x128xi32, #tpu.memory_space<vmem>>, vector<1x128xi32>
        %select_n3A_323 = arith.select %and3A_315, %roll3A_310, %get3A_322 : vector<1x128xi1>, vector<1x128xi32>
        %add3A_324 = arith.addi %and3A_307, %reduce_sum3A_231 : i32
        %sub3A_325 = arith.constant 128 : i32
        %sub3A_326 = arith.subi %add3A_324, %sub3A_325 : i32
        %lt3A_327 = vector.broadcast %sub3A_326 : i32 to vector<1x128xi32>
        %lt3A_328 = arith.cmpi slt, %iota3A, %lt3A_327 : vector<1x128xi32>
        %add3A_329 = arith.addi %and3A_307, %reduce_sum3A_231 : i32
        %ge3A_330 = arith.constant 128 : i32
        %ge3A_331 = arith.cmpi sge, %add3A_329, %ge3A_330 : i32
        %convert_element_type3A_332 = arith.extui %ge3A_331 : i1 to i32
        %cond3A_333 = arith.constant 0 : i32
        %cond3A_334 = arith.cmpi ne, %convert_element_type3A_332, %cond3A_333 : i32
        scf.if %cond3A_334 {
          %swap3A_341 = arith.constant 0 : index
          %swap3A_342 = arith.index_cast %multiple_of3A : i32 to index
          %swap3A_343 = vector.load %arg2[%swap3A_341, %swap3A_342] : memref<1x4224xi32, #tpu.memory_space<vmem>>, vector<1x128xi32>
          tpu.vector_store %arg2[%swap3A_341, %swap3A_342], %select_n3A_319 {strides = array<i32>} : memref<1x4224xi32, #tpu.memory_space<vmem>>, vector<1x128xi32>,
          %swap3A_344 = arith.constant 0 : index
          %swap3A_345 = arith.index_cast %multiple_of3A : i32 to index
          %swap3A_346 = vector.load %arg3[%swap3A_344, %swap3A_345] : memref<1x4224xi32, #tpu.memory_space<vmem>>, vector<1x128xi32>
          tpu.vector_store %arg3[%swap3A_344, %swap3A_345], %select_n3A_323 {strides = array<i32>} : memref<1x4224xi32, #tpu.memory_space<vmem>>, vector<1x128xi32>,
          %jit3A_347 = arith.constant 0 : i32
          %broadcast_in_dim3A_348 = vector.broadcast %jit3A_347 : i32 to vector<1x128xi32>
          %select_n3A_349 = arith.select %lt3A_328, %roll3A_309, %broadcast_in_dim3A_348 : vector<1x128xi1>, vector<1x128xi32>
          %swap3A_350 = arith.constant 0 : index
          %swap3A_351 = arith.constant 0 : index
          %swap3A_352 = vector.load %arg5[%swap3A_350, %swap3A_351] : memref<1x128xi32, #tpu.memory_space<vmem>>, vector<1x128xi32>
          tpu.vector_store %arg5[%swap3A_350, %swap3A_351], %select_n3A_349 {strides = array<i32>} : memref<1x128xi32, #tpu.memory_space<vmem>>, vector<1x128xi32>,
          %jit3A_353 = arith.constant 0 : i32
          %broadcast_in_dim3A_354 = vector.broadcast %jit3A_353 : i32 to vector<1x128xi32>
          %select_n3A_355 = arith.select %lt3A_328, %roll3A_310, %broadcast_in_dim3A_354 : vector<1x128xi1>, vector<1x128xi32>
          %swap3A_356 = arith.constant 0 : index
          %swap3A_357 = arith.constant 0 : index
          %swap3A_358 = vector.load %arg6[%swap3A_356, %swap3A_357] : memref<1x128xi32, #tpu.memory_space<vmem>>, vector<1x128xi32>
          tpu.vector_store %arg6[%swap3A_356, %swap3A_357], %select_n3A_355 {strides = array<i32>} : memref<1x128xi32, #tpu.memory_space<vmem>>, vector<1x128xi32>,
        } else {
        }
        %not3A = arith.constant true
        %not3A_335 = arith.xori %ge3A_331, %not3A : i1
        %convert_element_type3A_336 = arith.extui %not3A_335 : i1 to i32
        %cond3A_337 = arith.constant 0 : i32
        %cond3A_338 = arith.cmpi ne, %convert_element_type3A_336, %cond3A_337 : i32
        scf.if %cond3A_338 {
          %swap3A_341 = arith.constant 0 : index
          %swap3A_342 = arith.constant 0 : index
          %swap3A_343 = vector.load %arg5[%swap3A_341, %swap3A_342] : memref<1x128xi32, #tpu.memory_space<vmem>>, vector<1x128xi32>
          tpu.vector_store %arg5[%swap3A_341, %swap3A_342], %select_n3A_319 {strides = array<i32>} : memref<1x128xi32, #tpu.memory_space<vmem>>, vector<1x128xi32>,
          %swap3A_344 = arith.constant 0 : index
          %swap3A_345 = arith.constant 0 : index
          %swap3A_346 = vector.load %arg6[%swap3A_344, %swap3A_345] : memref<1x128xi32, #tpu.memory_space<vmem>>, vector<1x128xi32>
          tpu.vector_store %arg6[%swap3A_344, %swap3A_345], %select_n3A_323 {strides = array<i32>} : memref<1x128xi32, #tpu.memory_space<vmem>>, vector<1x128xi32>,
        } else {
        }
        %add3A_339 = arith.addi %get3A_305, %reduce_sum3A_231 : i32
        %swap3A = arith.constant 0 : index
        %swap3A_340 = memref.load %arg4[%swap3A] : memref<1xi32, #tpu.memory_space<smem>>
        memref.store %add3A_339, %arg4[%swap3A] : memref<1xi32, #tpu.memory_space<smem>>
      } else {
      }
      %add3A_237 = arith.constant 120 : i32
      %add3A_238 = arith.addi %mul3A_4, %add3A_237 : i32
      %slice3A_239 = vector.extract_strided_slice %and3A {offsets = [120, 0], sizes = [8, 4096], strides = [1, 1]} : vector<128x4096xi1> to vector<8x4096xi1>
      %convert_element_type3A_240 = arith.extui %slice3A_239 : vector<8x4096xi1> to vector<8x4096xi32>
      %reduce_sum3A_241 = vector.shape_cast %convert_element_type3A_240 : vector<8x4096xi32> to vector<1x8x4096xi32>
      %reduce_sum3A_242 = arith.constant dense<0> : vector<1xi32>
      %reduce_sum3A_243 = vector.multi_reduction <add>, %reduce_sum3A_241, %reduce_sum3A_242 [1, 2] : vector<1x8x4096xi32> to vector<1xi32>
      %reduce_sum3A_244 = vector.shape_cast %reduce_sum3A_243 : vector<1xi32> to vector<1x1x1xi32>
      %reduce_sum3A_245 = vector.extract %reduce_sum3A_244[0, 0, 0] : i32 from vector<1x1x1xi32>
      %gt3A_246 = arith.constant 0 : i32
      %gt3A_247 = arith.cmpi sgt, %reduce_sum3A_245, %gt3A_246 : i32
      %convert_element_type3A_248 = arith.extui %gt3A_247 : i1 to i32
      %cond3A_249 = arith.constant 0 : i32
      %cond3A_250 = arith.cmpi ne, %convert_element_type3A_248, %cond3A_249 : i32
      scf.if %cond3A_250 {
        %jit3A = arith.constant 1073741824 : i32
        %broadcast_in_dim3A = vector.broadcast %jit3A : i32 to vector<8x4096xi32>
        %select_n3A = arith.select %slice3A_239, %iota3A_15, %broadcast_in_dim3A : vector<8x4096xi1>, vector<8x4096xi32>
        %convert_element_type3A_251 = arith.extui %slice3A_239 : vector<8x4096xi1> to vector<8x4096xi32>
        %reduce_sum3A_252 = arith.constant dense<0> : vector<8xi32>
        %reduce_sum3A_253 = vector.multi_reduction <add>, %convert_element_type3A_251, %reduce_sum3A_252 [1] : vector<8x4096xi32> to vector<8xi32>
        %broadcast_in_dim3A_254 = vector.shape_cast %reduce_sum3A_253 : vector<8xi32> to vector<8x1xi32>
        %ge3A = arith.constant 1 : i32
        %ge3A_255 = vector.broadcast %ge3A : i32 to vector<8x1xi32>
        %ge3A_256 = arith.cmpi sge, %iota3A_17, %ge3A_255 : vector<8x1xi32>
        %roll3A = arith.constant 1 : i32
        %roll3A_257 = tpu.dynamic_rotate %broadcast_in_dim3A_254 by %roll3A dim 0 : vector<8x1xi32>, i32 -> vector<8x1xi32>
        %jit3A_258 = arith.constant 0 : i32
        %broadcast_in_dim3A_259 = vector.broadcast %jit3A_258 : i32 to vector<8x1xi32>
        %select_n3A_260 = arith.select %ge3A_256, %roll3A_257, %broadcast_in_dim3A_259 : vector<8x1xi1>, vector<8x1xi32>
        %add3A_261 = arith.addi %broadcast_in_dim3A_254, %select_n3A_260 : vector<8x1xi32>
        %ge3A_262 = arith.constant 2 : i32
        %ge3A_263 = vector.broadcast %ge3A_262 : i32 to vector<8x1xi32>
        %ge3A_264 = arith.cmpi sge, %iota3A_17, %ge3A_263 : vector<8x1xi32>
        %roll3A_265 = arith.constant 2 : i32
        %roll3A_266 = tpu.dynamic_rotate %add3A_261 by %roll3A_265 dim 0 : vector<8x1xi32>, i32 -> vector<8x1xi32>
        %jit3A_267 = arith.constant 0 : i32
        %broadcast_in_dim3A_268 = vector.broadcast %jit3A_267 : i32 to vector<8x1xi32>
        %select_n3A_269 = arith.select %ge3A_264, %roll3A_266, %broadcast_in_dim3A_268 : vector<8x1xi1>, vector<8x1xi32>
        %add3A_270 = arith.addi %add3A_261, %select_n3A_269 : vector<8x1xi32>
        %ge3A_271 = arith.constant 4 : i32
        %ge3A_272 = vector.broadcast %ge3A_271 : i32 to vector<8x1xi32>
        %ge3A_273 = arith.cmpi sge, %iota3A_17, %ge3A_272 : vector<8x1xi32>
        %roll3A_274 = arith.constant 4 : i32
        %roll3A_275 = tpu.dynamic_rotate %add3A_270 by %roll3A_274 dim 0 : vector<8x1xi32>, i32 -> vector<8x1xi32>
        %jit3A_276 = arith.constant 0 : i32
        %broadcast_in_dim3A_277 = vector.broadcast %jit3A_276 : i32 to vector<8x1xi32>
        %select_n3A_278 = arith.select %ge3A_273, %roll3A_275, %broadcast_in_dim3A_277 : vector<8x1xi1>, vector<8x1xi32>
        %add3A_279 = arith.addi %add3A_270, %select_n3A_278 : vector<8x1xi32>
        %sub3A = arith.subi %add3A_279, %broadcast_in_dim3A_254 : vector<8x1xi32>
        %reduce_max3A = vector.shape_cast %broadcast_in_dim3A_254 : vector<8x1xi32> to vector<1x8x1xi32>
        %reduce_max3A_280 = arith.constant dense<-2147483648> : vector<1xi32>
        %reduce_max3A_281 = vector.multi_reduction <maxsi>, %reduce_max3A, %reduce_max3A_280 [1, 2] : vector<1x8x1xi32> to vector<1xi32>
        %reduce_max3A_282 = vector.shape_cast %reduce_max3A_281 : vector<1xi32> to vector<1x1x1xi32>
        %reduce_max3A_283 = vector.extract %reduce_max3A_282[0, 0, 0] : i32 from vector<1x1x1xi32>
        %add3A_284 = vector.broadcast %add3A_238 : i32 to vector<8x1xi32>
        %add3A_285 = arith.addi %iota3A_17, %add3A_284 : vector<8x1xi32>
        %broadcast_in_dim3A_286 = arith.constant 0 : i32
        %broadcast_in_dim3A_287 = vector.broadcast %broadcast_in_dim3A_286 : i32 to vector<8x128xi32>
        %while3A = arith.constant 0 : i32
        %while3A_288 = arith.subi %reduce_max3A_283, %while3A : i32
        %while3A_289 = arith.addi %while3A, %while3A_288 : i32
        %while3A_290 = arith.constant 1 : i32
        %while3A_291 = arith.divsi %while3A_288, %while3A_290 : i32
        %while3A_292 = arith.muli %while3A_291, %while3A_290 : i32
        %while3A_293 = arith.addi %while3A, %while3A_292 : i32
        %while3A_294 = arith.constant 1 : i32
        %while3A_295:3 = scf.for %while3A_341 = %while3A to %while3A_293 step %while3A_294 iter_args(%while3A_342 = %select_n3A, %while3A_343 = %broadcast_in_dim3A_287, %while3A_344 = %broadcast_in_dim3A_287) -> (vector<8x4096xi32>, vector<8x128xi32>, vector<8x128xi32>)  : i32 {
          %reduce_min3A = arith.constant dense<2147483647> : vector<8xi32>
          %reduce_min3A_345 = vector.multi_reduction <minsi>, %while3A_342, %reduce_min3A [1] : vector<8x4096xi32> to vector<8xi32>
          %broadcast_in_dim3A_346 = vector.shape_cast %reduce_min3A_345 : vector<8xi32> to vector<8x1xi32>
          %lt3A_347 = arith.constant 1073741824 : i32
          %lt3A_348 = vector.broadcast %lt3A_347 : i32 to vector<8x1xi32>
          %lt3A_349 = arith.cmpi slt, %broadcast_in_dim3A_346, %lt3A_348 : vector<8x1xi32>
          %add3A_350 = vector.broadcast %while3A_341 : i32 to vector<8x1xi32>
          %add3A_351 = arith.addi %sub3A, %add3A_350 : vector<8x1xi32>
          %eq3A_352 = vector.broadcast %add3A_351 : vector<8x1xi32> to vector<8x128xi32>
          %eq3A_353 = arith.cmpi eq, %iota3A_16, %eq3A_352 : vector<8x128xi32>
          %and3A_354 = vector.broadcast %lt3A_349 : vector<8x1xi1> to vector<8x128xi1>
          %and3A_355 = arith.andi %eq3A_353, %and3A_354 : vector<8x128xi1>
          %broadcast_in_dim3A_356 = vector.shape_cast %add3A_285 : vector<8x1xi32> to vector<8x1xi32>
          %broadcast_in_dim3A_357 = vector.broadcast %broadcast_in_dim3A_356 : vector<8x1xi32> to vector<8x128xi32>
          %select_n3A_358 = arith.select %and3A_355, %broadcast_in_dim3A_357, %while3A_343 : vector<8x128xi1>, vector<8x128xi32>
          %broadcast_in_dim3A_359 = vector.shape_cast %broadcast_in_dim3A_346 : vector<8x1xi32> to vector<8x1xi32>
          %broadcast_in_dim3A_360 = vector.broadcast %broadcast_in_dim3A_359 : vector<8x1xi32> to vector<8x128xi32>
          %select_n3A_361 = arith.select %and3A_355, %broadcast_in_dim3A_360, %while3A_344 : vector<8x128xi1>, vector<8x128xi32>
          %eq3A_362 = vector.broadcast %broadcast_in_dim3A_346 : vector<8x1xi32> to vector<8x4096xi32>
          %eq3A_363 = arith.cmpi eq, %while3A_342, %eq3A_362 : vector<8x4096xi32>
          %jit3A_364 = arith.constant 1073741824 : i32
          %broadcast_in_dim3A_365 = vector.broadcast %jit3A_364 : i32 to vector<8x4096xi32>
          %select_n3A_366 = arith.select %eq3A_363, %broadcast_in_dim3A_365, %while3A_342 : vector<8x4096xi1>, vector<8x4096xi32>
          scf.yield %select_n3A_366, %select_n3A_358, %select_n3A_361 : vector<8x4096xi32>, vector<8x128xi32>, vector<8x128xi32>
        }
        %while3A_296 = arith.constant 1 : i32
        %while3A_297:3 = scf.for %while3A_341 = %while3A_293 to %while3A_289 step %while3A_296 iter_args(%while3A_342 = %while3A_295#0, %while3A_343 = %while3A_295#1, %while3A_344 = %while3A_295#2) -> (vector<8x4096xi32>, vector<8x128xi32>, vector<8x128xi32>)  : i32 {
          %reduce_min3A = arith.constant dense<2147483647> : vector<8xi32>
          %reduce_min3A_345 = vector.multi_reduction <minsi>, %while3A_342, %reduce_min3A [1] : vector<8x4096xi32> to vector<8xi32>
          %broadcast_in_dim3A_346 = vector.shape_cast %reduce_min3A_345 : vector<8xi32> to vector<8x1xi32>
          %lt3A_347 = arith.constant 1073741824 : i32
          %lt3A_348 = vector.broadcast %lt3A_347 : i32 to vector<8x1xi32>
          %lt3A_349 = arith.cmpi slt, %broadcast_in_dim3A_346, %lt3A_348 : vector<8x1xi32>
          %add3A_350 = vector.broadcast %while3A_341 : i32 to vector<8x1xi32>
          %add3A_351 = arith.addi %sub3A, %add3A_350 : vector<8x1xi32>
          %eq3A_352 = vector.broadcast %add3A_351 : vector<8x1xi32> to vector<8x128xi32>
          %eq3A_353 = arith.cmpi eq, %iota3A_16, %eq3A_352 : vector<8x128xi32>
          %and3A_354 = vector.broadcast %lt3A_349 : vector<8x1xi1> to vector<8x128xi1>
          %and3A_355 = arith.andi %eq3A_353, %and3A_354 : vector<8x128xi1>
          %broadcast_in_dim3A_356 = vector.shape_cast %add3A_285 : vector<8x1xi32> to vector<8x1xi32>
          %broadcast_in_dim3A_357 = vector.broadcast %broadcast_in_dim3A_356 : vector<8x1xi32> to vector<8x128xi32>
          %select_n3A_358 = arith.select %and3A_355, %broadcast_in_dim3A_357, %while3A_343 : vector<8x128xi1>, vector<8x128xi32>
          %broadcast_in_dim3A_359 = vector.shape_cast %broadcast_in_dim3A_346 : vector<8x1xi32> to vector<8x1xi32>
          %broadcast_in_dim3A_360 = vector.broadcast %broadcast_in_dim3A_359 : vector<8x1xi32> to vector<8x128xi32>
          %select_n3A_361 = arith.select %and3A_355, %broadcast_in_dim3A_360, %while3A_344 : vector<8x128xi1>, vector<8x128xi32>
          %eq3A_362 = vector.broadcast %broadcast_in_dim3A_346 : vector<8x1xi32> to vector<8x4096xi32>
          %eq3A_363 = arith.cmpi eq, %while3A_342, %eq3A_362 : vector<8x4096xi32>
          %jit3A_364 = arith.constant 1073741824 : i32
          %broadcast_in_dim3A_365 = vector.broadcast %jit3A_364 : i32 to vector<8x4096xi32>
          %select_n3A_366 = arith.select %eq3A_363, %broadcast_in_dim3A_365, %while3A_342 : vector<8x4096xi1>, vector<8x4096xi32>
          scf.yield %select_n3A_366, %select_n3A_358, %select_n3A_361 : vector<8x4096xi32>, vector<8x128xi32>, vector<8x128xi32>
        }
        %reduce_sum3A_298 = arith.constant dense<0> : vector<128xi32>
        %reduce_sum3A_299 = vector.multi_reduction <add>, %while3A_297#1, %reduce_sum3A_298 [0] : vector<8x128xi32> to vector<128xi32>
        %broadcast_in_dim3A_300 = vector.shape_cast %reduce_sum3A_299 : vector<128xi32> to vector<1x128xi32>
        %reduce_sum3A_301 = arith.constant dense<0> : vector<128xi32>
        %reduce_sum3A_302 = vector.multi_reduction <add>, %while3A_297#2, %reduce_sum3A_301 [0] : vector<8x128xi32> to vector<128xi32>
        %broadcast_in_dim3A_303 = vector.shape_cast %reduce_sum3A_302 : vector<128xi32> to vector<1x128xi32>
        %get3A_304 = arith.constant 0 : index
        %get3A_305 = memref.load %arg4[%get3A_304] : memref<1xi32, #tpu.memory_space<smem>>
        %and3A_306 = arith.constant 127 : i32
        %and3A_307 = arith.andi %get3A_305, %and3A_306 : i32
        %sub3A_308 = arith.subi %get3A_305, %and3A_307 : i32
        %multiple_of3A = tpu.assume_multiple %sub3A_308, 128 : i32
        %roll3A_309 = tpu.dynamic_rotate %broadcast_in_dim3A_300 by %and3A_307 dim 1 : vector<1x128xi32>, i32 -> vector<1x128xi32>
        %roll3A_310 = tpu.dynamic_rotate %broadcast_in_dim3A_303 by %and3A_307 dim 1 : vector<1x128xi32>, i32 -> vector<1x128xi32>
        %ge3A_311 = vector.broadcast %and3A_307 : i32 to vector<1x128xi32>
        %ge3A_312 = arith.cmpi sge, %iota3A, %ge3A_311 : vector<1x128xi32>
        %add3A_313 = arith.addi %and3A_307, %reduce_sum3A_245 : i32
        %lt3A = vector.broadcast %add3A_313 : i32 to vector<1x128xi32>
        %lt3A_314 = arith.cmpi slt, %iota3A, %lt3A : vector<1x128xi32>
        %and3A_315 = arith.andi %ge3A_312, %lt3A_314 : vector<1x128xi1>
        %get3A_316 = arith.constant 0 : index
        %get3A_317 = arith.constant 0 : index
        %get3A_318 = vector.load %arg5[%get3A_316, %get3A_317] : memref<1x128xi32, #tpu.memory_space<vmem>>, vector<1x128xi32>
        %select_n3A_319 = arith.select %and3A_315, %roll3A_309, %get3A_318 : vector<1x128xi1>, vector<1x128xi32>
        %get3A_320 = arith.constant 0 : index
        %get3A_321 = arith.constant 0 : index
        %get3A_322 = vector.load %arg6[%get3A_320, %get3A_321] : memref<1x128xi32, #tpu.memory_space<vmem>>, vector<1x128xi32>
        %select_n3A_323 = arith.select %and3A_315, %roll3A_310, %get3A_322 : vector<1x128xi1>, vector<1x128xi32>
        %add3A_324 = arith.addi %and3A_307, %reduce_sum3A_245 : i32
        %sub3A_325 = arith.constant 128 : i32
        %sub3A_326 = arith.subi %add3A_324, %sub3A_325 : i32
        %lt3A_327 = vector.broadcast %sub3A_326 : i32 to vector<1x128xi32>
        %lt3A_328 = arith.cmpi slt, %iota3A, %lt3A_327 : vector<1x128xi32>
        %add3A_329 = arith.addi %and3A_307, %reduce_sum3A_245 : i32
        %ge3A_330 = arith.constant 128 : i32
        %ge3A_331 = arith.cmpi sge, %add3A_329, %ge3A_330 : i32
        %convert_element_type3A_332 = arith.extui %ge3A_331 : i1 to i32
        %cond3A_333 = arith.constant 0 : i32
        %cond3A_334 = arith.cmpi ne, %convert_element_type3A_332, %cond3A_333 : i32
        scf.if %cond3A_334 {
          %swap3A_341 = arith.constant 0 : index
          %swap3A_342 = arith.index_cast %multiple_of3A : i32 to index
          %swap3A_343 = vector.load %arg2[%swap3A_341, %swap3A_342] : memref<1x4224xi32, #tpu.memory_space<vmem>>, vector<1x128xi32>
          tpu.vector_store %arg2[%swap3A_341, %swap3A_342], %select_n3A_319 {strides = array<i32>} : memref<1x4224xi32, #tpu.memory_space<vmem>>, vector<1x128xi32>,
          %swap3A_344 = arith.constant 0 : index
          %swap3A_345 = arith.index_cast %multiple_of3A : i32 to index
          %swap3A_346 = vector.load %arg3[%swap3A_344, %swap3A_345] : memref<1x4224xi32, #tpu.memory_space<vmem>>, vector<1x128xi32>
          tpu.vector_store %arg3[%swap3A_344, %swap3A_345], %select_n3A_323 {strides = array<i32>} : memref<1x4224xi32, #tpu.memory_space<vmem>>, vector<1x128xi32>,
          %jit3A_347 = arith.constant 0 : i32
          %broadcast_in_dim3A_348 = vector.broadcast %jit3A_347 : i32 to vector<1x128xi32>
          %select_n3A_349 = arith.select %lt3A_328, %roll3A_309, %broadcast_in_dim3A_348 : vector<1x128xi1>, vector<1x128xi32>
          %swap3A_350 = arith.constant 0 : index
          %swap3A_351 = arith.constant 0 : index
          %swap3A_352 = vector.load %arg5[%swap3A_350, %swap3A_351] : memref<1x128xi32, #tpu.memory_space<vmem>>, vector<1x128xi32>
          tpu.vector_store %arg5[%swap3A_350, %swap3A_351], %select_n3A_349 {strides = array<i32>} : memref<1x128xi32, #tpu.memory_space<vmem>>, vector<1x128xi32>,
          %jit3A_353 = arith.constant 0 : i32
          %broadcast_in_dim3A_354 = vector.broadcast %jit3A_353 : i32 to vector<1x128xi32>
          %select_n3A_355 = arith.select %lt3A_328, %roll3A_310, %broadcast_in_dim3A_354 : vector<1x128xi1>, vector<1x128xi32>
          %swap3A_356 = arith.constant 0 : index
          %swap3A_357 = arith.constant 0 : index
          %swap3A_358 = vector.load %arg6[%swap3A_356, %swap3A_357] : memref<1x128xi32, #tpu.memory_space<vmem>>, vector<1x128xi32>
          tpu.vector_store %arg6[%swap3A_356, %swap3A_357], %select_n3A_355 {strides = array<i32>} : memref<1x128xi32, #tpu.memory_space<vmem>>, vector<1x128xi32>,
        } else {
        }
        %not3A = arith.constant true
        %not3A_335 = arith.xori %ge3A_331, %not3A : i1
        %convert_element_type3A_336 = arith.extui %not3A_335 : i1 to i32
        %cond3A_337 = arith.constant 0 : i32
        %cond3A_338 = arith.cmpi ne, %convert_element_type3A_336, %cond3A_337 : i32
        scf.if %cond3A_338 {
          %swap3A_341 = arith.constant 0 : index
          %swap3A_342 = arith.constant 0 : index
          %swap3A_343 = vector.load %arg5[%swap3A_341, %swap3A_342] : memref<1x128xi32, #tpu.memory_space<vmem>>, vector<1x128xi32>
          tpu.vector_store %arg5[%swap3A_341, %swap3A_342], %select_n3A_319 {strides = array<i32>} : memref<1x128xi32, #tpu.memory_space<vmem>>, vector<1x128xi32>,
          %swap3A_344 = arith.constant 0 : index
          %swap3A_345 = arith.constant 0 : index
          %swap3A_346 = vector.load %arg6[%swap3A_344, %swap3A_345] : memref<1x128xi32, #tpu.memory_space<vmem>>, vector<1x128xi32>
          tpu.vector_store %arg6[%swap3A_344, %swap3A_345], %select_n3A_323 {strides = array<i32>} : memref<1x128xi32, #tpu.memory_space<vmem>>, vector<1x128xi32>,
        } else {
        }
        %add3A_339 = arith.addi %get3A_305, %reduce_sum3A_245 : i32
        %swap3A = arith.constant 0 : index
        %swap3A_340 = memref.load %arg4[%swap3A] : memref<1xi32, #tpu.memory_space<smem>>
        memref.store %add3A_339, %arg4[%swap3A] : memref<1xi32, #tpu.memory_space<smem>>
      } else {
      }
    } else {
    }
    %eq3A_23 = arith.constant 31 : i32
    %eq3A_24 = arith.cmpi eq, %arg0, %eq3A_23 : i32
    %convert_element_type3A_25 = arith.extui %eq3A_24 : i1 to i32
    %cond3A_26 = arith.constant 0 : i32
    %cond3A_27 = arith.cmpi ne, %convert_element_type3A_25, %cond3A_26 : i32
    scf.if %cond3A_27 {
      %get3A_28 = arith.constant 0 : index
      %get3A_29 = memref.load %arg4[%get3A_28] : memref<1xi32, #tpu.memory_space<smem>>
      %and3A_30 = arith.constant 127 : i32
      %and3A_31 = arith.andi %get3A_29, %and3A_30 : i32
      %sub3A = arith.subi %get3A_29, %and3A_31 : i32
      %multiple_of3A = tpu.assume_multiple %sub3A, 128 : i32
      %gt3A_32 = arith.constant 0 : i32
      %gt3A_33 = arith.cmpi sgt, %and3A_31, %gt3A_32 : i32
      %convert_element_type3A_34 = arith.extui %gt3A_33 : i1 to i32
      %cond3A_35 = arith.constant 0 : i32
      %cond3A_36 = arith.cmpi ne, %convert_element_type3A_34, %cond3A_35 : i32
      scf.if %cond3A_36 {
        %get3A_37 = arith.constant 0 : index
        %get3A_38 = arith.constant 0 : index
        %get3A_39 = vector.load %arg5[%get3A_37, %get3A_38] : memref<1x128xi32, #tpu.memory_space<vmem>>, vector<1x128xi32>
        %swap3A = arith.constant 0 : index
        %swap3A_40 = arith.index_cast %multiple_of3A : i32 to index
        %swap3A_41 = vector.load %arg2[%swap3A, %swap3A_40] : memref<1x4224xi32, #tpu.memory_space<vmem>>, vector<1x128xi32>
        tpu.vector_store %arg2[%swap3A, %swap3A_40], %get3A_39 {strides = array<i32>} : memref<1x4224xi32, #tpu.memory_space<vmem>>, vector<1x128xi32>,
        %get3A_42 = arith.constant 0 : index
        %get3A_43 = arith.constant 0 : index
        %get3A_44 = vector.load %arg6[%get3A_42, %get3A_43] : memref<1x128xi32, #tpu.memory_space<vmem>>, vector<1x128xi32>
        %swap3A_45 = arith.constant 0 : index
        %swap3A_46 = arith.index_cast %multiple_of3A : i32 to index
        %swap3A_47 = vector.load %arg3[%swap3A_45, %swap3A_46] : memref<1x4224xi32, #tpu.memory_space<vmem>>, vector<1x128xi32>
        tpu.vector_store %arg3[%swap3A_45, %swap3A_46], %get3A_44 {strides = array<i32>} : memref<1x4224xi32, #tpu.memory_space<vmem>>, vector<1x128xi32>,
      } else {
      }
    } else {
    }
    return
  }
  func.func @transform_0(%arg0: i32) -> (i32, i32) {
    %c0_i32 = arith.constant 0 : i32
    %c0_i32_0 = arith.constant 0 : i32
    return %arg0, %c0_i32 : i32, i32
  }
  func.func @transform_1(%arg0: i32) -> (i32, i32) {
    %c0_i32 = arith.constant 0 : i32
    %c0_i32_0 = arith.constant 0 : i32
    %c0_i32_1 = arith.constant 0 : i32
    return %c0_i32, %c0_i32_0 : i32, i32
  }
  func.func @transform_2(%arg0: i32) -> (i32, i32) {
    %c0_i32 = arith.constant 0 : i32
    %c0_i32_0 = arith.constant 0 : i32
    %c0_i32_1 = arith.constant 0 : i32
    return %c0_i32, %c0_i32_0 : i32, i32
  }
}

</mosaic_0001>

<sc_bundles>
// kernel: kernel.5.cloned.1.call-start
scs
__scs_entry_jumppad:
0x0: {  	(pc) =	sbr.rel $0x88, $3  }
0x1: {  	(tag) =	ssettag $0x0;
	lr =	simm.s32 $0x1  }
0x2: {  	[smem:$0x3F9E] =	sst lr;
	_ =	strace $0xD0000000  }
0x3: {  	_ = 	snop  }
0x4: {  	_ = 	snop  }
0x5: {  	_ = 	snop  }
0x6: {  	_ = 	snop  }
0x7: {  	_ = 	snop  }
__scs_overlays_trampoline_lowered:
0x8: {  	[smem:$0x3FAD] =	sst s0  }
0x9: {  	[smem:$0x3FAE] =	sst s1  }
0xa: {  	[smem:$0x3FAF] =	sst s2  }
0xb: {  	[smem:$0x3FB0] =	sst s3  }
0xc: {  	[smem:$0x3FB1] =	sst s4  }
0xd: {  	[smem:$0x3FB2] =	sst s5  }
0xe: {  	[smem:$0x3FB3] =	sst s6  }
0xf: {  	[smem:$0x3FB4] =	sst s7  }
0x10: {  	[smem:$0x3FB5] =	sst s8  }
0x11: {  	[smem:$0x3FB6] =	sst s9;
	s0 =	simm.s32 @!p0 $0x0  }
0x12: {  	s1 =	sld [smem:$0x3F9C];
	s0 =	simm.s32 @p0 $0x1  }
0x13: {  	[smem:$0x3FB7] =	sst s0;
	s0 =	simm.s32 @!p1 $0x0  }
0x14: {  	s2 =	sld [smem:$0x3F9B];
	s0 =	simm.s32 @p1 $0x1  }
0x15: {  	[smem:$0x3FB8] =	sst s0;
	s0 =	simm.s32 @!p2 $0x0  }
0x16: {  	s3 =	sld [smem:$0x3FDB];
	s0 =	simm.s32 @p2 $0x1  }
0x17: {  	s4 =	simm.s32 $0x1BF5;
	[smem:$0x3FBA] =	sst s0  }
0x18: {  	s0 =	sld [smem:$0x3F9D];
	_ =	swait.ge [sflag:s4], $0x0  }
0x19: {  	s7 =	sld [smem:$0x3F9E]  }
0x1a: {  	s8 =	sadd.s32 $0xFFFFE003, lr  }
0x1b: {  	s9 =	sadd.s32 $0xFFFFFEF7, lr;
	s5 =	simm.s32 $0xFFFFFFFF;
	p2 =	slt.u32 s8, $0xFFFFF086  }
0x1c: {  	p1 =	slt.u32 s9, $0xF7A;
	s5 =	simm.s32 @!p2 $0x0  }
0x1d: {  	s5 =	simm.s32 @p1 $0x1;
	p0 =	seq.s32 s7, s2  }
0x1e: {  	s7 =	smul.u32 @!p0 $0xF7A, s2;
	p2 =	seq.s32 @!p0 s5, $0x0  }
0x1f: {  	s9 =	smul.u32 $0xF7A, s1;
	s8 =	simm.s32 @!p0 $0x1BF5;
	p2 =	por !p2, p0  }
0x20: {  	[sflag:s8] =	ssyncset.s32 @!p0 $0xFFFFF086;
	s6 =	sadd.s32 @!p0 s3, s7;
	s7 =	simm.s32 @!p0 $0x108  }
0x21: {  	s3 =	sadd.s32 s3, s9;
	s6 =	sadd.s32 @!p0 $0x88, s6;
	s7 =	simm.s32 @p2 $0x1082  }
0x22: {  	[simem:s7], [sflag:s8] =	dma.local @!p0 [hbm:s6], $0xF7A  }
0x23: {  	s9 =	sor.u32 $0xD0000000, s2;
	s6 =	simm.s32 $0x108;
	_ =	swait.ge @!p0 [sflag:s8], $0x0  }
0x24: {  	s3 =	sadd.s32 $0x88, s3;
	s6 =	simm.s32 @!p1 $0x1082;
	[sflag:s4] =	ssyncset.s32 $0xFFFFF086  }
0x25: {  	[simem:s6], [sflag:s4] =	dma.local [hbm:s3], $0xF7A  }
0x26: {  	[smem:$0x3F9E] =	sst s1;
	(tag) =	ssettag s2;
	_ =	strace s9  }
0x27: {  	s1 =	sld [smem:$0x3FAE]  }
0x28: {  	s2 =	sld [smem:$0x3FAF]  }
0x29: {  	s4 =	sld [smem:$0x3FB1]  }
0x2a: {  	p0 =	seq.s32 s5, $0x0;
	s5 =	sld [smem:$0x3FB2]  }
0x2b: {  	s6 =	sld [smem:$0x3FB3]  }
0x2c: {  	s7 =	sld [smem:$0x3FB4]  }
0x2d: {  	s3 =	simm.s32 $0x108;
	s8 =	sld [smem:$0x3FB5]  }
0x2e: {  	s3 =	simm.s32 @!p0 $0x1082;
	s9 =	sld [smem:$0x3FB6]  }
0x2f: {  	lr =	sadd.s32 s0, s3;
	s0 =	sld [smem:$0x3FAD]  }
0x30: {  	s3 =	sld [smem:$0x3FB0]  }
0x31: {  	[smem:$0x3FB9] =	sst s10  }
0x32: {  	s10 =	sld [smem:$0x3FB7];
	_ =	sdelay $0x3  }
0x33: {  	p0 =	seq.s32 s10, $0x1;
	s10 =	sld [smem:$0x3FB9];
	_ =	sdelay $0x3  }
0x34: {  	[smem:$0x3FB9] =	sst s10  }
0x35: {  	s10 =	sld [smem:$0x3FB8];
	_ =	sdelay $0x3  }
0x36: {  	p1 =	seq.s32 s10, $0x1;
	s10 =	sld [smem:$0x3FB9];
	_ =	sdelay $0x3  }
0x37: {  	[smem:$0x3FB9] =	sst s10  }
0x38: {  	s10 =	sld [smem:$0x3FBA]  }
0x39: {  	_ = 	snop;
	(pc) =	sbr.ind lr, $3  }
0x3a: {  	_ = 	snop  }
0x3b: {  	_ = 	snop  }
0x3c: {  	p2 =	seq.s32 s10, $0x1;
	s10 =	sld [smem:$0x3FB9]  }
0x3d: {  	_ =	shalt  }
0x3e: {  	_ =	shalt  }
0x3f: {  	_ =	shalt  }
0x40: {  	_ =	shalt  }
0x41: {  	_ =	shalt  }
0x42: {  	_ =	shalt  }
0x43: {  	_ =	shalt  }
0x44: {  	_ =	shalt  }
0x45: {  	_ =	shalt  }
0x46: {  	_ =	shalt  }
0x47: {  	_ =	shalt  }
0x48: {  	_ =	shalt  }
0x49: {  	_ =	shalt  }
0x4a: {  	_ =	shalt  }
0x4b: {  	_ =	shalt  }
0x4c: {  	_ =	shalt  }
0x4d: {  	_ =	shalt  }
0x4e: {  	_ =	shalt  }
0x4f: {  	_ =	shalt  }
0x50: {  	_ =	shalt  }
0x51: {  	_ =	shalt  }
0x52: {  	_ =	shalt  }
0x53: {  	_ =	shalt  }
0x54: {  	_ =	shalt  }
0x55: {  	_ =	shalt  }
0x56: {  	_ =	shalt  }
0x57: {  	_ =	shalt  }
0x58: {  	_ =	shalt  }
0x59: {  	_ =	shalt  }
0x5a: {  	_ =	shalt  }
0x5b: {  	_ =	shalt  }
0x5c: {  	_ =	shalt  }
0x5d: {  	_ =	shalt  }
0x5e: {  	_ =	shalt  }
0x5f: {  	_ =	shalt  }
0x60: {  	_ =	shalt  }
0x61: {  	_ =	shalt  }
0x62: {  	_ =	shalt  }
0x63: {  	_ =	shalt  }
0x64: {  	_ =	shalt  }
0x65: {  	_ =	shalt  }
0x66: {  	_ =	shalt  }
0x67: {  	_ =	shalt  }
0x68: {  	_ =	shalt  }
0x69: {  	_ =	shalt  }
0x6a: {  	_ =	shalt  }
0x6b: {  	_ =	shalt  }
0x6c: {  	_ =	shalt  }
0x6d: {  	_ =	shalt  }
0x6e: {  	_ =	shalt  }
0x6f: {  	_ =	shalt  }
0x70: {  	_ =	shalt  }
0x71: {  	_ =	shalt  }
0x72: {  	_ =	shalt  }
0x73: {  	_ =	shalt  }
0x74: {  	_ =	shalt  }
0x75: {  	_ =	shalt  }
0x76: {  	_ =	shalt  }
0x77: {  	_ =	shalt  }
0x78: {  	_ =	shalt  }
0x79: {  	_ =	shalt  }
0x7a: {  	_ =	shalt  }
0x7b: {  	_ =	shalt  }
0x7c: {  	_ =	shalt  }
0x7d: {  	_ =	shalt  }
0x7e: {  	_ =	shalt  }
0x7f: {  	_ =	shalt  }
0x80: {  	_ =	shalt  }
0x81: {  	_ =	shalt  }
0x82: {  	_ =	shalt  }
0x83: {  	_ =	shalt  }
0x84: {  	_ =	shalt  }
0x85: {  	_ =	shalt  }
0x86: {  	_ =	shalt  }
0x87: {  	_ =	shalt  }
.Lfunc_end0:
.L_simem_size_0:
called_computation_lowered:
.L_overlay_start_0:
0x88: {  	s2 =	sld [smem:$0x3FD9]  }
0x89: {  	s3 =	sld [smem:$0x3FFE];
	_ =	sdelay $0x1  }
0x8a: {  	s1 =	srdreg.scid  }
0x8b: {  	s0 =	sand.u32 $0x1, s1  }
0x8c: {  	s14 =	sshll.u32 s0, $0xA;
	s2 =	sadd.s32 s3, s2  }
0x8d: {  	s2 =	sadd.s32 s2, s14  }
0x8e: {  	[smem:$0x3FC5] =	sst s2  }
0x8f: {  	_ = 	snop  }
0x90: {  	s2 =	sld [smem:$0x3FD0];
	_ =	sdelay $0x1  }
0x91: {  	s15 =	sld [smem:$0x3FC9]  }
0x92: {  	s5 =	simm.s32 $0xA;
	s6 =	simm.s32 $0x10;
	s4 =	sld [smem:$0x3FC8]  }
0x93: {  	[smem:s6], [sflag:s5] =	dma.local [hbm:s2], $0x1  }
0x94: {  	_ =	swait.eq [sflag:s5], $0x1  }
0x95: {  	[sflag:s5] =	ssyncset.done $0x0  }
0x96: {  	s16 =	sld [smem:$0x10];
	[sflag:s5] =	ssyncadd.s32 $0xFFFFFFFF  }
0x97: {  	s17 =	sld [smem:$0x11];
	(tm) =	ssettm $0x1  }
0x98: {  	s18 =	sld [smem:$0x3FFB];
	_ =	sdelay $0x3  }
0x99: {  	_ =	strace s18  }
0x9a: {  	s6 =	sld [smem:$0x3FFC];
	_ =	sdelay $0x3  }
0x9b: {  	_ =	strace s6  }
0x9c: {  	s6 =	sld [smem:$0x3FFD];
	_ =	sdelay $0x3  }
0x9d: {  	_ =	strace s6  }
0x9e: {  	_ =	strace $0x8FFFFFFF  }
0x9f: {  	s19 =	sld [smem:$0x3FDB];
	_ =	sdelay $0x1  }
0xa0: {  	s7 =	simm.s32 $_scs_section_size  }
0xa1: {  	s8 =	simm.s32 $_size__tile_overlayer_lowered;
	s9 =	simm.s32 $_tile_overlayer_lowered  }
0xa2: {  	s22 =	simm.s32 $0x1BFF;
	s21 =	sshll.u32 s9, $0x1;
	s6 =	sadd.s32 s7, s19  }
0xa3: {  	s10 =	simm.s32 $0x0;
	s20 =	sshll.u32 s8, $0x1;
	s8 =	sadd.s32 s21, s6  }
0xa4: {  	[timem:s10], [sflag:s22] =	dma.local [hbm:s8], s20  }
0xa5: {  	_ =	swait.ge [sflag:s22], s20  }
0xa6: {  	s7 =	ssub.s32 $0x0, s20;
	[sflag:s22] =	ssyncset.done $0x0  }
0xa7: {  	[sflag:s22] =	ssyncadd.s32 s7;
	_ =	sdelay $0x1  }
0xa8: {  	s23 =	simm.s32 $0x1B8B  }
0xa9: {  	_ =	swait.ge [sflag:s23], $0x1  }
0xaa: {  	[sflag:s23] =	ssyncset.done $0x0  }
0xab: {  	s25 =	simm.s32 $0x1B8E;
	s24 =	sld [smem:$0x3FFE];
	[sflag:s23] =	ssyncadd.s32 $0xFFFFFFFF  }
0xac: {  	s26 =	simm.s32 $execute0_lowered;
	[smem:$0x3FD2] =	sst s25  }
0xad: {  	s8 =	sshll.u32 s26, $0x1;
	_ =	strace $0x80000046;
	[dreg:$0x1] =	wrdreg $0xFFFFFFFF  }
0xae: {  	s28 =	simm.s32 $_size_execute0_lowered;
	s6 =	sadd.s32 s6, s8;
	[dreg:$0x0] =	wrdreg $0x0  }
0xaf: {  	s8 =	sshll.u32 s28, $0x1;
	[dreg:$0x2] =	wrdreg s6  }
0xb0: {  	[dreg:$0x3] =	wrdreg s8  }
0xb1: {  	[dreg:$0x4] =	wrdreg $0xC0  }
0xb2: {  	_ =	task [dreg:s10], $0x5FFFF  }
0xb3: {  	[dreg:$0x1] =	wrdreg $0xFFFFFFFF  }
0xb4: {  	[dreg:$0x0] =	wrdreg $0x60  }
0xb5: {  	[dreg:$0x2] =	wrdreg s15  }
0xb6: {  	[dreg:$0x3] =	wrdreg s4  }
0xb7: {  	[dreg:$0x4] =	wrdreg s24  }
0xb8: {  	[dreg:$0x5] =	wrdreg s16  }
0xb9: {  	[dreg:$0x6] =	wrdreg s17  }
0xba: {  	[dreg:$0x7] =	wrdreg $0x9  }
0xbb: {  	_ =	task.clear_ibuf [dreg:s10], $0x8FFFF;
	_ =	strace $0x90000046  }
0xbc: {  	s29 =	simm.s32 $0x9;
	_ =	strace $0x80000048  }
0xbd: {  	_ =	swait.ge [sflag:s29], $0x1  }
0xbe: {  	[sflag:s29] =	ssyncadd.s32 $0xFFFFFFFF  }
0xbf: {  	_ =	strace $0x90000048  }
0xc0: {  	_ =	sfence  }
0xc1: {  	s30 =	sld [smem:$0x0];
	_ =	sdelay $0x2  }
0xc2: {  	s31 =	sshll.u32 s1, $0xD;
	s1 =	sshrl.u32 s1, $0x2  }
0xc3: {  	s3 =	sand.u32 $0x4000, s31;
	s1 =	sadd.s32 s1, s30  }
0xc4: {  	s0 =	sor.u32 s3, s0;
	s1 =	sshll.u32 s1, $0x11  }
0xc5: {  	s0 =	sor.u32 s1, s0  }
0xc6: {  	s0 =	sadd.s32 $0x8F2B, s0  }
0xc7: {  	[sflag:s0] =	ssyncadd.remote.s32 $0x1  }
0xc8: {  	_ =	sfence.sel $0xFFFF  }
0xc9: {  	[dreg:$0x0] =	wrdreg $0xFFFFFFFF;
	(pc) =	sbr.abs _section_cstart, $3  }
0xca: {  	[dreg:$0x1] =	wrdreg $0xFFFFFFFF  }
0xcb: {  	_ =	task.clear_ibuf [dreg:s10], $0x2FFFF;
	_ =	strace $0x9FFFFFFF  }
0xcc: {  	(tm) =	ssettm $0x7FFFFFFF  }
0xcd: {  	_ =	shalt  }
tec
execute0_lowered:
.L_overlay_start_1:
0x0: {  	(tag) =	ssettag $0x1  }
0x1: {  	s1 =	rddreg [dreg:$0x0]  }
0x2: {  	s2 =	rddreg [dreg:$0x1]  }
0x3: {  	s0 =	rddreg [dreg:$0x2]  }
0x4: {  	s3 =	rddreg [dreg:$0x3]  }
0x5: {  	s5 =	rddreg [dreg:$0x4];
	s4 =	simm.s32 $0x0  }
0x6: {  	s6 =	srdreg.scid;
	s7 =	stileid.u32;
	s30 =	simm.s32 $0x1900  }
0x7: {  	s31 =	simm.s32 $0x2100;
	s15 =	simm.s32 $0x7900;
	[smem:$0x7FF] =	sst s4  }
0x8: {  	s6 =	sand.u32 $0x1, s6;
	s7 =	sshll.u32 s7, $0x8;
	s10 =	sadd.s32 $0x2200, s0  }
0x9: {  	s0 =	sadd.s32 $0x2400, s0;
	s8 =	sshll.u32 s6, $0x7;
	s6 =	ssub.s32 $0x2, s6  }
0xa: {  	_ =	strace $0x80000047;
	s8 =	sor.u32 s8, s7;
	s16 =	sshrl.u32 s6, $0x1  }
0xb: {  	s7 =	sadd.s32 $0x100, s1;
	s9 =	sshrl.u32 s8, $0x3;
	s6 =	ssub.s32 s6, s16  }
0xc: {  	s11 =	sshll.u32 s8, $0x6;
	s12 =	sor.u32 $0x20, s8;
	s21 =	sor.u32 $0x40, s8  }
0xd: {  	s8 =	sor.u32 $0x60, s8;
	s16 =	simm.s32 $0x1;
	s17 =	sadd.s32 s10, s9  }
0xe: {  	s18 =	sadd.s32 s3, s9;
	s19 =	sadd.s32 s5, s11;
	[dreg:$0x6] =	wrdreg s17  }
0xf: {  	s9 =	sadd.s32 $0x100, s2;
	s13 =	sshrl.u32 s12, $0x3;
	[dreg:$0x7] =	wrdreg s18  }
0x10: {  	s11 =	sadd.s32 s0, s11;
	s12 =	sshll.u32 s12, $0x6;
	[dreg:$0x8] =	wrdreg s19  }
0x11: {  	s22 =	sshrl.u32 s21, $0x3;
	s29 =	smax.u32 s6, $0x1;
	[dreg:$0x9] =	wrdreg s11  }
0x12: {  	s26 =	sshrl.u32 s8, $0x3;
	s20 =	sadd.s32 s10, s13;
	[dreg:$0x16] =	wrdreg s29  }
0x13: {  	s28 =	sshll.u32 s8, $0x6;
	s13 =	sadd.s32 s3, s13;
	[dreg:$0xa] =	wrdreg s20  }
0x14: {  	s6 =	simm.s32 $0x4100;
	s14 =	sadd.s32 s5, s12;
	[dreg:$0xb] =	wrdreg s13  }
0x15: {  	s8 =	simm.s32 $0x4900;
	s12 =	sadd.s32 s0, s12;
	[dreg:$0xc] =	wrdreg s14  }
0x16: {  	s23 =	sadd.s32 s10, s22;
	s24 =	sadd.s32 s3, s22;
	[dreg:$0xd] =	wrdreg s12  }
0x17: {  	s11 =	sshll.u32 s21, $0x6;
	s10 =	sadd.s32 s10, s26;
	[dreg:$0xe] =	wrdreg s23  }
0x18: {  	s3 =	sadd.s32 s3, s26;
	s26 =	simm.s32 $0x100;
	[dreg:$0xf] =	wrdreg s24  }
0x19: {  	s17 =	simm.s32 $0x2;
	s18 =	simm.s32 $0x0;
	[dreg:$0x12] =	wrdreg s10  }
0x1a: {  	s25 =	sadd.s32 s5, s11;
	s11 =	sadd.s32 s0, s11;
	[dreg:$0x13] =	wrdreg s3  }
0x1b: {  	s5 =	sadd.s32 s5, s28;
	s0 =	sadd.s32 s0, s28;
	[dreg:$0x10] =	wrdreg s25  }
0x1c: {  	s24 =	simm.s32 $0x3;
	s3 =	simm.s32 $0x3100;
	[dreg:$0x11] =	wrdreg s11  }
0x1d: {  	v2 =	vlaneseq.u32;
	s10 =	simm.s32 $0x5100;
	s12 =	simm.s32 $0x6100;
	[dreg:$0x14] =	wrdreg s5  }
0x1e: {  	vm0 =	vmmov $0xffff;
	v1 =	vshrl.u32 v2, $0x3;
	s13 =	simm.s32 $0x6900;
	s14 =	simm.s32 $0x7100;
	[dreg:$0x15] =	wrdreg s0  }
0x1f: {  	v0 =	vand.u32 $0x7, v2;
	v2 =	vor.u32 $0x8, v2;
	v1 =	vmul.u32 $0x8, v1;
	s0 =	simm.s32 $0x2900;
	s5 =	simm.s32 $0x3900;
	s11 =	simm.s32 $0x5900  }
.LBB2_1:
0x20: {  	s19 =	rddreg [dreg:$0x6]  }
0x21: {  	[tilespmem:s4], [sflag:$0x3] =	stream.linear.gather [hbm4b:s19+s4], $0x20, $0x38;
	[tilespmem:$0x8100] =	vst v63  }
0x22: {  	_ =	swait.ge [sflag:s24], $0x20  }
0x23: {  	[sflag:s24] =	ssyncset.done $0x0  }
0x24: {  	s20 =	simm.s32 $0x80;
	s25 =	rddreg [dreg:$0x7];
	[sflag:s24] =	ssyncadd.s32 $0xFFFFFFE0  }
0x25: {  	[tilespmem:s20], [sflag:$0x3] =	stream.linear.gather [hbm4b:s25+s4], $0x20, $0x38;
	[tilespmem:$0x8100] =	vst v63  }
0x26: {  	_ =	swait.ge [sflag:s24], $0x20  }
0x27: {  	[sflag:s24] =	ssyncset.done $0x0  }
0x28: {  	[sflag:s24] =	ssyncadd.s32 $0xFFFFFFE0  }
0x29: {  	v3 =	vld [tilespmem:$0x0];
	_ =	sdelay $0x4  }
0x2a: {  	v4 =	vshll.u32 v3, $0x2  }
0x2b: {  	v3 =	vand.u32 $0x7, v3;
	v4 =	vand.u32 $0xFFFFFFE0, v4  }
0x2c: {  	v3 =	vor.u32 v3, v4  }
0x2d: {  	v4 =	vperm.xlane v3, v0;
	_ =	sdelay $0x1  }
0x2e: {  	v4 =	vadd.s32 v1, v4;
	_ =	sdelay $0x1  }
0x2f: {  	v3 =	vperm.xlane v3, v2;
	_ =	sdelay $0x1  }
0x30: {  	v3 =	vadd.s32 v1, v3  }
0x31: {  	[tilespmem:s26], [sflag:$0x1] =	stream.indirect_vreg.gather [hbm4b:s1+s4], $0x80, v4, vm0, $0xb8;
	[tilespmem:$0x8100] =	vst v63  }
0x32: {  	s28 =	simm.s32 $0x900  }
0x33: {  	[tilespmem:s28], [sflag:$0x1] =	stream.indirect_vreg.gather [hbm4b:s7+s4], $0x80, v4, vm0, $0xb8;
	[tilespmem:$0x8100] =	vst v63  }
0x34: {  	s29 =	simm.s32 $0x1100  }
0x35: {  	[tilespmem:s29], [sflag:$0x1] =	stream.indirect_vreg.gather [hbm4b:s1+s4], $0x80, v3, vm0, $0xb8;
	[tilespmem:$0x8100] =	vst v63  }
0x36: {  	_ = 	snop  }
0x37: {  	[tilespmem:s30], [sflag:$0x1] =	stream.indirect_vreg.gather [hbm4b:s7+s4], $0x80, v3, vm0, $0xb8;
	[tilespmem:$0x8100] =	vst v63  }
0x38: {  	v3 =	vld [tilespmem:$0x10];
	_ =	sdelay $0x4  }
0x39: {  	v61 =	vshll.u32 v3, $0x2  }
0x3a: {  	v3 =	vand.u32 $0x7, v3;
	v4 =	vand.u32 $0xFFFFFFE0, v61  }
0x3b: {  	v3 =	vor.u32 v3, v4  }
0x3c: {  	v4 =	vperm.xlane v3, v0;
	_ =	sdelay $0x1  }
0x3d: {  	v4 =	vadd.s32 v1, v4;
	_ =	sdelay $0x1  }
0x3e: {  	v3 =	vperm.xlane v3, v2;
	_ =	sdelay $0x1  }
0x3f: {  	v3 =	vadd.s32 v1, v3  }
0x40: {  	[tilespmem:s31], [sflag:$0x1] =	stream.indirect_vreg.gather [hbm4b:s1+s4], $0x80, v4, vm0, $0xb8;
	[tilespmem:$0x8100] =	vst v63  }
0x41: {  	_ = 	snop  }
0x42: {  	[tilespmem:s0], [sflag:$0x1] =	stream.indirect_vreg.gather [hbm4b:s7+s4], $0x80, v4, vm0, $0xb8;
	[tilespmem:$0x8100] =	vst v63  }
0x43: {  	_ = 	snop  }
0x44: {  	[tilespmem:s3], [sflag:$0x1] =	stream.indirect_vreg.gather [hbm4b:s1+s4], $0x80, v3, vm0, $0xb8;
	[tilespmem:$0x8100] =	vst v63  }
0x45: {  	_ = 	snop  }
0x46: {  	[tilespmem:s5], [sflag:$0x1] =	stream.indirect_vreg.gather [hbm4b:s7+s4], $0x80, v3, vm0, $0xb8;
	[tilespmem:$0x8100] =	vst v63  }
0x47: {  	v3 =	vld [tilespmem:$0x80];
	_ =	sdelay $0x4  }
0x48: {  	v62 =	vshll.u32 v3, $0x2  }
0x49: {  	v3 =	vand.u32 $0x7, v3;
	v4 =	vand.u32 $0xFFFFFFE0, v62  }
0x4a: {  	v3 =	vor.u32 v3, v4  }
0x4b: {  	v4 =	vperm.xlane v3, v0;
	_ =	sdelay $0x1  }
0x4c: {  	v4 =	vadd.s32 v1, v4;
	_ =	sdelay $0x1  }
0x4d: {  	v3 =	vperm.xlane v3, v2;
	_ =	sdelay $0x1  }
0x4e: {  	v3 =	vadd.s32 v1, v3  }
0x4f: {  	[tilespmem:s6], [sflag:$0x2] =	stream.indirect_vreg.gather [hbm4b:s1+s4], $0x80, v4, vm0, $0xb8;
	[tilespmem:$0x8100] =	vst v63  }
0x50: {  	_ = 	snop  }
0x51: {  	[tilespmem:s8], [sflag:$0x2] =	stream.indirect_vreg.gather [hbm4b:s7+s4], $0x80, v4, vm0, $0xb8;
	[tilespmem:$0x8100] =	vst v63  }
0x52: {  	_ = 	snop  }
0x53: {  	[tilespmem:s10], [sflag:$0x2] =	stream.indirect_vreg.gather [hbm4b:s1+s4], $0x80, v3, vm0, $0xb8;
	[tilespmem:$0x8100] =	vst v63  }
0x54: {  	_ = 	snop  }
0x55: {  	[tilespmem:s11], [sflag:$0x2] =	stream.indirect_vreg.gather [hbm4b:s7+s4], $0x80, v3, vm0, $0xb8;
	[tilespmem:$0x8100] =	vst v63  }
0x56: {  	v3 =	vld [tilespmem:$0x90];
	_ =	sdelay $0x4  }
0x57: {  	v63 =	vshll.u32 v3, $0x2  }
0x58: {  	v3 =	vand.u32 $0x7, v3;
	v4 =	vand.u32 $0xFFFFFFE0, v63  }
0x59: {  	v3 =	vor.u32 v3, v4  }
0x5a: {  	v4 =	vperm.xlane v3, v0;
	_ =	sdelay $0x1  }
0x5b: {  	v4 =	vadd.s32 v1, v4;
	_ =	sdelay $0x1  }
0x5c: {  	v3 =	vperm.xlane v3, v2;
	_ =	sdelay $0x1  }
0x5d: {  	v3 =	vadd.s32 v1, v3  }
0x5e: {  	[tilespmem:s12], [sflag:$0x2] =	stream.indirect_vreg.gather [hbm4b:s1+s4], $0x80, v4, vm0, $0xb8;
	[tilespmem:$0x8100] =	vst v63  }
0x5f: {  	_ = 	snop  }
0x60: {  	[tilespmem:s13], [sflag:$0x2] =	stream.indirect_vreg.gather [hbm4b:s7+s4], $0x80, v4, vm0, $0xb8;
	[tilespmem:$0x8100] =	vst v63  }
0x61: {  	_ = 	snop  }
0x62: {  	[tilespmem:s14], [sflag:$0x2] =	stream.indirect_vreg.gather [hbm4b:s1+s4], $0x80, v3, vm0, $0xb8;
	[tilespmem:$0x8100] =	vst v63  }
0x63: {  	_ = 	snop  }
0x64: {  	[tilespmem:s15], [sflag:$0x2] =	stream.indirect_vreg.gather [hbm4b:s7+s4], $0x80, v3, vm0, $0xb8;
	[tilespmem:$0x8100] =	vst v63  }
0x65: {  	_ =	swait.ge [sflag:s16], $0x4000  }
0x66: {  	[sflag:s16] =	ssyncset.done $0x0  }
0x67: {  	[sflag:s16] =	ssyncadd.s32 $0xFFFFC000  }
0x68: {  	_ =	swait.ge [sflag:s17], $0x4000  }
0x69: {  	[sflag:s17] =	ssyncset.done $0x0  }
0x6a: {  	s19 =	simm.s32 $0x0;
	[sflag:s17] =	ssyncadd.s32 $0xFFFFC000  }
.LBB2_2:
0x6b: {  	s20 =	sshll.u32 s19, $0x9;
	s21 =	sshll.u32 s19, $0x7  }
0x6c: {  	s22 =	simm.s32 $0x0;
	s20 =	sand.u32 $0x3000, s20;
	s21 =	sand.u32 $0x380, s21  }
0x6d: {  	s29 =	sand.u32 $0xC00, s22;
	s20 =	sor.u32 s20, s21  }
0x6e: {  	s22 =	sand.u32 $0x70, s22;
	s21 =	sor.u32 s29, s20  }
0x6f: {  	s21 =	sor.u32 s22, s21  }
0x70: {  	v3 =	vld [tilespmem:s21+$0x4100]  }
0x71: {  	v4 =	vld [tilespmem:s21+$0x100];
	_ =	sdelay $0x4  }
0x72: {  	s22 =	simm.s32 $0x80;
	v3 =	vadd.f32 v3, v4  }
0x73: {  	s23 =	simm.s32 $0x10;
	s28 =	sand.u32 $0xC00, s22  }
0x74: {  	s25 =	sand.u32 $0x70, s23;
	s23 =	simm.s32 $0x20;
	s28 =	sor.u32 s28, s20;
	v3 =	vmul.f32 $5.000000000e-01, v3  }
.LBB2_3:
0x75: {  	p0 =	sne.s32 s23, $0x1F0;
	s25 =	sor.u32 s25, s28  }
0x76: {  	v4 =	vld [tilespmem:s25+$0x4100];
	[tilespmem:s21+$0x100] =	vst v3;
	s21 =	smov.u32 s25  }
0x77: {  	v3 =	vld [tilespmem:s21+$0x100];
	_ =	sdelay $0x2  }
.Ltmp0:
0x78: {  	(pc) =	sbr.rel @p0 .LBB2_3-.Ltmp0, $4  }
0x79: {  	_ = 	snop  }
0x7a: {  	s22 =	sadd.s32 $0x80, s22;
	v3 =	vadd.f32 v4, v3  }
0x7b: {  	s28 =	sand.u32 $0xC00, s22  }
0x7c: {  	s25 =	sand.u32 $0x70, s23;
	s23 =	sadd.s32 $0x10, s23;
	s28 =	sor.u32 s28, s20;
	v3 =	vmul.f32 $5.000000000e-01, v3  }
0x7d: {  	s20 =	sor.u32 s25, s28  }
0x7e: {  	v4 =	vld [tilespmem:s20+$0x4100];
	[tilespmem:s21+$0x100] =	vst v3  }
0x7f: {  	v3 =	vld [tilespmem:s20+$0x100];
	_ =	sdelay $0x2  }
0x80: {  	s19 =	sadd.s32 $0x1, s19  }
0x81: {  	p0 =	sne.s32 s19, $0x20  }
.Ltmp1:
0x82: {  	v3 =	vadd.f32 v4, v3;
	(pc) =	sbr.rel @p0 .LBB2_2-.Ltmp1, $3  }
0x83: {  	_ = 	snop  }
0x84: {  	v3 =	vmul.f32 $5.000000000e-01, v3;
	_ =	sdelay $0x1  }
0x85: {  	[tilespmem:s20+$0x100] =	vst v3  }
0x86: {  	s19 =	simm.s32 $0x0;
	s20 =	rddreg [dreg:$0x8]  }
0x87: {  	[hbm4b:s20+s19] =	stream.linear.scatter [tilespmem:s26], [sflag:$0x3], $0x4000, $0x38;
	[tilespmem:$0x8100] =	vst v63  }
0x88: {  	_ =	swait.ge [sflag:s24], $0x4000  }
0x89: {  	[sflag:s24] =	ssyncset.done $0x0  }
0x8a: {  	[sflag:s24] =	ssyncadd.s32 $0xFFFFC000  }
0x8b: {  	v3 =	vld [tilespmem:$0x0];
	_ =	sdelay $0x4  }
0x8c: {  	v4 =	vshll.u32 v3, $0x2  }
0x8d: {  	v3 =	vand.u32 $0x7, v3;
	v4 =	vand.u32 $0xFFFFFFE0, v4  }
0x8e: {  	v3 =	vor.u32 v3, v4  }
0x8f: {  	v4 =	vperm.xlane v3, v0;
	_ =	sdelay $0x1  }
0x90: {  	v4 =	vadd.s32 v1, v4;
	_ =	sdelay $0x1  }
0x91: {  	v3 =	vperm.xlane v3, v2;
	_ =	sdelay $0x1  }
0x92: {  	v3 =	vadd.s32 v1, v3  }
0x93: {  	[tilespmem:s26], [sflag:$0x1] =	stream.indirect_vreg.gather [hbm4b:s2+s19], $0x80, v4, vm0, $0xb8;
	[tilespmem:$0x8100] =	vst v63  }
0x94: {  	s28 =	simm.s32 $0x900  }
0x95: {  	[tilespmem:s28], [sflag:$0x1] =	stream.indirect_vreg.gather [hbm4b:s9+s19], $0x80, v4, vm0, $0xb8;
	[tilespmem:$0x8100] =	vst v63  }
0x96: {  	s29 =	simm.s32 $0x1100  }
0x97: {  	[tilespmem:s29], [sflag:$0x1] =	stream.indirect_vreg.gather [hbm4b:s2+s19], $0x80, v3, vm0, $0xb8;
	[tilespmem:$0x8100] =	vst v63  }
0x98: {  	_ = 	snop  }
0x99: {  	[tilespmem:s30], [sflag:$0x1] =	stream.indirect_vreg.gather [hbm4b:s9+s19], $0x80, v3, vm0, $0xb8;
	[tilespmem:$0x8100] =	vst v63  }
0x9a: {  	v3 =	vld [tilespmem:$0x10];
	_ =	sdelay $0x4  }
0x9b: {  	v61 =	vshll.u32 v3, $0x2  }
0x9c: {  	v3 =	vand.u32 $0x7, v3;
	v4 =	vand.u32 $0xFFFFFFE0, v61  }
0x9d: {  	v3 =	vor.u32 v3, v4  }
0x9e: {  	v4 =	vperm.xlane v3, v0;
	_ =	sdelay $0x1  }
0x9f: {  	v4 =	vadd.s32 v1, v4;
	_ =	sdelay $0x1  }
0xa0: {  	v3 =	vperm.xlane v3, v2;
	_ =	sdelay $0x1  }
0xa1: {  	v3 =	vadd.s32 v1, v3  }
0xa2: {  	[tilespmem:s31], [sflag:$0x1] =	stream.indirect_vreg.gather [hbm4b:s2+s19], $0x80, v4, vm0, $0xb8;
	[tilespmem:$0x8100] =	vst v63  }
0xa3: {  	_ = 	snop  }
0xa4: {  	[tilespmem:s0], [sflag:$0x1] =	stream.indirect_vreg.gather [hbm4b:s9+s19], $0x80, v4, vm0, $0xb8;
	[tilespmem:$0x8100] =	vst v63  }
0xa5: {  	_ = 	snop  }
0xa6: {  	[tilespmem:s3], [sflag:$0x1] =	stream.indirect_vreg.gather [hbm4b:s2+s19], $0x80, v3, vm0, $0xb8;
	[tilespmem:$0x8100] =	vst v63  }
0xa7: {  	_ = 	snop  }
0xa8: {  	[tilespmem:s5], [sflag:$0x1] =	stream.indirect_vreg.gather [hbm4b:s9+s19], $0x80, v3, vm0, $0xb8;
	[tilespmem:$0x8100] =	vst v63  }
0xa9: {  	v3 =	vld [tilespmem:$0x80];
	_ =	sdelay $0x4  }
0xaa: {  	v62 =	vshll.u32 v3, $0x2  }
0xab: {  	v3 =	vand.u32 $0x7, v3;
	v4 =	vand.u32 $0xFFFFFFE0, v62  }
0xac: {  	v3 =	vor.u32 v3, v4  }
0xad: {  	v4 =	vperm.xlane v3, v0;
	_ =	sdelay $0x1  }
0xae: {  	v4 =	vadd.s32 v1, v4;
	_ =	sdelay $0x1  }
0xaf: {  	v3 =	vperm.xlane v3, v2;
	_ =	sdelay $0x1  }
0xb0: {  	v3 =	vadd.s32 v1, v3  }
0xb1: {  	[tilespmem:s6], [sflag:$0x2] =	stream.indirect_vreg.gather [hbm4b:s2+s19], $0x80, v4, vm0, $0xb8;
	[tilespmem:$0x8100] =	vst v63  }
0xb2: {  	_ = 	snop  }
0xb3: {  	[tilespmem:s8], [sflag:$0x2] =	stream.indirect_vreg.gather [hbm4b:s9+s19], $0x80, v4, vm0, $0xb8;
	[tilespmem:$0x8100] =	vst v63  }
0xb4: {  	_ = 	snop  }
0xb5: {  	[tilespmem:s10], [sflag:$0x2] =	stream.indirect_vreg.gather [hbm4b:s2+s19], $0x80, v3, vm0, $0xb8;
	[tilespmem:$0x8100] =	vst v63  }
0xb6: {  	_ = 	snop  }
0xb7: {  	[tilespmem:s11], [sflag:$0x2] =	stream.indirect_vreg.gather [hbm4b:s9+s19], $0x80, v3, vm0, $0xb8;
	[tilespmem:$0x8100] =	vst v63  }
0xb8: {  	v3 =	vld [tilespmem:$0x90];
	_ =	sdelay $0x4  }
0xb9: {  	v63 =	vshll.u32 v3, $0x2  }
0xba: {  	v3 =	vand.u32 $0x7, v3;
	v4 =	vand.u32 $0xFFFFFFE0, v63  }
0xbb: {  	v3 =	vor.u32 v3, v4  }
0xbc: {  	v4 =	vperm.xlane v3, v0;
	_ =	sdelay $0x1  }
0xbd: {  	v4 =	vadd.s32 v1, v4;
	_ =	sdelay $0x1  }
0xbe: {  	v3 =	vperm.xlane v3, v2;
	_ =	sdelay $0x1  }
0xbf: {  	v3 =	vadd.s32 v1, v3  }
0xc0: {  	[tilespmem:s12], [sflag:$0x2] =	stream.indirect_vreg.gather [hbm4b:s2+s19], $0x80, v4, vm0, $0xb8;
	[tilespmem:$0x8100] =	vst v63  }
0xc1: {  	_ = 	snop  }
0xc2: {  	[tilespmem:s13], [sflag:$0x2] =	stream.indirect_vreg.gather [hbm4b:s9+s19], $0x80, v4, vm0, $0xb8;
	[tilespmem:$0x8100] =	vst v63  }
0xc3: {  	_ = 	snop  }
0xc4: {  	[tilespmem:s14], [sflag:$0x2] =	stream.indirect_vreg.gather [hbm4b:s2+s19], $0x80, v3, vm0, $0xb8;
	[tilespmem:$0x8100] =	vst v63  }
0xc5: {  	_ = 	snop  }
0xc6: {  	[tilespmem:s15], [sflag:$0x2] =	stream.indirect_vreg.gather [hbm4b:s9+s19], $0x80, v3, vm0, $0xb8;
	[tilespmem:$0x8100] =	vst v63  }
0xc7: {  	_ =	swait.ge [sflag:s16], $0x4000  }
0xc8: {  	[sflag:s16] =	ssyncset.done $0x0  }
0xc9: {  	[sflag:s16] =	ssyncadd.s32 $0xFFFFC000  }
0xca: {  	_ =	swait.ge [sflag:s17], $0x4000  }
0xcb: {  	[sflag:s17] =	ssyncset.done $0x0  }
0xcc: {  	s20 =	simm.s32 $0x0;
	[sflag:s17] =	ssyncadd.s32 $0xFFFFC000  }
.LBB2_6:
0xcd: {  	s21 =	sshll.u32 s20, $0x9;
	s22 =	sshll.u32 s20, $0x7  }
0xce: {  	s21 =	sand.u32 $0x3000, s21;
	s22 =	sand.u32 $0x380, s22  }
0xcf: {  	s25 =	sand.u32 $0xC00, s19;
	s21 =	sor.u32 s21, s22  }
0xd0: {  	s23 =	sand.u32 $0x70, s19;
	s22 =	sor.u32 s25, s21  }
0xd1: {  	s22 =	sor.u32 s23, s22  }
0xd2: {  	v3 =	vld [tilespmem:s22+$0x4100]  }
0xd3: {  	v4 =	vld [tilespmem:s22+$0x100];
	_ =	sdelay $0x4  }
0xd4: {  	s23 =	simm.s32 $0x80;
	v3 =	vadd.f32 v3, v4  }
0xd5: {  	s25 =	simm.s32 $0x10;
	s29 =	sand.u32 $0xC00, s23  }
0xd6: {  	s28 =	sand.u32 $0x70, s25;
	s25 =	simm.s32 $0x20;
	s29 =	sor.u32 s29, s21;
	v3 =	vmul.f32 $5.000000000e-01, v3  }
.LBB2_7:
0xd7: {  	p0 =	sne.s32 s25, $0x1F0;
	s28 =	sor.u32 s28, s29  }
0xd8: {  	v4 =	vld [tilespmem:s28+$0x4100];
	[tilespmem:s22+$0x100] =	vst v3;
	s22 =	smov.u32 s28  }
0xd9: {  	v3 =	vld [tilespmem:s22+$0x100];
	_ =	sdelay $0x2  }
.Ltmp2:
0xda: {  	(pc) =	sbr.rel @p0 .LBB2_7-.Ltmp2, $4  }
0xdb: {  	_ = 	snop  }
0xdc: {  	s23 =	sadd.s32 $0x80, s23;
	v3 =	vadd.f32 v4, v3  }
0xdd: {  	s29 =	sand.u32 $0xC00, s23  }
0xde: {  	s28 =	sand.u32 $0x70, s25;
	s25 =	sadd.s32 $0x10, s25;
	s29 =	sor.u32 s29, s21;
	v3 =	vmul.f32 $5.000000000e-01, v3  }
0xdf: {  	s21 =	sor.u32 s28, s29  }
0xe0: {  	v4 =	vld [tilespmem:s21+$0x4100];
	[tilespmem:s22+$0x100] =	vst v3  }
0xe1: {  	v3 =	vld [tilespmem:s21+$0x100];
	_ =	sdelay $0x2  }
0xe2: {  	s20 =	sadd.s32 $0x1, s20  }
0xe3: {  	p0 =	sne.s32 s20, $0x20  }
.Ltmp3:
0xe4: {  	v3 =	vadd.f32 v4, v3;
	(pc) =	sbr.rel @p0 .LBB2_6-.Ltmp3, $3  }
0xe5: {  	_ = 	snop  }
0xe6: {  	v3 =	vmul.f32 $5.000000000e-01, v3;
	_ =	sdelay $0x1  }
0xe7: {  	[tilespmem:s21+$0x100] =	vst v3  }
0xe8: {  	s19 =	simm.s32 $0x0;
	s20 =	rddreg [dreg:$0x9]  }
0xe9: {  	[hbm4b:s20+s19] =	stream.linear.scatter [tilespmem:s26], [sflag:$0x3], $0x4000, $0x38;
	[tilespmem:$0x8100] =	vst v63  }
0xea: {  	_ =	swait.ge [sflag:s24], $0x4000  }
0xeb: {  	[sflag:s24] =	ssyncset.done $0x0  }
0xec: {  	s23 =	rddreg [dreg:$0xa];
	[sflag:s24] =	ssyncadd.s32 $0xFFFFC000  }
0xed: {  	[tilespmem:s19], [sflag:$0x3] =	stream.linear.gather [hbm4b:s23+s19], $0x20, $0x38;
	[tilespmem:$0x8100] =	vst v63  }
0xee: {  	_ =	swait.ge [sflag:s24], $0x20  }
0xef: {  	[sflag:s24] =	ssyncset.done $0x0  }
0xf0: {  	s21 =	simm.s32 $0x80;
	s25 =	rddreg [dreg:$0xb];
	[sflag:s24] =	ssyncadd.s32 $0xFFFFFFE0  }
0xf1: {  	[tilespmem:s21], [sflag:$0x3] =	stream.linear.gather [hbm4b:s25+s19], $0x20, $0x38;
	[tilespmem:$0x8100] =	vst v63  }
0xf2: {  	_ =	swait.ge [sflag:s24], $0x20  }
0xf3: {  	[sflag:s24] =	ssyncset.done $0x0  }
0xf4: {  	[sflag:s24] =	ssyncadd.s32 $0xFFFFFFE0  }
0xf5: {  	v3 =	vld [tilespmem:$0x0];
	_ =	sdelay $0x4  }
0xf6: {  	v4 =	vshll.u32 v3, $0x2  }
0xf7: {  	v3 =	vand.u32 $0x7, v3;
	v4 =	vand.u32 $0xFFFFFFE0, v4  }
0xf8: {  	v3 =	vor.u32 v3, v4  }
0xf9: {  	v4 =	vperm.xlane v3, v0;
	_ =	sdelay $0x1  }
0xfa: {  	v4 =	vadd.s32 v1, v4;
	_ =	sdelay $0x1  }
0xfb: {  	v3 =	vperm.xlane v3, v2;
	_ =	sdelay $0x1  }
0xfc: {  	v3 =	vadd.s32 v1, v3  }
0xfd: {  	[tilespmem:s26], [sflag:$0x1] =	stream.indirect_vreg.gather [hbm4b:s1+s19], $0x80, v4, vm0, $0xb8;
	[tilespmem:$0x8100] =	vst v63  }
0xfe: {  	s28 =	simm.s32 $0x900  }
0xff: {  	[tilespmem:s28], [sflag:$0x1] =	stream.indirect_vreg.gather [hbm4b:s7+s19], $0x80, v4, vm0, $0xb8;
	[tilespmem:$0x8100] =	vst v63  }
0x100: {  	s29 =	simm.s32 $0x1100  }
0x101: {  	[tilespmem:s29], [sflag:$0x1] =	stream.indirect_vreg.gather [hbm4b:s1+s19], $0x80, v3, vm0, $0xb8;
	[tilespmem:$0x8100] =	vst v63  }
0x102: {  	_ = 	snop  }
0x103: {  	[tilespmem:s30], [sflag:$0x1] =	stream.indirect_vreg.gather [hbm4b:s7+s19], $0x80, v3, vm0, $0xb8;
	[tilespmem:$0x8100] =	vst v63  }
0x104: {  	v3 =	vld [tilespmem:$0x10];
	_ =	sdelay $0x4  }
0x105: {  	v61 =	vshll.u32 v3, $0x2  }
0x106: {  	v3 =	vand.u32 $0x7, v3;
	v4 =	vand.u32 $0xFFFFFFE0, v61  }
0x107: {  	v3 =	vor.u32 v3, v4  }
0x108: {  	v4 =	vperm.xlane v3, v0;
	_ =	sdelay $0x1  }
0x109: {  	v4 =	vadd.s32 v1, v4;
	_ =	sdelay $0x1  }
0x10a: {  	v3 =	vperm.xlane v3, v2;
	_ =	sdelay $0x1  }
0x10b: {  	v3 =	vadd.s32 v1, v3  }
0x10c: {  	[tilespmem:s31], [sflag:$0x1] =	stream.indirect_vreg.gather [hbm4b:s1+s19], $0x80, v4, vm0, $0xb8;
	[tilespmem:$0x8100] =	vst v63  }
0x10d: {  	_ = 	snop  }
0x10e: {  	[tilespmem:s0], [sflag:$0x1] =	stream.indirect_vreg.gather [hbm4b:s7+s19], $0x80, v4, vm0, $0xb8;
	[tilespmem:$0x8100] =	vst v63  }
0x10f: {  	_ = 	snop  }
0x110: {  	[tilespmem:s3], [sflag:$0x1] =	stream.indirect_vreg.gather [hbm4b:s1+s19], $0x80, v3, vm0, $0xb8;
	[tilespmem:$0x8100] =	vst v63  }
0x111: {  	_ = 	snop  }
0x112: {  	[tilespmem:s5], [sflag:$0x1] =	stream.indirect_vreg.gather [hbm4b:s7+s19], $0x80, v3, vm0, $0xb8;
	[tilespmem:$0x8100] =	vst v63  }
0x113: {  	v3 =	vld [tilespmem:$0x80];
	_ =	sdelay $0x4  }
0x114: {  	v62 =	vshll.u32 v3, $0x2  }
0x115: {  	v3 =	vand.u32 $0x7, v3;
	v4 =	vand.u32 $0xFFFFFFE0, v62  }
0x116: {  	v3 =	vor.u32 v3, v4  }
0x117: {  	v4 =	vperm.xlane v3, v0;
	_ =	sdelay $0x1  }
0x118: {  	v4 =	vadd.s32 v1, v4;
	_ =	sdelay $0x1  }
0x119: {  	v3 =	vperm.xlane v3, v2;
	_ =	sdelay $0x1  }
0x11a: {  	v3 =	vadd.s32 v1, v3  }
0x11b: {  	[tilespmem:s6], [sflag:$0x2] =	stream.indirect_vreg.gather [hbm4b:s1+s19], $0x80, v4, vm0, $0xb8;
	[tilespmem:$0x8100] =	vst v63  }
0x11c: {  	_ = 	snop  }
0x11d: {  	[tilespmem:s8], [sflag:$0x2] =	stream.indirect_vreg.gather [hbm4b:s7+s19], $0x80, v4, vm0, $0xb8;
	[tilespmem:$0x8100] =	vst v63  }
0x11e: {  	_ = 	snop  }
0x11f: {  	[tilespmem:s10], [sflag:$0x2] =	stream.indirect_vreg.gather [hbm4b:s1+s19], $0x80, v3, vm0, $0xb8;
	[tilespmem:$0x8100] =	vst v63  }
0x120: {  	_ = 	snop  }
0x121: {  	[tilespmem:s11], [sflag:$0x2] =	stream.indirect_vreg.gather [hbm4b:s7+s19], $0x80, v3, vm0, $0xb8;
	[tilespmem:$0x8100] =	vst v63  }
0x122: {  	v3 =	vld [tilespmem:$0x90];
	_ =	sdelay $0x4  }
0x123: {  	v63 =	vshll.u32 v3, $0x2  }
0x124: {  	v3 =	vand.u32 $0x7, v3;
	v4 =	vand.u32 $0xFFFFFFE0, v63  }
0x125: {  	v3 =	vor.u32 v3, v4  }
0x126: {  	v4 =	vperm.xlane v3, v0;
	_ =	sdelay $0x1  }
0x127: {  	v4 =	vadd.s32 v1, v4;
	_ =	sdelay $0x1  }
0x128: {  	v3 =	vperm.xlane v3, v2;
	_ =	sdelay $0x1  }
0x129: {  	v3 =	vadd.s32 v1, v3  }
0x12a: {  	[tilespmem:s12], [sflag:$0x2] =	stream.indirect_vreg.gather [hbm4b:s1+s19], $0x80, v4, vm0, $0xb8;
	[tilespmem:$0x8100] =	vst v63  }
0x12b: {  	_ = 	snop  }
0x12c: {  	[tilespmem:s13], [sflag:$0x2] =	stream.indirect_vreg.gather [hbm4b:s7+s19], $0x80, v4, vm0, $0xb8;
	[tilespmem:$0x8100] =	vst v63  }
0x12d: {  	_ = 	snop  }
0x12e: {  	[tilespmem:s14], [sflag:$0x2] =	stream.indirect_vreg.gather [hbm4b:s1+s19], $0x80, v3, vm0, $0xb8;
	[tilespmem:$0x8100] =	vst v63  }
0x12f: {  	_ = 	snop  }
0x130: {  	[tilespmem:s15], [sflag:$0x2] =	stream.indirect_vreg.gather [hbm4b:s7+s19], $0x80, v3, vm0, $0xb8;
	[tilespmem:$0x8100] =	vst v63  }
0x131: {  	_ =	swait.ge [sflag:s16], $0x4000  }
0x132: {  	[sflag:s16] =	ssyncset.done $0x0  }
0x133: {  	[sflag:s16] =	ssyncadd.s32 $0xFFFFC000  }
0x134: {  	_ =	swait.ge [sflag:s17], $0x4000  }
0x135: {  	[sflag:s17] =	ssyncset.done $0x0  }
0x136: {  	s20 =	simm.s32 $0x0;
	[sflag:s17] =	ssyncadd.s32 $0xFFFFC000  }
.LBB2_10:
0x137: {  	s21 =	sshll.u32 s20, $0x9;
	s22 =	sshll.u32 s20, $0x7  }
0x138: {  	s21 =	sand.u32 $0x3000, s21;
	s22 =	sand.u32 $0x380, s22  }
0x139: {  	s25 =	sand.u32 $0xC00, s19;
	s21 =	sor.u32 s21, s22  }
0x13a: {  	s23 =	sand.u32 $0x70, s19;
	s22 =	sor.u32 s25, s21  }
0x13b: {  	s22 =	sor.u32 s23, s22  }
0x13c: {  	v3 =	vld [tilespmem:s22+$0x4100]  }
0x13d: {  	v4 =	vld [tilespmem:s22+$0x100];
	_ =	sdelay $0x4  }
0x13e: {  	s23 =	simm.s32 $0x80;
	v3 =	vadd.f32 v3, v4  }
0x13f: {  	s25 =	simm.s32 $0x10;
	s29 =	sand.u32 $0xC00, s23  }
0x140: {  	s28 =	sand.u32 $0x70, s25;
	s25 =	simm.s32 $0x20;
	s29 =	sor.u32 s29, s21;
	v3 =	vmul.f32 $5.000000000e-01, v3  }
.LBB2_11:
0x141: {  	p0 =	sne.s32 s25, $0x1F0;
	s28 =	sor.u32 s28, s29  }
0x142: {  	v4 =	vld [tilespmem:s28+$0x4100];
	[tilespmem:s22+$0x100] =	vst v3;
	s22 =	smov.u32 s28  }
0x143: {  	v3 =	vld [tilespmem:s22+$0x100];
	_ =	sdelay $0x2  }
.Ltmp4:
0x144: {  	(pc) =	sbr.rel @p0 .LBB2_11-.Ltmp4, $4  }
0x145: {  	_ = 	snop  }
0x146: {  	s23 =	sadd.s32 $0x80, s23;
	v3 =	vadd.f32 v4, v3  }
0x147: {  	s29 =	sand.u32 $0xC00, s23  }
0x148: {  	s28 =	sand.u32 $0x70, s25;
	s25 =	sadd.s32 $0x10, s25;
	s29 =	sor.u32 s29, s21;
	v3 =	vmul.f32 $5.000000000e-01, v3  }
0x149: {  	s21 =	sor.u32 s28, s29  }
0x14a: {  	v4 =	vld [tilespmem:s21+$0x4100];
	[tilespmem:s22+$0x100] =	vst v3  }
0x14b: {  	v3 =	vld [tilespmem:s21+$0x100];
	_ =	sdelay $0x2  }
0x14c: {  	s20 =	sadd.s32 $0x1, s20  }
0x14d: {  	p0 =	sne.s32 s20, $0x20  }
.Ltmp5:
0x14e: {  	v3 =	vadd.f32 v4, v3;
	(pc) =	sbr.rel @p0 .LBB2_10-.Ltmp5, $3  }
0x14f: {  	_ = 	snop  }
0x150: {  	v3 =	vmul.f32 $5.000000000e-01, v3;
	_ =	sdelay $0x1  }
0x151: {  	[tilespmem:s21+$0x100] =	vst v3  }
0x152: {  	s19 =	simm.s32 $0x0;
	s20 =	rddreg [dreg:$0xc]  }
0x153: {  	[hbm4b:s20+s19] =	stream.linear.scatter [tilespmem:s26], [sflag:$0x3], $0x4000, $0x38;
	[tilespmem:$0x8100] =	vst v63  }
0x154: {  	_ =	swait.ge [sflag:s24], $0x4000  }
0x155: {  	[sflag:s24] =	ssyncset.done $0x0  }
0x156: {  	[sflag:s24] =	ssyncadd.s32 $0xFFFFC000  }
0x157: {  	v3 =	vld [tilespmem:$0x0];
	_ =	sdelay $0x4  }
0x158: {  	v4 =	vshll.u32 v3, $0x2  }
0x159: {  	v3 =	vand.u32 $0x7, v3;
	v4 =	vand.u32 $0xFFFFFFE0, v4  }
0x15a: {  	v3 =	vor.u32 v3, v4  }
0x15b: {  	v4 =	vperm.xlane v3, v0;
	_ =	sdelay $0x1  }
0x15c: {  	v4 =	vadd.s32 v1, v4;
	_ =	sdelay $0x1  }
0x15d: {  	v3 =	vperm.xlane v3, v2;
	_ =	sdelay $0x1  }
0x15e: {  	v3 =	vadd.s32 v1, v3  }
0x15f: {  	[tilespmem:s26], [sflag:$0x1] =	stream.indirect_vreg.gather [hbm4b:s2+s19], $0x80, v4, vm0, $0xb8;
	[tilespmem:$0x8100] =	vst v63  }
0x160: {  	s28 =	simm.s32 $0x900  }
0x161: {  	[tilespmem:s28], [sflag:$0x1] =	stream.indirect_vreg.gather [hbm4b:s9+s19], $0x80, v4, vm0, $0xb8;
	[tilespmem:$0x8100] =	vst v63  }
0x162: {  	s29 =	simm.s32 $0x1100  }
0x163: {  	[tilespmem:s29], [sflag:$0x1] =	stream.indirect_vreg.gather [hbm4b:s2+s19], $0x80, v3, vm0, $0xb8;
	[tilespmem:$0x8100] =	vst v63  }
0x164: {  	_ = 	snop  }
0x165: {  	[tilespmem:s30], [sflag:$0x1] =	stream.indirect_vreg.gather [hbm4b:s9+s19], $0x80, v3, vm0, $0xb8;
	[tilespmem:$0x8100] =	vst v63  }
0x166: {  	v3 =	vld [tilespmem:$0x10];
	_ =	sdelay $0x4  }
0x167: {  	v61 =	vshll.u32 v3, $0x2  }
0x168: {  	v3 =	vand.u32 $0x7, v3;
	v4 =	vand.u32 $0xFFFFFFE0, v61  }
0x169: {  	v3 =	vor.u32 v3, v4  }
0x16a: {  	v4 =	vperm.xlane v3, v0;
	_ =	sdelay $0x1  }
0x16b: {  	v4 =	vadd.s32 v1, v4;
	_ =	sdelay $0x1  }
0x16c: {  	v3 =	vperm.xlane v3, v2;
	_ =	sdelay $0x1  }
0x16d: {  	v3 =	vadd.s32 v1, v3  }
0x16e: {  	[tilespmem:s31], [sflag:$0x1] =	stream.indirect_vreg.gather [hbm4b:s2+s19], $0x80, v4, vm0, $0xb8;
	[tilespmem:$0x8100] =	vst v63  }
0x16f: {  	_ = 	snop  }
0x170: {  	[tilespmem:s0], [sflag:$0x1] =	stream.indirect_vreg.gather [hbm4b:s9+s19], $0x80, v4, vm0, $0xb8;
	[tilespmem:$0x8100] =	vst v63  }
0x171: {  	_ = 	snop  }
0x172: {  	[tilespmem:s3], [sflag:$0x1] =	stream.indirect_vreg.gather [hbm4b:s2+s19], $0x80, v3, vm0, $0xb8;
	[tilespmem:$0x8100] =	vst v63  }
0x173: {  	_ = 	snop  }
0x174: {  	[tilespmem:s5], [sflag:$0x1] =	stream.indirect_vreg.gather [hbm4b:s9+s19], $0x80, v3, vm0, $0xb8;
	[tilespmem:$0x8100] =	vst v63  }
0x175: {  	v3 =	vld [tilespmem:$0x80];
	_ =	sdelay $0x4  }
0x176: {  	v62 =	vshll.u32 v3, $0x2  }
0x177: {  	v3 =	vand.u32 $0x7, v3;
	v4 =	vand.u32 $0xFFFFFFE0, v62  }
0x178: {  	v3 =	vor.u32 v3, v4  }
0x179: {  	v4 =	vperm.xlane v3, v0;
	_ =	sdelay $0x1  }
0x17a: {  	v4 =	vadd.s32 v1, v4;
	_ =	sdelay $0x1  }
0x17b: {  	v3 =	vperm.xlane v3, v2;
	_ =	sdelay $0x1  }
0x17c: {  	v3 =	vadd.s32 v1, v3  }
0x17d: {  	[tilespmem:s6], [sflag:$0x2] =	stream.indirect_vreg.gather [hbm4b:s2+s19], $0x80, v4, vm0, $0xb8;
	[tilespmem:$0x8100] =	vst v63  }
0x17e: {  	_ = 	snop  }
0x17f: {  	[tilespmem:s8], [sflag:$0x2] =	stream.indirect_vreg.gather [hbm4b:s9+s19], $0x80, v4, vm0, $0xb8;
	[tilespmem:$0x8100] =	vst v63  }
0x180: {  	_ = 	snop  }
0x181: {  	[tilespmem:s10], [sflag:$0x2] =	stream.indirect_vreg.gather [hbm4b:s2+s19], $0x80, v3, vm0, $0xb8;
	[tilespmem:$0x8100] =	vst v63  }
0x182: {  	_ = 	snop  }
0x183: {  	[tilespmem:s11], [sflag:$0x2] =	stream.indirect_vreg.gather [hbm4b:s9+s19], $0x80, v3, vm0, $0xb8;
	[tilespmem:$0x8100] =	vst v63  }
0x184: {  	v3 =	vld [tilespmem:$0x90];
	_ =	sdelay $0x4  }
0x185: {  	v63 =	vshll.u32 v3, $0x2  }
0x186: {  	v3 =	vand.u32 $0x7, v3;
	v4 =	vand.u32 $0xFFFFFFE0, v63  }
0x187: {  	v3 =	vor.u32 v3, v4  }
0x188: {  	v4 =	vperm.xlane v3, v0;
	_ =	sdelay $0x1  }
0x189: {  	v4 =	vadd.s32 v1, v4;
	_ =	sdelay $0x1  }
0x18a: {  	v3 =	vperm.xlane v3, v2;
	_ =	sdelay $0x1  }
0x18b: {  	v3 =	vadd.s32 v1, v3  }
0x18c: {  	[tilespmem:s12], [sflag:$0x2] =	stream.indirect_vreg.gather [hbm4b:s2+s19], $0x80, v4, vm0, $0xb8;
	[tilespmem:$0x8100] =	vst v63  }
0x18d: {  	_ = 	snop  }
0x18e: {  	[tilespmem:s13], [sflag:$0x2] =	stream.indirect_vreg.gather [hbm4b:s9+s19], $0x80, v4, vm0, $0xb8;
	[tilespmem:$0x8100] =	vst v63  }
0x18f: {  	_ = 	snop  }
0x190: {  	[tilespmem:s14], [sflag:$0x2] =	stream.indirect_vreg.gather [hbm4b:s2+s19], $0x80, v3, vm0, $0xb8;
	[tilespmem:$0x8100] =	vst v63  }
0x191: {  	_ = 	snop  }
0x192: {  	[tilespmem:s15], [sflag:$0x2] =	stream.indirect_vreg.gather [hbm4b:s9+s19], $0x80, v3, vm0, $0xb8;
	[tilespmem:$0x8100] =	vst v63  }
0x193: {  	_ =	swait.ge [sflag:s16], $0x4000  }
0x194: {  	[sflag:s16] =	ssyncset.done $0x0  }
0x195: {  	[sflag:s16] =	ssyncadd.s32 $0xFFFFC000  }
0x196: {  	_ =	swait.ge [sflag:s17], $0x4000  }
0x197: {  	[sflag:s17] =	ssyncset.done $0x0  }
0x198: {  	s20 =	simm.s32 $0x0;
	[sflag:s17] =	ssyncadd.s32 $0xFFFFC000  }
.LBB2_14:
0x199: {  	s21 =	sshll.u32 s20, $0x9;
	s22 =	sshll.u32 s20, $0x7  }
0x19a: {  	s21 =	sand.u32 $0x3000, s21;
	s22 =	sand.u32 $0x380, s22  }
0x19b: {  	s25 =	sand.u32 $0xC00, s19;
	s21 =	sor.u32 s21, s22  }
0x19c: {  	s23 =	sand.u32 $0x70, s19;
	s22 =	sor.u32 s25, s21  }
0x19d: {  	s22 =	sor.u32 s23, s22  }
0x19e: {  	v3 =	vld [tilespmem:s22+$0x4100]  }
0x19f: {  	v4 =	vld [tilespmem:s22+$0x100];
	_ =	sdelay $0x4  }
0x1a0: {  	s23 =	simm.s32 $0x80;
	v3 =	vadd.f32 v3, v4  }
0x1a1: {  	s25 =	simm.s32 $0x10;
	s29 =	sand.u32 $0xC00, s23  }
0x1a2: {  	s28 =	sand.u32 $0x70, s25;
	s25 =	simm.s32 $0x20;
	s29 =	sor.u32 s29, s21;
	v3 =	vmul.f32 $5.000000000e-01, v3  }
.LBB2_15:
0x1a3: {  	p0 =	sne.s32 s25, $0x1F0;
	s28 =	sor.u32 s28, s29  }
0x1a4: {  	v4 =	vld [tilespmem:s28+$0x4100];
	[tilespmem:s22+$0x100] =	vst v3;
	s22 =	smov.u32 s28  }
0x1a5: {  	v3 =	vld [tilespmem:s22+$0x100];
	_ =	sdelay $0x2  }
.Ltmp6:
0x1a6: {  	(pc) =	sbr.rel @p0 .LBB2_15-.Ltmp6, $4  }
0x1a7: {  	_ = 	snop  }
0x1a8: {  	s23 =	sadd.s32 $0x80, s23;
	v3 =	vadd.f32 v4, v3  }
0x1a9: {  	s29 =	sand.u32 $0xC00, s23  }
0x1aa: {  	s28 =	sand.u32 $0x70, s25;
	s25 =	sadd.s32 $0x10, s25;
	s29 =	sor.u32 s29, s21;
	v3 =	vmul.f32 $5.000000000e-01, v3  }
0x1ab: {  	s21 =	sor.u32 s28, s29  }
0x1ac: {  	v4 =	vld [tilespmem:s21+$0x4100];
	[tilespmem:s22+$0x100] =	vst v3  }
0x1ad: {  	v3 =	vld [tilespmem:s21+$0x100];
	_ =	sdelay $0x2  }
0x1ae: {  	s20 =	sadd.s32 $0x1, s20  }
0x1af: {  	p0 =	sne.s32 s20, $0x20  }
.Ltmp7:
0x1b0: {  	v3 =	vadd.f32 v4, v3;
	(pc) =	sbr.rel @p0 .LBB2_14-.Ltmp7, $3  }
0x1b1: {  	_ = 	snop  }
0x1b2: {  	v3 =	vmul.f32 $5.000000000e-01, v3;
	_ =	sdelay $0x1  }
0x1b3: {  	[tilespmem:s21+$0x100] =	vst v3  }
0x1b4: {  	s19 =	simm.s32 $0x0;
	s20 =	rddreg [dreg:$0xd]  }
0x1b5: {  	[hbm4b:s20+s19] =	stream.linear.scatter [tilespmem:s26], [sflag:$0x3], $0x4000, $0x38;
	[tilespmem:$0x8100] =	vst v63  }
0x1b6: {  	_ =	swait.ge [sflag:s24], $0x4000  }
0x1b7: {  	[sflag:s24] =	ssyncset.done $0x0  }
0x1b8: {  	s23 =	rddreg [dreg:$0xe];
	[sflag:s24] =	ssyncadd.s32 $0xFFFFC000  }
0x1b9: {  	[tilespmem:s19], [sflag:$0x3] =	stream.linear.gather [hbm4b:s23+s19], $0x20, $0x38;
	[tilespmem:$0x8100] =	vst v63  }
0x1ba: {  	_ =	swait.ge [sflag:s24], $0x20  }
0x1bb: {  	[sflag:s24] =	ssyncset.done $0x0  }
0x1bc: {  	s21 =	simm.s32 $0x80;
	s25 =	rddreg [dreg:$0xf];
	[sflag:s24] =	ssyncadd.s32 $0xFFFFFFE0  }
0x1bd: {  	[tilespmem:s21], [sflag:$0x3] =	stream.linear.gather [hbm4b:s25+s19], $0x20, $0x38;
	[tilespmem:$0x8100] =	vst v63  }
0x1be: {  	_ =	swait.ge [sflag:s24], $0x20  }
0x1bf: {  	[sflag:s24] =	ssyncset.done $0x0  }
0x1c0: {  	[sflag:s24] =	ssyncadd.s32 $0xFFFFFFE0  }
0x1c1: {  	v3 =	vld [tilespmem:$0x0];
	_ =	sdelay $0x4  }
0x1c2: {  	v4 =	vshll.u32 v3, $0x2  }
0x1c3: {  	v3 =	vand.u32 $0x7, v3;
	v4 =	vand.u32 $0xFFFFFFE0, v4  }
0x1c4: {  	v3 =	vor.u32 v3, v4  }
0x1c5: {  	v4 =	vperm.xlane v3, v0;
	_ =	sdelay $0x1  }
0x1c6: {  	v4 =	vadd.s32 v1, v4;
	_ =	sdelay $0x1  }
0x1c7: {  	v3 =	vperm.xlane v3, v2;
	_ =	sdelay $0x1  }
0x1c8: {  	v3 =	vadd.s32 v1, v3  }
0x1c9: {  	[tilespmem:s26], [sflag:$0x1] =	stream.indirect_vreg.gather [hbm4b:s1+s19], $0x80, v4, vm0, $0xb8;
	[tilespmem:$0x8100] =	vst v63  }
0x1ca: {  	s28 =	simm.s32 $0x900  }
0x1cb: {  	[tilespmem:s28], [sflag:$0x1] =	stream.indirect_vreg.gather [hbm4b:s7+s19], $0x80, v4, vm0, $0xb8;
	[tilespmem:$0x8100] =	vst v63  }
0x1cc: {  	s29 =	simm.s32 $0x1100  }
0x1cd: {  	[tilespmem:s29], [sflag:$0x1] =	stream.indirect_vreg.gather [hbm4b:s1+s19], $0x80, v3, vm0, $0xb8;
	[tilespmem:$0x8100] =	vst v63  }
0x1ce: {  	_ = 	snop  }
0x1cf: {  	[tilespmem:s30], [sflag:$0x1] =	stream.indirect_vreg.gather [hbm4b:s7+s19], $0x80, v3, vm0, $0xb8;
	[tilespmem:$0x8100] =	vst v63  }
0x1d0: {  	v3 =	vld [tilespmem:$0x10];
	_ =	sdelay $0x4  }
0x1d1: {  	v61 =	vshll.u32 v3, $0x2  }
0x1d2: {  	v3 =	vand.u32 $0x7, v3;
	v4 =	vand.u32 $0xFFFFFFE0, v61  }
0x1d3: {  	v3 =	vor.u32 v3, v4  }
0x1d4: {  	v4 =	vperm.xlane v3, v0;
	_ =	sdelay $0x1  }
0x1d5: {  	v4 =	vadd.s32 v1, v4;
	_ =	sdelay $0x1  }
0x1d6: {  	v3 =	vperm.xlane v3, v2;
	_ =	sdelay $0x1  }
0x1d7: {  	v3 =	vadd.s32 v1, v3  }
0x1d8: {  	[tilespmem:s31], [sflag:$0x1] =	stream.indirect_vreg.gather [hbm4b:s1+s19], $0x80, v4, vm0, $0xb8;
	[tilespmem:$0x8100] =	vst v63  }
0x1d9: {  	_ = 	snop  }
0x1da: {  	[tilespmem:s0], [sflag:$0x1] =	stream.indirect_vreg.gather [hbm4b:s7+s19], $0x80, v4, vm0, $0xb8;
	[tilespmem:$0x8100] =	vst v63  }
0x1db: {  	_ = 	snop  }
0x1dc: {  	[tilespmem:s3], [sflag:$0x1] =	stream.indirect_vreg.gather [hbm4b:s1+s19], $0x80, v3, vm0, $0xb8;
	[tilespmem:$0x8100] =	vst v63  }
0x1dd: {  	_ = 	snop  }
0x1de: {  	[tilespmem:s5], [sflag:$0x1] =	stream.indirect_vreg.gather [hbm4b:s7+s19], $0x80, v3, vm0, $0xb8;
	[tilespmem:$0x8100] =	vst v63  }
0x1df: {  	v3 =	vld [tilespmem:$0x80];
	_ =	sdelay $0x4  }
0x1e0: {  	v62 =	vshll.u32 v3, $0x2  }
0x1e1: {  	v3 =	vand.u32 $0x7, v3;
	v4 =	vand.u32 $0xFFFFFFE0, v62  }
0x1e2: {  	v3 =	vor.u32 v3, v4  }
0x1e3: {  	v4 =	vperm.xlane v3, v0;
	_ =	sdelay $0x1  }
0x1e4: {  	v4 =	vadd.s32 v1, v4;
	_ =	sdelay $0x1  }
0x1e5: {  	v3 =	vperm.xlane v3, v2;
	_ =	sdelay $0x1  }
0x1e6: {  	v3 =	vadd.s32 v1, v3  }
0x1e7: {  	[tilespmem:s6], [sflag:$0x2] =	stream.indirect_vreg.gather [hbm4b:s1+s19], $0x80, v4, vm0, $0xb8;
	[tilespmem:$0x8100] =	vst v63  }
0x1e8: {  	_ = 	snop  }
0x1e9: {  	[tilespmem:s8], [sflag:$0x2] =	stream.indirect_vreg.gather [hbm4b:s7+s19], $0x80, v4, vm0, $0xb8;
	[tilespmem:$0x8100] =	vst v63  }
0x1ea: {  	_ = 	snop  }
0x1eb: {  	[tilespmem:s10], [sflag:$0x2] =	stream.indirect_vreg.gather [hbm4b:s1+s19], $0x80, v3, vm0, $0xb8;
	[tilespmem:$0x8100] =	vst v63  }
0x1ec: {  	_ = 	snop  }
0x1ed: {  	[tilespmem:s11], [sflag:$0x2] =	stream.indirect_vreg.gather [hbm4b:s7+s19], $0x80, v3, vm0, $0xb8;
	[tilespmem:$0x8100] =	vst v63  }
0x1ee: {  	v3 =	vld [tilespmem:$0x90];
	_ =	sdelay $0x4  }
0x1ef: {  	v63 =	vshll.u32 v3, $0x2  }
0x1f0: {  	v3 =	vand.u32 $0x7, v3;
	v4 =	vand.u32 $0xFFFFFFE0, v63  }
0x1f1: {  	v3 =	vor.u32 v3, v4  }
0x1f2: {  	v4 =	vperm.xlane v3, v0;
	_ =	sdelay $0x1  }
0x1f3: {  	v4 =	vadd.s32 v1, v4;
	_ =	sdelay $0x1  }
0x1f4: {  	v3 =	vperm.xlane v3, v2;
	_ =	sdelay $0x1  }
0x1f5: {  	v3 =	vadd.s32 v1, v3  }
0x1f6: {  	[tilespmem:s12], [sflag:$0x2] =	stream.indirect_vreg.gather [hbm4b:s1+s19], $0x80, v4, vm0, $0xb8;
	[tilespmem:$0x8100] =	vst v63  }
0x1f7: {  	_ = 	snop  }
0x1f8: {  	[tilespmem:s13], [sflag:$0x2] =	stream.indirect_vreg.gather [hbm4b:s7+s19], $0x80, v4, vm0, $0xb8;
	[tilespmem:$0x8100] =	vst v63  }
0x1f9: {  	_ = 	snop  }
0x1fa: {  	[tilespmem:s14], [sflag:$0x2] =	stream.indirect_vreg.gather [hbm4b:s1+s19], $0x80, v3, vm0, $0xb8;
	[tilespmem:$0x8100] =	vst v63  }
0x1fb: {  	_ = 	snop  }
0x1fc: {  	[tilespmem:s15], [sflag:$0x2] =	stream.indirect_vreg.gather [hbm4b:s7+s19], $0x80, v3, vm0, $0xb8;
	[tilespmem:$0x8100] =	vst v63  }
0x1fd: {  	_ =	swait.ge [sflag:s16], $0x4000  }
0x1fe: {  	[sflag:s16] =	ssyncset.done $0x0  }
0x1ff: {  	[sflag:s16] =	ssyncadd.s32 $0xFFFFC000  }
0x200: {  	_ =	swait.ge [sflag:s17], $0x4000  }
0x201: {  	[sflag:s17] =	ssyncset.done $0x0  }
0x202: {  	s20 =	simm.s32 $0x0;
	[sflag:s17] =	ssyncadd.s32 $0xFFFFC000  }
.LBB2_18:
0x203: {  	s21 =	sshll.u32 s20, $0x9;
	s22 =	sshll.u32 s20, $0x7  }
0x204: {  	s21 =	sand.u32 $0x3000, s21;
	s22 =	sand.u32 $0x380, s22  }
0x205: {  	s25 =	sand.u32 $0xC00, s19;
	s21 =	sor.u32 s21, s22  }
0x206: {  	s23 =	sand.u32 $0x70, s19;
	s22 =	sor.u32 s25, s21  }
0x207: {  	s22 =	sor.u32 s23, s22  }
0x208: {  	v3 =	vld [tilespmem:s22+$0x4100]  }
0x209: {  	v4 =	vld [tilespmem:s22+$0x100];
	_ =	sdelay $0x4  }
0x20a: {  	s23 =	simm.s32 $0x80;
	v3 =	vadd.f32 v3, v4  }
0x20b: {  	s25 =	simm.s32 $0x10;
	s29 =	sand.u32 $0xC00, s23  }
0x20c: {  	s28 =	sand.u32 $0x70, s25;
	s25 =	simm.s32 $0x20;
	s29 =	sor.u32 s29, s21;
	v3 =	vmul.f32 $5.000000000e-01, v3  }
.LBB2_19:
0x20d: {  	p0 =	sne.s32 s25, $0x1F0;
	s28 =	sor.u32 s28, s29  }
0x20e: {  	v4 =	vld [tilespmem:s28+$0x4100];
	[tilespmem:s22+$0x100] =	vst v3;
	s22 =	smov.u32 s28  }
0x20f: {  	v3 =	vld [tilespmem:s22+$0x100];
	_ =	sdelay $0x2  }
.Ltmp8:
0x210: {  	(pc) =	sbr.rel @p0 .LBB2_19-.Ltmp8, $4  }
0x211: {  	_ = 	snop  }
0x212: {  	s23 =	sadd.s32 $0x80, s23;
	v3 =	vadd.f32 v4, v3  }
0x213: {  	s29 =	sand.u32 $0xC00, s23  }
0x214: {  	s28 =	sand.u32 $0x70, s25;
	s25 =	sadd.s32 $0x10, s25;
	s29 =	sor.u32 s29, s21;
	v3 =	vmul.f32 $5.000000000e-01, v3  }
0x215: {  	s21 =	sor.u32 s28, s29  }
0x216: {  	v4 =	vld [tilespmem:s21+$0x4100];
	[tilespmem:s22+$0x100] =	vst v3  }
0x217: {  	v3 =	vld [tilespmem:s21+$0x100];
	_ =	sdelay $0x2  }
0x218: {  	s20 =	sadd.s32 $0x1, s20  }
0x219: {  	p0 =	sne.s32 s20, $0x20  }
.Ltmp9:
0x21a: {  	v3 =	vadd.f32 v4, v3;
	(pc) =	sbr.rel @p0 .LBB2_18-.Ltmp9, $3  }
0x21b: {  	_ = 	snop  }
0x21c: {  	v3 =	vmul.f32 $5.000000000e-01, v3;
	_ =	sdelay $0x1  }
0x21d: {  	[tilespmem:s21+$0x100] =	vst v3  }
0x21e: {  	s19 =	simm.s32 $0x0;
	s20 =	rddreg [dreg:$0x10]  }
0x21f: {  	[hbm4b:s20+s19] =	stream.linear.scatter [tilespmem:s26], [sflag:$0x3], $0x4000, $0x38;
	[tilespmem:$0x8100] =	vst v63  }
0x220: {  	_ =	swait.ge [sflag:s24], $0x4000  }
0x221: {  	[sflag:s24] =	ssyncset.done $0x0  }
0x222: {  	[sflag:s24] =	ssyncadd.s32 $0xFFFFC000  }
0x223: {  	v3 =	vld [tilespmem:$0x0];
	_ =	sdelay $0x4  }
0x224: {  	v4 =	vshll.u32 v3, $0x2  }
0x225: {  	v3 =	vand.u32 $0x7, v3;
	v4 =	vand.u32 $0xFFFFFFE0, v4  }
0x226: {  	v3 =	vor.u32 v3, v4  }
0x227: {  	v4 =	vperm.xlane v3, v0;
	_ =	sdelay $0x1  }
0x228: {  	v4 =	vadd.s32 v1, v4;
	_ =	sdelay $0x1  }
0x229: {  	v3 =	vperm.xlane v3, v2;
	_ =	sdelay $0x1  }
0x22a: {  	v3 =	vadd.s32 v1, v3  }
0x22b: {  	[tilespmem:s26], [sflag:$0x1] =	stream.indirect_vreg.gather [hbm4b:s2+s19], $0x80, v4, vm0, $0xb8;
	[tilespmem:$0x8100] =	vst v63  }
0x22c: {  	s28 =	simm.s32 $0x900  }
0x22d: {  	[tilespmem:s28], [sflag:$0x1] =	stream.indirect_vreg.gather [hbm4b:s9+s19], $0x80, v4, vm0, $0xb8;
	[tilespmem:$0x8100] =	vst v63  }
0x22e: {  	s29 =	simm.s32 $0x1100  }
0x22f: {  	[tilespmem:s29], [sflag:$0x1] =	stream.indirect_vreg.gather [hbm4b:s2+s19], $0x80, v3, vm0, $0xb8;
	[tilespmem:$0x8100] =	vst v63  }
0x230: {  	_ = 	snop  }
0x231: {  	[tilespmem:s30], [sflag:$0x1] =	stream.indirect_vreg.gather [hbm4b:s9+s19], $0x80, v3, vm0, $0xb8;
	[tilespmem:$0x8100] =	vst v63  }
0x232: {  	v3 =	vld [tilespmem:$0x10];
	_ =	sdelay $0x4  }
0x233: {  	v61 =	vshll.u32 v3, $0x2  }
0x234: {  	v3 =	vand.u32 $0x7, v3;
	v4 =	vand.u32 $0xFFFFFFE0, v61  }
0x235: {  	v3 =	vor.u32 v3, v4  }
0x236: {  	v4 =	vperm.xlane v3, v0;
	_ =	sdelay $0x1  }
0x237: {  	v4 =	vadd.s32 v1, v4;
	_ =	sdelay $0x1  }
0x238: {  	v3 =	vperm.xlane v3, v2;
	_ =	sdelay $0x1  }
0x239: {  	v3 =	vadd.s32 v1, v3  }
0x23a: {  	[tilespmem:s31], [sflag:$0x1] =	stream.indirect_vreg.gather [hbm4b:s2+s19], $0x80, v4, vm0, $0xb8;
	[tilespmem:$0x8100] =	vst v63  }
0x23b: {  	_ = 	snop  }
0x23c: {  	[tilespmem:s0], [sflag:$0x1] =	stream.indirect_vreg.gather [hbm4b:s9+s19], $0x80, v4, vm0, $0xb8;
	[tilespmem:$0x8100] =	vst v63  }
0x23d: {  	_ = 	snop  }
0x23e: {  	[tilespmem:s3], [sflag:$0x1] =	stream.indirect_vreg.gather [hbm4b:s2+s19], $0x80, v3, vm0, $0xb8;
	[tilespmem:$0x8100] =	vst v63  }
0x23f: {  	_ = 	snop  }
0x240: {  	[tilespmem:s5], [sflag:$0x1] =	stream.indirect_vreg.gather [hbm4b:s9+s19], $0x80, v3, vm0, $0xb8;
	[tilespmem:$0x8100] =	vst v63  }
0x241: {  	v3 =	vld [tilespmem:$0x80];
	_ =	sdelay $0x4  }
0x242: {  	v62 =	vshll.u32 v3, $0x2  }
0x243: {  	v3 =	vand.u32 $0x7, v3;
	v4 =	vand.u32 $0xFFFFFFE0, v62  }
0x244: {  	v3 =	vor.u32 v3, v4  }
0x245: {  	v4 =	vperm.xlane v3, v0;
	_ =	sdelay $0x1  }
0x246: {  	v4 =	vadd.s32 v1, v4;
	_ =	sdelay $0x1  }
0x247: {  	v3 =	vperm.xlane v3, v2;
	_ =	sdelay $0x1  }
0x248: {  	v3 =	vadd.s32 v1, v3  }
0x249: {  	[tilespmem:s6], [sflag:$0x2] =	stream.indirect_vreg.gather [hbm4b:s2+s19], $0x80, v4, vm0, $0xb8;
	[tilespmem:$0x8100] =	vst v63  }
0x24a: {  	_ = 	snop  }
0x24b: {  	[tilespmem:s8], [sflag:$0x2] =	stream.indirect_vreg.gather [hbm4b:s9+s19], $0x80, v4, vm0, $0xb8;
	[tilespmem:$0x8100] =	vst v63  }
0x24c: {  	_ = 	snop  }
0x24d: {  	[tilespmem:s10], [sflag:$0x2] =	stream.indirect_vreg.gather [hbm4b:s2+s19], $0x80, v3, vm0, $0xb8;
	[tilespmem:$0x8100] =	vst v63  }
0x24e: {  	_ = 	snop  }
0x24f: {  	[tilespmem:s11], [sflag:$0x2] =	stream.indirect_vreg.gather [hbm4b:s9+s19], $0x80, v3, vm0, $0xb8;
	[tilespmem:$0x8100] =	vst v63  }
0x250: {  	v3 =	vld [tilespmem:$0x90];
	_ =	sdelay $0x4  }
0x251: {  	v63 =	vshll.u32 v3, $0x2  }
0x252: {  	v3 =	vand.u32 $0x7, v3;
	v4 =	vand.u32 $0xFFFFFFE0, v63  }
0x253: {  	v3 =	vor.u32 v3, v4  }
0x254: {  	v4 =	vperm.xlane v3, v0;
	_ =	sdelay $0x1  }
0x255: {  	v4 =	vadd.s32 v1, v4;
	_ =	sdelay $0x1  }
0x256: {  	v3 =	vperm.xlane v3, v2;
	_ =	sdelay $0x1  }
0x257: {  	v3 =	vadd.s32 v1, v3  }
0x258: {  	[tilespmem:s12], [sflag:$0x2] =	stream.indirect_vreg.gather [hbm4b:s2+s19], $0x80, v4, vm0, $0xb8;
	[tilespmem:$0x8100] =	vst v63  }
0x259: {  	_ = 	snop  }
0x25a: {  	[tilespmem:s13], [sflag:$0x2] =	stream.indirect_vreg.gather [hbm4b:s9+s19], $0x80, v4, vm0, $0xb8;
	[tilespmem:$0x8100] =	vst v63  }
0x25b: {  	_ = 	snop  }
0x25c: {  	[tilespmem:s14], [sflag:$0x2] =	stream.indirect_vreg.gather [hbm4b:s2+s19], $0x80, v3, vm0, $0xb8;
	[tilespmem:$0x8100] =	vst v63  }
0x25d: {  	_ = 	snop  }
0x25e: {  	[tilespmem:s15], [sflag:$0x2] =	stream.indirect_vreg.gather [hbm4b:s9+s19], $0x80, v3, vm0, $0xb8;
	[tilespmem:$0x8100] =	vst v63  }
0x25f: {  	_ =	swait.ge [sflag:s16], $0x4000  }
0x260: {  	[sflag:s16] =	ssyncset.done $0x0  }
0x261: {  	[sflag:s16] =	ssyncadd.s32 $0xFFFFC000  }
0x262: {  	_ =	swait.ge [sflag:s17], $0x4000  }
0x263: {  	[sflag:s17] =	ssyncset.done $0x0  }
0x264: {  	s20 =	simm.s32 $0x0;
	[sflag:s17] =	ssyncadd.s32 $0xFFFFC000  }
.LBB2_22:
0x265: {  	s21 =	sshll.u32 s20, $0x9;
	s22 =	sshll.u32 s20, $0x7  }
0x266: {  	s21 =	sand.u32 $0x3000, s21;
	s22 =	sand.u32 $0x380, s22  }
0x267: {  	s25 =	sand.u32 $0xC00, s19;
	s21 =	sor.u32 s21, s22  }
0x268: {  	s23 =	sand.u32 $0x70, s19;
	s22 =	sor.u32 s25, s21  }
0x269: {  	s22 =	sor.u32 s23, s22  }
0x26a: {  	v3 =	vld [tilespmem:s22+$0x4100]  }
0x26b: {  	v4 =	vld [tilespmem:s22+$0x100];
	_ =	sdelay $0x4  }
0x26c: {  	s23 =	simm.s32 $0x80;
	v3 =	vadd.f32 v3, v4  }
0x26d: {  	s25 =	simm.s32 $0x10;
	s29 =	sand.u32 $0xC00, s23  }
0x26e: {  	s28 =	sand.u32 $0x70, s25;
	s25 =	simm.s32 $0x20;
	s29 =	sor.u32 s29, s21;
	v3 =	vmul.f32 $5.000000000e-01, v3  }
.LBB2_23:
0x26f: {  	p0 =	sne.s32 s25, $0x1F0;
	s28 =	sor.u32 s28, s29  }
0x270: {  	v4 =	vld [tilespmem:s28+$0x4100];
	[tilespmem:s22+$0x100] =	vst v3;
	s22 =	smov.u32 s28  }
0x271: {  	v3 =	vld [tilespmem:s22+$0x100];
	_ =	sdelay $0x2  }
.Ltmp10:
0x272: {  	(pc) =	sbr.rel @p0 .LBB2_23-.Ltmp10, $4  }
0x273: {  	_ = 	snop  }
0x274: {  	s23 =	sadd.s32 $0x80, s23;
	v3 =	vadd.f32 v4, v3  }
0x275: {  	s29 =	sand.u32 $0xC00, s23  }
0x276: {  	s28 =	sand.u32 $0x70, s25;
	s25 =	sadd.s32 $0x10, s25;
	s29 =	sor.u32 s29, s21;
	v3 =	vmul.f32 $5.000000000e-01, v3  }
0x277: {  	s21 =	sor.u32 s28, s29  }
0x278: {  	v4 =	vld [tilespmem:s21+$0x4100];
	[tilespmem:s22+$0x100] =	vst v3  }
0x279: {  	v3 =	vld [tilespmem:s21+$0x100];
	_ =	sdelay $0x2  }
0x27a: {  	s20 =	sadd.s32 $0x1, s20  }
0x27b: {  	p0 =	sne.s32 s20, $0x20  }
.Ltmp11:
0x27c: {  	v3 =	vadd.f32 v4, v3;
	(pc) =	sbr.rel @p0 .LBB2_22-.Ltmp11, $3  }
0x27d: {  	_ = 	snop  }
0x27e: {  	v3 =	vmul.f32 $5.000000000e-01, v3;
	_ =	sdelay $0x1  }
0x27f: {  	[tilespmem:s21+$0x100] =	vst v3  }
0x280: {  	s19 =	simm.s32 $0x0;
	s20 =	rddreg [dreg:$0x11]  }
0x281: {  	[hbm4b:s20+s19] =	stream.linear.scatter [tilespmem:s26], [sflag:$0x3], $0x4000, $0x38;
	[tilespmem:$0x8100] =	vst v63  }
0x282: {  	_ =	swait.ge [sflag:s24], $0x4000  }
0x283: {  	[sflag:s24] =	ssyncset.done $0x0  }
0x284: {  	s23 =	rddreg [dreg:$0x12];
	[sflag:s24] =	ssyncadd.s32 $0xFFFFC000  }
0x285: {  	[tilespmem:s19], [sflag:$0x3] =	stream.linear.gather [hbm4b:s23+s19], $0x20, $0x38;
	[tilespmem:$0x8100] =	vst v63  }
0x286: {  	_ =	swait.ge [sflag:s24], $0x20  }
0x287: {  	[sflag:s24] =	ssyncset.done $0x0  }
0x288: {  	s21 =	simm.s32 $0x80;
	s25 =	rddreg [dreg:$0x13];
	[sflag:s24] =	ssyncadd.s32 $0xFFFFFFE0  }
0x289: {  	[tilespmem:s21], [sflag:$0x3] =	stream.linear.gather [hbm4b:s25+s19], $0x20, $0x38;
	[tilespmem:$0x8100] =	vst v63  }
0x28a: {  	_ =	swait.ge [sflag:s24], $0x20  }
0x28b: {  	[sflag:s24] =	ssyncset.done $0x0  }
0x28c: {  	[sflag:s24] =	ssyncadd.s32 $0xFFFFFFE0  }
0x28d: {  	v3 =	vld [tilespmem:$0x0];
	_ =	sdelay $0x4  }
0x28e: {  	v4 =	vshll.u32 v3, $0x2  }
0x28f: {  	v3 =	vand.u32 $0x7, v3;
	v4 =	vand.u32 $0xFFFFFFE0, v4  }
0x290: {  	v3 =	vor.u32 v3, v4  }
0x291: {  	v4 =	vperm.xlane v3, v0;
	_ =	sdelay $0x1  }
0x292: {  	v4 =	vadd.s32 v1, v4;
	_ =	sdelay $0x1  }
0x293: {  	v3 =	vperm.xlane v3, v2;
	_ =	sdelay $0x1  }
0x294: {  	v3 =	vadd.s32 v1, v3  }
0x295: {  	[tilespmem:s26], [sflag:$0x1] =	stream.indirect_vreg.gather [hbm4b:s1+s19], $0x80, v4, vm0, $0xb8;
	[tilespmem:$0x8100] =	vst v63  }
0x296: {  	s28 =	simm.s32 $0x900  }
0x297: {  	[tilespmem:s28], [sflag:$0x1] =	stream.indirect_vreg.gather [hbm4b:s7+s19], $0x80, v4, vm0, $0xb8;
	[tilespmem:$0x8100] =	vst v63  }
0x298: {  	s29 =	simm.s32 $0x1100  }
0x299: {  	[tilespmem:s29], [sflag:$0x1] =	stream.indirect_vreg.gather [hbm4b:s1+s19], $0x80, v3, vm0, $0xb8;
	[tilespmem:$0x8100] =	vst v63  }
0x29a: {  	_ = 	snop  }
0x29b: {  	[tilespmem:s30], [sflag:$0x1] =	stream.indirect_vreg.gather [hbm4b:s7+s19], $0x80, v3, vm0, $0xb8;
	[tilespmem:$0x8100] =	vst v63  }
0x29c: {  	v3 =	vld [tilespmem:$0x10];
	_ =	sdelay $0x4  }
0x29d: {  	v61 =	vshll.u32 v3, $0x2  }
0x29e: {  	v3 =	vand.u32 $0x7, v3;
	v4 =	vand.u32 $0xFFFFFFE0, v61  }
0x29f: {  	v3 =	vor.u32 v3, v4  }
0x2a0: {  	v4 =	vperm.xlane v3, v0;
	_ =	sdelay $0x1  }
0x2a1: {  	v4 =	vadd.s32 v1, v4;
	_ =	sdelay $0x1  }
0x2a2: {  	v3 =	vperm.xlane v3, v2;
	_ =	sdelay $0x1  }
0x2a3: {  	v3 =	vadd.s32 v1, v3  }
0x2a4: {  	[tilespmem:s31], [sflag:$0x1] =	stream.indirect_vreg.gather [hbm4b:s1+s19], $0x80, v4, vm0, $0xb8;
	[tilespmem:$0x8100] =	vst v63  }
0x2a5: {  	_ = 	snop  }
0x2a6: {  	[tilespmem:s0], [sflag:$0x1] =	stream.indirect_vreg.gather [hbm4b:s7+s19], $0x80, v4, vm0, $0xb8;
	[tilespmem:$0x8100] =	vst v63  }
0x2a7: {  	_ = 	snop  }
0x2a8: {  	[tilespmem:s3], [sflag:$0x1] =	stream.indirect_vreg.gather [hbm4b:s1+s19], $0x80, v3, vm0, $0xb8;
	[tilespmem:$0x8100] =	vst v63  }
0x2a9: {  	_ = 	snop  }
0x2aa: {  	[tilespmem:s5], [sflag:$0x1] =	stream.indirect_vreg.gather [hbm4b:s7+s19], $0x80, v3, vm0, $0xb8;
	[tilespmem:$0x8100] =	vst v63  }
0x2ab: {  	v3 =	vld [tilespmem:$0x80];
	_ =	sdelay $0x4  }
0x2ac: {  	v62 =	vshll.u32 v3, $0x2  }
0x2ad: {  	v3 =	vand.u32 $0x7, v3;
	v4 =	vand.u32 $0xFFFFFFE0, v62  }
0x2ae: {  	v3 =	vor.u32 v3, v4  }
0x2af: {  	v4 =	vperm.xlane v3, v0;
	_ =	sdelay $0x1  }
0x2b0: {  	v4 =	vadd.s32 v1, v4;
	_ =	sdelay $0x1  }
0x2b1: {  	v3 =	vperm.xlane v3, v2;
	_ =	sdelay $0x1  }
0x2b2: {  	v3 =	vadd.s32 v1, v3  }
0x2b3: {  	[tilespmem:s6], [sflag:$0x2] =	stream.indirect_vreg.gather [hbm4b:s1+s19], $0x80, v4, vm0, $0xb8;
	[tilespmem:$0x8100] =	vst v63  }
0x2b4: {  	_ = 	snop  }
0x2b5: {  	[tilespmem:s8], [sflag:$0x2] =	stream.indirect_vreg.gather [hbm4b:s7+s19], $0x80, v4, vm0, $0xb8;
	[tilespmem:$0x8100] =	vst v63  }
0x2b6: {  	_ = 	snop  }
0x2b7: {  	[tilespmem:s10], [sflag:$0x2] =	stream.indirect_vreg.gather [hbm4b:s1+s19], $0x80, v3, vm0, $0xb8;
	[tilespmem:$0x8100] =	vst v63  }
0x2b8: {  	_ = 	snop  }
0x2b9: {  	[tilespmem:s11], [sflag:$0x2] =	stream.indirect_vreg.gather [hbm4b:s7+s19], $0x80, v3, vm0, $0xb8;
	[tilespmem:$0x8100] =	vst v63  }
0x2ba: {  	v3 =	vld [tilespmem:$0x90];
	_ =	sdelay $0x4  }
0x2bb: {  	v63 =	vshll.u32 v3, $0x2  }
0x2bc: {  	v3 =	vand.u32 $0x7, v3;
	v4 =	vand.u32 $0xFFFFFFE0, v63  }
0x2bd: {  	v3 =	vor.u32 v3, v4  }
0x2be: {  	v4 =	vperm.xlane v3, v0;
	_ =	sdelay $0x1  }
0x2bf: {  	v4 =	vadd.s32 v1, v4;
	_ =	sdelay $0x1  }
0x2c0: {  	v3 =	vperm.xlane v3, v2;
	_ =	sdelay $0x1  }
0x2c1: {  	v3 =	vadd.s32 v1, v3  }
0x2c2: {  	[tilespmem:s12], [sflag:$0x2] =	stream.indirect_vreg.gather [hbm4b:s1+s19], $0x80, v4, vm0, $0xb8;
	[tilespmem:$0x8100] =	vst v63  }
0x2c3: {  	_ = 	snop  }
0x2c4: {  	[tilespmem:s13], [sflag:$0x2] =	stream.indirect_vreg.gather [hbm4b:s7+s19], $0x80, v4, vm0, $0xb8;
	[tilespmem:$0x8100] =	vst v63  }
0x2c5: {  	_ = 	snop  }
0x2c6: {  	[tilespmem:s14], [sflag:$0x2] =	stream.indirect_vreg.gather [hbm4b:s1+s19], $0x80, v3, vm0, $0xb8;
	[tilespmem:$0x8100] =	vst v63  }
0x2c7: {  	_ = 	snop  }
0x2c8: {  	[tilespmem:s15], [sflag:$0x2] =	stream.indirect_vreg.gather [hbm4b:s7+s19], $0x80, v3, vm0, $0xb8;
	[tilespmem:$0x8100] =	vst v63  }
0x2c9: {  	_ =	swait.ge [sflag:s16], $0x4000  }
0x2ca: {  	[sflag:s16] =	ssyncset.done $0x0  }
0x2cb: {  	[sflag:s16] =	ssyncadd.s32 $0xFFFFC000  }
0x2cc: {  	_ =	swait.ge [sflag:s17], $0x4000  }
0x2cd: {  	[sflag:s17] =	ssyncset.done $0x0  }
0x2ce: {  	s20 =	simm.s32 $0x0;
	[sflag:s17] =	ssyncadd.s32 $0xFFFFC000  }
.LBB2_26:
0x2cf: {  	s21 =	sshll.u32 s20, $0x9;
	s22 =	sshll.u32 s20, $0x7  }
0x2d0: {  	s21 =	sand.u32 $0x3000, s21;
	s22 =	sand.u32 $0x380, s22  }
0x2d1: {  	s25 =	sand.u32 $0xC00, s19;
	s21 =	sor.u32 s21, s22  }
0x2d2: {  	s23 =	sand.u32 $0x70, s19;
	s22 =	sor.u32 s25, s21  }
0x2d3: {  	s22 =	sor.u32 s23, s22  }
0x2d4: {  	v3 =	vld [tilespmem:s22+$0x4100]  }
0x2d5: {  	v4 =	vld [tilespmem:s22+$0x100];
	_ =	sdelay $0x4  }
0x2d6: {  	s23 =	simm.s32 $0x80;
	v3 =	vadd.f32 v3, v4  }
0x2d7: {  	s25 =	simm.s32 $0x10;
	s29 =	sand.u32 $0xC00, s23  }
0x2d8: {  	s28 =	sand.u32 $0x70, s25;
	s25 =	simm.s32 $0x20;
	s29 =	sor.u32 s29, s21;
	v3 =	vmul.f32 $5.000000000e-01, v3  }
.LBB2_27:
0x2d9: {  	p0 =	sne.s32 s25, $0x1F0;
	s28 =	sor.u32 s28, s29  }
0x2da: {  	v4 =	vld [tilespmem:s28+$0x4100];
	[tilespmem:s22+$0x100] =	vst v3;
	s22 =	smov.u32 s28  }
0x2db: {  	v3 =	vld [tilespmem:s22+$0x100];
	_ =	sdelay $0x2  }
.Ltmp12:
0x2dc: {  	(pc) =	sbr.rel @p0 .LBB2_27-.Ltmp12, $4  }
0x2dd: {  	_ = 	snop  }
0x2de: {  	s23 =	sadd.s32 $0x80, s23;
	v3 =	vadd.f32 v4, v3  }
0x2df: {  	s29 =	sand.u32 $0xC00, s23  }
0x2e0: {  	s28 =	sand.u32 $0x70, s25;
	s25 =	sadd.s32 $0x10, s25;
	s29 =	sor.u32 s29, s21;
	v3 =	vmul.f32 $5.000000000e-01, v3  }
0x2e1: {  	s21 =	sor.u32 s28, s29  }
0x2e2: {  	v4 =	vld [tilespmem:s21+$0x4100];
	[tilespmem:s22+$0x100] =	vst v3  }
0x2e3: {  	v3 =	vld [tilespmem:s21+$0x100];
	_ =	sdelay $0x2  }
0x2e4: {  	s20 =	sadd.s32 $0x1, s20  }
0x2e5: {  	p0 =	sne.s32 s20, $0x20  }
.Ltmp13:
0x2e6: {  	v3 =	vadd.f32 v4, v3;
	(pc) =	sbr.rel @p0 .LBB2_26-.Ltmp13, $3  }
0x2e7: {  	_ = 	snop  }
0x2e8: {  	v3 =	vmul.f32 $5.000000000e-01, v3;
	_ =	sdelay $0x1  }
0x2e9: {  	[tilespmem:s21+$0x100] =	vst v3  }
0x2ea: {  	s19 =	simm.s32 $0x0;
	s20 =	rddreg [dreg:$0x14]  }
0x2eb: {  	[hbm4b:s20+s19] =	stream.linear.scatter [tilespmem:s26], [sflag:$0x3], $0x4000, $0x38;
	[tilespmem:$0x8100] =	vst v63  }
0x2ec: {  	_ =	swait.ge [sflag:s24], $0x4000  }
0x2ed: {  	[sflag:s24] =	ssyncset.done $0x0  }
0x2ee: {  	[sflag:s24] =	ssyncadd.s32 $0xFFFFC000  }
0x2ef: {  	v3 =	vld [tilespmem:$0x0];
	_ =	sdelay $0x4  }
0x2f0: {  	v4 =	vshll.u32 v3, $0x2  }
0x2f1: {  	v3 =	vand.u32 $0x7, v3;
	v4 =	vand.u32 $0xFFFFFFE0, v4  }
0x2f2: {  	v3 =	vor.u32 v3, v4  }
0x2f3: {  	v4 =	vperm.xlane v3, v0;
	_ =	sdelay $0x1  }
0x2f4: {  	v4 =	vadd.s32 v1, v4;
	_ =	sdelay $0x1  }
0x2f5: {  	v3 =	vperm.xlane v3, v2;
	_ =	sdelay $0x1  }
0x2f6: {  	v3 =	vadd.s32 v1, v3  }
0x2f7: {  	[tilespmem:s26], [sflag:$0x1] =	stream.indirect_vreg.gather [hbm4b:s2+s19], $0x80, v4, vm0, $0xb8;
	[tilespmem:$0x8100] =	vst v63  }
0x2f8: {  	s28 =	simm.s32 $0x900  }
0x2f9: {  	[tilespmem:s28], [sflag:$0x1] =	stream.indirect_vreg.gather [hbm4b:s9+s19], $0x80, v4, vm0, $0xb8;
	[tilespmem:$0x8100] =	vst v63  }
0x2fa: {  	s29 =	simm.s32 $0x1100  }
0x2fb: {  	[tilespmem:s29], [sflag:$0x1] =	stream.indirect_vreg.gather [hbm4b:s2+s19], $0x80, v3, vm0, $0xb8;
	[tilespmem:$0x8100] =	vst v63  }
0x2fc: {  	_ = 	snop  }
0x2fd: {  	[tilespmem:s30], [sflag:$0x1] =	stream.indirect_vreg.gather [hbm4b:s9+s19], $0x80, v3, vm0, $0xb8;
	[tilespmem:$0x8100] =	vst v63  }
0x2fe: {  	v3 =	vld [tilespmem:$0x10];
	_ =	sdelay $0x4  }
0x2ff: {  	v61 =	vshll.u32 v3, $0x2  }
0x300: {  	v3 =	vand.u32 $0x7, v3;
	v4 =	vand.u32 $0xFFFFFFE0, v61  }
0x301: {  	v3 =	vor.u32 v3, v4  }
0x302: {  	v4 =	vperm.xlane v3, v0;
	_ =	sdelay $0x1  }
0x303: {  	v4 =	vadd.s32 v1, v4;
	_ =	sdelay $0x1  }
0x304: {  	v3 =	vperm.xlane v3, v2;
	_ =	sdelay $0x1  }
0x305: {  	v3 =	vadd.s32 v1, v3  }
0x306: {  	[tilespmem:s31], [sflag:$0x1] =	stream.indirect_vreg.gather [hbm4b:s2+s19], $0x80, v4, vm0, $0xb8;
	[tilespmem:$0x8100] =	vst v63  }
0x307: {  	_ = 	snop  }
0x308: {  	[tilespmem:s0], [sflag:$0x1] =	stream.indirect_vreg.gather [hbm4b:s9+s19], $0x80, v4, vm0, $0xb8;
	[tilespmem:$0x8100] =	vst v63  }
0x309: {  	_ = 	snop  }
0x30a: {  	[tilespmem:s3], [sflag:$0x1] =	stream.indirect_vreg.gather [hbm4b:s2+s19], $0x80, v3, vm0, $0xb8;
	[tilespmem:$0x8100] =	vst v63  }
0x30b: {  	_ = 	snop  }
0x30c: {  	[tilespmem:s5], [sflag:$0x1] =	stream.indirect_vreg.gather [hbm4b:s9+s19], $0x80, v3, vm0, $0xb8;
	[tilespmem:$0x8100] =	vst v63  }
0x30d: {  	v3 =	vld [tilespmem:$0x80];
	_ =	sdelay $0x4  }
0x30e: {  	v62 =	vshll.u32 v3, $0x2  }
0x30f: {  	v3 =	vand.u32 $0x7, v3;
	v4 =	vand.u32 $0xFFFFFFE0, v62  }
0x310: {  	v3 =	vor.u32 v3, v4  }
0x311: {  	v4 =	vperm.xlane v3, v0;
	_ =	sdelay $0x1  }
0x312: {  	v4 =	vadd.s32 v1, v4;
	_ =	sdelay $0x1  }
0x313: {  	v3 =	vperm.xlane v3, v2;
	_ =	sdelay $0x1  }
0x314: {  	v3 =	vadd.s32 v1, v3  }
0x315: {  	[tilespmem:s6], [sflag:$0x2] =	stream.indirect_vreg.gather [hbm4b:s2+s19], $0x80, v4, vm0, $0xb8;
	[tilespmem:$0x8100] =	vst v63  }
0x316: {  	_ = 	snop  }
0x317: {  	[tilespmem:s8], [sflag:$0x2] =	stream.indirect_vreg.gather [hbm4b:s9+s19], $0x80, v4, vm0, $0xb8;
	[tilespmem:$0x8100] =	vst v63  }
0x318: {  	_ = 	snop  }
0x319: {  	[tilespmem:s10], [sflag:$0x2] =	stream.indirect_vreg.gather [hbm4b:s2+s19], $0x80, v3, vm0, $0xb8;
	[tilespmem:$0x8100] =	vst v63  }
0x31a: {  	_ = 	snop  }
0x31b: {  	[tilespmem:s11], [sflag:$0x2] =	stream.indirect_vreg.gather [hbm4b:s9+s19], $0x80, v3, vm0, $0xb8;
	[tilespmem:$0x8100] =	vst v63  }
0x31c: {  	v3 =	vld [tilespmem:$0x90];
	_ =	sdelay $0x4  }
0x31d: {  	v63 =	vshll.u32 v3, $0x2  }
0x31e: {  	v3 =	vand.u32 $0x7, v3;
	v4 =	vand.u32 $0xFFFFFFE0, v63  }
0x31f: {  	v3 =	vor.u32 v3, v4  }
0x320: {  	v4 =	vperm.xlane v3, v0;
	_ =	sdelay $0x1  }
0x321: {  	v4 =	vadd.s32 v1, v4;
	_ =	sdelay $0x1  }
0x322: {  	v3 =	vperm.xlane v3, v2;
	_ =	sdelay $0x1  }
0x323: {  	v3 =	vadd.s32 v1, v3  }
0x324: {  	[tilespmem:s12], [sflag:$0x2] =	stream.indirect_vreg.gather [hbm4b:s2+s19], $0x80, v4, vm0, $0xb8;
	[tilespmem:$0x8100] =	vst v63  }
0x325: {  	_ = 	snop  }
0x326: {  	[tilespmem:s13], [sflag:$0x2] =	stream.indirect_vreg.gather [hbm4b:s9+s19], $0x80, v4, vm0, $0xb8;
	[tilespmem:$0x8100] =	vst v63  }
0x327: {  	_ = 	snop  }
0x328: {  	[tilespmem:s14], [sflag:$0x2] =	stream.indirect_vreg.gather [hbm4b:s2+s19], $0x80, v3, vm0, $0xb8;
	[tilespmem:$0x8100] =	vst v63  }
0x329: {  	_ = 	snop  }
0x32a: {  	[tilespmem:s15], [sflag:$0x2] =	stream.indirect_vreg.gather [hbm4b:s9+s19], $0x80, v3, vm0, $0xb8;
	[tilespmem:$0x8100] =	vst v63  }
0x32b: {  	_ =	swait.ge [sflag:s16], $0x4000  }
0x32c: {  	[sflag:s16] =	ssyncset.done $0x0  }
0x32d: {  	[sflag:s16] =	ssyncadd.s32 $0xFFFFC000  }
0x32e: {  	_ =	swait.ge [sflag:s17], $0x4000  }
0x32f: {  	[sflag:s17] =	ssyncset.done $0x0  }
0x330: {  	s20 =	simm.s32 $0x0;
	[sflag:s17] =	ssyncadd.s32 $0xFFFFC000  }
.LBB2_30:
0x331: {  	s21 =	sshll.u32 s20, $0x9;
	s22 =	sshll.u32 s20, $0x7  }
0x332: {  	s21 =	sand.u32 $0x3000, s21;
	s22 =	sand.u32 $0x380, s22  }
0x333: {  	s25 =	sand.u32 $0xC00, s19;
	s21 =	sor.u32 s21, s22  }
0x334: {  	s23 =	sand.u32 $0x70, s19;
	s22 =	sor.u32 s25, s21  }
0x335: {  	s22 =	sor.u32 s23, s22  }
0x336: {  	v3 =	vld [tilespmem:s22+$0x4100]  }
0x337: {  	v4 =	vld [tilespmem:s22+$0x100];
	_ =	sdelay $0x4  }
0x338: {  	s23 =	simm.s32 $0x80;
	v3 =	vadd.f32 v3, v4  }
0x339: {  	s25 =	simm.s32 $0x10;
	s29 =	sand.u32 $0xC00, s23  }
0x33a: {  	s28 =	sand.u32 $0x70, s25;
	s25 =	simm.s32 $0x20;
	s29 =	sor.u32 s29, s21;
	v3 =	vmul.f32 $5.000000000e-01, v3  }
.LBB2_31:
0x33b: {  	p0 =	sne.s32 s25, $0x1F0;
	s28 =	sor.u32 s28, s29  }
0x33c: {  	v4 =	vld [tilespmem:s28+$0x4100];
	[tilespmem:s22+$0x100] =	vst v3;
	s22 =	smov.u32 s28  }
0x33d: {  	v3 =	vld [tilespmem:s22+$0x100];
	_ =	sdelay $0x2  }
.Ltmp14:
0x33e: {  	(pc) =	sbr.rel @p0 .LBB2_31-.Ltmp14, $4  }
0x33f: {  	_ = 	snop  }
0x340: {  	s23 =	sadd.s32 $0x80, s23;
	v3 =	vadd.f32 v4, v3  }
0x341: {  	s29 =	sand.u32 $0xC00, s23  }
0x342: {  	s28 =	sand.u32 $0x70, s25;
	s25 =	sadd.s32 $0x10, s25;
	s29 =	sor.u32 s29, s21;
	v3 =	vmul.f32 $5.000000000e-01, v3  }
0x343: {  	s21 =	sor.u32 s28, s29  }
0x344: {  	v4 =	vld [tilespmem:s21+$0x4100];
	[tilespmem:s22+$0x100] =	vst v3  }
0x345: {  	v3 =	vld [tilespmem:s21+$0x100];
	_ =	sdelay $0x2  }
0x346: {  	s20 =	sadd.s32 $0x1, s20  }
0x347: {  	p0 =	sne.s32 s20, $0x20  }
.Ltmp15:
0x348: {  	v3 =	vadd.f32 v4, v3;
	(pc) =	sbr.rel @p0 .LBB2_30-.Ltmp15, $3  }
0x349: {  	_ = 	snop  }
0x34a: {  	v3 =	vmul.f32 $5.000000000e-01, v3;
	_ =	sdelay $0x1  }
0x34b: {  	[tilespmem:s21+$0x100] =	vst v3  }
0x34c: {  	s19 =	rddreg [dreg:$0x15]  }
0x34d: {  	[hbm4b:s19+s4] =	stream.linear.scatter [tilespmem:s26], [sflag:$0x3], $0x4000, $0x38;
	[tilespmem:$0x8100] =	vst v63  }
0x34e: {  	_ =	swait.ge [sflag:s24], $0x4000  }
0x34f: {  	s18 =	sadd.s32 $0x1, s18;
	s29 =	rddreg [dreg:$0x16]  }
0x350: {  	p0 =	sne.s32 s18, s29  }
.Ltmp16:
0x351: {  	_ = 	snop;
	(pc) =	sbr.rel @p0 .LBB2_1-.Ltmp16, $3  }
0x352: {  	_ =	sdelay $0x1  }
0x353: {  	[sflag:s24] =	ssyncset.done $0x0  }
0x354: {  	[sflag:s24] =	ssyncadd.s32 $0xFFFFC000  }
0x355: {  	_ =	sfence.sel $0x180000  }
0x356: {  	[bflag:$0x0] =	sbarrier.arrive $0xFFFF  }
0x357: {  	_ =	strace $0x90000047  }
0x358: {  	s0 =	stileid.u32;
	[bflag:$0x2] =	sbarrier.arrive $0xFFFF  }
0x359: {  	p0 =	sne.s32 s0, $0x0;
	s0 =	rddreg [dreg:$0x5]  }
0x35a: {  	s0 =	sadd.s32 @!p0 $0x100000, s0  }
0x35b: {  	[sflag:s0] =	ssyncadd.tile.s32 @!p0 $0x1;
	_ =	shalt  }
.Lfunc_end2:
_tile_overlayer_lowered:
.L_overlay_start_2:
0x35c: {  	(tag) =	ssettag $0x2  }
0x35d: {  	s0 =	rddreg [dreg:$0x0];
	s2 =	stileid.u32  }
0x35e: {  	s1 =	rddreg [dreg:$0x1];
	p0 =	sne.s32 s2, $0x0  }
0x35f: {  	s3 =	rddreg [dreg:$0x2];
	[bflag:$0x3] =	sbarrier.arrive $0xFFFF;
	s2 =	simm.s32 @!p0 $0x1C03  }
0x360: {  	[timem:s3], [sflag:s2] =	dma.local @!p0 [hbm:s0], s1  }
0x361: {  	s0 =	simm.s32 @!p0 $0x3  }
0x362: {  	_ =	swait.ge @!p0 [sflag:s0], s1  }
0x363: {  	s1 =	ssub.s32 @!p0 $0x0, s1;
	[sflag:s0] =	ssyncset.done @!p0 $0x0  }
0x364: {  	[sflag:s0] =	ssyncadd.s32 @!p0 s1  }
0x365: {  	[bflag:$0x3] =	sbarrier.arrive $0xFFFF  }
0x366: {  	_ =	shalt  }

</sc_bundles>
